<compile_context>
chip_gen: v7x
topology: tpu7x:2x2x1
jax: 0.10.2.dev20260603
libtpu: 0.0.44.dev20260713+nightly
codegen_flags: <defaults>
</compile_context>

<pallas_src>
import functools

import jax
import jax.numpy as jnp
from jax import lax
from jax.experimental import pallas as pl
from jax.experimental.pallas import tpu as pltpu
from jax.experimental.pallas import tpu_sc as plsc

B = 4096
LA = 50
LAP = 56
LP = 20
LN = 200
LT = 224
D = 64
D3 = 192
NC = 2
NS = 16
NW = NC * NS
BPW = B // NW
CH = 8
NCH = BPW // CH


def _f32(x):
    return x.astype(jnp.float32)


def _perm_order():
    order = []
    for c in range(6):
        for t in range(16):
            order.extend([32 * c + t, 32 * c + 16 + t])
    return order


def _sc_body(attr_hbm, tgt_hbm, uid_hbm, iid_hbm, scal_hbm,
             attr_tab, user_tab, item_tab, out_tab,
             out_logits, out_mask, out_ntg,
             s_aidx, s_tidx, s_uidx, s_iidx, s_scal,
             s_urows, s_irows, s_arows0, s_arows1, s_trows0, s_trows1,
             s_logits, s_mask, s_ntg,
             sem_u, sem_a0, sem_a1, sem_t0, sem_t1):
    wid = lax.axis_index("s") * NC + lax.axis_index("c")

    iota = lax.iota(jnp.int32, 16)

    def issue(j, s_arows, s_trows, sem_a, sem_t):
        cpa = pltpu.async_copy(attr_tab.at[s_aidx.at[j]], s_arows, sem_a)
        cp0 = pltpu.async_copy(out_tab.at[s_tidx.at[j, 0]],
                               s_trows.at[pl.ds(0, 112)], sem_t)
        cp1 = pltpu.async_copy(out_tab.at[s_tidx.at[j, 1]],
                               s_trows.at[pl.ds(112, 112)], sem_t)
        return cpa, cp0, cp1

    def wait(s_arows, s_trows, sem_a, sem_t):
        pltpu.make_async_copy(attr_tab.at[s_aidx.at[0]], s_arows,
                              sem_a).wait()
        pltpu.make_async_copy(out_tab.at[s_tidx.at[0, 0]],
                              s_trows.at[pl.ds(0, 112)], sem_t).wait()
        pltpu.make_async_copy(out_tab.at[s_tidx.at[0, 1]],
                              s_trows.at[pl.ds(112, 112)], sem_t).wait()

    def compute(j, s_arows, s_trows):
        svec = s_scal[j, :]
        alen = jnp.minimum(svec[0], LA)
        plen = svec[1]
        nlen = svec[2]

        def attr_body(i, accs):
            return tuple(
                accs[k] + s_arows[i, pl.ds(k * 16, 16)] for k in range(4))

        accs = lax.fori_loop(0, alen, attr_body,
                             tuple(jnp.zeros((16,), jnp.float32)
                                   for _ in range(4)))
        inv_v = jnp.full((16,), 1.0, jnp.float32) / jnp.full(
            (16,), _f32(alen), jnp.float32)
        uio = ([s_urows[j, pl.ds(k * 16, 16)] for k in range(4)]
               + [accs[k] * inv_v for k in range(4)]
               + [s_irows[j, pl.ds(k * 16, 16)] for k in range(4)])
        uio_p = [plsc.pack(uio[2 * c], uio[2 * c + 1],
                           format=plsc.PackFormat.INTERLEAVED)
                 for c in range(6)]

        plen_v = jnp.full((16,), plen, jnp.int32)
        nlen_v = jnp.full((16,), nlen, jnp.int32)
        zero_v = jnp.zeros((16,), jnp.int32)
        for g in range(LT // 16):
            p = iota + (g * 16)
            is_pos = p < LP
            m = jnp.where(is_pos, p < plen_v, (p - LP) < nlen_v)
            mi = m.astype(jnp.int32)
            s_mask[j, pl.ds(g * 16, 16)] = mi
            s_ntg[j, pl.ds(g * 16, 16)] = jnp.where(is_pos, mi, zero_v)

        def dot_body(it, _):
            r0 = it * 16
            res = jnp.zeros((16,), jnp.float32)
            for u in range(16):
                r = r0 + u
                prods = [s_trows[r, pl.ds(32 * c, 32)] * uio_p[c]
                         for c in range(6)]
                p = ((prods[0] + prods[1]) + (prods[2] + prods[3])) + (
                    prods[4] + prods[5])
                a, b = plsc.unpack(p, format=plsc.PackFormat.INTERLEAVED)
                s_v = jnp.full((16,), jnp.sum(a + b), jnp.float32)
                res = jnp.where(iota == u, s_v, res)
            s_logits[j, pl.ds(r0, 16)] = res
            return 0

        lax.fori_loop(0, LT // 16, dot_body, 0)

    def chunk_body(ch, _):
        base = wid * BPW + ch * CH
        pltpu.sync_copy(attr_hbm.at[pl.ds(base, CH)], s_aidx)
        pltpu.sync_copy(tgt_hbm.at[pl.ds(base, CH)], s_tidx)
        pltpu.sync_copy(uid_hbm.at[pl.ds(base, CH)], s_uidx)
        pltpu.sync_copy(iid_hbm.at[pl.ds(base, CH)], s_iidx)
        pltpu.sync_copy(scal_hbm.at[pl.ds(base, CH)], s_scal)
        cpu_ = pltpu.async_copy(user_tab.at[s_uidx], s_urows, sem_u)
        cpi_ = pltpu.async_copy(item_tab.at[s_iidx], s_irows, sem_u)

        issue(0, s_arows0, s_trows0, sem_a0, sem_t0)
        cpu_.wait()
        cpi_.wait()

        def pair_body(jj, _):
            j0 = 2 * jj
            issue(j0 + 1, s_arows1, s_trows1, sem_a1, sem_t1)
            wait(s_arows0, s_trows0, sem_a0, sem_t0)
            compute(j0, s_arows0, s_trows0)

            @pl.when(jj < CH // 2 - 1)
            def _():
                issue(j0 + 2, s_arows0, s_trows0, sem_a0, sem_t0)

            wait(s_arows1, s_trows1, sem_a1, sem_t1)
            compute(j0 + 1, s_arows1, s_trows1)
            return 0

        lax.fori_loop(0, CH // 2, pair_body, 0)

        pltpu.sync_copy(s_logits, out_logits.at[pl.ds(base, CH)])
        pltpu.sync_copy(s_mask, out_mask.at[pl.ds(base, CH)])
        pltpu.sync_copy(s_ntg, out_ntg.at[pl.ds(base, CH)])
        return 0

    lax.fori_loop(0, NCH, chunk_body, 0)


@jax.jit
def _run(attr_p, tgt3, user_ids, item_ids, scal4,
         attr_table, user_table, item_table, out_table):
    mesh = plsc.VectorSubcoreMesh(core_axis_name="c", subcore_axis_name="s",
                                  num_cores=NC, num_subcores=NS)
    f = pl.kernel(
        _sc_body,
        out_type=(
            jax.ShapeDtypeStruct((B, LT), jnp.float32),
            jax.ShapeDtypeStruct((B, LT), jnp.int32),
            jax.ShapeDtypeStruct((B, LT), jnp.int32),
        ),
        mesh=mesh,
        scratch_types=[
            pltpu.VMEM((CH, LAP), jnp.int32),
            pltpu.VMEM((CH, 2, 112), jnp.int32),
            pltpu.VMEM((CH,), jnp.int32),
            pltpu.VMEM((CH,), jnp.int32),
            pltpu.VMEM((CH, 16), jnp.int32),
            pltpu.VMEM((CH, D), jnp.float32),
            pltpu.VMEM((CH, D), jnp.float32),
            pltpu.VMEM((LAP, D), jnp.float32),
            pltpu.VMEM((LAP, D), jnp.float32),
            pltpu.VMEM((LT, D3), jnp.bfloat16),
            pltpu.VMEM((LT, D3), jnp.bfloat16),
            pltpu.VMEM((CH, LT), jnp.float32),
            pltpu.VMEM((CH, LT), jnp.int32),
            pltpu.VMEM((CH, LT), jnp.int32),
            pltpu.SemaphoreType.DMA,
            pltpu.SemaphoreType.DMA,
            pltpu.SemaphoreType.DMA,
            pltpu.SemaphoreType.DMA,
            pltpu.SemaphoreType.DMA,
        ],
        compiler_params=pltpu.CompilerParams(use_tc_tiling_on_sc=False,
                                             needs_layout_passes=False),
    )
    return f(attr_p, tgt3, user_ids, item_ids, scal4,
             attr_table, user_table, item_table, out_table)


def kernel(attr, attr_inds, attr_tf, attr_feat, attr_lens, attr_lens_user,
           attr_lens_item, user_ids, item_ids, pos_targets, pos_lens,
           neg_targets, neg_lens, attr_table, user_table, item_table,
           out_table):
    attr_p = jnp.pad(attr, ((0, 0), (0, LAP - LA)))
    out_bf = out_table[:, jnp.asarray(_perm_order(), jnp.int32)].astype(
        jnp.bfloat16)
    tgt = jnp.concatenate(
        [pos_targets, neg_targets,
         jnp.zeros((B, LT - LP - LN), jnp.int32)], axis=1)
    tgt3 = tgt.reshape(B, 2, 112)
    scal4 = jnp.concatenate(
        [attr_lens[:, None], pos_lens[:, None], neg_lens[:, None],
         jnp.zeros((B, 13), jnp.int32)], axis=1)
    logits_p, mask_i, ntg_i = _run(
        attr_p, tgt3, user_ids, item_ids, scal4,
        attr_table, user_table, item_table, out_bf)
    logits = logits_p[:, :LP + LN]
    mask = mask_i[:, :LP + LN].astype(bool)
    new_targets = ntg_i[:, :LP + LN]
    return (logits, mask, new_targets)

# --- scband reference (transcript-rebuilt; emitter-appended) ---
"""Pipeline reference for scband-attr-network-18777597018547 (READ-ONLY COPY).

The authoritative reference and input builder live on the scoring server;
editing this copy changes nothing except your own understanding.
"""

import jax, jax.numpy as jnp
import numpy as np


def _pad_mask(lens, max_len):
    # True where position is padding (mirrors torch f_generate_mask)
    return jnp.arange(max_len)[None, :] >= lens[:, None]


def setup_inputs(seed: int = 0) -> dict:
    key = jax.random.key(seed)
    ks = jax.random.split(key, 18)
    B = 4096; La = 50; Lp = 20; Ln = 200
    V = 100000; U = 100000; I = 100000; D = 64
    attr = jax.random.randint(ks[0], (B, La), 0, V)
    attr_inds = jax.random.randint(ks[1], (B, La), 0, La)
    attr_tf = jax.random.uniform(ks[2], (B, La), dtype=jnp.float32)
    attr_feat = jax.random.uniform(ks[3], (B, La), dtype=jnp.float32)
    attr_lens = jax.random.randint(ks[4], (B,), 1, La + 1).at[0].set(La)
    attr_lens_user = jax.random.randint(ks[5], (B,), 1, La + 1)
    attr_lens_item = jax.random.randint(ks[6], (B,), 1, La + 1)
    user_ids = jax.random.randint(ks[7], (B,), 0, U)
    item_ids = jax.random.randint(ks[8], (B,), 0, I)
    pos_targets = jax.random.randint(ks[9], (B, Lp), 0, V)
    pos_lens = jax.random.randint(ks[10], (B,), 1, Lp + 1).at[0].set(Lp)
    neg_targets = jax.random.randint(ks[11], (B, Ln), 0, V)
    neg_lens = jax.random.randint(ks[12], (B,), 1, Ln + 1).at[0].set(Ln)
    ir = 0.1
    attr_table = jax.random.uniform(ks[13], (V, D), minval=-ir, maxval=ir, dtype=jnp.float32)
    user_table = jax.random.uniform(ks[14], (U, D), minval=-ir, maxval=ir, dtype=jnp.float32)
    item_table = jax.random.uniform(ks[15], (I, D), minval=-ir, maxval=ir, dtype=jnp.float32)
    out_table = jax.random.uniform(ks[16], (V, 3 * D), minval=-ir, maxval=ir, dtype=jnp.float32)
    return {
        'attr': attr, 'attr_inds': attr_inds, 'attr_tf': attr_tf, 'attr_feat': attr_feat,
        'attr_lens': attr_lens, 'attr_lens_user': attr_lens_user, 'attr_lens_item': attr_lens_item,
        'user_ids': user_ids, 'item_ids': item_ids,
        'pos_targets': pos_targets, 'pos_lens': pos_lens,
        'neg_targets': neg_targets, 'neg_lens': neg_lens,
        'attr_table': attr_table, 'user_table': user_table,
        'item_table': item_table, 'out_table': out_table,
    }


def reference(attr, attr_inds, attr_tf, attr_feat, attr_lens, attr_lens_user,
              attr_lens_item, user_ids, item_ids, pos_targets, pos_lens,
              neg_targets, neg_lens, attr_table, user_table, item_table, out_table):
    La = attr.shape[1]
    # f_get_avg_attr
    attr_embed = jnp.take(attr_table, attr, axis=0)            # [B, La, D] gather
    pad = _pad_mask(attr_lens, La)
    valid = ~pad
    masked = attr_embed * valid[:, :, None].astype(attr_embed.dtype)
    attr_x = masked.sum(axis=1) / valid.sum(axis=1)[:, None].astype(attr_embed.dtype)
    user_embed = jnp.take(user_table, user_ids, axis=0)        # [B, D]
    item_embed = jnp.take(item_table, item_ids, axis=0)        # [B, D]
    uio = jnp.concatenate([user_embed, attr_x, item_embed], axis=-1)  # [B, 3D]
    neg_embed = jnp.take(out_table, neg_targets, axis=0)       # [B, Ln, 3D]
    neg_logits = jnp.einsum('bld,bd->bl', neg_embed, uio)
    neg_valid = ~_pad_mask(neg_lens, neg_targets.shape[1])
    pos_embed = jnp.take(out_table, pos_targets, axis=0)       # [B, Lp, 3D]
    pos_logits = jnp.einsum('bld,bd->bl', pos_embed, uio)
    pos_valid = ~_pad_mask(pos_lens, pos_targets.shape[1])
    logits = jnp.concatenate([pos_logits, neg_logits], axis=-1)
    mask = jnp.concatenate([pos_valid, neg_valid], axis=-1)
    new_targets = jnp.concatenate([jnp.ones_like(pos_targets), jnp.zeros_like(neg_targets)], axis=1)
    new_targets = new_targets * mask.astype(new_targets.dtype)
    return (logits, mask, new_targets)

if __name__ == "__main__":
    import jax
    _d = setup_inputs()
    print(jax.jit(kernel)(*tuple(_d.values())))

</pallas_src>

<mosaic_0001>
#map = affine_map<(d0, d1) -> (0, 0)>
#map1 = affine_map<(d0, d1) -> (0, 0, 0)>
#map2 = affine_map<(d0, d1) -> (0)>
module attributes {stable_mosaic.version = 14 : i64} {
  func.func @_sc_body(%arg0: i32, %arg1: i32, %arg2: memref<4096x56xi32, #tpu.memory_space<hbm>>, %arg3: memref<4096x2x112xi32, #tpu.memory_space<hbm>>, %arg4: memref<4096xi32, #tpu.memory_space<hbm>>, %arg5: memref<4096xi32, #tpu.memory_space<hbm>>, %arg6: memref<4096x16xi32, #tpu.memory_space<hbm>>, %arg7: memref<100000x64xf32, #tpu.memory_space<hbm>>, %arg8: memref<100000x64xf32, #tpu.memory_space<hbm>>, %arg9: memref<100000x64xf32, #tpu.memory_space<hbm>>, %arg10: memref<100000x192xbf16, #tpu.memory_space<hbm>>, %arg11: memref<4096x224xf32, #tpu.memory_space<hbm>>, %arg12: memref<4096x224xi32, #tpu.memory_space<hbm>>, %arg13: memref<4096x224xi32, #tpu.memory_space<hbm>>, %arg14: memref<8x56xi32, #tpu.memory_space<vmem>>, %arg15: memref<8x2x112xi32, #tpu.memory_space<vmem>>, %arg16: memref<8xi32, #tpu.memory_space<vmem>>, %arg17: memref<8xi32, #tpu.memory_space<vmem>>, %arg18: memref<8x16xi32, #tpu.memory_space<vmem>>, %arg19: memref<8x64xf32, #tpu.memory_space<vmem>>, %arg20: memref<8x64xf32, #tpu.memory_space<vmem>>, %arg21: memref<56x64xf32, #tpu.memory_space<vmem>>, %arg22: memref<56x64xf32, #tpu.memory_space<vmem>>, %arg23: memref<224x192xbf16, #tpu.memory_space<vmem>>, %arg24: memref<224x192xbf16, #tpu.memory_space<vmem>>, %arg25: memref<8x224xf32, #tpu.memory_space<vmem>>, %arg26: memref<8x224xi32, #tpu.memory_space<vmem>>, %arg27: memref<8x224xi32, #tpu.memory_space<vmem>>, %arg28: memref<!tpu.dma_semaphore, #tpu.memory_space<semaphore_mem>>, %arg29: memref<!tpu.dma_semaphore, #tpu.memory_space<semaphore_mem>>, %arg30: memref<!tpu.dma_semaphore, #tpu.memory_space<semaphore_mem>>, %arg31: memref<!tpu.dma_semaphore, #tpu.memory_space<semaphore_mem>>, %arg32: memref<!tpu.dma_semaphore, #tpu.memory_space<semaphore_mem>>) attributes {dimension_semantics = [#tpu.dimension_semantics<core_parallel>, #tpu.dimension_semantics<subcore_parallel>], iteration_bounds = array<i64: 2, 16>, scalar_prefetch = 0 : i64, scratch_operands = 19 : i64, tpu.core_type = #tpu.core_type<sc_vector_subcore>, window_params = [{transform_indices = #map}, {transform_indices = #map1}, {transform_indices = #map2}, {transform_indices = #map2}, {transform_indices = #map}, {transform_indices = #map}, {transform_indices = #map}, {transform_indices = #map}, {transform_indices = #map}, {transform_indices = #map}, {transform_indices = #map}, {transform_indices = #map}]} {
    %mul3A = arith.constant 2 : i32
    %mul3A_0 = arith.muli %arg1, %mul3A : i32
    %add3A = arith.addi %mul3A_0, %arg0 : i32
    %iota3A = tpu.iota {dimensions = array<i32: 0>} : vector<16xi32>
    %scan3A = arith.constant 0 : i32
    %scan3A_1 = arith.constant 0 : i32
    %scan3A_2 = arith.constant 16 : i32
    %scan3A_3 = arith.addi %scan3A_1, %scan3A_2 : i32
    %scan3A_4 = arith.constant 1 : i32
    %scan3A_5 = scf.for %scan3A_7 = %scan3A_1 to %scan3A_3 step %scan3A_4 iter_args(%scan3A_8 = %scan3A) -> (i32)  : i32 {
      %mul3A_9 = arith.constant 128 : i32
      %mul3A_10 = arith.muli %add3A, %mul3A_9 : i32
      %mul3A_11 = arith.constant 8 : i32
      %mul3A_12 = arith.muli %scan3A_7, %mul3A_11 : i32
      %add3A_13 = arith.addi %mul3A_10, %mul3A_12 : i32
      "tpu.region"() ({
        %run_scoped3A = tpu.sem_alloc : memref<!tpu.dma_semaphore, #tpu.memory_space<semaphore_mem>>
        %dma_start3A_61 = arith.constant 0 : i32
        %dma_start3A_62 = tpu.memref_slice %arg2[%add3A_13, %dma_start3A_61] : memref<4096x56xi32, #tpu.memory_space<hbm>> -> memref<8x56xi32, #tpu.memory_space<hbm>>
        %dma_start3A_63 = arith.constant 0 : i32
        %dma_start3A_64 = tpu.memref_slice %arg2[%add3A_13, %dma_start3A_63] : memref<4096x56xi32, #tpu.memory_space<hbm>> -> memref<8x56xi32, #tpu.memory_space<hbm>>
        tpu.enqueue_dma source(%dma_start3A_64 : memref<8x56xi32, #tpu.memory_space<hbm>>) target(%arg14 : memref<8x56xi32, #tpu.memory_space<vmem>>) target_semaphore(%run_scoped3A : memref<!tpu.dma_semaphore, #tpu.memory_space<semaphore_mem>>)
        %dma_wait3A_65 = arith.constant 0 : i32
        %dma_wait3A_66 = tpu.memref_slice %arg2[%add3A_13, %dma_wait3A_65] : memref<4096x56xi32, #tpu.memory_space<hbm>> -> memref<8x56xi32, #tpu.memory_space<hbm>>
        %dma_wait3A_67 = arith.constant 0 : i32
        %dma_wait3A_68 = tpu.memref_slice %arg2[%add3A_13, %dma_wait3A_67] : memref<4096x56xi32, #tpu.memory_space<hbm>> -> memref<8x56xi32, #tpu.memory_space<hbm>>
        tpu.wait_dma2 semaphore(%run_scoped3A : memref<!tpu.dma_semaphore, #tpu.memory_space<semaphore_mem>>) src(%dma_wait3A_68 : memref<8x56xi32, #tpu.memory_space<hbm>>) dst(%arg14 : memref<8x56xi32, #tpu.memory_space<vmem>>)
        tpu.yield
      }) : () -> ()
      "tpu.region"() ({
        %run_scoped3A = tpu.sem_alloc : memref<!tpu.dma_semaphore, #tpu.memory_space<semaphore_mem>>
        %dma_start3A_61 = arith.constant 0 : i32
        %dma_start3A_62 = arith.constant 0 : i32
        %dma_start3A_63 = tpu.memref_slice %arg3[%add3A_13, %dma_start3A_61, %dma_start3A_62] : memref<4096x2x112xi32, #tpu.memory_space<hbm>> -> memref<8x2x112xi32, #tpu.memory_space<hbm>>
        %dma_start3A_64 = arith.constant 0 : i32
        %dma_start3A_65 = arith.constant 0 : i32
        %dma_start3A_66 = tpu.memref_slice %arg3[%add3A_13, %dma_start3A_64, %dma_start3A_65] : memref<4096x2x112xi32, #tpu.memory_space<hbm>> -> memref<8x2x112xi32, #tpu.memory_space<hbm>>
        tpu.enqueue_dma source(%dma_start3A_66 : memref<8x2x112xi32, #tpu.memory_space<hbm>>) target(%arg15 : memref<8x2x112xi32, #tpu.memory_space<vmem>>) target_semaphore(%run_scoped3A : memref<!tpu.dma_semaphore, #tpu.memory_space<semaphore_mem>>)
        %dma_wait3A_67 = arith.constant 0 : i32
        %dma_wait3A_68 = arith.constant 0 : i32
        %dma_wait3A_69 = tpu.memref_slice %arg3[%add3A_13, %dma_wait3A_67, %dma_wait3A_68] : memref<4096x2x112xi32, #tpu.memory_space<hbm>> -> memref<8x2x112xi32, #tpu.memory_space<hbm>>
        %dma_wait3A_70 = arith.constant 0 : i32
        %dma_wait3A_71 = arith.constant 0 : i32
        %dma_wait3A_72 = tpu.memref_slice %arg3[%add3A_13, %dma_wait3A_70, %dma_wait3A_71] : memref<4096x2x112xi32, #tpu.memory_space<hbm>> -> memref<8x2x112xi32, #tpu.memory_space<hbm>>
        tpu.wait_dma2 semaphore(%run_scoped3A : memref<!tpu.dma_semaphore, #tpu.memory_space<semaphore_mem>>) src(%dma_wait3A_72 : memref<8x2x112xi32, #tpu.memory_space<hbm>>) dst(%arg15 : memref<8x2x112xi32, #tpu.memory_space<vmem>>)
        tpu.yield
      }) : () -> ()
      "tpu.region"() ({
        %run_scoped3A = tpu.sem_alloc : memref<!tpu.dma_semaphore, #tpu.memory_space<semaphore_mem>>
        %dma_start3A_61 = tpu.memref_slice %arg4[%add3A_13] : memref<4096xi32, #tpu.memory_space<hbm>> -> memref<8xi32, #tpu.memory_space<hbm>>
        %dma_start3A_62 = tpu.memref_slice %arg4[%add3A_13] : memref<4096xi32, #tpu.memory_space<hbm>> -> memref<8xi32, #tpu.memory_space<hbm>>
        tpu.enqueue_dma source(%dma_start3A_62 : memref<8xi32, #tpu.memory_space<hbm>>) target(%arg16 : memref<8xi32, #tpu.memory_space<vmem>>) target_semaphore(%run_scoped3A : memref<!tpu.dma_semaphore, #tpu.memory_space<semaphore_mem>>)
        %dma_wait3A_63 = tpu.memref_slice %arg4[%add3A_13] : memref<4096xi32, #tpu.memory_space<hbm>> -> memref<8xi32, #tpu.memory_space<hbm>>
        %dma_wait3A_64 = tpu.memref_slice %arg4[%add3A_13] : memref<4096xi32, #tpu.memory_space<hbm>> -> memref<8xi32, #tpu.memory_space<hbm>>
        tpu.wait_dma2 semaphore(%run_scoped3A : memref<!tpu.dma_semaphore, #tpu.memory_space<semaphore_mem>>) src(%dma_wait3A_64 : memref<8xi32, #tpu.memory_space<hbm>>) dst(%arg16 : memref<8xi32, #tpu.memory_space<vmem>>)
        tpu.yield
      }) : () -> ()
      "tpu.region"() ({
        %run_scoped3A = tpu.sem_alloc : memref<!tpu.dma_semaphore, #tpu.memory_space<semaphore_mem>>
        %dma_start3A_61 = tpu.memref_slice %arg5[%add3A_13] : memref<4096xi32, #tpu.memory_space<hbm>> -> memref<8xi32, #tpu.memory_space<hbm>>
        %dma_start3A_62 = tpu.memref_slice %arg5[%add3A_13] : memref<4096xi32, #tpu.memory_space<hbm>> -> memref<8xi32, #tpu.memory_space<hbm>>
        tpu.enqueue_dma source(%dma_start3A_62 : memref<8xi32, #tpu.memory_space<hbm>>) target(%arg17 : memref<8xi32, #tpu.memory_space<vmem>>) target_semaphore(%run_scoped3A : memref<!tpu.dma_semaphore, #tpu.memory_space<semaphore_mem>>)
        %dma_wait3A_63 = tpu.memref_slice %arg5[%add3A_13] : memref<4096xi32, #tpu.memory_space<hbm>> -> memref<8xi32, #tpu.memory_space<hbm>>
        %dma_wait3A_64 = tpu.memref_slice %arg5[%add3A_13] : memref<4096xi32, #tpu.memory_space<hbm>> -> memref<8xi32, #tpu.memory_space<hbm>>
        tpu.wait_dma2 semaphore(%run_scoped3A : memref<!tpu.dma_semaphore, #tpu.memory_space<semaphore_mem>>) src(%dma_wait3A_64 : memref<8xi32, #tpu.memory_space<hbm>>) dst(%arg17 : memref<8xi32, #tpu.memory_space<vmem>>)
        tpu.yield
      }) : () -> ()
      "tpu.region"() ({
        %run_scoped3A = tpu.sem_alloc : memref<!tpu.dma_semaphore, #tpu.memory_space<semaphore_mem>>
        %dma_start3A_61 = arith.constant 0 : i32
        %dma_start3A_62 = tpu.memref_slice %arg6[%add3A_13, %dma_start3A_61] : memref<4096x16xi32, #tpu.memory_space<hbm>> -> memref<8x16xi32, #tpu.memory_space<hbm>>
        %dma_start3A_63 = arith.constant 0 : i32
        %dma_start3A_64 = tpu.memref_slice %arg6[%add3A_13, %dma_start3A_63] : memref<4096x16xi32, #tpu.memory_space<hbm>> -> memref<8x16xi32, #tpu.memory_space<hbm>>
        tpu.enqueue_dma source(%dma_start3A_64 : memref<8x16xi32, #tpu.memory_space<hbm>>) target(%arg18 : memref<8x16xi32, #tpu.memory_space<vmem>>) target_semaphore(%run_scoped3A : memref<!tpu.dma_semaphore, #tpu.memory_space<semaphore_mem>>)
        %dma_wait3A_65 = arith.constant 0 : i32
        %dma_wait3A_66 = tpu.memref_slice %arg6[%add3A_13, %dma_wait3A_65] : memref<4096x16xi32, #tpu.memory_space<hbm>> -> memref<8x16xi32, #tpu.memory_space<hbm>>
        %dma_wait3A_67 = arith.constant 0 : i32
        %dma_wait3A_68 = tpu.memref_slice %arg6[%add3A_13, %dma_wait3A_67] : memref<4096x16xi32, #tpu.memory_space<hbm>> -> memref<8x16xi32, #tpu.memory_space<hbm>>
        tpu.wait_dma2 semaphore(%run_scoped3A : memref<!tpu.dma_semaphore, #tpu.memory_space<semaphore_mem>>) src(%dma_wait3A_68 : memref<8x16xi32, #tpu.memory_space<hbm>>) dst(%arg18 : memref<8x16xi32, #tpu.memory_space<vmem>>)
        tpu.yield
      }) : () -> ()
      %dma_start3A = arith.constant 0 : i32
      %dma_start3A_14 = arith.constant 0 : i32
      %dma_start3A_15 = tpu.memref_slice %arg8[%dma_start3A, %dma_start3A_14] : memref<100000x64xf32, #tpu.memory_space<hbm>> -> memref<100000x64xf32, #tpu.memory_space<hbm>>
      tpu.enqueue_indirect_dma source(%dma_start3A_15 : memref<100000x64xf32, #tpu.memory_space<hbm>>) target(%arg19 : memref<8x64xf32, #tpu.memory_space<vmem>>) offsets(%arg16 : memref<8xi32, #tpu.memory_space<vmem>>) semaphore(%arg28 : memref<!tpu.dma_semaphore, #tpu.memory_space<semaphore_mem>>)
      %dma_start3A_16 = arith.constant 0 : i32
      %dma_start3A_17 = arith.constant 0 : i32
      %dma_start3A_18 = tpu.memref_slice %arg9[%dma_start3A_16, %dma_start3A_17] : memref<100000x64xf32, #tpu.memory_space<hbm>> -> memref<100000x64xf32, #tpu.memory_space<hbm>>
      tpu.enqueue_indirect_dma source(%dma_start3A_18 : memref<100000x64xf32, #tpu.memory_space<hbm>>) target(%arg20 : memref<8x64xf32, #tpu.memory_space<vmem>>) offsets(%arg17 : memref<8xi32, #tpu.memory_space<vmem>>) semaphore(%arg28 : memref<!tpu.dma_semaphore, #tpu.memory_space<semaphore_mem>>)
      %dma_start3A_19 = arith.constant 0 : i32
      %dma_start3A_20 = arith.constant 0 : i32
      %dma_start3A_21 = tpu.memref_slice %arg14[%dma_start3A_19, %dma_start3A_20] : memref<8x56xi32, #tpu.memory_space<vmem>> -> memref<1x56xi32, #tpu.memory_space<vmem>>
      %dma_start3A_22 = tpu.memref_squeeze %dma_start3A_21 : memref<1x56xi32, #tpu.memory_space<vmem>> -> memref<56xi32, #tpu.memory_space<vmem>>
      %dma_start3A_23 = arith.constant 0 : i32
      %dma_start3A_24 = arith.constant 0 : i32
      %dma_start3A_25 = tpu.memref_slice %arg7[%dma_start3A_23, %dma_start3A_24] : memref<100000x64xf32, #tpu.memory_space<hbm>> -> memref<100000x64xf32, #tpu.memory_space<hbm>>
      tpu.enqueue_indirect_dma source(%dma_start3A_25 : memref<100000x64xf32, #tpu.memory_space<hbm>>) target(%arg21 : memref<56x64xf32, #tpu.memory_space<vmem>>) offsets(%dma_start3A_22 : memref<56xi32, #tpu.memory_space<vmem>>) semaphore(%arg29 : memref<!tpu.dma_semaphore, #tpu.memory_space<semaphore_mem>>)
      %dma_start3A_26 = arith.constant 0 : i32
      %dma_start3A_27 = arith.constant 0 : i32
      %dma_start3A_28 = arith.constant 0 : i32
      %dma_start3A_29 = arith.constant 0 : i32
      %dma_start3A_30 = tpu.memref_slice %arg23[%dma_start3A_28, %dma_start3A_29] : memref<224x192xbf16, #tpu.memory_space<vmem>> -> memref<112x192xbf16, #tpu.memory_space<vmem>>
      %dma_start3A_31 = arith.constant 0 : i32
      %dma_start3A_32 = tpu.memref_slice %arg15[%dma_start3A_26, %dma_start3A_27, %dma_start3A_31] : memref<8x2x112xi32, #tpu.memory_space<vmem>> -> memref<1x1x112xi32, #tpu.memory_space<vmem>>
      %dma_start3A_33 = tpu.memref_squeeze %dma_start3A_32 : memref<1x1x112xi32, #tpu.memory_space<vmem>> -> memref<112xi32, #tpu.memory_space<vmem>>
      %dma_start3A_34 = arith.constant 0 : i32
      %dma_start3A_35 = arith.constant 0 : i32
      %dma_start3A_36 = tpu.memref_slice %arg10[%dma_start3A_34, %dma_start3A_35] : memref<100000x192xbf16, #tpu.memory_space<hbm>> -> memref<100000x192xbf16, #tpu.memory_space<hbm>>
      tpu.enqueue_indirect_dma source(%dma_start3A_36 : memref<100000x192xbf16, #tpu.memory_space<hbm>>) target(%dma_start3A_30 : memref<112x192xbf16, #tpu.memory_space<vmem>>) offsets(%dma_start3A_33 : memref<112xi32, #tpu.memory_space<vmem>>) semaphore(%arg31 : memref<!tpu.dma_semaphore, #tpu.memory_space<semaphore_mem>>)
      %dma_start3A_37 = arith.constant 0 : i32
      %dma_start3A_38 = arith.constant 1 : i32
      %dma_start3A_39 = arith.constant 112 : i32
      %dma_start3A_40 = arith.constant 0 : i32
      %dma_start3A_41 = tpu.memref_slice %arg23[%dma_start3A_39, %dma_start3A_40] : memref<224x192xbf16, #tpu.memory_space<vmem>> -> memref<112x192xbf16, #tpu.memory_space<vmem>>
      %dma_start3A_42 = arith.constant 0 : i32
      %dma_start3A_43 = tpu.memref_slice %arg15[%dma_start3A_37, %dma_start3A_38, %dma_start3A_42] : memref<8x2x112xi32, #tpu.memory_space<vmem>> -> memref<1x1x112xi32, #tpu.memory_space<vmem>>
      %dma_start3A_44 = tpu.memref_squeeze %dma_start3A_43 : memref<1x1x112xi32, #tpu.memory_space<vmem>> -> memref<112xi32, #tpu.memory_space<vmem>>
      %dma_start3A_45 = arith.constant 0 : i32
      %dma_start3A_46 = arith.constant 0 : i32
      %dma_start3A_47 = tpu.memref_slice %arg10[%dma_start3A_45, %dma_start3A_46] : memref<100000x192xbf16, #tpu.memory_space<hbm>> -> memref<100000x192xbf16, #tpu.memory_space<hbm>>
      tpu.enqueue_indirect_dma source(%dma_start3A_47 : memref<100000x192xbf16, #tpu.memory_space<hbm>>) target(%dma_start3A_41 : memref<112x192xbf16, #tpu.memory_space<vmem>>) offsets(%dma_start3A_44 : memref<112xi32, #tpu.memory_space<vmem>>) semaphore(%arg31 : memref<!tpu.dma_semaphore, #tpu.memory_space<semaphore_mem>>)
      %dma_wait3A = arith.constant 0 : i32
      %dma_wait3A_48 = arith.constant 0 : i32
      %dma_wait3A_49 = tpu.memref_slice %arg8[%dma_wait3A, %dma_wait3A_48] : memref<100000x64xf32, #tpu.memory_space<hbm>> -> memref<100000x64xf32, #tpu.memory_space<hbm>>
      tpu.wait_indirect_dma semaphore(%arg28 : memref<!tpu.dma_semaphore, #tpu.memory_space<semaphore_mem>>) src(%dma_wait3A_49 : memref<100000x64xf32, #tpu.memory_space<hbm>>) dst(%arg19 : memref<8x64xf32, #tpu.memory_space<vmem>>)
      %dma_wait3A_50 = arith.constant 0 : i32
      %dma_wait3A_51 = arith.constant 0 : i32
      %dma_wait3A_52 = tpu.memref_slice %arg9[%dma_wait3A_50, %dma_wait3A_51] : memref<100000x64xf32, #tpu.memory_space<hbm>> -> memref<100000x64xf32, #tpu.memory_space<hbm>>
      tpu.wait_indirect_dma semaphore(%arg28 : memref<!tpu.dma_semaphore, #tpu.memory_space<semaphore_mem>>) src(%dma_wait3A_52 : memref<100000x64xf32, #tpu.memory_space<hbm>>) dst(%arg20 : memref<8x64xf32, #tpu.memory_space<vmem>>)
      %scan3A_53 = arith.constant 0 : i32
      %scan3A_54 = arith.constant 0 : i32
      %scan3A_55 = arith.constant 4 : i32
      %scan3A_56 = arith.addi %scan3A_54, %scan3A_55 : i32
      %scan3A_57 = arith.constant 1 : i32
      %scan3A_58 = scf.for %scan3A_61 = %scan3A_54 to %scan3A_56 step %scan3A_57 iter_args(%scan3A_62 = %scan3A_53) -> (i32)  : i32 {
        %mul3A_63 = arith.constant 2 : i32
        %mul3A_64 = arith.muli %mul3A_63, %scan3A_61 : i32
        %add3A_65 = arith.constant 1 : i32
        %add3A_66 = arith.addi %mul3A_64, %add3A_65 : i32
        %dma_start3A_67 = arith.constant 0 : i32
        %dma_start3A_68 = tpu.memref_slice %arg14[%add3A_66, %dma_start3A_67] : memref<8x56xi32, #tpu.memory_space<vmem>> -> memref<1x56xi32, #tpu.memory_space<vmem>>
        %dma_start3A_69 = tpu.memref_squeeze %dma_start3A_68 : memref<1x56xi32, #tpu.memory_space<vmem>> -> memref<56xi32, #tpu.memory_space<vmem>>
        %dma_start3A_70 = arith.constant 0 : i32
        %dma_start3A_71 = arith.constant 0 : i32
        %dma_start3A_72 = tpu.memref_slice %arg7[%dma_start3A_70, %dma_start3A_71] : memref<100000x64xf32, #tpu.memory_space<hbm>> -> memref<100000x64xf32, #tpu.memory_space<hbm>>
        tpu.enqueue_indirect_dma source(%dma_start3A_72 : memref<100000x64xf32, #tpu.memory_space<hbm>>) target(%arg22 : memref<56x64xf32, #tpu.memory_space<vmem>>) offsets(%dma_start3A_69 : memref<56xi32, #tpu.memory_space<vmem>>) semaphore(%arg30 : memref<!tpu.dma_semaphore, #tpu.memory_space<semaphore_mem>>)
        %dma_start3A_73 = arith.constant 0 : i32
        %dma_start3A_74 = arith.constant 0 : i32
        %dma_start3A_75 = arith.constant 0 : i32
        %dma_start3A_76 = tpu.memref_slice %arg24[%dma_start3A_74, %dma_start3A_75] : memref<224x192xbf16, #tpu.memory_space<vmem>> -> memref<112x192xbf16, #tpu.memory_space<vmem>>
        %dma_start3A_77 = arith.constant 0 : i32
        %dma_start3A_78 = tpu.memref_slice %arg15[%add3A_66, %dma_start3A_73, %dma_start3A_77] : memref<8x2x112xi32, #tpu.memory_space<vmem>> -> memref<1x1x112xi32, #tpu.memory_space<vmem>>
        %dma_start3A_79 = tpu.memref_squeeze %dma_start3A_78 : memref<1x1x112xi32, #tpu.memory_space<vmem>> -> memref<112xi32, #tpu.memory_space<vmem>>
        %dma_start3A_80 = arith.constant 0 : i32
        %dma_start3A_81 = arith.constant 0 : i32
        %dma_start3A_82 = tpu.memref_slice %arg10[%dma_start3A_80, %dma_start3A_81] : memref<100000x192xbf16, #tpu.memory_space<hbm>> -> memref<100000x192xbf16, #tpu.memory_space<hbm>>
        tpu.enqueue_indirect_dma source(%dma_start3A_82 : memref<100000x192xbf16, #tpu.memory_space<hbm>>) target(%dma_start3A_76 : memref<112x192xbf16, #tpu.memory_space<vmem>>) offsets(%dma_start3A_79 : memref<112xi32, #tpu.memory_space<vmem>>) semaphore(%arg32 : memref<!tpu.dma_semaphore, #tpu.memory_space<semaphore_mem>>)
        %dma_start3A_83 = arith.constant 1 : i32
        %dma_start3A_84 = arith.constant 112 : i32
        %dma_start3A_85 = arith.constant 0 : i32
        %dma_start3A_86 = tpu.memref_slice %arg24[%dma_start3A_84, %dma_start3A_85] : memref<224x192xbf16, #tpu.memory_space<vmem>> -> memref<112x192xbf16, #tpu.memory_space<vmem>>
        %dma_start3A_87 = arith.constant 0 : i32
        %dma_start3A_88 = tpu.memref_slice %arg15[%add3A_66, %dma_start3A_83, %dma_start3A_87] : memref<8x2x112xi32, #tpu.memory_space<vmem>> -> memref<1x1x112xi32, #tpu.memory_space<vmem>>
        %dma_start3A_89 = tpu.memref_squeeze %dma_start3A_88 : memref<1x1x112xi32, #tpu.memory_space<vmem>> -> memref<112xi32, #tpu.memory_space<vmem>>
        %dma_start3A_90 = arith.constant 0 : i32
        %dma_start3A_91 = arith.constant 0 : i32
        %dma_start3A_92 = tpu.memref_slice %arg10[%dma_start3A_90, %dma_start3A_91] : memref<100000x192xbf16, #tpu.memory_space<hbm>> -> memref<100000x192xbf16, #tpu.memory_space<hbm>>
        tpu.enqueue_indirect_dma source(%dma_start3A_92 : memref<100000x192xbf16, #tpu.memory_space<hbm>>) target(%dma_start3A_86 : memref<112x192xbf16, #tpu.memory_space<vmem>>) offsets(%dma_start3A_89 : memref<112xi32, #tpu.memory_space<vmem>>) semaphore(%arg32 : memref<!tpu.dma_semaphore, #tpu.memory_space<semaphore_mem>>)
        %dma_wait3A_93 = arith.constant 0 : i32
        %dma_wait3A_94 = arith.constant 0 : i32
        %dma_wait3A_95 = tpu.memref_slice %arg14[%dma_wait3A_93, %dma_wait3A_94] : memref<8x56xi32, #tpu.memory_space<vmem>> -> memref<1x56xi32, #tpu.memory_space<vmem>>
        %dma_wait3A_96 = tpu.memref_squeeze %dma_wait3A_95 : memref<1x56xi32, #tpu.memory_space<vmem>> -> memref<56xi32, #tpu.memory_space<vmem>>
        %dma_wait3A_97 = arith.constant 0 : i32
        %dma_wait3A_98 = arith.constant 0 : i32
        %dma_wait3A_99 = tpu.memref_slice %arg7[%dma_wait3A_97, %dma_wait3A_98] : memref<100000x64xf32, #tpu.memory_space<hbm>> -> memref<100000x64xf32, #tpu.memory_space<hbm>>
        tpu.wait_indirect_dma semaphore(%arg29 : memref<!tpu.dma_semaphore, #tpu.memory_space<semaphore_mem>>) src(%dma_wait3A_99 : memref<100000x64xf32, #tpu.memory_space<hbm>>) dst(%arg21 : memref<56x64xf32, #tpu.memory_space<vmem>>)
        %dma_wait3A_100 = arith.constant 0 : i32
        %dma_wait3A_101 = arith.constant 0 : i32
        %dma_wait3A_102 = arith.constant 0 : i32
        %dma_wait3A_103 = arith.constant 0 : i32
        %dma_wait3A_104 = tpu.memref_slice %arg23[%dma_wait3A_102, %dma_wait3A_103] : memref<224x192xbf16, #tpu.memory_space<vmem>> -> memref<112x192xbf16, #tpu.memory_space<vmem>>
        %dma_wait3A_105 = arith.constant 0 : i32
        %dma_wait3A_106 = tpu.memref_slice %arg15[%dma_wait3A_100, %dma_wait3A_101, %dma_wait3A_105] : memref<8x2x112xi32, #tpu.memory_space<vmem>> -> memref<1x1x112xi32, #tpu.memory_space<vmem>>
        %dma_wait3A_107 = tpu.memref_squeeze %dma_wait3A_106 : memref<1x1x112xi32, #tpu.memory_space<vmem>> -> memref<112xi32, #tpu.memory_space<vmem>>
        %dma_wait3A_108 = arith.constant 0 : i32
        %dma_wait3A_109 = arith.constant 0 : i32
        %dma_wait3A_110 = tpu.memref_slice %arg10[%dma_wait3A_108, %dma_wait3A_109] : memref<100000x192xbf16, #tpu.memory_space<hbm>> -> memref<100000x192xbf16, #tpu.memory_space<hbm>>
        tpu.wait_indirect_dma semaphore(%arg31 : memref<!tpu.dma_semaphore, #tpu.memory_space<semaphore_mem>>) src(%dma_wait3A_110 : memref<100000x192xbf16, #tpu.memory_space<hbm>>) dst(%dma_wait3A_104 : memref<112x192xbf16, #tpu.memory_space<vmem>>)
        %dma_wait3A_111 = arith.constant 0 : i32
        %dma_wait3A_112 = arith.constant 1 : i32
        %dma_wait3A_113 = arith.constant 112 : i32
        %dma_wait3A_114 = arith.constant 0 : i32
        %dma_wait3A_115 = tpu.memref_slice %arg23[%dma_wait3A_113, %dma_wait3A_114] : memref<224x192xbf16, #tpu.memory_space<vmem>> -> memref<112x192xbf16, #tpu.memory_space<vmem>>
        %dma_wait3A_116 = arith.constant 0 : i32
        %dma_wait3A_117 = tpu.memref_slice %arg15[%dma_wait3A_111, %dma_wait3A_112, %dma_wait3A_116] : memref<8x2x112xi32, #tpu.memory_space<vmem>> -> memref<1x1x112xi32, #tpu.memory_space<vmem>>
        %dma_wait3A_118 = tpu.memref_squeeze %dma_wait3A_117 : memref<1x1x112xi32, #tpu.memory_space<vmem>> -> memref<112xi32, #tpu.memory_space<vmem>>
        %dma_wait3A_119 = arith.constant 0 : i32
        %dma_wait3A_120 = arith.constant 0 : i32
        %dma_wait3A_121 = tpu.memref_slice %arg10[%dma_wait3A_119, %dma_wait3A_120] : memref<100000x192xbf16, #tpu.memory_space<hbm>> -> memref<100000x192xbf16, #tpu.memory_space<hbm>>
        tpu.wait_indirect_dma semaphore(%arg31 : memref<!tpu.dma_semaphore, #tpu.memory_space<semaphore_mem>>) src(%dma_wait3A_121 : memref<100000x192xbf16, #tpu.memory_space<hbm>>) dst(%dma_wait3A_115 : memref<112x192xbf16, #tpu.memory_space<vmem>>)
        %get3A = arith.index_cast %mul3A_64 : i32 to index
        %get3A_122 = arith.constant 0 : index
        %get3A_123 = tpu.vector_load %arg18[%get3A, %get3A_122] {strides = array<i32>} : memref<8x16xi32, #tpu.memory_space<vmem>>, vector<16xi32>,
        %slice3A = vector.extract_strided_slice %get3A_123 {offsets = [0], sizes = [1], strides = [1]} : vector<16xi32> to vector<1xi32>
        %squeeze3A = vector.extract %slice3A[0] : i32 from vector<1xi32>
        %min3A = arith.constant 50 : i32
        %min3A_124 = arith.minsi %squeeze3A, %min3A : i32
        %slice3A_125 = vector.extract_strided_slice %get3A_123 {offsets = [1], sizes = [1], strides = [1]} : vector<16xi32> to vector<1xi32>
        %squeeze3A_126 = vector.extract %slice3A_125[0] : i32 from vector<1xi32>
        %slice3A_127 = vector.extract_strided_slice %get3A_123 {offsets = [2], sizes = [1], strides = [1]} : vector<16xi32> to vector<1xi32>
        %squeeze3A_128 = vector.extract %slice3A_127[0] : i32 from vector<1xi32>
        %broadcast_in_dim3A = arith.constant 0.000000e+00 : f32
        %broadcast_in_dim3A_129 = vector.broadcast %broadcast_in_dim3A : f32 to vector<16xf32>
        %broadcast_in_dim3A_130 = arith.constant 0.000000e+00 : f32
        %broadcast_in_dim3A_131 = vector.broadcast %broadcast_in_dim3A_130 : f32 to vector<16xf32>
        %broadcast_in_dim3A_132 = arith.constant 0.000000e+00 : f32
        %broadcast_in_dim3A_133 = vector.broadcast %broadcast_in_dim3A_132 : f32 to vector<16xf32>
        %broadcast_in_dim3A_134 = arith.constant 0.000000e+00 : f32
        %broadcast_in_dim3A_135 = vector.broadcast %broadcast_in_dim3A_134 : f32 to vector<16xf32>
        %while3A = arith.constant 0 : i32
        %while3A_136 = arith.subi %min3A_124, %while3A : i32
        %while3A_137 = arith.addi %while3A, %while3A_136 : i32
        %while3A_138 = arith.constant 1 : i32
        %while3A_139 = arith.divsi %while3A_136, %while3A_138 : i32
        %while3A_140 = arith.muli %while3A_139, %while3A_138 : i32
        %while3A_141 = arith.addi %while3A, %while3A_140 : i32
        %while3A_142 = arith.constant 1 : i32
        %while3A_143:4 = scf.for %while3A_865 = %while3A to %while3A_141 step %while3A_142 iter_args(%while3A_866 = %broadcast_in_dim3A_129, %while3A_867 = %broadcast_in_dim3A_131, %while3A_868 = %broadcast_in_dim3A_133, %while3A_869 = %broadcast_in_dim3A_135) -> (vector<16xf32>, vector<16xf32>, vector<16xf32>, vector<16xf32>)  : i32 {
          %get3A_870 = arith.index_cast %while3A_865 : i32 to index
          %get3A_871 = arith.constant 0 : index
          %get3A_872 = tpu.vector_load %arg21[%get3A_870, %get3A_871] {strides = array<i32>} : memref<56x64xf32, #tpu.memory_space<vmem>>, vector<16xf32>,
          %add3A_873 = arith.addf %while3A_866, %get3A_872 : vector<16xf32>
          %get3A_874 = arith.index_cast %while3A_865 : i32 to index
          %get3A_875 = arith.constant 16 : index
          %get3A_876 = tpu.vector_load %arg21[%get3A_874, %get3A_875] {strides = array<i32>} : memref<56x64xf32, #tpu.memory_space<vmem>>, vector<16xf32>,
          %add3A_877 = arith.addf %while3A_867, %get3A_876 : vector<16xf32>
          %get3A_878 = arith.index_cast %while3A_865 : i32 to index
          %get3A_879 = arith.constant 32 : index
          %get3A_880 = tpu.vector_load %arg21[%get3A_878, %get3A_879] {strides = array<i32>} : memref<56x64xf32, #tpu.memory_space<vmem>>, vector<16xf32>,
          %add3A_881 = arith.addf %while3A_868, %get3A_880 : vector<16xf32>
          %get3A_882 = arith.index_cast %while3A_865 : i32 to index
          %get3A_883 = arith.constant 48 : index
          %get3A_884 = tpu.vector_load %arg21[%get3A_882, %get3A_883] {strides = array<i32>} : memref<56x64xf32, #tpu.memory_space<vmem>>, vector<16xf32>,
          %add3A_885 = arith.addf %while3A_869, %get3A_884 : vector<16xf32>
          scf.yield %add3A_873, %add3A_877, %add3A_881, %add3A_885 : vector<16xf32>, vector<16xf32>, vector<16xf32>, vector<16xf32>
        }
        %while3A_144 = arith.constant 1 : i32
        %while3A_145:4 = scf.for %while3A_865 = %while3A_141 to %while3A_137 step %while3A_144 iter_args(%while3A_866 = %while3A_143#0, %while3A_867 = %while3A_143#1, %while3A_868 = %while3A_143#2, %while3A_869 = %while3A_143#3) -> (vector<16xf32>, vector<16xf32>, vector<16xf32>, vector<16xf32>)  : i32 {
          %get3A_870 = arith.index_cast %while3A_865 : i32 to index
          %get3A_871 = arith.constant 0 : index
          %get3A_872 = tpu.vector_load %arg21[%get3A_870, %get3A_871] {strides = array<i32>} : memref<56x64xf32, #tpu.memory_space<vmem>>, vector<16xf32>,
          %add3A_873 = arith.addf %while3A_866, %get3A_872 : vector<16xf32>
          %get3A_874 = arith.index_cast %while3A_865 : i32 to index
          %get3A_875 = arith.constant 16 : index
          %get3A_876 = tpu.vector_load %arg21[%get3A_874, %get3A_875] {strides = array<i32>} : memref<56x64xf32, #tpu.memory_space<vmem>>, vector<16xf32>,
          %add3A_877 = arith.addf %while3A_867, %get3A_876 : vector<16xf32>
          %get3A_878 = arith.index_cast %while3A_865 : i32 to index
          %get3A_879 = arith.constant 32 : index
          %get3A_880 = tpu.vector_load %arg21[%get3A_878, %get3A_879] {strides = array<i32>} : memref<56x64xf32, #tpu.memory_space<vmem>>, vector<16xf32>,
          %add3A_881 = arith.addf %while3A_868, %get3A_880 : vector<16xf32>
          %get3A_882 = arith.index_cast %while3A_865 : i32 to index
          %get3A_883 = arith.constant 48 : index
          %get3A_884 = tpu.vector_load %arg21[%get3A_882, %get3A_883] {strides = array<i32>} : memref<56x64xf32, #tpu.memory_space<vmem>>, vector<16xf32>,
          %add3A_885 = arith.addf %while3A_869, %get3A_884 : vector<16xf32>
          scf.yield %add3A_873, %add3A_877, %add3A_881, %add3A_885 : vector<16xf32>, vector<16xf32>, vector<16xf32>, vector<16xf32>
        }
        %broadcast_in_dim3A_146 = arith.constant 1.000000e+00 : f32
        %broadcast_in_dim3A_147 = vector.broadcast %broadcast_in_dim3A_146 : f32 to vector<16xf32>
        %convert_element_type3A = arith.sitofp %min3A_124 : i32 to f32
        %broadcast_in_dim3A_148 = vector.broadcast %convert_element_type3A : f32 to vector<16xf32>
        %div3A = arith.divf %broadcast_in_dim3A_147, %broadcast_in_dim3A_148 : vector<16xf32>
        %get3A_149 = arith.index_cast %mul3A_64 : i32 to index
        %get3A_150 = arith.constant 0 : index
        %get3A_151 = tpu.vector_load %arg19[%get3A_149, %get3A_150] {strides = array<i32>} : memref<8x64xf32, #tpu.memory_space<vmem>>, vector<16xf32>,
        %get3A_152 = arith.index_cast %mul3A_64 : i32 to index
        %get3A_153 = arith.constant 16 : index
        %get3A_154 = tpu.vector_load %arg19[%get3A_152, %get3A_153] {strides = array<i32>} : memref<8x64xf32, #tpu.memory_space<vmem>>, vector<16xf32>,
        %get3A_155 = arith.index_cast %mul3A_64 : i32 to index
        %get3A_156 = arith.constant 32 : index
        %get3A_157 = tpu.vector_load %arg19[%get3A_155, %get3A_156] {strides = array<i32>} : memref<8x64xf32, #tpu.memory_space<vmem>>, vector<16xf32>,
        %get3A_158 = arith.index_cast %mul3A_64 : i32 to index
        %get3A_159 = arith.constant 48 : index
        %get3A_160 = tpu.vector_load %arg19[%get3A_158, %get3A_159] {strides = array<i32>} : memref<8x64xf32, #tpu.memory_space<vmem>>, vector<16xf32>,
        %mul3A_161 = arith.mulf %while3A_145#0, %div3A : vector<16xf32>
        %mul3A_162 = arith.mulf %while3A_145#1, %div3A : vector<16xf32>
        %mul3A_163 = arith.mulf %while3A_145#2, %div3A : vector<16xf32>
        %mul3A_164 = arith.mulf %while3A_145#3, %div3A : vector<16xf32>
        %get3A_165 = arith.index_cast %mul3A_64 : i32 to index
        %get3A_166 = arith.constant 0 : index
        %get3A_167 = tpu.vector_load %arg20[%get3A_165, %get3A_166] {strides = array<i32>} : memref<8x64xf32, #tpu.memory_space<vmem>>, vector<16xf32>,
        %get3A_168 = arith.index_cast %mul3A_64 : i32 to index
        %get3A_169 = arith.constant 16 : index
        %get3A_170 = tpu.vector_load %arg20[%get3A_168, %get3A_169] {strides = array<i32>} : memref<8x64xf32, #tpu.memory_space<vmem>>, vector<16xf32>,
        %get3A_171 = arith.index_cast %mul3A_64 : i32 to index
        %get3A_172 = arith.constant 32 : index
        %get3A_173 = tpu.vector_load %arg20[%get3A_171, %get3A_172] {strides = array<i32>} : memref<8x64xf32, #tpu.memory_space<vmem>>, vector<16xf32>,
        %get3A_174 = arith.index_cast %mul3A_64 : i32 to index
        %get3A_175 = arith.constant 48 : index
        %get3A_176 = tpu.vector_load %arg20[%get3A_174, %get3A_175] {strides = array<i32>} : memref<8x64xf32, #tpu.memory_space<vmem>>, vector<16xf32>,
        %pack3A = tpu.pack_subelements %get3A_151, %get3A_154 {pack_format = #tpu.pack_format<interleaved>, positions = array<i32: 0, 1>} : vector<16xf32>, vector<16xf32> -> vector<32xbf16>
        %pack3A_177 = tpu.pack_subelements %get3A_157, %get3A_160 {pack_format = #tpu.pack_format<interleaved>, positions = array<i32: 0, 1>} : vector<16xf32>, vector<16xf32> -> vector<32xbf16>
        %pack3A_178 = tpu.pack_subelements %mul3A_161, %mul3A_162 {pack_format = #tpu.pack_format<interleaved>, positions = array<i32: 0, 1>} : vector<16xf32>, vector<16xf32> -> vector<32xbf16>
        %pack3A_179 = tpu.pack_subelements %mul3A_163, %mul3A_164 {pack_format = #tpu.pack_format<interleaved>, positions = array<i32: 0, 1>} : vector<16xf32>, vector<16xf32> -> vector<32xbf16>
        %pack3A_180 = tpu.pack_subelements %get3A_167, %get3A_170 {pack_format = #tpu.pack_format<interleaved>, positions = array<i32: 0, 1>} : vector<16xf32>, vector<16xf32> -> vector<32xbf16>
        %pack3A_181 = tpu.pack_subelements %get3A_173, %get3A_176 {pack_format = #tpu.pack_format<interleaved>, positions = array<i32: 0, 1>} : vector<16xf32>, vector<16xf32> -> vector<32xbf16>
        %broadcast_in_dim3A_182 = vector.broadcast %squeeze3A_126 : i32 to vector<16xi32>
        %broadcast_in_dim3A_183 = vector.broadcast %squeeze3A_128 : i32 to vector<16xi32>
        %broadcast_in_dim3A_184 = arith.constant 0 : i32
        %broadcast_in_dim3A_185 = vector.broadcast %broadcast_in_dim3A_184 : i32 to vector<16xi32>
        %add3A_186 = arith.constant 0 : i32
        %add3A_187 = vector.broadcast %add3A_186 : i32 to vector<16xi32>
        %add3A_188 = arith.addi %iota3A, %add3A_187 : vector<16xi32>
        %lt3A = arith.constant 20 : i32
        %lt3A_189 = vector.broadcast %lt3A : i32 to vector<16xi32>
        %lt3A_190 = arith.cmpi slt, %add3A_188, %lt3A_189 : vector<16xi32>
        %lt3A_191 = arith.cmpi slt, %add3A_188, %broadcast_in_dim3A_182 : vector<16xi32>
        %sub3A = arith.constant 20 : i32
        %sub3A_192 = vector.broadcast %sub3A : i32 to vector<16xi32>
        %sub3A_193 = arith.subi %add3A_188, %sub3A_192 : vector<16xi32>
        %lt3A_194 = arith.cmpi slt, %sub3A_193, %broadcast_in_dim3A_183 : vector<16xi32>
        %select_n3A = arith.select %lt3A_190, %lt3A_191, %lt3A_194 : vector<16xi1>, vector<16xi1>
        %convert_element_type3A_195 = arith.extui %select_n3A : vector<16xi1> to vector<16xi32>
        %swap3A = arith.index_cast %mul3A_64 : i32 to index
        %swap3A_196 = arith.constant 0 : index
        %swap3A_197 = tpu.vector_load %arg26[%swap3A, %swap3A_196] {strides = array<i32>} : memref<8x224xi32, #tpu.memory_space<vmem>>, vector<16xi32>,
        tpu.vector_store %arg26[%swap3A, %swap3A_196], %convert_element_type3A_195 {strides = array<i32>} : memref<8x224xi32, #tpu.memory_space<vmem>>, vector<16xi32>,
        %select_n3A_198 = arith.select %lt3A_190, %convert_element_type3A_195, %broadcast_in_dim3A_185 : vector<16xi1>, vector<16xi32>
        %swap3A_199 = arith.index_cast %mul3A_64 : i32 to index
        %swap3A_200 = arith.constant 0 : index
        %swap3A_201 = tpu.vector_load %arg27[%swap3A_199, %swap3A_200] {strides = array<i32>} : memref<8x224xi32, #tpu.memory_space<vmem>>, vector<16xi32>,
        tpu.vector_store %arg27[%swap3A_199, %swap3A_200], %select_n3A_198 {strides = array<i32>} : memref<8x224xi32, #tpu.memory_space<vmem>>, vector<16xi32>,
        %add3A_202 = arith.constant 16 : i32
        %add3A_203 = vector.broadcast %add3A_202 : i32 to vector<16xi32>
        %add3A_204 = arith.addi %iota3A, %add3A_203 : vector<16xi32>
        %lt3A_205 = arith.constant 20 : i32
        %lt3A_206 = vector.broadcast %lt3A_205 : i32 to vector<16xi32>
        %lt3A_207 = arith.cmpi slt, %add3A_204, %lt3A_206 : vector<16xi32>
        %lt3A_208 = arith.cmpi slt, %add3A_204, %broadcast_in_dim3A_182 : vector<16xi32>
        %sub3A_209 = arith.constant 20 : i32
        %sub3A_210 = vector.broadcast %sub3A_209 : i32 to vector<16xi32>
        %sub3A_211 = arith.subi %add3A_204, %sub3A_210 : vector<16xi32>
        %lt3A_212 = arith.cmpi slt, %sub3A_211, %broadcast_in_dim3A_183 : vector<16xi32>
        %select_n3A_213 = arith.select %lt3A_207, %lt3A_208, %lt3A_212 : vector<16xi1>, vector<16xi1>
        %convert_element_type3A_214 = arith.extui %select_n3A_213 : vector<16xi1> to vector<16xi32>
        %swap3A_215 = arith.index_cast %mul3A_64 : i32 to index
        %swap3A_216 = arith.constant 16 : index
        %swap3A_217 = tpu.vector_load %arg26[%swap3A_215, %swap3A_216] {strides = array<i32>} : memref<8x224xi32, #tpu.memory_space<vmem>>, vector<16xi32>,
        tpu.vector_store %arg26[%swap3A_215, %swap3A_216], %convert_element_type3A_214 {strides = array<i32>} : memref<8x224xi32, #tpu.memory_space<vmem>>, vector<16xi32>,
        %select_n3A_218 = arith.select %lt3A_207, %convert_element_type3A_214, %broadcast_in_dim3A_185 : vector<16xi1>, vector<16xi32>
        %swap3A_219 = arith.index_cast %mul3A_64 : i32 to index
        %swap3A_220 = arith.constant 16 : index
        %swap3A_221 = tpu.vector_load %arg27[%swap3A_219, %swap3A_220] {strides = array<i32>} : memref<8x224xi32, #tpu.memory_space<vmem>>, vector<16xi32>,
        tpu.vector_store %arg27[%swap3A_219, %swap3A_220], %select_n3A_218 {strides = array<i32>} : memref<8x224xi32, #tpu.memory_space<vmem>>, vector<16xi32>,
        %add3A_222 = arith.constant 32 : i32
        %add3A_223 = vector.broadcast %add3A_222 : i32 to vector<16xi32>
        %add3A_224 = arith.addi %iota3A, %add3A_223 : vector<16xi32>
        %lt3A_225 = arith.constant 20 : i32
        %lt3A_226 = vector.broadcast %lt3A_225 : i32 to vector<16xi32>
        %lt3A_227 = arith.cmpi slt, %add3A_224, %lt3A_226 : vector<16xi32>
        %lt3A_228 = arith.cmpi slt, %add3A_224, %broadcast_in_dim3A_182 : vector<16xi32>
        %sub3A_229 = arith.constant 20 : i32
        %sub3A_230 = vector.broadcast %sub3A_229 : i32 to vector<16xi32>
        %sub3A_231 = arith.subi %add3A_224, %sub3A_230 : vector<16xi32>
        %lt3A_232 = arith.cmpi slt, %sub3A_231, %broadcast_in_dim3A_183 : vector<16xi32>
        %select_n3A_233 = arith.select %lt3A_227, %lt3A_228, %lt3A_232 : vector<16xi1>, vector<16xi1>
        %convert_element_type3A_234 = arith.extui %select_n3A_233 : vector<16xi1> to vector<16xi32>
        %swap3A_235 = arith.index_cast %mul3A_64 : i32 to index
        %swap3A_236 = arith.constant 32 : index
        %swap3A_237 = tpu.vector_load %arg26[%swap3A_235, %swap3A_236] {strides = array<i32>} : memref<8x224xi32, #tpu.memory_space<vmem>>, vector<16xi32>,
        tpu.vector_store %arg26[%swap3A_235, %swap3A_236], %convert_element_type3A_234 {strides = array<i32>} : memref<8x224xi32, #tpu.memory_space<vmem>>, vector<16xi32>,
        %select_n3A_238 = arith.select %lt3A_227, %convert_element_type3A_234, %broadcast_in_dim3A_185 : vector<16xi1>, vector<16xi32>
        %swap3A_239 = arith.index_cast %mul3A_64 : i32 to index
        %swap3A_240 = arith.constant 32 : index
        %swap3A_241 = tpu.vector_load %arg27[%swap3A_239, %swap3A_240] {strides = array<i32>} : memref<8x224xi32, #tpu.memory_space<vmem>>, vector<16xi32>,
        tpu.vector_store %arg27[%swap3A_239, %swap3A_240], %select_n3A_238 {strides = array<i32>} : memref<8x224xi32, #tpu.memory_space<vmem>>, vector<16xi32>,
        %add3A_242 = arith.constant 48 : i32
        %add3A_243 = vector.broadcast %add3A_242 : i32 to vector<16xi32>
        %add3A_244 = arith.addi %iota3A, %add3A_243 : vector<16xi32>
        %lt3A_245 = arith.constant 20 : i32
        %lt3A_246 = vector.broadcast %lt3A_245 : i32 to vector<16xi32>
        %lt3A_247 = arith.cmpi slt, %add3A_244, %lt3A_246 : vector<16xi32>
        %lt3A_248 = arith.cmpi slt, %add3A_244, %broadcast_in_dim3A_182 : vector<16xi32>
        %sub3A_249 = arith.constant 20 : i32
        %sub3A_250 = vector.broadcast %sub3A_249 : i32 to vector<16xi32>
        %sub3A_251 = arith.subi %add3A_244, %sub3A_250 : vector<16xi32>
        %lt3A_252 = arith.cmpi slt, %sub3A_251, %broadcast_in_dim3A_183 : vector<16xi32>
        %select_n3A_253 = arith.select %lt3A_247, %lt3A_248, %lt3A_252 : vector<16xi1>, vector<16xi1>
        %convert_element_type3A_254 = arith.extui %select_n3A_253 : vector<16xi1> to vector<16xi32>
        %swap3A_255 = arith.index_cast %mul3A_64 : i32 to index
        %swap3A_256 = arith.constant 48 : index
        %swap3A_257 = tpu.vector_load %arg26[%swap3A_255, %swap3A_256] {strides = array<i32>} : memref<8x224xi32, #tpu.memory_space<vmem>>, vector<16xi32>,
        tpu.vector_store %arg26[%swap3A_255, %swap3A_256], %convert_element_type3A_254 {strides = array<i32>} : memref<8x224xi32, #tpu.memory_space<vmem>>, vector<16xi32>,
        %select_n3A_258 = arith.select %lt3A_247, %convert_element_type3A_254, %broadcast_in_dim3A_185 : vector<16xi1>, vector<16xi32>
        %swap3A_259 = arith.index_cast %mul3A_64 : i32 to index
        %swap3A_260 = arith.constant 48 : index
        %swap3A_261 = tpu.vector_load %arg27[%swap3A_259, %swap3A_260] {strides = array<i32>} : memref<8x224xi32, #tpu.memory_space<vmem>>, vector<16xi32>,
        tpu.vector_store %arg27[%swap3A_259, %swap3A_260], %select_n3A_258 {strides = array<i32>} : memref<8x224xi32, #tpu.memory_space<vmem>>, vector<16xi32>,
        %add3A_262 = arith.constant 64 : i32
        %add3A_263 = vector.broadcast %add3A_262 : i32 to vector<16xi32>
        %add3A_264 = arith.addi %iota3A, %add3A_263 : vector<16xi32>
        %lt3A_265 = arith.constant 20 : i32
        %lt3A_266 = vector.broadcast %lt3A_265 : i32 to vector<16xi32>
        %lt3A_267 = arith.cmpi slt, %add3A_264, %lt3A_266 : vector<16xi32>
        %lt3A_268 = arith.cmpi slt, %add3A_264, %broadcast_in_dim3A_182 : vector<16xi32>
        %sub3A_269 = arith.constant 20 : i32
        %sub3A_270 = vector.broadcast %sub3A_269 : i32 to vector<16xi32>
        %sub3A_271 = arith.subi %add3A_264, %sub3A_270 : vector<16xi32>
        %lt3A_272 = arith.cmpi slt, %sub3A_271, %broadcast_in_dim3A_183 : vector<16xi32>
        %select_n3A_273 = arith.select %lt3A_267, %lt3A_268, %lt3A_272 : vector<16xi1>, vector<16xi1>
        %convert_element_type3A_274 = arith.extui %select_n3A_273 : vector<16xi1> to vector<16xi32>
        %swap3A_275 = arith.index_cast %mul3A_64 : i32 to index
        %swap3A_276 = arith.constant 64 : index
        %swap3A_277 = tpu.vector_load %arg26[%swap3A_275, %swap3A_276] {strides = array<i32>} : memref<8x224xi32, #tpu.memory_space<vmem>>, vector<16xi32>,
        tpu.vector_store %arg26[%swap3A_275, %swap3A_276], %convert_element_type3A_274 {strides = array<i32>} : memref<8x224xi32, #tpu.memory_space<vmem>>, vector<16xi32>,
        %select_n3A_278 = arith.select %lt3A_267, %convert_element_type3A_274, %broadcast_in_dim3A_185 : vector<16xi1>, vector<16xi32>
        %swap3A_279 = arith.index_cast %mul3A_64 : i32 to index
        %swap3A_280 = arith.constant 64 : index
        %swap3A_281 = tpu.vector_load %arg27[%swap3A_279, %swap3A_280] {strides = array<i32>} : memref<8x224xi32, #tpu.memory_space<vmem>>, vector<16xi32>,
        tpu.vector_store %arg27[%swap3A_279, %swap3A_280], %select_n3A_278 {strides = array<i32>} : memref<8x224xi32, #tpu.memory_space<vmem>>, vector<16xi32>,
        %add3A_282 = arith.constant 80 : i32
        %add3A_283 = vector.broadcast %add3A_282 : i32 to vector<16xi32>
        %add3A_284 = arith.addi %iota3A, %add3A_283 : vector<16xi32>
        %lt3A_285 = arith.constant 20 : i32
        %lt3A_286 = vector.broadcast %lt3A_285 : i32 to vector<16xi32>
        %lt3A_287 = arith.cmpi slt, %add3A_284, %lt3A_286 : vector<16xi32>
        %lt3A_288 = arith.cmpi slt, %add3A_284, %broadcast_in_dim3A_182 : vector<16xi32>
        %sub3A_289 = arith.constant 20 : i32
        %sub3A_290 = vector.broadcast %sub3A_289 : i32 to vector<16xi32>
        %sub3A_291 = arith.subi %add3A_284, %sub3A_290 : vector<16xi32>
        %lt3A_292 = arith.cmpi slt, %sub3A_291, %broadcast_in_dim3A_183 : vector<16xi32>
        %select_n3A_293 = arith.select %lt3A_287, %lt3A_288, %lt3A_292 : vector<16xi1>, vector<16xi1>
        %convert_element_type3A_294 = arith.extui %select_n3A_293 : vector<16xi1> to vector<16xi32>
        %swap3A_295 = arith.index_cast %mul3A_64 : i32 to index
        %swap3A_296 = arith.constant 80 : index
        %swap3A_297 = tpu.vector_load %arg26[%swap3A_295, %swap3A_296] {strides = array<i32>} : memref<8x224xi32, #tpu.memory_space<vmem>>, vector<16xi32>,
        tpu.vector_store %arg26[%swap3A_295, %swap3A_296], %convert_element_type3A_294 {strides = array<i32>} : memref<8x224xi32, #tpu.memory_space<vmem>>, vector<16xi32>,
        %select_n3A_298 = arith.select %lt3A_287, %convert_element_type3A_294, %broadcast_in_dim3A_185 : vector<16xi1>, vector<16xi32>
        %swap3A_299 = arith.index_cast %mul3A_64 : i32 to index
        %swap3A_300 = arith.constant 80 : index
        %swap3A_301 = tpu.vector_load %arg27[%swap3A_299, %swap3A_300] {strides = array<i32>} : memref<8x224xi32, #tpu.memory_space<vmem>>, vector<16xi32>,
        tpu.vector_store %arg27[%swap3A_299, %swap3A_300], %select_n3A_298 {strides = array<i32>} : memref<8x224xi32, #tpu.memory_space<vmem>>, vector<16xi32>,
        %add3A_302 = arith.constant 96 : i32
        %add3A_303 = vector.broadcast %add3A_302 : i32 to vector<16xi32>
        %add3A_304 = arith.addi %iota3A, %add3A_303 : vector<16xi32>
        %lt3A_305 = arith.constant 20 : i32
        %lt3A_306 = vector.broadcast %lt3A_305 : i32 to vector<16xi32>
        %lt3A_307 = arith.cmpi slt, %add3A_304, %lt3A_306 : vector<16xi32>
        %lt3A_308 = arith.cmpi slt, %add3A_304, %broadcast_in_dim3A_182 : vector<16xi32>
        %sub3A_309 = arith.constant 20 : i32
        %sub3A_310 = vector.broadcast %sub3A_309 : i32 to vector<16xi32>
        %sub3A_311 = arith.subi %add3A_304, %sub3A_310 : vector<16xi32>
        %lt3A_312 = arith.cmpi slt, %sub3A_311, %broadcast_in_dim3A_183 : vector<16xi32>
        %select_n3A_313 = arith.select %lt3A_307, %lt3A_308, %lt3A_312 : vector<16xi1>, vector<16xi1>
        %convert_element_type3A_314 = arith.extui %select_n3A_313 : vector<16xi1> to vector<16xi32>
        %swap3A_315 = arith.index_cast %mul3A_64 : i32 to index
        %swap3A_316 = arith.constant 96 : index
        %swap3A_317 = tpu.vector_load %arg26[%swap3A_315, %swap3A_316] {strides = array<i32>} : memref<8x224xi32, #tpu.memory_space<vmem>>, vector<16xi32>,
        tpu.vector_store %arg26[%swap3A_315, %swap3A_316], %convert_element_type3A_314 {strides = array<i32>} : memref<8x224xi32, #tpu.memory_space<vmem>>, vector<16xi32>,
        %select_n3A_318 = arith.select %lt3A_307, %convert_element_type3A_314, %broadcast_in_dim3A_185 : vector<16xi1>, vector<16xi32>
        %swap3A_319 = arith.index_cast %mul3A_64 : i32 to index
        %swap3A_320 = arith.constant 96 : index
        %swap3A_321 = tpu.vector_load %arg27[%swap3A_319, %swap3A_320] {strides = array<i32>} : memref<8x224xi32, #tpu.memory_space<vmem>>, vector<16xi32>,
        tpu.vector_store %arg27[%swap3A_319, %swap3A_320], %select_n3A_318 {strides = array<i32>} : memref<8x224xi32, #tpu.memory_space<vmem>>, vector<16xi32>,
        %add3A_322 = arith.constant 112 : i32
        %add3A_323 = vector.broadcast %add3A_322 : i32 to vector<16xi32>
        %add3A_324 = arith.addi %iota3A, %add3A_323 : vector<16xi32>
        %lt3A_325 = arith.constant 20 : i32
        %lt3A_326 = vector.broadcast %lt3A_325 : i32 to vector<16xi32>
        %lt3A_327 = arith.cmpi slt, %add3A_324, %lt3A_326 : vector<16xi32>
        %lt3A_328 = arith.cmpi slt, %add3A_324, %broadcast_in_dim3A_182 : vector<16xi32>
        %sub3A_329 = arith.constant 20 : i32
        %sub3A_330 = vector.broadcast %sub3A_329 : i32 to vector<16xi32>
        %sub3A_331 = arith.subi %add3A_324, %sub3A_330 : vector<16xi32>
        %lt3A_332 = arith.cmpi slt, %sub3A_331, %broadcast_in_dim3A_183 : vector<16xi32>
        %select_n3A_333 = arith.select %lt3A_327, %lt3A_328, %lt3A_332 : vector<16xi1>, vector<16xi1>
        %convert_element_type3A_334 = arith.extui %select_n3A_333 : vector<16xi1> to vector<16xi32>
        %swap3A_335 = arith.index_cast %mul3A_64 : i32 to index
        %swap3A_336 = arith.constant 112 : index
        %swap3A_337 = tpu.vector_load %arg26[%swap3A_335, %swap3A_336] {strides = array<i32>} : memref<8x224xi32, #tpu.memory_space<vmem>>, vector<16xi32>,
        tpu.vector_store %arg26[%swap3A_335, %swap3A_336], %convert_element_type3A_334 {strides = array<i32>} : memref<8x224xi32, #tpu.memory_space<vmem>>, vector<16xi32>,
        %select_n3A_338 = arith.select %lt3A_327, %convert_element_type3A_334, %broadcast_in_dim3A_185 : vector<16xi1>, vector<16xi32>
        %swap3A_339 = arith.index_cast %mul3A_64 : i32 to index
        %swap3A_340 = arith.constant 112 : index
        %swap3A_341 = tpu.vector_load %arg27[%swap3A_339, %swap3A_340] {strides = array<i32>} : memref<8x224xi32, #tpu.memory_space<vmem>>, vector<16xi32>,
        tpu.vector_store %arg27[%swap3A_339, %swap3A_340], %select_n3A_338 {strides = array<i32>} : memref<8x224xi32, #tpu.memory_space<vmem>>, vector<16xi32>,
        %add3A_342 = arith.constant 128 : i32
        %add3A_343 = vector.broadcast %add3A_342 : i32 to vector<16xi32>
        %add3A_344 = arith.addi %iota3A, %add3A_343 : vector<16xi32>
        %lt3A_345 = arith.constant 20 : i32
        %lt3A_346 = vector.broadcast %lt3A_345 : i32 to vector<16xi32>
        %lt3A_347 = arith.cmpi slt, %add3A_344, %lt3A_346 : vector<16xi32>
        %lt3A_348 = arith.cmpi slt, %add3A_344, %broadcast_in_dim3A_182 : vector<16xi32>
        %sub3A_349 = arith.constant 20 : i32
        %sub3A_350 = vector.broadcast %sub3A_349 : i32 to vector<16xi32>
        %sub3A_351 = arith.subi %add3A_344, %sub3A_350 : vector<16xi32>
        %lt3A_352 = arith.cmpi slt, %sub3A_351, %broadcast_in_dim3A_183 : vector<16xi32>
        %select_n3A_353 = arith.select %lt3A_347, %lt3A_348, %lt3A_352 : vector<16xi1>, vector<16xi1>
        %convert_element_type3A_354 = arith.extui %select_n3A_353 : vector<16xi1> to vector<16xi32>
        %swap3A_355 = arith.index_cast %mul3A_64 : i32 to index
        %swap3A_356 = arith.constant 128 : index
        %swap3A_357 = tpu.vector_load %arg26[%swap3A_355, %swap3A_356] {strides = array<i32>} : memref<8x224xi32, #tpu.memory_space<vmem>>, vector<16xi32>,
        tpu.vector_store %arg26[%swap3A_355, %swap3A_356], %convert_element_type3A_354 {strides = array<i32>} : memref<8x224xi32, #tpu.memory_space<vmem>>, vector<16xi32>,
        %select_n3A_358 = arith.select %lt3A_347, %convert_element_type3A_354, %broadcast_in_dim3A_185 : vector<16xi1>, vector<16xi32>
        %swap3A_359 = arith.index_cast %mul3A_64 : i32 to index
        %swap3A_360 = arith.constant 128 : index
        %swap3A_361 = tpu.vector_load %arg27[%swap3A_359, %swap3A_360] {strides = array<i32>} : memref<8x224xi32, #tpu.memory_space<vmem>>, vector<16xi32>,
        tpu.vector_store %arg27[%swap3A_359, %swap3A_360], %select_n3A_358 {strides = array<i32>} : memref<8x224xi32, #tpu.memory_space<vmem>>, vector<16xi32>,
        %add3A_362 = arith.constant 144 : i32
        %add3A_363 = vector.broadcast %add3A_362 : i32 to vector<16xi32>
        %add3A_364 = arith.addi %iota3A, %add3A_363 : vector<16xi32>
        %lt3A_365 = arith.constant 20 : i32
        %lt3A_366 = vector.broadcast %lt3A_365 : i32 to vector<16xi32>
        %lt3A_367 = arith.cmpi slt, %add3A_364, %lt3A_366 : vector<16xi32>
        %lt3A_368 = arith.cmpi slt, %add3A_364, %broadcast_in_dim3A_182 : vector<16xi32>
        %sub3A_369 = arith.constant 20 : i32
        %sub3A_370 = vector.broadcast %sub3A_369 : i32 to vector<16xi32>
        %sub3A_371 = arith.subi %add3A_364, %sub3A_370 : vector<16xi32>
        %lt3A_372 = arith.cmpi slt, %sub3A_371, %broadcast_in_dim3A_183 : vector<16xi32>
        %select_n3A_373 = arith.select %lt3A_367, %lt3A_368, %lt3A_372 : vector<16xi1>, vector<16xi1>
        %convert_element_type3A_374 = arith.extui %select_n3A_373 : vector<16xi1> to vector<16xi32>
        %swap3A_375 = arith.index_cast %mul3A_64 : i32 to index
        %swap3A_376 = arith.constant 144 : index
        %swap3A_377 = tpu.vector_load %arg26[%swap3A_375, %swap3A_376] {strides = array<i32>} : memref<8x224xi32, #tpu.memory_space<vmem>>, vector<16xi32>,
        tpu.vector_store %arg26[%swap3A_375, %swap3A_376], %convert_element_type3A_374 {strides = array<i32>} : memref<8x224xi32, #tpu.memory_space<vmem>>, vector<16xi32>,
        %select_n3A_378 = arith.select %lt3A_367, %convert_element_type3A_374, %broadcast_in_dim3A_185 : vector<16xi1>, vector<16xi32>
        %swap3A_379 = arith.index_cast %mul3A_64 : i32 to index
        %swap3A_380 = arith.constant 144 : index
        %swap3A_381 = tpu.vector_load %arg27[%swap3A_379, %swap3A_380] {strides = array<i32>} : memref<8x224xi32, #tpu.memory_space<vmem>>, vector<16xi32>,
        tpu.vector_store %arg27[%swap3A_379, %swap3A_380], %select_n3A_378 {strides = array<i32>} : memref<8x224xi32, #tpu.memory_space<vmem>>, vector<16xi32>,
        %add3A_382 = arith.constant 160 : i32
        %add3A_383 = vector.broadcast %add3A_382 : i32 to vector<16xi32>
        %add3A_384 = arith.addi %iota3A, %add3A_383 : vector<16xi32>
        %lt3A_385 = arith.constant 20 : i32
        %lt3A_386 = vector.broadcast %lt3A_385 : i32 to vector<16xi32>
        %lt3A_387 = arith.cmpi slt, %add3A_384, %lt3A_386 : vector<16xi32>
        %lt3A_388 = arith.cmpi slt, %add3A_384, %broadcast_in_dim3A_182 : vector<16xi32>
        %sub3A_389 = arith.constant 20 : i32
        %sub3A_390 = vector.broadcast %sub3A_389 : i32 to vector<16xi32>
        %sub3A_391 = arith.subi %add3A_384, %sub3A_390 : vector<16xi32>
        %lt3A_392 = arith.cmpi slt, %sub3A_391, %broadcast_in_dim3A_183 : vector<16xi32>
        %select_n3A_393 = arith.select %lt3A_387, %lt3A_388, %lt3A_392 : vector<16xi1>, vector<16xi1>
        %convert_element_type3A_394 = arith.extui %select_n3A_393 : vector<16xi1> to vector<16xi32>
        %swap3A_395 = arith.index_cast %mul3A_64 : i32 to index
        %swap3A_396 = arith.constant 160 : index
        %swap3A_397 = tpu.vector_load %arg26[%swap3A_395, %swap3A_396] {strides = array<i32>} : memref<8x224xi32, #tpu.memory_space<vmem>>, vector<16xi32>,
        tpu.vector_store %arg26[%swap3A_395, %swap3A_396], %convert_element_type3A_394 {strides = array<i32>} : memref<8x224xi32, #tpu.memory_space<vmem>>, vector<16xi32>,
        %select_n3A_398 = arith.select %lt3A_387, %convert_element_type3A_394, %broadcast_in_dim3A_185 : vector<16xi1>, vector<16xi32>
        %swap3A_399 = arith.index_cast %mul3A_64 : i32 to index
        %swap3A_400 = arith.constant 160 : index
        %swap3A_401 = tpu.vector_load %arg27[%swap3A_399, %swap3A_400] {strides = array<i32>} : memref<8x224xi32, #tpu.memory_space<vmem>>, vector<16xi32>,
        tpu.vector_store %arg27[%swap3A_399, %swap3A_400], %select_n3A_398 {strides = array<i32>} : memref<8x224xi32, #tpu.memory_space<vmem>>, vector<16xi32>,
        %add3A_402 = arith.constant 176 : i32
        %add3A_403 = vector.broadcast %add3A_402 : i32 to vector<16xi32>
        %add3A_404 = arith.addi %iota3A, %add3A_403 : vector<16xi32>
        %lt3A_405 = arith.constant 20 : i32
        %lt3A_406 = vector.broadcast %lt3A_405 : i32 to vector<16xi32>
        %lt3A_407 = arith.cmpi slt, %add3A_404, %lt3A_406 : vector<16xi32>
        %lt3A_408 = arith.cmpi slt, %add3A_404, %broadcast_in_dim3A_182 : vector<16xi32>
        %sub3A_409 = arith.constant 20 : i32
        %sub3A_410 = vector.broadcast %sub3A_409 : i32 to vector<16xi32>
        %sub3A_411 = arith.subi %add3A_404, %sub3A_410 : vector<16xi32>
        %lt3A_412 = arith.cmpi slt, %sub3A_411, %broadcast_in_dim3A_183 : vector<16xi32>
        %select_n3A_413 = arith.select %lt3A_407, %lt3A_408, %lt3A_412 : vector<16xi1>, vector<16xi1>
        %convert_element_type3A_414 = arith.extui %select_n3A_413 : vector<16xi1> to vector<16xi32>
        %swap3A_415 = arith.index_cast %mul3A_64 : i32 to index
        %swap3A_416 = arith.constant 176 : index
        %swap3A_417 = tpu.vector_load %arg26[%swap3A_415, %swap3A_416] {strides = array<i32>} : memref<8x224xi32, #tpu.memory_space<vmem>>, vector<16xi32>,
        tpu.vector_store %arg26[%swap3A_415, %swap3A_416], %convert_element_type3A_414 {strides = array<i32>} : memref<8x224xi32, #tpu.memory_space<vmem>>, vector<16xi32>,
        %select_n3A_418 = arith.select %lt3A_407, %convert_element_type3A_414, %broadcast_in_dim3A_185 : vector<16xi1>, vector<16xi32>
        %swap3A_419 = arith.index_cast %mul3A_64 : i32 to index
        %swap3A_420 = arith.constant 176 : index
        %swap3A_421 = tpu.vector_load %arg27[%swap3A_419, %swap3A_420] {strides = array<i32>} : memref<8x224xi32, #tpu.memory_space<vmem>>, vector<16xi32>,
        tpu.vector_store %arg27[%swap3A_419, %swap3A_420], %select_n3A_418 {strides = array<i32>} : memref<8x224xi32, #tpu.memory_space<vmem>>, vector<16xi32>,
        %add3A_422 = arith.constant 192 : i32
        %add3A_423 = vector.broadcast %add3A_422 : i32 to vector<16xi32>
        %add3A_424 = arith.addi %iota3A, %add3A_423 : vector<16xi32>
        %lt3A_425 = arith.constant 20 : i32
        %lt3A_426 = vector.broadcast %lt3A_425 : i32 to vector<16xi32>
        %lt3A_427 = arith.cmpi slt, %add3A_424, %lt3A_426 : vector<16xi32>
        %lt3A_428 = arith.cmpi slt, %add3A_424, %broadcast_in_dim3A_182 : vector<16xi32>
        %sub3A_429 = arith.constant 20 : i32
        %sub3A_430 = vector.broadcast %sub3A_429 : i32 to vector<16xi32>
        %sub3A_431 = arith.subi %add3A_424, %sub3A_430 : vector<16xi32>
        %lt3A_432 = arith.cmpi slt, %sub3A_431, %broadcast_in_dim3A_183 : vector<16xi32>
        %select_n3A_433 = arith.select %lt3A_427, %lt3A_428, %lt3A_432 : vector<16xi1>, vector<16xi1>
        %convert_element_type3A_434 = arith.extui %select_n3A_433 : vector<16xi1> to vector<16xi32>
        %swap3A_435 = arith.index_cast %mul3A_64 : i32 to index
        %swap3A_436 = arith.constant 192 : index
        %swap3A_437 = tpu.vector_load %arg26[%swap3A_435, %swap3A_436] {strides = array<i32>} : memref<8x224xi32, #tpu.memory_space<vmem>>, vector<16xi32>,
        tpu.vector_store %arg26[%swap3A_435, %swap3A_436], %convert_element_type3A_434 {strides = array<i32>} : memref<8x224xi32, #tpu.memory_space<vmem>>, vector<16xi32>,
        %select_n3A_438 = arith.select %lt3A_427, %convert_element_type3A_434, %broadcast_in_dim3A_185 : vector<16xi1>, vector<16xi32>
        %swap3A_439 = arith.index_cast %mul3A_64 : i32 to index
        %swap3A_440 = arith.constant 192 : index
        %swap3A_441 = tpu.vector_load %arg27[%swap3A_439, %swap3A_440] {strides = array<i32>} : memref<8x224xi32, #tpu.memory_space<vmem>>, vector<16xi32>,
        tpu.vector_store %arg27[%swap3A_439, %swap3A_440], %select_n3A_438 {strides = array<i32>} : memref<8x224xi32, #tpu.memory_space<vmem>>, vector<16xi32>,
        %add3A_442 = arith.constant 208 : i32
        %add3A_443 = vector.broadcast %add3A_442 : i32 to vector<16xi32>
        %add3A_444 = arith.addi %iota3A, %add3A_443 : vector<16xi32>
        %lt3A_445 = arith.constant 20 : i32
        %lt3A_446 = vector.broadcast %lt3A_445 : i32 to vector<16xi32>
        %lt3A_447 = arith.cmpi slt, %add3A_444, %lt3A_446 : vector<16xi32>
        %lt3A_448 = arith.cmpi slt, %add3A_444, %broadcast_in_dim3A_182 : vector<16xi32>
        %sub3A_449 = arith.constant 20 : i32
        %sub3A_450 = vector.broadcast %sub3A_449 : i32 to vector<16xi32>
        %sub3A_451 = arith.subi %add3A_444, %sub3A_450 : vector<16xi32>
        %lt3A_452 = arith.cmpi slt, %sub3A_451, %broadcast_in_dim3A_183 : vector<16xi32>
        %select_n3A_453 = arith.select %lt3A_447, %lt3A_448, %lt3A_452 : vector<16xi1>, vector<16xi1>
        %convert_element_type3A_454 = arith.extui %select_n3A_453 : vector<16xi1> to vector<16xi32>
        %swap3A_455 = arith.index_cast %mul3A_64 : i32 to index
        %swap3A_456 = arith.constant 208 : index
        %swap3A_457 = tpu.vector_load %arg26[%swap3A_455, %swap3A_456] {strides = array<i32>} : memref<8x224xi32, #tpu.memory_space<vmem>>, vector<16xi32>,
        tpu.vector_store %arg26[%swap3A_455, %swap3A_456], %convert_element_type3A_454 {strides = array<i32>} : memref<8x224xi32, #tpu.memory_space<vmem>>, vector<16xi32>,
        %select_n3A_458 = arith.select %lt3A_447, %convert_element_type3A_454, %broadcast_in_dim3A_185 : vector<16xi1>, vector<16xi32>
        %swap3A_459 = arith.index_cast %mul3A_64 : i32 to index
        %swap3A_460 = arith.constant 208 : index
        %swap3A_461 = tpu.vector_load %arg27[%swap3A_459, %swap3A_460] {strides = array<i32>} : memref<8x224xi32, #tpu.memory_space<vmem>>, vector<16xi32>,
        tpu.vector_store %arg27[%swap3A_459, %swap3A_460], %select_n3A_458 {strides = array<i32>} : memref<8x224xi32, #tpu.memory_space<vmem>>, vector<16xi32>,
        %scan3A_462 = arith.constant 0 : i32
        %scan3A_463 = arith.constant 0 : i32
        %scan3A_464 = arith.constant 14 : i32
        %scan3A_465 = arith.addi %scan3A_463, %scan3A_464 : i32
        %scan3A_466 = arith.constant 1 : i32
        %scan3A_467 = scf.for %scan3A_865 = %scan3A_463 to %scan3A_465 step %scan3A_466 iter_args(%scan3A_866 = %scan3A_462) -> (i32)  : i32 {
          %mul3A_867 = arith.constant 16 : i32
          %mul3A_868 = arith.muli %scan3A_865, %mul3A_867 : i32
          %broadcast_in_dim3A_869 = arith.constant 0.000000e+00 : f32
          %broadcast_in_dim3A_870 = vector.broadcast %broadcast_in_dim3A_869 : f32 to vector<16xf32>
          %add3A_871 = arith.constant 0 : i32
          %add3A_872 = arith.addi %mul3A_868, %add3A_871 : i32
          %get3A_873 = arith.index_cast %add3A_872 : i32 to index
          %get3A_874 = arith.constant 0 : index
          %get3A_875 = tpu.vector_load %arg23[%get3A_873, %get3A_874] {strides = array<i32>} : memref<224x192xbf16, #tpu.memory_space<vmem>>, vector<32xbf16>,
          %mul3A_876 = arith.mulf %get3A_875, %pack3A : vector<32xbf16>
          %get3A_877 = arith.index_cast %add3A_872 : i32 to index
          %get3A_878 = arith.constant 32 : index
          %get3A_879 = tpu.vector_load %arg23[%get3A_877, %get3A_878] {strides = array<i32>} : memref<224x192xbf16, #tpu.memory_space<vmem>>, vector<32xbf16>,
          %mul3A_880 = arith.mulf %get3A_879, %pack3A_177 : vector<32xbf16>
          %get3A_881 = arith.index_cast %add3A_872 : i32 to index
          %get3A_882 = arith.constant 64 : index
          %get3A_883 = tpu.vector_load %arg23[%get3A_881, %get3A_882] {strides = array<i32>} : memref<224x192xbf16, #tpu.memory_space<vmem>>, vector<32xbf16>,
          %mul3A_884 = arith.mulf %get3A_883, %pack3A_178 : vector<32xbf16>
          %get3A_885 = arith.index_cast %add3A_872 : i32 to index
          %get3A_886 = arith.constant 96 : index
          %get3A_887 = tpu.vector_load %arg23[%get3A_885, %get3A_886] {strides = array<i32>} : memref<224x192xbf16, #tpu.memory_space<vmem>>, vector<32xbf16>,
          %mul3A_888 = arith.mulf %get3A_887, %pack3A_179 : vector<32xbf16>
          %get3A_889 = arith.index_cast %add3A_872 : i32 to index
          %get3A_890 = arith.constant 128 : index
          %get3A_891 = tpu.vector_load %arg23[%get3A_889, %get3A_890] {strides = array<i32>} : memref<224x192xbf16, #tpu.memory_space<vmem>>, vector<32xbf16>,
          %mul3A_892 = arith.mulf %get3A_891, %pack3A_180 : vector<32xbf16>
          %get3A_893 = arith.index_cast %add3A_872 : i32 to index
          %get3A_894 = arith.constant 160 : index
          %get3A_895 = tpu.vector_load %arg23[%get3A_893, %get3A_894] {strides = array<i32>} : memref<224x192xbf16, #tpu.memory_space<vmem>>, vector<32xbf16>,
          %mul3A_896 = arith.mulf %get3A_895, %pack3A_181 : vector<32xbf16>
          %add3A_897 = arith.addf %mul3A_876, %mul3A_880 : vector<32xbf16>
          %add3A_898 = arith.addf %mul3A_884, %mul3A_888 : vector<32xbf16>
          %add3A_899 = arith.addf %add3A_897, %add3A_898 : vector<32xbf16>
          %add3A_900 = arith.addf %mul3A_892, %mul3A_896 : vector<32xbf16>
          %add3A_901 = arith.addf %add3A_899, %add3A_900 : vector<32xbf16>
          %unpack3A = tpu.unpack_subelements %add3A_901, 0 {pack_format = #tpu.pack_format<interleaved>} : vector<32xbf16> -> vector<16xf32>
          %unpack3A_902 = tpu.unpack_subelements %add3A_901, 1 {pack_format = #tpu.pack_format<interleaved>} : vector<32xbf16> -> vector<16xf32>
          %add3A_903 = arith.addf %unpack3A, %unpack3A_902 : vector<16xf32>
          %reduce_sum3A = arith.constant true
          %reduce_sum3A_904 = vector.broadcast %reduce_sum3A : i1 to vector<16xi1>
          %reduce_sum3A_905 = tpu.scan <sum>, %add3A_903 masked %reduce_sum3A_904 : vector<16xf32>, vector<16xi1> -> vector<16xf32>
          %reduce_sum3A_906 = vector.extract %reduce_sum3A_905[15] : f32 from vector<16xf32>
          %broadcast_in_dim3A_907 = vector.broadcast %reduce_sum3A_906 : f32 to vector<16xf32>
          %eq3A = arith.constant 0 : i32
          %eq3A_908 = vector.broadcast %eq3A : i32 to vector<16xi32>
          %eq3A_909 = arith.cmpi eq, %iota3A, %eq3A_908 : vector<16xi32>
          %select_n3A_910 = arith.select %eq3A_909, %broadcast_in_dim3A_907, %broadcast_in_dim3A_870 : vector<16xi1>, vector<16xf32>
          %add3A_911 = arith.constant 1 : i32
          %add3A_912 = arith.addi %mul3A_868, %add3A_911 : i32
          %get3A_913 = arith.index_cast %add3A_912 : i32 to index
          %get3A_914 = arith.constant 0 : index
          %get3A_915 = tpu.vector_load %arg23[%get3A_913, %get3A_914] {strides = array<i32>} : memref<224x192xbf16, #tpu.memory_space<vmem>>, vector<32xbf16>,
          %mul3A_916 = arith.mulf %get3A_915, %pack3A : vector<32xbf16>
          %get3A_917 = arith.index_cast %add3A_912 : i32 to index
          %get3A_918 = arith.constant 32 : index
          %get3A_919 = tpu.vector_load %arg23[%get3A_917, %get3A_918] {strides = array<i32>} : memref<224x192xbf16, #tpu.memory_space<vmem>>, vector<32xbf16>,
          %mul3A_920 = arith.mulf %get3A_919, %pack3A_177 : vector<32xbf16>
          %get3A_921 = arith.index_cast %add3A_912 : i32 to index
          %get3A_922 = arith.constant 64 : index
          %get3A_923 = tpu.vector_load %arg23[%get3A_921, %get3A_922] {strides = array<i32>} : memref<224x192xbf16, #tpu.memory_space<vmem>>, vector<32xbf16>,
          %mul3A_924 = arith.mulf %get3A_923, %pack3A_178 : vector<32xbf16>
          %get3A_925 = arith.index_cast %add3A_912 : i32 to index
          %get3A_926 = arith.constant 96 : index
          %get3A_927 = tpu.vector_load %arg23[%get3A_925, %get3A_926] {strides = array<i32>} : memref<224x192xbf16, #tpu.memory_space<vmem>>, vector<32xbf16>,
          %mul3A_928 = arith.mulf %get3A_927, %pack3A_179 : vector<32xbf16>
          %get3A_929 = arith.index_cast %add3A_912 : i32 to index
          %get3A_930 = arith.constant 128 : index
          %get3A_931 = tpu.vector_load %arg23[%get3A_929, %get3A_930] {strides = array<i32>} : memref<224x192xbf16, #tpu.memory_space<vmem>>, vector<32xbf16>,
          %mul3A_932 = arith.mulf %get3A_931, %pack3A_180 : vector<32xbf16>
          %get3A_933 = arith.index_cast %add3A_912 : i32 to index
          %get3A_934 = arith.constant 160 : index
          %get3A_935 = tpu.vector_load %arg23[%get3A_933, %get3A_934] {strides = array<i32>} : memref<224x192xbf16, #tpu.memory_space<vmem>>, vector<32xbf16>,
          %mul3A_936 = arith.mulf %get3A_935, %pack3A_181 : vector<32xbf16>
          %add3A_937 = arith.addf %mul3A_916, %mul3A_920 : vector<32xbf16>
          %add3A_938 = arith.addf %mul3A_924, %mul3A_928 : vector<32xbf16>
          %add3A_939 = arith.addf %add3A_937, %add3A_938 : vector<32xbf16>
          %add3A_940 = arith.addf %mul3A_932, %mul3A_936 : vector<32xbf16>
          %add3A_941 = arith.addf %add3A_939, %add3A_940 : vector<32xbf16>
          %unpack3A_942 = tpu.unpack_subelements %add3A_941, 0 {pack_format = #tpu.pack_format<interleaved>} : vector<32xbf16> -> vector<16xf32>
          %unpack3A_943 = tpu.unpack_subelements %add3A_941, 1 {pack_format = #tpu.pack_format<interleaved>} : vector<32xbf16> -> vector<16xf32>
          %add3A_944 = arith.addf %unpack3A_942, %unpack3A_943 : vector<16xf32>
          %reduce_sum3A_945 = arith.constant true
          %reduce_sum3A_946 = vector.broadcast %reduce_sum3A_945 : i1 to vector<16xi1>
          %reduce_sum3A_947 = tpu.scan <sum>, %add3A_944 masked %reduce_sum3A_946 : vector<16xf32>, vector<16xi1> -> vector<16xf32>
          %reduce_sum3A_948 = vector.extract %reduce_sum3A_947[15] : f32 from vector<16xf32>
          %broadcast_in_dim3A_949 = vector.broadcast %reduce_sum3A_948 : f32 to vector<16xf32>
          %eq3A_950 = arith.constant 1 : i32
          %eq3A_951 = vector.broadcast %eq3A_950 : i32 to vector<16xi32>
          %eq3A_952 = arith.cmpi eq, %iota3A, %eq3A_951 : vector<16xi32>
          %select_n3A_953 = arith.select %eq3A_952, %broadcast_in_dim3A_949, %select_n3A_910 : vector<16xi1>, vector<16xf32>
          %add3A_954 = arith.constant 2 : i32
          %add3A_955 = arith.addi %mul3A_868, %add3A_954 : i32
          %get3A_956 = arith.index_cast %add3A_955 : i32 to index
          %get3A_957 = arith.constant 0 : index
          %get3A_958 = tpu.vector_load %arg23[%get3A_956, %get3A_957] {strides = array<i32>} : memref<224x192xbf16, #tpu.memory_space<vmem>>, vector<32xbf16>,
          %mul3A_959 = arith.mulf %get3A_958, %pack3A : vector<32xbf16>
          %get3A_960 = arith.index_cast %add3A_955 : i32 to index
          %get3A_961 = arith.constant 32 : index
          %get3A_962 = tpu.vector_load %arg23[%get3A_960, %get3A_961] {strides = array<i32>} : memref<224x192xbf16, #tpu.memory_space<vmem>>, vector<32xbf16>,
          %mul3A_963 = arith.mulf %get3A_962, %pack3A_177 : vector<32xbf16>
          %get3A_964 = arith.index_cast %add3A_955 : i32 to index
          %get3A_965 = arith.constant 64 : index
          %get3A_966 = tpu.vector_load %arg23[%get3A_964, %get3A_965] {strides = array<i32>} : memref<224x192xbf16, #tpu.memory_space<vmem>>, vector<32xbf16>,
          %mul3A_967 = arith.mulf %get3A_966, %pack3A_178 : vector<32xbf16>
          %get3A_968 = arith.index_cast %add3A_955 : i32 to index
          %get3A_969 = arith.constant 96 : index
          %get3A_970 = tpu.vector_load %arg23[%get3A_968, %get3A_969] {strides = array<i32>} : memref<224x192xbf16, #tpu.memory_space<vmem>>, vector<32xbf16>,
          %mul3A_971 = arith.mulf %get3A_970, %pack3A_179 : vector<32xbf16>
          %get3A_972 = arith.index_cast %add3A_955 : i32 to index
          %get3A_973 = arith.constant 128 : index
          %get3A_974 = tpu.vector_load %arg23[%get3A_972, %get3A_973] {strides = array<i32>} : memref<224x192xbf16, #tpu.memory_space<vmem>>, vector<32xbf16>,
          %mul3A_975 = arith.mulf %get3A_974, %pack3A_180 : vector<32xbf16>
          %get3A_976 = arith.index_cast %add3A_955 : i32 to index
          %get3A_977 = arith.constant 160 : index
          %get3A_978 = tpu.vector_load %arg23[%get3A_976, %get3A_977] {strides = array<i32>} : memref<224x192xbf16, #tpu.memory_space<vmem>>, vector<32xbf16>,
          %mul3A_979 = arith.mulf %get3A_978, %pack3A_181 : vector<32xbf16>
          %add3A_980 = arith.addf %mul3A_959, %mul3A_963 : vector<32xbf16>
          %add3A_981 = arith.addf %mul3A_967, %mul3A_971 : vector<32xbf16>
          %add3A_982 = arith.addf %add3A_980, %add3A_981 : vector<32xbf16>
          %add3A_983 = arith.addf %mul3A_975, %mul3A_979 : vector<32xbf16>
          %add3A_984 = arith.addf %add3A_982, %add3A_983 : vector<32xbf16>
          %unpack3A_985 = tpu.unpack_subelements %add3A_984, 0 {pack_format = #tpu.pack_format<interleaved>} : vector<32xbf16> -> vector<16xf32>
          %unpack3A_986 = tpu.unpack_subelements %add3A_984, 1 {pack_format = #tpu.pack_format<interleaved>} : vector<32xbf16> -> vector<16xf32>
          %add3A_987 = arith.addf %unpack3A_985, %unpack3A_986 : vector<16xf32>
          %reduce_sum3A_988 = arith.constant true
          %reduce_sum3A_989 = vector.broadcast %reduce_sum3A_988 : i1 to vector<16xi1>
          %reduce_sum3A_990 = tpu.scan <sum>, %add3A_987 masked %reduce_sum3A_989 : vector<16xf32>, vector<16xi1> -> vector<16xf32>
          %reduce_sum3A_991 = vector.extract %reduce_sum3A_990[15] : f32 from vector<16xf32>
          %broadcast_in_dim3A_992 = vector.broadcast %reduce_sum3A_991 : f32 to vector<16xf32>
          %eq3A_993 = arith.constant 2 : i32
          %eq3A_994 = vector.broadcast %eq3A_993 : i32 to vector<16xi32>
          %eq3A_995 = arith.cmpi eq, %iota3A, %eq3A_994 : vector<16xi32>
          %select_n3A_996 = arith.select %eq3A_995, %broadcast_in_dim3A_992, %select_n3A_953 : vector<16xi1>, vector<16xf32>
          %add3A_997 = arith.constant 3 : i32
          %add3A_998 = arith.addi %mul3A_868, %add3A_997 : i32
          %get3A_999 = arith.index_cast %add3A_998 : i32 to index
          %get3A_1000 = arith.constant 0 : index
          %get3A_1001 = tpu.vector_load %arg23[%get3A_999, %get3A_1000] {strides = array<i32>} : memref<224x192xbf16, #tpu.memory_space<vmem>>, vector<32xbf16>,
          %mul3A_1002 = arith.mulf %get3A_1001, %pack3A : vector<32xbf16>
          %get3A_1003 = arith.index_cast %add3A_998 : i32 to index
          %get3A_1004 = arith.constant 32 : index
          %get3A_1005 = tpu.vector_load %arg23[%get3A_1003, %get3A_1004] {strides = array<i32>} : memref<224x192xbf16, #tpu.memory_space<vmem>>, vector<32xbf16>,
          %mul3A_1006 = arith.mulf %get3A_1005, %pack3A_177 : vector<32xbf16>
          %get3A_1007 = arith.index_cast %add3A_998 : i32 to index
          %get3A_1008 = arith.constant 64 : index
          %get3A_1009 = tpu.vector_load %arg23[%get3A_1007, %get3A_1008] {strides = array<i32>} : memref<224x192xbf16, #tpu.memory_space<vmem>>, vector<32xbf16>,
          %mul3A_1010 = arith.mulf %get3A_1009, %pack3A_178 : vector<32xbf16>
          %get3A_1011 = arith.index_cast %add3A_998 : i32 to index
          %get3A_1012 = arith.constant 96 : index
          %get3A_1013 = tpu.vector_load %arg23[%get3A_1011, %get3A_1012] {strides = array<i32>} : memref<224x192xbf16, #tpu.memory_space<vmem>>, vector<32xbf16>,
          %mul3A_1014 = arith.mulf %get3A_1013, %pack3A_179 : vector<32xbf16>
          %get3A_1015 = arith.index_cast %add3A_998 : i32 to index
          %get3A_1016 = arith.constant 128 : index
          %get3A_1017 = tpu.vector_load %arg23[%get3A_1015, %get3A_1016] {strides = array<i32>} : memref<224x192xbf16, #tpu.memory_space<vmem>>, vector<32xbf16>,
          %mul3A_1018 = arith.mulf %get3A_1017, %pack3A_180 : vector<32xbf16>
          %get3A_1019 = arith.index_cast %add3A_998 : i32 to index
          %get3A_1020 = arith.constant 160 : index
          %get3A_1021 = tpu.vector_load %arg23[%get3A_1019, %get3A_1020] {strides = array<i32>} : memref<224x192xbf16, #tpu.memory_space<vmem>>, vector<32xbf16>,
          %mul3A_1022 = arith.mulf %get3A_1021, %pack3A_181 : vector<32xbf16>
          %add3A_1023 = arith.addf %mul3A_1002, %mul3A_1006 : vector<32xbf16>
          %add3A_1024 = arith.addf %mul3A_1010, %mul3A_1014 : vector<32xbf16>
          %add3A_1025 = arith.addf %add3A_1023, %add3A_1024 : vector<32xbf16>
          %add3A_1026 = arith.addf %mul3A_1018, %mul3A_1022 : vector<32xbf16>
          %add3A_1027 = arith.addf %add3A_1025, %add3A_1026 : vector<32xbf16>
          %unpack3A_1028 = tpu.unpack_subelements %add3A_1027, 0 {pack_format = #tpu.pack_format<interleaved>} : vector<32xbf16> -> vector<16xf32>
          %unpack3A_1029 = tpu.unpack_subelements %add3A_1027, 1 {pack_format = #tpu.pack_format<interleaved>} : vector<32xbf16> -> vector<16xf32>
          %add3A_1030 = arith.addf %unpack3A_1028, %unpack3A_1029 : vector<16xf32>
          %reduce_sum3A_1031 = arith.constant true
          %reduce_sum3A_1032 = vector.broadcast %reduce_sum3A_1031 : i1 to vector<16xi1>
          %reduce_sum3A_1033 = tpu.scan <sum>, %add3A_1030 masked %reduce_sum3A_1032 : vector<16xf32>, vector<16xi1> -> vector<16xf32>
          %reduce_sum3A_1034 = vector.extract %reduce_sum3A_1033[15] : f32 from vector<16xf32>
          %broadcast_in_dim3A_1035 = vector.broadcast %reduce_sum3A_1034 : f32 to vector<16xf32>
          %eq3A_1036 = arith.constant 3 : i32
          %eq3A_1037 = vector.broadcast %eq3A_1036 : i32 to vector<16xi32>
          %eq3A_1038 = arith.cmpi eq, %iota3A, %eq3A_1037 : vector<16xi32>
          %select_n3A_1039 = arith.select %eq3A_1038, %broadcast_in_dim3A_1035, %select_n3A_996 : vector<16xi1>, vector<16xf32>
          %add3A_1040 = arith.constant 4 : i32
          %add3A_1041 = arith.addi %mul3A_868, %add3A_1040 : i32
          %get3A_1042 = arith.index_cast %add3A_1041 : i32 to index
          %get3A_1043 = arith.constant 0 : index
          %get3A_1044 = tpu.vector_load %arg23[%get3A_1042, %get3A_1043] {strides = array<i32>} : memref<224x192xbf16, #tpu.memory_space<vmem>>, vector<32xbf16>,
          %mul3A_1045 = arith.mulf %get3A_1044, %pack3A : vector<32xbf16>
          %get3A_1046 = arith.index_cast %add3A_1041 : i32 to index
          %get3A_1047 = arith.constant 32 : index
          %get3A_1048 = tpu.vector_load %arg23[%get3A_1046, %get3A_1047] {strides = array<i32>} : memref<224x192xbf16, #tpu.memory_space<vmem>>, vector<32xbf16>,
          %mul3A_1049 = arith.mulf %get3A_1048, %pack3A_177 : vector<32xbf16>
          %get3A_1050 = arith.index_cast %add3A_1041 : i32 to index
          %get3A_1051 = arith.constant 64 : index
          %get3A_1052 = tpu.vector_load %arg23[%get3A_1050, %get3A_1051] {strides = array<i32>} : memref<224x192xbf16, #tpu.memory_space<vmem>>, vector<32xbf16>,
          %mul3A_1053 = arith.mulf %get3A_1052, %pack3A_178 : vector<32xbf16>
          %get3A_1054 = arith.index_cast %add3A_1041 : i32 to index
          %get3A_1055 = arith.constant 96 : index
          %get3A_1056 = tpu.vector_load %arg23[%get3A_1054, %get3A_1055] {strides = array<i32>} : memref<224x192xbf16, #tpu.memory_space<vmem>>, vector<32xbf16>,
          %mul3A_1057 = arith.mulf %get3A_1056, %pack3A_179 : vector<32xbf16>
          %get3A_1058 = arith.index_cast %add3A_1041 : i32 to index
          %get3A_1059 = arith.constant 128 : index
          %get3A_1060 = tpu.vector_load %arg23[%get3A_1058, %get3A_1059] {strides = array<i32>} : memref<224x192xbf16, #tpu.memory_space<vmem>>, vector<32xbf16>,
          %mul3A_1061 = arith.mulf %get3A_1060, %pack3A_180 : vector<32xbf16>
          %get3A_1062 = arith.index_cast %add3A_1041 : i32 to index
          %get3A_1063 = arith.constant 160 : index
          %get3A_1064 = tpu.vector_load %arg23[%get3A_1062, %get3A_1063] {strides = array<i32>} : memref<224x192xbf16, #tpu.memory_space<vmem>>, vector<32xbf16>,
          %mul3A_1065 = arith.mulf %get3A_1064, %pack3A_181 : vector<32xbf16>
          %add3A_1066 = arith.addf %mul3A_1045, %mul3A_1049 : vector<32xbf16>
          %add3A_1067 = arith.addf %mul3A_1053, %mul3A_1057 : vector<32xbf16>
          %add3A_1068 = arith.addf %add3A_1066, %add3A_1067 : vector<32xbf16>
          %add3A_1069 = arith.addf %mul3A_1061, %mul3A_1065 : vector<32xbf16>
          %add3A_1070 = arith.addf %add3A_1068, %add3A_1069 : vector<32xbf16>
          %unpack3A_1071 = tpu.unpack_subelements %add3A_1070, 0 {pack_format = #tpu.pack_format<interleaved>} : vector<32xbf16> -> vector<16xf32>
          %unpack3A_1072 = tpu.unpack_subelements %add3A_1070, 1 {pack_format = #tpu.pack_format<interleaved>} : vector<32xbf16> -> vector<16xf32>
          %add3A_1073 = arith.addf %unpack3A_1071, %unpack3A_1072 : vector<16xf32>
          %reduce_sum3A_1074 = arith.constant true
          %reduce_sum3A_1075 = vector.broadcast %reduce_sum3A_1074 : i1 to vector<16xi1>
          %reduce_sum3A_1076 = tpu.scan <sum>, %add3A_1073 masked %reduce_sum3A_1075 : vector<16xf32>, vector<16xi1> -> vector<16xf32>
          %reduce_sum3A_1077 = vector.extract %reduce_sum3A_1076[15] : f32 from vector<16xf32>
          %broadcast_in_dim3A_1078 = vector.broadcast %reduce_sum3A_1077 : f32 to vector<16xf32>
          %eq3A_1079 = arith.constant 4 : i32
          %eq3A_1080 = vector.broadcast %eq3A_1079 : i32 to vector<16xi32>
          %eq3A_1081 = arith.cmpi eq, %iota3A, %eq3A_1080 : vector<16xi32>
          %select_n3A_1082 = arith.select %eq3A_1081, %broadcast_in_dim3A_1078, %select_n3A_1039 : vector<16xi1>, vector<16xf32>
          %add3A_1083 = arith.constant 5 : i32
          %add3A_1084 = arith.addi %mul3A_868, %add3A_1083 : i32
          %get3A_1085 = arith.index_cast %add3A_1084 : i32 to index
          %get3A_1086 = arith.constant 0 : index
          %get3A_1087 = tpu.vector_load %arg23[%get3A_1085, %get3A_1086] {strides = array<i32>} : memref<224x192xbf16, #tpu.memory_space<vmem>>, vector<32xbf16>,
          %mul3A_1088 = arith.mulf %get3A_1087, %pack3A : vector<32xbf16>
          %get3A_1089 = arith.index_cast %add3A_1084 : i32 to index
          %get3A_1090 = arith.constant 32 : index
          %get3A_1091 = tpu.vector_load %arg23[%get3A_1089, %get3A_1090] {strides = array<i32>} : memref<224x192xbf16, #tpu.memory_space<vmem>>, vector<32xbf16>,
          %mul3A_1092 = arith.mulf %get3A_1091, %pack3A_177 : vector<32xbf16>
          %get3A_1093 = arith.index_cast %add3A_1084 : i32 to index
          %get3A_1094 = arith.constant 64 : index
          %get3A_1095 = tpu.vector_load %arg23[%get3A_1093, %get3A_1094] {strides = array<i32>} : memref<224x192xbf16, #tpu.memory_space<vmem>>, vector<32xbf16>,
          %mul3A_1096 = arith.mulf %get3A_1095, %pack3A_178 : vector<32xbf16>
          %get3A_1097 = arith.index_cast %add3A_1084 : i32 to index
          %get3A_1098 = arith.constant 96 : index
          %get3A_1099 = tpu.vector_load %arg23[%get3A_1097, %get3A_1098] {strides = array<i32>} : memref<224x192xbf16, #tpu.memory_space<vmem>>, vector<32xbf16>,
          %mul3A_1100 = arith.mulf %get3A_1099, %pack3A_179 : vector<32xbf16>
          %get3A_1101 = arith.index_cast %add3A_1084 : i32 to index
          %get3A_1102 = arith.constant 128 : index
          %get3A_1103 = tpu.vector_load %arg23[%get3A_1101, %get3A_1102] {strides = array<i32>} : memref<224x192xbf16, #tpu.memory_space<vmem>>, vector<32xbf16>,
          %mul3A_1104 = arith.mulf %get3A_1103, %pack3A_180 : vector<32xbf16>
          %get3A_1105 = arith.index_cast %add3A_1084 : i32 to index
          %get3A_1106 = arith.constant 160 : index
          %get3A_1107 = tpu.vector_load %arg23[%get3A_1105, %get3A_1106] {strides = array<i32>} : memref<224x192xbf16, #tpu.memory_space<vmem>>, vector<32xbf16>,
          %mul3A_1108 = arith.mulf %get3A_1107, %pack3A_181 : vector<32xbf16>
          %add3A_1109 = arith.addf %mul3A_1088, %mul3A_1092 : vector<32xbf16>
          %add3A_1110 = arith.addf %mul3A_1096, %mul3A_1100 : vector<32xbf16>
          %add3A_1111 = arith.addf %add3A_1109, %add3A_1110 : vector<32xbf16>
          %add3A_1112 = arith.addf %mul3A_1104, %mul3A_1108 : vector<32xbf16>
          %add3A_1113 = arith.addf %add3A_1111, %add3A_1112 : vector<32xbf16>
          %unpack3A_1114 = tpu.unpack_subelements %add3A_1113, 0 {pack_format = #tpu.pack_format<interleaved>} : vector<32xbf16> -> vector<16xf32>
          %unpack3A_1115 = tpu.unpack_subelements %add3A_1113, 1 {pack_format = #tpu.pack_format<interleaved>} : vector<32xbf16> -> vector<16xf32>
          %add3A_1116 = arith.addf %unpack3A_1114, %unpack3A_1115 : vector<16xf32>
          %reduce_sum3A_1117 = arith.constant true
          %reduce_sum3A_1118 = vector.broadcast %reduce_sum3A_1117 : i1 to vector<16xi1>
          %reduce_sum3A_1119 = tpu.scan <sum>, %add3A_1116 masked %reduce_sum3A_1118 : vector<16xf32>, vector<16xi1> -> vector<16xf32>
          %reduce_sum3A_1120 = vector.extract %reduce_sum3A_1119[15] : f32 from vector<16xf32>
          %broadcast_in_dim3A_1121 = vector.broadcast %reduce_sum3A_1120 : f32 to vector<16xf32>
          %eq3A_1122 = arith.constant 5 : i32
          %eq3A_1123 = vector.broadcast %eq3A_1122 : i32 to vector<16xi32>
          %eq3A_1124 = arith.cmpi eq, %iota3A, %eq3A_1123 : vector<16xi32>
          %select_n3A_1125 = arith.select %eq3A_1124, %broadcast_in_dim3A_1121, %select_n3A_1082 : vector<16xi1>, vector<16xf32>
          %add3A_1126 = arith.constant 6 : i32
          %add3A_1127 = arith.addi %mul3A_868, %add3A_1126 : i32
          %get3A_1128 = arith.index_cast %add3A_1127 : i32 to index
          %get3A_1129 = arith.constant 0 : index
          %get3A_1130 = tpu.vector_load %arg23[%get3A_1128, %get3A_1129] {strides = array<i32>} : memref<224x192xbf16, #tpu.memory_space<vmem>>, vector<32xbf16>,
          %mul3A_1131 = arith.mulf %get3A_1130, %pack3A : vector<32xbf16>
          %get3A_1132 = arith.index_cast %add3A_1127 : i32 to index
          %get3A_1133 = arith.constant 32 : index
          %get3A_1134 = tpu.vector_load %arg23[%get3A_1132, %get3A_1133] {strides = array<i32>} : memref<224x192xbf16, #tpu.memory_space<vmem>>, vector<32xbf16>,
          %mul3A_1135 = arith.mulf %get3A_1134, %pack3A_177 : vector<32xbf16>
          %get3A_1136 = arith.index_cast %add3A_1127 : i32 to index
          %get3A_1137 = arith.constant 64 : index
          %get3A_1138 = tpu.vector_load %arg23[%get3A_1136, %get3A_1137] {strides = array<i32>} : memref<224x192xbf16, #tpu.memory_space<vmem>>, vector<32xbf16>,
          %mul3A_1139 = arith.mulf %get3A_1138, %pack3A_178 : vector<32xbf16>
          %get3A_1140 = arith.index_cast %add3A_1127 : i32 to index
          %get3A_1141 = arith.constant 96 : index
          %get3A_1142 = tpu.vector_load %arg23[%get3A_1140, %get3A_1141] {strides = array<i32>} : memref<224x192xbf16, #tpu.memory_space<vmem>>, vector<32xbf16>,
          %mul3A_1143 = arith.mulf %get3A_1142, %pack3A_179 : vector<32xbf16>
          %get3A_1144 = arith.index_cast %add3A_1127 : i32 to index
          %get3A_1145 = arith.constant 128 : index
          %get3A_1146 = tpu.vector_load %arg23[%get3A_1144, %get3A_1145] {strides = array<i32>} : memref<224x192xbf16, #tpu.memory_space<vmem>>, vector<32xbf16>,
          %mul3A_1147 = arith.mulf %get3A_1146, %pack3A_180 : vector<32xbf16>
          %get3A_1148 = arith.index_cast %add3A_1127 : i32 to index
          %get3A_1149 = arith.constant 160 : index
          %get3A_1150 = tpu.vector_load %arg23[%get3A_1148, %get3A_1149] {strides = array<i32>} : memref<224x192xbf16, #tpu.memory_space<vmem>>, vector<32xbf16>,
          %mul3A_1151 = arith.mulf %get3A_1150, %pack3A_181 : vector<32xbf16>
          %add3A_1152 = arith.addf %mul3A_1131, %mul3A_1135 : vector<32xbf16>
          %add3A_1153 = arith.addf %mul3A_1139, %mul3A_1143 : vector<32xbf16>
          %add3A_1154 = arith.addf %add3A_1152, %add3A_1153 : vector<32xbf16>
          %add3A_1155 = arith.addf %mul3A_1147, %mul3A_1151 : vector<32xbf16>
          %add3A_1156 = arith.addf %add3A_1154, %add3A_1155 : vector<32xbf16>
          %unpack3A_1157 = tpu.unpack_subelements %add3A_1156, 0 {pack_format = #tpu.pack_format<interleaved>} : vector<32xbf16> -> vector<16xf32>
          %unpack3A_1158 = tpu.unpack_subelements %add3A_1156, 1 {pack_format = #tpu.pack_format<interleaved>} : vector<32xbf16> -> vector<16xf32>
          %add3A_1159 = arith.addf %unpack3A_1157, %unpack3A_1158 : vector<16xf32>
          %reduce_sum3A_1160 = arith.constant true
          %reduce_sum3A_1161 = vector.broadcast %reduce_sum3A_1160 : i1 to vector<16xi1>
          %reduce_sum3A_1162 = tpu.scan <sum>, %add3A_1159 masked %reduce_sum3A_1161 : vector<16xf32>, vector<16xi1> -> vector<16xf32>
          %reduce_sum3A_1163 = vector.extract %reduce_sum3A_1162[15] : f32 from vector<16xf32>
          %broadcast_in_dim3A_1164 = vector.broadcast %reduce_sum3A_1163 : f32 to vector<16xf32>
          %eq3A_1165 = arith.constant 6 : i32
          %eq3A_1166 = vector.broadcast %eq3A_1165 : i32 to vector<16xi32>
          %eq3A_1167 = arith.cmpi eq, %iota3A, %eq3A_1166 : vector<16xi32>
          %select_n3A_1168 = arith.select %eq3A_1167, %broadcast_in_dim3A_1164, %select_n3A_1125 : vector<16xi1>, vector<16xf32>
          %add3A_1169 = arith.constant 7 : i32
          %add3A_1170 = arith.addi %mul3A_868, %add3A_1169 : i32
          %get3A_1171 = arith.index_cast %add3A_1170 : i32 to index
          %get3A_1172 = arith.constant 0 : index
          %get3A_1173 = tpu.vector_load %arg23[%get3A_1171, %get3A_1172] {strides = array<i32>} : memref<224x192xbf16, #tpu.memory_space<vmem>>, vector<32xbf16>,
          %mul3A_1174 = arith.mulf %get3A_1173, %pack3A : vector<32xbf16>
          %get3A_1175 = arith.index_cast %add3A_1170 : i32 to index
          %get3A_1176 = arith.constant 32 : index
          %get3A_1177 = tpu.vector_load %arg23[%get3A_1175, %get3A_1176] {strides = array<i32>} : memref<224x192xbf16, #tpu.memory_space<vmem>>, vector<32xbf16>,
          %mul3A_1178 = arith.mulf %get3A_1177, %pack3A_177 : vector<32xbf16>
          %get3A_1179 = arith.index_cast %add3A_1170 : i32 to index
          %get3A_1180 = arith.constant 64 : index
          %get3A_1181 = tpu.vector_load %arg23[%get3A_1179, %get3A_1180] {strides = array<i32>} : memref<224x192xbf16, #tpu.memory_space<vmem>>, vector<32xbf16>,
          %mul3A_1182 = arith.mulf %get3A_1181, %pack3A_178 : vector<32xbf16>
          %get3A_1183 = arith.index_cast %add3A_1170 : i32 to index
          %get3A_1184 = arith.constant 96 : index
          %get3A_1185 = tpu.vector_load %arg23[%get3A_1183, %get3A_1184] {strides = array<i32>} : memref<224x192xbf16, #tpu.memory_space<vmem>>, vector<32xbf16>,
          %mul3A_1186 = arith.mulf %get3A_1185, %pack3A_179 : vector<32xbf16>
          %get3A_1187 = arith.index_cast %add3A_1170 : i32 to index
          %get3A_1188 = arith.constant 128 : index
          %get3A_1189 = tpu.vector_load %arg23[%get3A_1187, %get3A_1188] {strides = array<i32>} : memref<224x192xbf16, #tpu.memory_space<vmem>>, vector<32xbf16>,
          %mul3A_1190 = arith.mulf %get3A_1189, %pack3A_180 : vector<32xbf16>
          %get3A_1191 = arith.index_cast %add3A_1170 : i32 to index
          %get3A_1192 = arith.constant 160 : index
          %get3A_1193 = tpu.vector_load %arg23[%get3A_1191, %get3A_1192] {strides = array<i32>} : memref<224x192xbf16, #tpu.memory_space<vmem>>, vector<32xbf16>,
          %mul3A_1194 = arith.mulf %get3A_1193, %pack3A_181 : vector<32xbf16>
          %add3A_1195 = arith.addf %mul3A_1174, %mul3A_1178 : vector<32xbf16>
          %add3A_1196 = arith.addf %mul3A_1182, %mul3A_1186 : vector<32xbf16>
          %add3A_1197 = arith.addf %add3A_1195, %add3A_1196 : vector<32xbf16>
          %add3A_1198 = arith.addf %mul3A_1190, %mul3A_1194 : vector<32xbf16>
          %add3A_1199 = arith.addf %add3A_1197, %add3A_1198 : vector<32xbf16>
          %unpack3A_1200 = tpu.unpack_subelements %add3A_1199, 0 {pack_format = #tpu.pack_format<interleaved>} : vector<32xbf16> -> vector<16xf32>
          %unpack3A_1201 = tpu.unpack_subelements %add3A_1199, 1 {pack_format = #tpu.pack_format<interleaved>} : vector<32xbf16> -> vector<16xf32>
          %add3A_1202 = arith.addf %unpack3A_1200, %unpack3A_1201 : vector<16xf32>
          %reduce_sum3A_1203 = arith.constant true
          %reduce_sum3A_1204 = vector.broadcast %reduce_sum3A_1203 : i1 to vector<16xi1>
          %reduce_sum3A_1205 = tpu.scan <sum>, %add3A_1202 masked %reduce_sum3A_1204 : vector<16xf32>, vector<16xi1> -> vector<16xf32>
          %reduce_sum3A_1206 = vector.extract %reduce_sum3A_1205[15] : f32 from vector<16xf32>
          %broadcast_in_dim3A_1207 = vector.broadcast %reduce_sum3A_1206 : f32 to vector<16xf32>
          %eq3A_1208 = arith.constant 7 : i32
          %eq3A_1209 = vector.broadcast %eq3A_1208 : i32 to vector<16xi32>
          %eq3A_1210 = arith.cmpi eq, %iota3A, %eq3A_1209 : vector<16xi32>
          %select_n3A_1211 = arith.select %eq3A_1210, %broadcast_in_dim3A_1207, %select_n3A_1168 : vector<16xi1>, vector<16xf32>
          %add3A_1212 = arith.constant 8 : i32
          %add3A_1213 = arith.addi %mul3A_868, %add3A_1212 : i32
          %get3A_1214 = arith.index_cast %add3A_1213 : i32 to index
          %get3A_1215 = arith.constant 0 : index
          %get3A_1216 = tpu.vector_load %arg23[%get3A_1214, %get3A_1215] {strides = array<i32>} : memref<224x192xbf16, #tpu.memory_space<vmem>>, vector<32xbf16>,
          %mul3A_1217 = arith.mulf %get3A_1216, %pack3A : vector<32xbf16>
          %get3A_1218 = arith.index_cast %add3A_1213 : i32 to index
          %get3A_1219 = arith.constant 32 : index
          %get3A_1220 = tpu.vector_load %arg23[%get3A_1218, %get3A_1219] {strides = array<i32>} : memref<224x192xbf16, #tpu.memory_space<vmem>>, vector<32xbf16>,
          %mul3A_1221 = arith.mulf %get3A_1220, %pack3A_177 : vector<32xbf16>
          %get3A_1222 = arith.index_cast %add3A_1213 : i32 to index
          %get3A_1223 = arith.constant 64 : index
          %get3A_1224 = tpu.vector_load %arg23[%get3A_1222, %get3A_1223] {strides = array<i32>} : memref<224x192xbf16, #tpu.memory_space<vmem>>, vector<32xbf16>,
          %mul3A_1225 = arith.mulf %get3A_1224, %pack3A_178 : vector<32xbf16>
          %get3A_1226 = arith.index_cast %add3A_1213 : i32 to index
          %get3A_1227 = arith.constant 96 : index
          %get3A_1228 = tpu.vector_load %arg23[%get3A_1226, %get3A_1227] {strides = array<i32>} : memref<224x192xbf16, #tpu.memory_space<vmem>>, vector<32xbf16>,
          %mul3A_1229 = arith.mulf %get3A_1228, %pack3A_179 : vector<32xbf16>
          %get3A_1230 = arith.index_cast %add3A_1213 : i32 to index
          %get3A_1231 = arith.constant 128 : index
          %get3A_1232 = tpu.vector_load %arg23[%get3A_1230, %get3A_1231] {strides = array<i32>} : memref<224x192xbf16, #tpu.memory_space<vmem>>, vector<32xbf16>,
          %mul3A_1233 = arith.mulf %get3A_1232, %pack3A_180 : vector<32xbf16>
          %get3A_1234 = arith.index_cast %add3A_1213 : i32 to index
          %get3A_1235 = arith.constant 160 : index
          %get3A_1236 = tpu.vector_load %arg23[%get3A_1234, %get3A_1235] {strides = array<i32>} : memref<224x192xbf16, #tpu.memory_space<vmem>>, vector<32xbf16>,
          %mul3A_1237 = arith.mulf %get3A_1236, %pack3A_181 : vector<32xbf16>
          %add3A_1238 = arith.addf %mul3A_1217, %mul3A_1221 : vector<32xbf16>
          %add3A_1239 = arith.addf %mul3A_1225, %mul3A_1229 : vector<32xbf16>
          %add3A_1240 = arith.addf %add3A_1238, %add3A_1239 : vector<32xbf16>
          %add3A_1241 = arith.addf %mul3A_1233, %mul3A_1237 : vector<32xbf16>
          %add3A_1242 = arith.addf %add3A_1240, %add3A_1241 : vector<32xbf16>
          %unpack3A_1243 = tpu.unpack_subelements %add3A_1242, 0 {pack_format = #tpu.pack_format<interleaved>} : vector<32xbf16> -> vector<16xf32>
          %unpack3A_1244 = tpu.unpack_subelements %add3A_1242, 1 {pack_format = #tpu.pack_format<interleaved>} : vector<32xbf16> -> vector<16xf32>
          %add3A_1245 = arith.addf %unpack3A_1243, %unpack3A_1244 : vector<16xf32>
          %reduce_sum3A_1246 = arith.constant true
          %reduce_sum3A_1247 = vector.broadcast %reduce_sum3A_1246 : i1 to vector<16xi1>
          %reduce_sum3A_1248 = tpu.scan <sum>, %add3A_1245 masked %reduce_sum3A_1247 : vector<16xf32>, vector<16xi1> -> vector<16xf32>
          %reduce_sum3A_1249 = vector.extract %reduce_sum3A_1248[15] : f32 from vector<16xf32>
          %broadcast_in_dim3A_1250 = vector.broadcast %reduce_sum3A_1249 : f32 to vector<16xf32>
          %eq3A_1251 = arith.constant 8 : i32
          %eq3A_1252 = vector.broadcast %eq3A_1251 : i32 to vector<16xi32>
          %eq3A_1253 = arith.cmpi eq, %iota3A, %eq3A_1252 : vector<16xi32>
          %select_n3A_1254 = arith.select %eq3A_1253, %broadcast_in_dim3A_1250, %select_n3A_1211 : vector<16xi1>, vector<16xf32>
          %add3A_1255 = arith.constant 9 : i32
          %add3A_1256 = arith.addi %mul3A_868, %add3A_1255 : i32
          %get3A_1257 = arith.index_cast %add3A_1256 : i32 to index
          %get3A_1258 = arith.constant 0 : index
          %get3A_1259 = tpu.vector_load %arg23[%get3A_1257, %get3A_1258] {strides = array<i32>} : memref<224x192xbf16, #tpu.memory_space<vmem>>, vector<32xbf16>,
          %mul3A_1260 = arith.mulf %get3A_1259, %pack3A : vector<32xbf16>
          %get3A_1261 = arith.index_cast %add3A_1256 : i32 to index
          %get3A_1262 = arith.constant 32 : index
          %get3A_1263 = tpu.vector_load %arg23[%get3A_1261, %get3A_1262] {strides = array<i32>} : memref<224x192xbf16, #tpu.memory_space<vmem>>, vector<32xbf16>,
          %mul3A_1264 = arith.mulf %get3A_1263, %pack3A_177 : vector<32xbf16>
          %get3A_1265 = arith.index_cast %add3A_1256 : i32 to index
          %get3A_1266 = arith.constant 64 : index
          %get3A_1267 = tpu.vector_load %arg23[%get3A_1265, %get3A_1266] {strides = array<i32>} : memref<224x192xbf16, #tpu.memory_space<vmem>>, vector<32xbf16>,
          %mul3A_1268 = arith.mulf %get3A_1267, %pack3A_178 : vector<32xbf16>
          %get3A_1269 = arith.index_cast %add3A_1256 : i32 to index
          %get3A_1270 = arith.constant 96 : index
          %get3A_1271 = tpu.vector_load %arg23[%get3A_1269, %get3A_1270] {strides = array<i32>} : memref<224x192xbf16, #tpu.memory_space<vmem>>, vector<32xbf16>,
          %mul3A_1272 = arith.mulf %get3A_1271, %pack3A_179 : vector<32xbf16>
          %get3A_1273 = arith.index_cast %add3A_1256 : i32 to index
          %get3A_1274 = arith.constant 128 : index
          %get3A_1275 = tpu.vector_load %arg23[%get3A_1273, %get3A_1274] {strides = array<i32>} : memref<224x192xbf16, #tpu.memory_space<vmem>>, vector<32xbf16>,
          %mul3A_1276 = arith.mulf %get3A_1275, %pack3A_180 : vector<32xbf16>
          %get3A_1277 = arith.index_cast %add3A_1256 : i32 to index
          %get3A_1278 = arith.constant 160 : index
          %get3A_1279 = tpu.vector_load %arg23[%get3A_1277, %get3A_1278] {strides = array<i32>} : memref<224x192xbf16, #tpu.memory_space<vmem>>, vector<32xbf16>,
          %mul3A_1280 = arith.mulf %get3A_1279, %pack3A_181 : vector<32xbf16>
          %add3A_1281 = arith.addf %mul3A_1260, %mul3A_1264 : vector<32xbf16>
          %add3A_1282 = arith.addf %mul3A_1268, %mul3A_1272 : vector<32xbf16>
          %add3A_1283 = arith.addf %add3A_1281, %add3A_1282 : vector<32xbf16>
          %add3A_1284 = arith.addf %mul3A_1276, %mul3A_1280 : vector<32xbf16>
          %add3A_1285 = arith.addf %add3A_1283, %add3A_1284 : vector<32xbf16>
          %unpack3A_1286 = tpu.unpack_subelements %add3A_1285, 0 {pack_format = #tpu.pack_format<interleaved>} : vector<32xbf16> -> vector<16xf32>
          %unpack3A_1287 = tpu.unpack_subelements %add3A_1285, 1 {pack_format = #tpu.pack_format<interleaved>} : vector<32xbf16> -> vector<16xf32>
          %add3A_1288 = arith.addf %unpack3A_1286, %unpack3A_1287 : vector<16xf32>
          %reduce_sum3A_1289 = arith.constant true
          %reduce_sum3A_1290 = vector.broadcast %reduce_sum3A_1289 : i1 to vector<16xi1>
          %reduce_sum3A_1291 = tpu.scan <sum>, %add3A_1288 masked %reduce_sum3A_1290 : vector<16xf32>, vector<16xi1> -> vector<16xf32>
          %reduce_sum3A_1292 = vector.extract %reduce_sum3A_1291[15] : f32 from vector<16xf32>
          %broadcast_in_dim3A_1293 = vector.broadcast %reduce_sum3A_1292 : f32 to vector<16xf32>
          %eq3A_1294 = arith.constant 9 : i32
          %eq3A_1295 = vector.broadcast %eq3A_1294 : i32 to vector<16xi32>
          %eq3A_1296 = arith.cmpi eq, %iota3A, %eq3A_1295 : vector<16xi32>
          %select_n3A_1297 = arith.select %eq3A_1296, %broadcast_in_dim3A_1293, %select_n3A_1254 : vector<16xi1>, vector<16xf32>
          %add3A_1298 = arith.constant 10 : i32
          %add3A_1299 = arith.addi %mul3A_868, %add3A_1298 : i32
          %get3A_1300 = arith.index_cast %add3A_1299 : i32 to index
          %get3A_1301 = arith.constant 0 : index
          %get3A_1302 = tpu.vector_load %arg23[%get3A_1300, %get3A_1301] {strides = array<i32>} : memref<224x192xbf16, #tpu.memory_space<vmem>>, vector<32xbf16>,
          %mul3A_1303 = arith.mulf %get3A_1302, %pack3A : vector<32xbf16>
          %get3A_1304 = arith.index_cast %add3A_1299 : i32 to index
          %get3A_1305 = arith.constant 32 : index
          %get3A_1306 = tpu.vector_load %arg23[%get3A_1304, %get3A_1305] {strides = array<i32>} : memref<224x192xbf16, #tpu.memory_space<vmem>>, vector<32xbf16>,
          %mul3A_1307 = arith.mulf %get3A_1306, %pack3A_177 : vector<32xbf16>
          %get3A_1308 = arith.index_cast %add3A_1299 : i32 to index
          %get3A_1309 = arith.constant 64 : index
          %get3A_1310 = tpu.vector_load %arg23[%get3A_1308, %get3A_1309] {strides = array<i32>} : memref<224x192xbf16, #tpu.memory_space<vmem>>, vector<32xbf16>,
          %mul3A_1311 = arith.mulf %get3A_1310, %pack3A_178 : vector<32xbf16>
          %get3A_1312 = arith.index_cast %add3A_1299 : i32 to index
          %get3A_1313 = arith.constant 96 : index
          %get3A_1314 = tpu.vector_load %arg23[%get3A_1312, %get3A_1313] {strides = array<i32>} : memref<224x192xbf16, #tpu.memory_space<vmem>>, vector<32xbf16>,
          %mul3A_1315 = arith.mulf %get3A_1314, %pack3A_179 : vector<32xbf16>
          %get3A_1316 = arith.index_cast %add3A_1299 : i32 to index
          %get3A_1317 = arith.constant 128 : index
          %get3A_1318 = tpu.vector_load %arg23[%get3A_1316, %get3A_1317] {strides = array<i32>} : memref<224x192xbf16, #tpu.memory_space<vmem>>, vector<32xbf16>,
          %mul3A_1319 = arith.mulf %get3A_1318, %pack3A_180 : vector<32xbf16>
          %get3A_1320 = arith.index_cast %add3A_1299 : i32 to index
          %get3A_1321 = arith.constant 160 : index
          %get3A_1322 = tpu.vector_load %arg23[%get3A_1320, %get3A_1321] {strides = array<i32>} : memref<224x192xbf16, #tpu.memory_space<vmem>>, vector<32xbf16>,
          %mul3A_1323 = arith.mulf %get3A_1322, %pack3A_181 : vector<32xbf16>
          %add3A_1324 = arith.addf %mul3A_1303, %mul3A_1307 : vector<32xbf16>
          %add3A_1325 = arith.addf %mul3A_1311, %mul3A_1315 : vector<32xbf16>
          %add3A_1326 = arith.addf %add3A_1324, %add3A_1325 : vector<32xbf16>
          %add3A_1327 = arith.addf %mul3A_1319, %mul3A_1323 : vector<32xbf16>
          %add3A_1328 = arith.addf %add3A_1326, %add3A_1327 : vector<32xbf16>
          %unpack3A_1329 = tpu.unpack_subelements %add3A_1328, 0 {pack_format = #tpu.pack_format<interleaved>} : vector<32xbf16> -> vector<16xf32>
          %unpack3A_1330 = tpu.unpack_subelements %add3A_1328, 1 {pack_format = #tpu.pack_format<interleaved>} : vector<32xbf16> -> vector<16xf32>
          %add3A_1331 = arith.addf %unpack3A_1329, %unpack3A_1330 : vector<16xf32>
          %reduce_sum3A_1332 = arith.constant true
          %reduce_sum3A_1333 = vector.broadcast %reduce_sum3A_1332 : i1 to vector<16xi1>
          %reduce_sum3A_1334 = tpu.scan <sum>, %add3A_1331 masked %reduce_sum3A_1333 : vector<16xf32>, vector<16xi1> -> vector<16xf32>
          %reduce_sum3A_1335 = vector.extract %reduce_sum3A_1334[15] : f32 from vector<16xf32>
          %broadcast_in_dim3A_1336 = vector.broadcast %reduce_sum3A_1335 : f32 to vector<16xf32>
          %eq3A_1337 = arith.constant 10 : i32
          %eq3A_1338 = vector.broadcast %eq3A_1337 : i32 to vector<16xi32>
          %eq3A_1339 = arith.cmpi eq, %iota3A, %eq3A_1338 : vector<16xi32>
          %select_n3A_1340 = arith.select %eq3A_1339, %broadcast_in_dim3A_1336, %select_n3A_1297 : vector<16xi1>, vector<16xf32>
          %add3A_1341 = arith.constant 11 : i32
          %add3A_1342 = arith.addi %mul3A_868, %add3A_1341 : i32
          %get3A_1343 = arith.index_cast %add3A_1342 : i32 to index
          %get3A_1344 = arith.constant 0 : index
          %get3A_1345 = tpu.vector_load %arg23[%get3A_1343, %get3A_1344] {strides = array<i32>} : memref<224x192xbf16, #tpu.memory_space<vmem>>, vector<32xbf16>,
          %mul3A_1346 = arith.mulf %get3A_1345, %pack3A : vector<32xbf16>
          %get3A_1347 = arith.index_cast %add3A_1342 : i32 to index
          %get3A_1348 = arith.constant 32 : index
          %get3A_1349 = tpu.vector_load %arg23[%get3A_1347, %get3A_1348] {strides = array<i32>} : memref<224x192xbf16, #tpu.memory_space<vmem>>, vector<32xbf16>,
          %mul3A_1350 = arith.mulf %get3A_1349, %pack3A_177 : vector<32xbf16>
          %get3A_1351 = arith.index_cast %add3A_1342 : i32 to index
          %get3A_1352 = arith.constant 64 : index
          %get3A_1353 = tpu.vector_load %arg23[%get3A_1351, %get3A_1352] {strides = array<i32>} : memref<224x192xbf16, #tpu.memory_space<vmem>>, vector<32xbf16>,
          %mul3A_1354 = arith.mulf %get3A_1353, %pack3A_178 : vector<32xbf16>
          %get3A_1355 = arith.index_cast %add3A_1342 : i32 to index
          %get3A_1356 = arith.constant 96 : index
          %get3A_1357 = tpu.vector_load %arg23[%get3A_1355, %get3A_1356] {strides = array<i32>} : memref<224x192xbf16, #tpu.memory_space<vmem>>, vector<32xbf16>,
          %mul3A_1358 = arith.mulf %get3A_1357, %pack3A_179 : vector<32xbf16>
          %get3A_1359 = arith.index_cast %add3A_1342 : i32 to index
          %get3A_1360 = arith.constant 128 : index
          %get3A_1361 = tpu.vector_load %arg23[%get3A_1359, %get3A_1360] {strides = array<i32>} : memref<224x192xbf16, #tpu.memory_space<vmem>>, vector<32xbf16>,
          %mul3A_1362 = arith.mulf %get3A_1361, %pack3A_180 : vector<32xbf16>
          %get3A_1363 = arith.index_cast %add3A_1342 : i32 to index
          %get3A_1364 = arith.constant 160 : index
          %get3A_1365 = tpu.vector_load %arg23[%get3A_1363, %get3A_1364] {strides = array<i32>} : memref<224x192xbf16, #tpu.memory_space<vmem>>, vector<32xbf16>,
          %mul3A_1366 = arith.mulf %get3A_1365, %pack3A_181 : vector<32xbf16>
          %add3A_1367 = arith.addf %mul3A_1346, %mul3A_1350 : vector<32xbf16>
          %add3A_1368 = arith.addf %mul3A_1354, %mul3A_1358 : vector<32xbf16>
          %add3A_1369 = arith.addf %add3A_1367, %add3A_1368 : vector<32xbf16>
          %add3A_1370 = arith.addf %mul3A_1362, %mul3A_1366 : vector<32xbf16>
          %add3A_1371 = arith.addf %add3A_1369, %add3A_1370 : vector<32xbf16>
          %unpack3A_1372 = tpu.unpack_subelements %add3A_1371, 0 {pack_format = #tpu.pack_format<interleaved>} : vector<32xbf16> -> vector<16xf32>
          %unpack3A_1373 = tpu.unpack_subelements %add3A_1371, 1 {pack_format = #tpu.pack_format<interleaved>} : vector<32xbf16> -> vector<16xf32>
          %add3A_1374 = arith.addf %unpack3A_1372, %unpack3A_1373 : vector<16xf32>
          %reduce_sum3A_1375 = arith.constant true
          %reduce_sum3A_1376 = vector.broadcast %reduce_sum3A_1375 : i1 to vector<16xi1>
          %reduce_sum3A_1377 = tpu.scan <sum>, %add3A_1374 masked %reduce_sum3A_1376 : vector<16xf32>, vector<16xi1> -> vector<16xf32>
          %reduce_sum3A_1378 = vector.extract %reduce_sum3A_1377[15] : f32 from vector<16xf32>
          %broadcast_in_dim3A_1379 = vector.broadcast %reduce_sum3A_1378 : f32 to vector<16xf32>
          %eq3A_1380 = arith.constant 11 : i32
          %eq3A_1381 = vector.broadcast %eq3A_1380 : i32 to vector<16xi32>
          %eq3A_1382 = arith.cmpi eq, %iota3A, %eq3A_1381 : vector<16xi32>
          %select_n3A_1383 = arith.select %eq3A_1382, %broadcast_in_dim3A_1379, %select_n3A_1340 : vector<16xi1>, vector<16xf32>
          %add3A_1384 = arith.constant 12 : i32
          %add3A_1385 = arith.addi %mul3A_868, %add3A_1384 : i32
          %get3A_1386 = arith.index_cast %add3A_1385 : i32 to index
          %get3A_1387 = arith.constant 0 : index
          %get3A_1388 = tpu.vector_load %arg23[%get3A_1386, %get3A_1387] {strides = array<i32>} : memref<224x192xbf16, #tpu.memory_space<vmem>>, vector<32xbf16>,
          %mul3A_1389 = arith.mulf %get3A_1388, %pack3A : vector<32xbf16>
          %get3A_1390 = arith.index_cast %add3A_1385 : i32 to index
          %get3A_1391 = arith.constant 32 : index
          %get3A_1392 = tpu.vector_load %arg23[%get3A_1390, %get3A_1391] {strides = array<i32>} : memref<224x192xbf16, #tpu.memory_space<vmem>>, vector<32xbf16>,
          %mul3A_1393 = arith.mulf %get3A_1392, %pack3A_177 : vector<32xbf16>
          %get3A_1394 = arith.index_cast %add3A_1385 : i32 to index
          %get3A_1395 = arith.constant 64 : index
          %get3A_1396 = tpu.vector_load %arg23[%get3A_1394, %get3A_1395] {strides = array<i32>} : memref<224x192xbf16, #tpu.memory_space<vmem>>, vector<32xbf16>,
          %mul3A_1397 = arith.mulf %get3A_1396, %pack3A_178 : vector<32xbf16>
          %get3A_1398 = arith.index_cast %add3A_1385 : i32 to index
          %get3A_1399 = arith.constant 96 : index
          %get3A_1400 = tpu.vector_load %arg23[%get3A_1398, %get3A_1399] {strides = array<i32>} : memref<224x192xbf16, #tpu.memory_space<vmem>>, vector<32xbf16>,
          %mul3A_1401 = arith.mulf %get3A_1400, %pack3A_179 : vector<32xbf16>
          %get3A_1402 = arith.index_cast %add3A_1385 : i32 to index
          %get3A_1403 = arith.constant 128 : index
          %get3A_1404 = tpu.vector_load %arg23[%get3A_1402, %get3A_1403] {strides = array<i32>} : memref<224x192xbf16, #tpu.memory_space<vmem>>, vector<32xbf16>,
          %mul3A_1405 = arith.mulf %get3A_1404, %pack3A_180 : vector<32xbf16>
          %get3A_1406 = arith.index_cast %add3A_1385 : i32 to index
          %get3A_1407 = arith.constant 160 : index
          %get3A_1408 = tpu.vector_load %arg23[%get3A_1406, %get3A_1407] {strides = array<i32>} : memref<224x192xbf16, #tpu.memory_space<vmem>>, vector<32xbf16>,
          %mul3A_1409 = arith.mulf %get3A_1408, %pack3A_181 : vector<32xbf16>
          %add3A_1410 = arith.addf %mul3A_1389, %mul3A_1393 : vector<32xbf16>
          %add3A_1411 = arith.addf %mul3A_1397, %mul3A_1401 : vector<32xbf16>
          %add3A_1412 = arith.addf %add3A_1410, %add3A_1411 : vector<32xbf16>
          %add3A_1413 = arith.addf %mul3A_1405, %mul3A_1409 : vector<32xbf16>
          %add3A_1414 = arith.addf %add3A_1412, %add3A_1413 : vector<32xbf16>
          %unpack3A_1415 = tpu.unpack_subelements %add3A_1414, 0 {pack_format = #tpu.pack_format<interleaved>} : vector<32xbf16> -> vector<16xf32>
          %unpack3A_1416 = tpu.unpack_subelements %add3A_1414, 1 {pack_format = #tpu.pack_format<interleaved>} : vector<32xbf16> -> vector<16xf32>
          %add3A_1417 = arith.addf %unpack3A_1415, %unpack3A_1416 : vector<16xf32>
          %reduce_sum3A_1418 = arith.constant true
          %reduce_sum3A_1419 = vector.broadcast %reduce_sum3A_1418 : i1 to vector<16xi1>
          %reduce_sum3A_1420 = tpu.scan <sum>, %add3A_1417 masked %reduce_sum3A_1419 : vector<16xf32>, vector<16xi1> -> vector<16xf32>
          %reduce_sum3A_1421 = vector.extract %reduce_sum3A_1420[15] : f32 from vector<16xf32>
          %broadcast_in_dim3A_1422 = vector.broadcast %reduce_sum3A_1421 : f32 to vector<16xf32>
          %eq3A_1423 = arith.constant 12 : i32
          %eq3A_1424 = vector.broadcast %eq3A_1423 : i32 to vector<16xi32>
          %eq3A_1425 = arith.cmpi eq, %iota3A, %eq3A_1424 : vector<16xi32>
          %select_n3A_1426 = arith.select %eq3A_1425, %broadcast_in_dim3A_1422, %select_n3A_1383 : vector<16xi1>, vector<16xf32>
          %add3A_1427 = arith.constant 13 : i32
          %add3A_1428 = arith.addi %mul3A_868, %add3A_1427 : i32
          %get3A_1429 = arith.index_cast %add3A_1428 : i32 to index
          %get3A_1430 = arith.constant 0 : index
          %get3A_1431 = tpu.vector_load %arg23[%get3A_1429, %get3A_1430] {strides = array<i32>} : memref<224x192xbf16, #tpu.memory_space<vmem>>, vector<32xbf16>,
          %mul3A_1432 = arith.mulf %get3A_1431, %pack3A : vector<32xbf16>
          %get3A_1433 = arith.index_cast %add3A_1428 : i32 to index
          %get3A_1434 = arith.constant 32 : index
          %get3A_1435 = tpu.vector_load %arg23[%get3A_1433, %get3A_1434] {strides = array<i32>} : memref<224x192xbf16, #tpu.memory_space<vmem>>, vector<32xbf16>,
          %mul3A_1436 = arith.mulf %get3A_1435, %pack3A_177 : vector<32xbf16>
          %get3A_1437 = arith.index_cast %add3A_1428 : i32 to index
          %get3A_1438 = arith.constant 64 : index
          %get3A_1439 = tpu.vector_load %arg23[%get3A_1437, %get3A_1438] {strides = array<i32>} : memref<224x192xbf16, #tpu.memory_space<vmem>>, vector<32xbf16>,
          %mul3A_1440 = arith.mulf %get3A_1439, %pack3A_178 : vector<32xbf16>
          %get3A_1441 = arith.index_cast %add3A_1428 : i32 to index
          %get3A_1442 = arith.constant 96 : index
          %get3A_1443 = tpu.vector_load %arg23[%get3A_1441, %get3A_1442] {strides = array<i32>} : memref<224x192xbf16, #tpu.memory_space<vmem>>, vector<32xbf16>,
          %mul3A_1444 = arith.mulf %get3A_1443, %pack3A_179 : vector<32xbf16>
          %get3A_1445 = arith.index_cast %add3A_1428 : i32 to index
          %get3A_1446 = arith.constant 128 : index
          %get3A_1447 = tpu.vector_load %arg23[%get3A_1445, %get3A_1446] {strides = array<i32>} : memref<224x192xbf16, #tpu.memory_space<vmem>>, vector<32xbf16>,
          %mul3A_1448 = arith.mulf %get3A_1447, %pack3A_180 : vector<32xbf16>
          %get3A_1449 = arith.index_cast %add3A_1428 : i32 to index
          %get3A_1450 = arith.constant 160 : index
          %get3A_1451 = tpu.vector_load %arg23[%get3A_1449, %get3A_1450] {strides = array<i32>} : memref<224x192xbf16, #tpu.memory_space<vmem>>, vector<32xbf16>,
          %mul3A_1452 = arith.mulf %get3A_1451, %pack3A_181 : vector<32xbf16>
          %add3A_1453 = arith.addf %mul3A_1432, %mul3A_1436 : vector<32xbf16>
          %add3A_1454 = arith.addf %mul3A_1440, %mul3A_1444 : vector<32xbf16>
          %add3A_1455 = arith.addf %add3A_1453, %add3A_1454 : vector<32xbf16>
          %add3A_1456 = arith.addf %mul3A_1448, %mul3A_1452 : vector<32xbf16>
          %add3A_1457 = arith.addf %add3A_1455, %add3A_1456 : vector<32xbf16>
          %unpack3A_1458 = tpu.unpack_subelements %add3A_1457, 0 {pack_format = #tpu.pack_format<interleaved>} : vector<32xbf16> -> vector<16xf32>
          %unpack3A_1459 = tpu.unpack_subelements %add3A_1457, 1 {pack_format = #tpu.pack_format<interleaved>} : vector<32xbf16> -> vector<16xf32>
          %add3A_1460 = arith.addf %unpack3A_1458, %unpack3A_1459 : vector<16xf32>
          %reduce_sum3A_1461 = arith.constant true
          %reduce_sum3A_1462 = vector.broadcast %reduce_sum3A_1461 : i1 to vector<16xi1>
          %reduce_sum3A_1463 = tpu.scan <sum>, %add3A_1460 masked %reduce_sum3A_1462 : vector<16xf32>, vector<16xi1> -> vector<16xf32>
          %reduce_sum3A_1464 = vector.extract %reduce_sum3A_1463[15] : f32 from vector<16xf32>
          %broadcast_in_dim3A_1465 = vector.broadcast %reduce_sum3A_1464 : f32 to vector<16xf32>
          %eq3A_1466 = arith.constant 13 : i32
          %eq3A_1467 = vector.broadcast %eq3A_1466 : i32 to vector<16xi32>
          %eq3A_1468 = arith.cmpi eq, %iota3A, %eq3A_1467 : vector<16xi32>
          %select_n3A_1469 = arith.select %eq3A_1468, %broadcast_in_dim3A_1465, %select_n3A_1426 : vector<16xi1>, vector<16xf32>
          %add3A_1470 = arith.constant 14 : i32
          %add3A_1471 = arith.addi %mul3A_868, %add3A_1470 : i32
          %get3A_1472 = arith.index_cast %add3A_1471 : i32 to index
          %get3A_1473 = arith.constant 0 : index
          %get3A_1474 = tpu.vector_load %arg23[%get3A_1472, %get3A_1473] {strides = array<i32>} : memref<224x192xbf16, #tpu.memory_space<vmem>>, vector<32xbf16>,
          %mul3A_1475 = arith.mulf %get3A_1474, %pack3A : vector<32xbf16>
          %get3A_1476 = arith.index_cast %add3A_1471 : i32 to index
          %get3A_1477 = arith.constant 32 : index
          %get3A_1478 = tpu.vector_load %arg23[%get3A_1476, %get3A_1477] {strides = array<i32>} : memref<224x192xbf16, #tpu.memory_space<vmem>>, vector<32xbf16>,
          %mul3A_1479 = arith.mulf %get3A_1478, %pack3A_177 : vector<32xbf16>
          %get3A_1480 = arith.index_cast %add3A_1471 : i32 to index
          %get3A_1481 = arith.constant 64 : index
          %get3A_1482 = tpu.vector_load %arg23[%get3A_1480, %get3A_1481] {strides = array<i32>} : memref<224x192xbf16, #tpu.memory_space<vmem>>, vector<32xbf16>,
          %mul3A_1483 = arith.mulf %get3A_1482, %pack3A_178 : vector<32xbf16>
          %get3A_1484 = arith.index_cast %add3A_1471 : i32 to index
          %get3A_1485 = arith.constant 96 : index
          %get3A_1486 = tpu.vector_load %arg23[%get3A_1484, %get3A_1485] {strides = array<i32>} : memref<224x192xbf16, #tpu.memory_space<vmem>>, vector<32xbf16>,
          %mul3A_1487 = arith.mulf %get3A_1486, %pack3A_179 : vector<32xbf16>
          %get3A_1488 = arith.index_cast %add3A_1471 : i32 to index
          %get3A_1489 = arith.constant 128 : index
          %get3A_1490 = tpu.vector_load %arg23[%get3A_1488, %get3A_1489] {strides = array<i32>} : memref<224x192xbf16, #tpu.memory_space<vmem>>, vector<32xbf16>,
          %mul3A_1491 = arith.mulf %get3A_1490, %pack3A_180 : vector<32xbf16>
          %get3A_1492 = arith.index_cast %add3A_1471 : i32 to index
          %get3A_1493 = arith.constant 160 : index
          %get3A_1494 = tpu.vector_load %arg23[%get3A_1492, %get3A_1493] {strides = array<i32>} : memref<224x192xbf16, #tpu.memory_space<vmem>>, vector<32xbf16>,
          %mul3A_1495 = arith.mulf %get3A_1494, %pack3A_181 : vector<32xbf16>
          %add3A_1496 = arith.addf %mul3A_1475, %mul3A_1479 : vector<32xbf16>
          %add3A_1497 = arith.addf %mul3A_1483, %mul3A_1487 : vector<32xbf16>
          %add3A_1498 = arith.addf %add3A_1496, %add3A_1497 : vector<32xbf16>
          %add3A_1499 = arith.addf %mul3A_1491, %mul3A_1495 : vector<32xbf16>
          %add3A_1500 = arith.addf %add3A_1498, %add3A_1499 : vector<32xbf16>
          %unpack3A_1501 = tpu.unpack_subelements %add3A_1500, 0 {pack_format = #tpu.pack_format<interleaved>} : vector<32xbf16> -> vector<16xf32>
          %unpack3A_1502 = tpu.unpack_subelements %add3A_1500, 1 {pack_format = #tpu.pack_format<interleaved>} : vector<32xbf16> -> vector<16xf32>
          %add3A_1503 = arith.addf %unpack3A_1501, %unpack3A_1502 : vector<16xf32>
          %reduce_sum3A_1504 = arith.constant true
          %reduce_sum3A_1505 = vector.broadcast %reduce_sum3A_1504 : i1 to vector<16xi1>
          %reduce_sum3A_1506 = tpu.scan <sum>, %add3A_1503 masked %reduce_sum3A_1505 : vector<16xf32>, vector<16xi1> -> vector<16xf32>
          %reduce_sum3A_1507 = vector.extract %reduce_sum3A_1506[15] : f32 from vector<16xf32>
          %broadcast_in_dim3A_1508 = vector.broadcast %reduce_sum3A_1507 : f32 to vector<16xf32>
          %eq3A_1509 = arith.constant 14 : i32
          %eq3A_1510 = vector.broadcast %eq3A_1509 : i32 to vector<16xi32>
          %eq3A_1511 = arith.cmpi eq, %iota3A, %eq3A_1510 : vector<16xi32>
          %select_n3A_1512 = arith.select %eq3A_1511, %broadcast_in_dim3A_1508, %select_n3A_1469 : vector<16xi1>, vector<16xf32>
          %add3A_1513 = arith.constant 15 : i32
          %add3A_1514 = arith.addi %mul3A_868, %add3A_1513 : i32
          %get3A_1515 = arith.index_cast %add3A_1514 : i32 to index
          %get3A_1516 = arith.constant 0 : index
          %get3A_1517 = tpu.vector_load %arg23[%get3A_1515, %get3A_1516] {strides = array<i32>} : memref<224x192xbf16, #tpu.memory_space<vmem>>, vector<32xbf16>,
          %mul3A_1518 = arith.mulf %get3A_1517, %pack3A : vector<32xbf16>
          %get3A_1519 = arith.index_cast %add3A_1514 : i32 to index
          %get3A_1520 = arith.constant 32 : index
          %get3A_1521 = tpu.vector_load %arg23[%get3A_1519, %get3A_1520] {strides = array<i32>} : memref<224x192xbf16, #tpu.memory_space<vmem>>, vector<32xbf16>,
          %mul3A_1522 = arith.mulf %get3A_1521, %pack3A_177 : vector<32xbf16>
          %get3A_1523 = arith.index_cast %add3A_1514 : i32 to index
          %get3A_1524 = arith.constant 64 : index
          %get3A_1525 = tpu.vector_load %arg23[%get3A_1523, %get3A_1524] {strides = array<i32>} : memref<224x192xbf16, #tpu.memory_space<vmem>>, vector<32xbf16>,
          %mul3A_1526 = arith.mulf %get3A_1525, %pack3A_178 : vector<32xbf16>
          %get3A_1527 = arith.index_cast %add3A_1514 : i32 to index
          %get3A_1528 = arith.constant 96 : index
          %get3A_1529 = tpu.vector_load %arg23[%get3A_1527, %get3A_1528] {strides = array<i32>} : memref<224x192xbf16, #tpu.memory_space<vmem>>, vector<32xbf16>,
          %mul3A_1530 = arith.mulf %get3A_1529, %pack3A_179 : vector<32xbf16>
          %get3A_1531 = arith.index_cast %add3A_1514 : i32 to index
          %get3A_1532 = arith.constant 128 : index
          %get3A_1533 = tpu.vector_load %arg23[%get3A_1531, %get3A_1532] {strides = array<i32>} : memref<224x192xbf16, #tpu.memory_space<vmem>>, vector<32xbf16>,
          %mul3A_1534 = arith.mulf %get3A_1533, %pack3A_180 : vector<32xbf16>
          %get3A_1535 = arith.index_cast %add3A_1514 : i32 to index
          %get3A_1536 = arith.constant 160 : index
          %get3A_1537 = tpu.vector_load %arg23[%get3A_1535, %get3A_1536] {strides = array<i32>} : memref<224x192xbf16, #tpu.memory_space<vmem>>, vector<32xbf16>,
          %mul3A_1538 = arith.mulf %get3A_1537, %pack3A_181 : vector<32xbf16>
          %add3A_1539 = arith.addf %mul3A_1518, %mul3A_1522 : vector<32xbf16>
          %add3A_1540 = arith.addf %mul3A_1526, %mul3A_1530 : vector<32xbf16>
          %add3A_1541 = arith.addf %add3A_1539, %add3A_1540 : vector<32xbf16>
          %add3A_1542 = arith.addf %mul3A_1534, %mul3A_1538 : vector<32xbf16>
          %add3A_1543 = arith.addf %add3A_1541, %add3A_1542 : vector<32xbf16>
          %unpack3A_1544 = tpu.unpack_subelements %add3A_1543, 0 {pack_format = #tpu.pack_format<interleaved>} : vector<32xbf16> -> vector<16xf32>
          %unpack3A_1545 = tpu.unpack_subelements %add3A_1543, 1 {pack_format = #tpu.pack_format<interleaved>} : vector<32xbf16> -> vector<16xf32>
          %add3A_1546 = arith.addf %unpack3A_1544, %unpack3A_1545 : vector<16xf32>
          %reduce_sum3A_1547 = arith.constant true
          %reduce_sum3A_1548 = vector.broadcast %reduce_sum3A_1547 : i1 to vector<16xi1>
          %reduce_sum3A_1549 = tpu.scan <sum>, %add3A_1546 masked %reduce_sum3A_1548 : vector<16xf32>, vector<16xi1> -> vector<16xf32>
          %reduce_sum3A_1550 = vector.extract %reduce_sum3A_1549[15] : f32 from vector<16xf32>
          %broadcast_in_dim3A_1551 = vector.broadcast %reduce_sum3A_1550 : f32 to vector<16xf32>
          %eq3A_1552 = arith.constant 15 : i32
          %eq3A_1553 = vector.broadcast %eq3A_1552 : i32 to vector<16xi32>
          %eq3A_1554 = arith.cmpi eq, %iota3A, %eq3A_1553 : vector<16xi32>
          %select_n3A_1555 = arith.select %eq3A_1554, %broadcast_in_dim3A_1551, %select_n3A_1512 : vector<16xi1>, vector<16xf32>
          %swap3A_1556 = arith.index_cast %mul3A_64 : i32 to index
          %swap3A_1557 = arith.index_cast %mul3A_868 : i32 to index
          %swap3A_1558 = tpu.vector_load %arg25[%swap3A_1556, %swap3A_1557] {strides = array<i32>} : memref<8x224xf32, #tpu.memory_space<vmem>>, vector<16xf32>,
          tpu.vector_store %arg25[%swap3A_1556, %swap3A_1557], %select_n3A_1555 {strides = array<i32>} : memref<8x224xf32, #tpu.memory_space<vmem>>, vector<16xf32>,
          %scan3A_1559 = arith.constant 0 : i32
          scf.yield %scan3A_1559 : i32
        }
        %scan3A_468 = arith.constant 14 : i32
        %lt3A_469 = arith.constant 3 : i32
        %lt3A_470 = arith.cmpi slt, %scan3A_61, %lt3A_469 : i32
        %convert_element_type3A_471 = arith.extui %lt3A_470 : i1 to i32
        %cond3A = arith.constant 0 : i32
        %cond3A_472 = arith.cmpi ne, %convert_element_type3A_471, %cond3A : i32
        scf.if %cond3A_472 {
          %add3A_865 = arith.constant 2 : i32
          %add3A_866 = arith.addi %mul3A_64, %add3A_865 : i32
          %dma_start3A_867 = arith.constant 0 : i32
          %dma_start3A_868 = tpu.memref_slice %arg14[%add3A_866, %dma_start3A_867] : memref<8x56xi32, #tpu.memory_space<vmem>> -> memref<1x56xi32, #tpu.memory_space<vmem>>
          %dma_start3A_869 = tpu.memref_squeeze %dma_start3A_868 : memref<1x56xi32, #tpu.memory_space<vmem>> -> memref<56xi32, #tpu.memory_space<vmem>>
          %dma_start3A_870 = arith.constant 0 : i32
          %dma_start3A_871 = arith.constant 0 : i32
          %dma_start3A_872 = tpu.memref_slice %arg7[%dma_start3A_870, %dma_start3A_871] : memref<100000x64xf32, #tpu.memory_space<hbm>> -> memref<100000x64xf32, #tpu.memory_space<hbm>>
          tpu.enqueue_indirect_dma source(%dma_start3A_872 : memref<100000x64xf32, #tpu.memory_space<hbm>>) target(%arg21 : memref<56x64xf32, #tpu.memory_space<vmem>>) offsets(%dma_start3A_869 : memref<56xi32, #tpu.memory_space<vmem>>) semaphore(%arg29 : memref<!tpu.dma_semaphore, #tpu.memory_space<semaphore_mem>>)
          %dma_start3A_873 = arith.constant 0 : i32
          %dma_start3A_874 = arith.constant 0 : i32
          %dma_start3A_875 = arith.constant 0 : i32
          %dma_start3A_876 = tpu.memref_slice %arg23[%dma_start3A_874, %dma_start3A_875] : memref<224x192xbf16, #tpu.memory_space<vmem>> -> memref<112x192xbf16, #tpu.memory_space<vmem>>
          %dma_start3A_877 = arith.constant 0 : i32
          %dma_start3A_878 = tpu.memref_slice %arg15[%add3A_866, %dma_start3A_873, %dma_start3A_877] : memref<8x2x112xi32, #tpu.memory_space<vmem>> -> memref<1x1x112xi32, #tpu.memory_space<vmem>>
          %dma_start3A_879 = tpu.memref_squeeze %dma_start3A_878 : memref<1x1x112xi32, #tpu.memory_space<vmem>> -> memref<112xi32, #tpu.memory_space<vmem>>
          %dma_start3A_880 = arith.constant 0 : i32
          %dma_start3A_881 = arith.constant 0 : i32
          %dma_start3A_882 = tpu.memref_slice %arg10[%dma_start3A_880, %dma_start3A_881] : memref<100000x192xbf16, #tpu.memory_space<hbm>> -> memref<100000x192xbf16, #tpu.memory_space<hbm>>
          tpu.enqueue_indirect_dma source(%dma_start3A_882 : memref<100000x192xbf16, #tpu.memory_space<hbm>>) target(%dma_start3A_876 : memref<112x192xbf16, #tpu.memory_space<vmem>>) offsets(%dma_start3A_879 : memref<112xi32, #tpu.memory_space<vmem>>) semaphore(%arg31 : memref<!tpu.dma_semaphore, #tpu.memory_space<semaphore_mem>>)
          %dma_start3A_883 = arith.constant 1 : i32
          %dma_start3A_884 = arith.constant 112 : i32
          %dma_start3A_885 = arith.constant 0 : i32
          %dma_start3A_886 = tpu.memref_slice %arg23[%dma_start3A_884, %dma_start3A_885] : memref<224x192xbf16, #tpu.memory_space<vmem>> -> memref<112x192xbf16, #tpu.memory_space<vmem>>
          %dma_start3A_887 = arith.constant 0 : i32
          %dma_start3A_888 = tpu.memref_slice %arg15[%add3A_866, %dma_start3A_883, %dma_start3A_887] : memref<8x2x112xi32, #tpu.memory_space<vmem>> -> memref<1x1x112xi32, #tpu.memory_space<vmem>>
          %dma_start3A_889 = tpu.memref_squeeze %dma_start3A_888 : memref<1x1x112xi32, #tpu.memory_space<vmem>> -> memref<112xi32, #tpu.memory_space<vmem>>
          %dma_start3A_890 = arith.constant 0 : i32
          %dma_start3A_891 = arith.constant 0 : i32
          %dma_start3A_892 = tpu.memref_slice %arg10[%dma_start3A_890, %dma_start3A_891] : memref<100000x192xbf16, #tpu.memory_space<hbm>> -> memref<100000x192xbf16, #tpu.memory_space<hbm>>
          tpu.enqueue_indirect_dma source(%dma_start3A_892 : memref<100000x192xbf16, #tpu.memory_space<hbm>>) target(%dma_start3A_886 : memref<112x192xbf16, #tpu.memory_space<vmem>>) offsets(%dma_start3A_889 : memref<112xi32, #tpu.memory_space<vmem>>) semaphore(%arg31 : memref<!tpu.dma_semaphore, #tpu.memory_space<semaphore_mem>>)
        } else {
        }
        %dma_wait3A_473 = arith.constant 0 : i32
        %dma_wait3A_474 = arith.constant 0 : i32
        %dma_wait3A_475 = tpu.memref_slice %arg14[%dma_wait3A_473, %dma_wait3A_474] : memref<8x56xi32, #tpu.memory_space<vmem>> -> memref<1x56xi32, #tpu.memory_space<vmem>>
        %dma_wait3A_476 = tpu.memref_squeeze %dma_wait3A_475 : memref<1x56xi32, #tpu.memory_space<vmem>> -> memref<56xi32, #tpu.memory_space<vmem>>
        %dma_wait3A_477 = arith.constant 0 : i32
        %dma_wait3A_478 = arith.constant 0 : i32
        %dma_wait3A_479 = tpu.memref_slice %arg7[%dma_wait3A_477, %dma_wait3A_478] : memref<100000x64xf32, #tpu.memory_space<hbm>> -> memref<100000x64xf32, #tpu.memory_space<hbm>>
        tpu.wait_indirect_dma semaphore(%arg30 : memref<!tpu.dma_semaphore, #tpu.memory_space<semaphore_mem>>) src(%dma_wait3A_479 : memref<100000x64xf32, #tpu.memory_space<hbm>>) dst(%arg22 : memref<56x64xf32, #tpu.memory_space<vmem>>)
        %dma_wait3A_480 = arith.constant 0 : i32
        %dma_wait3A_481 = arith.constant 0 : i32
        %dma_wait3A_482 = arith.constant 0 : i32
        %dma_wait3A_483 = arith.constant 0 : i32
        %dma_wait3A_484 = tpu.memref_slice %arg24[%dma_wait3A_482, %dma_wait3A_483] : memref<224x192xbf16, #tpu.memory_space<vmem>> -> memref<112x192xbf16, #tpu.memory_space<vmem>>
        %dma_wait3A_485 = arith.constant 0 : i32
        %dma_wait3A_486 = tpu.memref_slice %arg15[%dma_wait3A_480, %dma_wait3A_481, %dma_wait3A_485] : memref<8x2x112xi32, #tpu.memory_space<vmem>> -> memref<1x1x112xi32, #tpu.memory_space<vmem>>
        %dma_wait3A_487 = tpu.memref_squeeze %dma_wait3A_486 : memref<1x1x112xi32, #tpu.memory_space<vmem>> -> memref<112xi32, #tpu.memory_space<vmem>>
        %dma_wait3A_488 = arith.constant 0 : i32
        %dma_wait3A_489 = arith.constant 0 : i32
        %dma_wait3A_490 = tpu.memref_slice %arg10[%dma_wait3A_488, %dma_wait3A_489] : memref<100000x192xbf16, #tpu.memory_space<hbm>> -> memref<100000x192xbf16, #tpu.memory_space<hbm>>
        tpu.wait_indirect_dma semaphore(%arg32 : memref<!tpu.dma_semaphore, #tpu.memory_space<semaphore_mem>>) src(%dma_wait3A_490 : memref<100000x192xbf16, #tpu.memory_space<hbm>>) dst(%dma_wait3A_484 : memref<112x192xbf16, #tpu.memory_space<vmem>>)
        %dma_wait3A_491 = arith.constant 0 : i32
        %dma_wait3A_492 = arith.constant 1 : i32
        %dma_wait3A_493 = arith.constant 112 : i32
        %dma_wait3A_494 = arith.constant 0 : i32
        %dma_wait3A_495 = tpu.memref_slice %arg24[%dma_wait3A_493, %dma_wait3A_494] : memref<224x192xbf16, #tpu.memory_space<vmem>> -> memref<112x192xbf16, #tpu.memory_space<vmem>>
        %dma_wait3A_496 = arith.constant 0 : i32
        %dma_wait3A_497 = tpu.memref_slice %arg15[%dma_wait3A_491, %dma_wait3A_492, %dma_wait3A_496] : memref<8x2x112xi32, #tpu.memory_space<vmem>> -> memref<1x1x112xi32, #tpu.memory_space<vmem>>
        %dma_wait3A_498 = tpu.memref_squeeze %dma_wait3A_497 : memref<1x1x112xi32, #tpu.memory_space<vmem>> -> memref<112xi32, #tpu.memory_space<vmem>>
        %dma_wait3A_499 = arith.constant 0 : i32
        %dma_wait3A_500 = arith.constant 0 : i32
        %dma_wait3A_501 = tpu.memref_slice %arg10[%dma_wait3A_499, %dma_wait3A_500] : memref<100000x192xbf16, #tpu.memory_space<hbm>> -> memref<100000x192xbf16, #tpu.memory_space<hbm>>
        tpu.wait_indirect_dma semaphore(%arg32 : memref<!tpu.dma_semaphore, #tpu.memory_space<semaphore_mem>>) src(%dma_wait3A_501 : memref<100000x192xbf16, #tpu.memory_space<hbm>>) dst(%dma_wait3A_495 : memref<112x192xbf16, #tpu.memory_space<vmem>>)
        %add3A_502 = arith.constant 1 : i32
        %add3A_503 = arith.addi %mul3A_64, %add3A_502 : i32
        %get3A_504 = arith.index_cast %add3A_503 : i32 to index
        %get3A_505 = arith.constant 0 : index
        %get3A_506 = tpu.vector_load %arg18[%get3A_504, %get3A_505] {strides = array<i32>} : memref<8x16xi32, #tpu.memory_space<vmem>>, vector<16xi32>,
        %slice3A_507 = vector.extract_strided_slice %get3A_506 {offsets = [0], sizes = [1], strides = [1]} : vector<16xi32> to vector<1xi32>
        %squeeze3A_508 = vector.extract %slice3A_507[0] : i32 from vector<1xi32>
        %min3A_509 = arith.constant 50 : i32
        %min3A_510 = arith.minsi %squeeze3A_508, %min3A_509 : i32
        %slice3A_511 = vector.extract_strided_slice %get3A_506 {offsets = [1], sizes = [1], strides = [1]} : vector<16xi32> to vector<1xi32>
        %squeeze3A_512 = vector.extract %slice3A_511[0] : i32 from vector<1xi32>
        %slice3A_513 = vector.extract_strided_slice %get3A_506 {offsets = [2], sizes = [1], strides = [1]} : vector<16xi32> to vector<1xi32>
        %squeeze3A_514 = vector.extract %slice3A_513[0] : i32 from vector<1xi32>
        %broadcast_in_dim3A_515 = arith.constant 0.000000e+00 : f32
        %broadcast_in_dim3A_516 = vector.broadcast %broadcast_in_dim3A_515 : f32 to vector<16xf32>
        %broadcast_in_dim3A_517 = arith.constant 0.000000e+00 : f32
        %broadcast_in_dim3A_518 = vector.broadcast %broadcast_in_dim3A_517 : f32 to vector<16xf32>
        %broadcast_in_dim3A_519 = arith.constant 0.000000e+00 : f32
        %broadcast_in_dim3A_520 = vector.broadcast %broadcast_in_dim3A_519 : f32 to vector<16xf32>
        %broadcast_in_dim3A_521 = arith.constant 0.000000e+00 : f32
        %broadcast_in_dim3A_522 = vector.broadcast %broadcast_in_dim3A_521 : f32 to vector<16xf32>
        %while3A_523 = arith.constant 0 : i32
        %while3A_524 = arith.subi %min3A_510, %while3A_523 : i32
        %while3A_525 = arith.addi %while3A_523, %while3A_524 : i32
        %while3A_526 = arith.constant 1 : i32
        %while3A_527 = arith.divsi %while3A_524, %while3A_526 : i32
        %while3A_528 = arith.muli %while3A_527, %while3A_526 : i32
        %while3A_529 = arith.addi %while3A_523, %while3A_528 : i32
        %while3A_530 = arith.constant 1 : i32
        %while3A_531:4 = scf.for %while3A_865 = %while3A_523 to %while3A_529 step %while3A_530 iter_args(%while3A_866 = %broadcast_in_dim3A_516, %while3A_867 = %broadcast_in_dim3A_518, %while3A_868 = %broadcast_in_dim3A_520, %while3A_869 = %broadcast_in_dim3A_522) -> (vector<16xf32>, vector<16xf32>, vector<16xf32>, vector<16xf32>)  : i32 {
          %get3A_870 = arith.index_cast %while3A_865 : i32 to index
          %get3A_871 = arith.constant 0 : index
          %get3A_872 = tpu.vector_load %arg22[%get3A_870, %get3A_871] {strides = array<i32>} : memref<56x64xf32, #tpu.memory_space<vmem>>, vector<16xf32>,
          %add3A_873 = arith.addf %while3A_866, %get3A_872 : vector<16xf32>
          %get3A_874 = arith.index_cast %while3A_865 : i32 to index
          %get3A_875 = arith.constant 16 : index
          %get3A_876 = tpu.vector_load %arg22[%get3A_874, %get3A_875] {strides = array<i32>} : memref<56x64xf32, #tpu.memory_space<vmem>>, vector<16xf32>,
          %add3A_877 = arith.addf %while3A_867, %get3A_876 : vector<16xf32>
          %get3A_878 = arith.index_cast %while3A_865 : i32 to index
          %get3A_879 = arith.constant 32 : index
          %get3A_880 = tpu.vector_load %arg22[%get3A_878, %get3A_879] {strides = array<i32>} : memref<56x64xf32, #tpu.memory_space<vmem>>, vector<16xf32>,
          %add3A_881 = arith.addf %while3A_868, %get3A_880 : vector<16xf32>
          %get3A_882 = arith.index_cast %while3A_865 : i32 to index
          %get3A_883 = arith.constant 48 : index
          %get3A_884 = tpu.vector_load %arg22[%get3A_882, %get3A_883] {strides = array<i32>} : memref<56x64xf32, #tpu.memory_space<vmem>>, vector<16xf32>,
          %add3A_885 = arith.addf %while3A_869, %get3A_884 : vector<16xf32>
          scf.yield %add3A_873, %add3A_877, %add3A_881, %add3A_885 : vector<16xf32>, vector<16xf32>, vector<16xf32>, vector<16xf32>
        }
        %while3A_532 = arith.constant 1 : i32
        %while3A_533:4 = scf.for %while3A_865 = %while3A_529 to %while3A_525 step %while3A_532 iter_args(%while3A_866 = %while3A_531#0, %while3A_867 = %while3A_531#1, %while3A_868 = %while3A_531#2, %while3A_869 = %while3A_531#3) -> (vector<16xf32>, vector<16xf32>, vector<16xf32>, vector<16xf32>)  : i32 {
          %get3A_870 = arith.index_cast %while3A_865 : i32 to index
          %get3A_871 = arith.constant 0 : index
          %get3A_872 = tpu.vector_load %arg22[%get3A_870, %get3A_871] {strides = array<i32>} : memref<56x64xf32, #tpu.memory_space<vmem>>, vector<16xf32>,
          %add3A_873 = arith.addf %while3A_866, %get3A_872 : vector<16xf32>
          %get3A_874 = arith.index_cast %while3A_865 : i32 to index
          %get3A_875 = arith.constant 16 : index
          %get3A_876 = tpu.vector_load %arg22[%get3A_874, %get3A_875] {strides = array<i32>} : memref<56x64xf32, #tpu.memory_space<vmem>>, vector<16xf32>,
          %add3A_877 = arith.addf %while3A_867, %get3A_876 : vector<16xf32>
          %get3A_878 = arith.index_cast %while3A_865 : i32 to index
          %get3A_879 = arith.constant 32 : index
          %get3A_880 = tpu.vector_load %arg22[%get3A_878, %get3A_879] {strides = array<i32>} : memref<56x64xf32, #tpu.memory_space<vmem>>, vector<16xf32>,
          %add3A_881 = arith.addf %while3A_868, %get3A_880 : vector<16xf32>
          %get3A_882 = arith.index_cast %while3A_865 : i32 to index
          %get3A_883 = arith.constant 48 : index
          %get3A_884 = tpu.vector_load %arg22[%get3A_882, %get3A_883] {strides = array<i32>} : memref<56x64xf32, #tpu.memory_space<vmem>>, vector<16xf32>,
          %add3A_885 = arith.addf %while3A_869, %get3A_884 : vector<16xf32>
          scf.yield %add3A_873, %add3A_877, %add3A_881, %add3A_885 : vector<16xf32>, vector<16xf32>, vector<16xf32>, vector<16xf32>
        }
        %broadcast_in_dim3A_534 = arith.constant 1.000000e+00 : f32
        %broadcast_in_dim3A_535 = vector.broadcast %broadcast_in_dim3A_534 : f32 to vector<16xf32>
        %convert_element_type3A_536 = arith.sitofp %min3A_510 : i32 to f32
        %broadcast_in_dim3A_537 = vector.broadcast %convert_element_type3A_536 : f32 to vector<16xf32>
        %div3A_538 = arith.divf %broadcast_in_dim3A_535, %broadcast_in_dim3A_537 : vector<16xf32>
        %get3A_539 = arith.index_cast %add3A_503 : i32 to index
        %get3A_540 = arith.constant 0 : index
        %get3A_541 = tpu.vector_load %arg19[%get3A_539, %get3A_540] {strides = array<i32>} : memref<8x64xf32, #tpu.memory_space<vmem>>, vector<16xf32>,
        %get3A_542 = arith.index_cast %add3A_503 : i32 to index
        %get3A_543 = arith.constant 16 : index
        %get3A_544 = tpu.vector_load %arg19[%get3A_542, %get3A_543] {strides = array<i32>} : memref<8x64xf32, #tpu.memory_space<vmem>>, vector<16xf32>,
        %get3A_545 = arith.index_cast %add3A_503 : i32 to index
        %get3A_546 = arith.constant 32 : index
        %get3A_547 = tpu.vector_load %arg19[%get3A_545, %get3A_546] {strides = array<i32>} : memref<8x64xf32, #tpu.memory_space<vmem>>, vector<16xf32>,
        %get3A_548 = arith.index_cast %add3A_503 : i32 to index
        %get3A_549 = arith.constant 48 : index
        %get3A_550 = tpu.vector_load %arg19[%get3A_548, %get3A_549] {strides = array<i32>} : memref<8x64xf32, #tpu.memory_space<vmem>>, vector<16xf32>,
        %mul3A_551 = arith.mulf %while3A_533#0, %div3A_538 : vector<16xf32>
        %mul3A_552 = arith.mulf %while3A_533#1, %div3A_538 : vector<16xf32>
        %mul3A_553 = arith.mulf %while3A_533#2, %div3A_538 : vector<16xf32>
        %mul3A_554 = arith.mulf %while3A_533#3, %div3A_538 : vector<16xf32>
        %get3A_555 = arith.index_cast %add3A_503 : i32 to index
        %get3A_556 = arith.constant 0 : index
        %get3A_557 = tpu.vector_load %arg20[%get3A_555, %get3A_556] {strides = array<i32>} : memref<8x64xf32, #tpu.memory_space<vmem>>, vector<16xf32>,
        %get3A_558 = arith.index_cast %add3A_503 : i32 to index
        %get3A_559 = arith.constant 16 : index
        %get3A_560 = tpu.vector_load %arg20[%get3A_558, %get3A_559] {strides = array<i32>} : memref<8x64xf32, #tpu.memory_space<vmem>>, vector<16xf32>,
        %get3A_561 = arith.index_cast %add3A_503 : i32 to index
        %get3A_562 = arith.constant 32 : index
        %get3A_563 = tpu.vector_load %arg20[%get3A_561, %get3A_562] {strides = array<i32>} : memref<8x64xf32, #tpu.memory_space<vmem>>, vector<16xf32>,
        %get3A_564 = arith.index_cast %add3A_503 : i32 to index
        %get3A_565 = arith.constant 48 : index
        %get3A_566 = tpu.vector_load %arg20[%get3A_564, %get3A_565] {strides = array<i32>} : memref<8x64xf32, #tpu.memory_space<vmem>>, vector<16xf32>,
        %pack3A_567 = tpu.pack_subelements %get3A_541, %get3A_544 {pack_format = #tpu.pack_format<interleaved>, positions = array<i32: 0, 1>} : vector<16xf32>, vector<16xf32> -> vector<32xbf16>
        %pack3A_568 = tpu.pack_subelements %get3A_547, %get3A_550 {pack_format = #tpu.pack_format<interleaved>, positions = array<i32: 0, 1>} : vector<16xf32>, vector<16xf32> -> vector<32xbf16>
        %pack3A_569 = tpu.pack_subelements %mul3A_551, %mul3A_552 {pack_format = #tpu.pack_format<interleaved>, positions = array<i32: 0, 1>} : vector<16xf32>, vector<16xf32> -> vector<32xbf16>
        %pack3A_570 = tpu.pack_subelements %mul3A_553, %mul3A_554 {pack_format = #tpu.pack_format<interleaved>, positions = array<i32: 0, 1>} : vector<16xf32>, vector<16xf32> -> vector<32xbf16>
        %pack3A_571 = tpu.pack_subelements %get3A_557, %get3A_560 {pack_format = #tpu.pack_format<interleaved>, positions = array<i32: 0, 1>} : vector<16xf32>, vector<16xf32> -> vector<32xbf16>
        %pack3A_572 = tpu.pack_subelements %get3A_563, %get3A_566 {pack_format = #tpu.pack_format<interleaved>, positions = array<i32: 0, 1>} : vector<16xf32>, vector<16xf32> -> vector<32xbf16>
        %broadcast_in_dim3A_573 = vector.broadcast %squeeze3A_512 : i32 to vector<16xi32>
        %broadcast_in_dim3A_574 = vector.broadcast %squeeze3A_514 : i32 to vector<16xi32>
        %broadcast_in_dim3A_575 = arith.constant 0 : i32
        %broadcast_in_dim3A_576 = vector.broadcast %broadcast_in_dim3A_575 : i32 to vector<16xi32>
        %add3A_577 = arith.constant 0 : i32
        %add3A_578 = vector.broadcast %add3A_577 : i32 to vector<16xi32>
        %add3A_579 = arith.addi %iota3A, %add3A_578 : vector<16xi32>
        %lt3A_580 = arith.constant 20 : i32
        %lt3A_581 = vector.broadcast %lt3A_580 : i32 to vector<16xi32>
        %lt3A_582 = arith.cmpi slt, %add3A_579, %lt3A_581 : vector<16xi32>
        %lt3A_583 = arith.cmpi slt, %add3A_579, %broadcast_in_dim3A_573 : vector<16xi32>
        %sub3A_584 = arith.constant 20 : i32
        %sub3A_585 = vector.broadcast %sub3A_584 : i32 to vector<16xi32>
        %sub3A_586 = arith.subi %add3A_579, %sub3A_585 : vector<16xi32>
        %lt3A_587 = arith.cmpi slt, %sub3A_586, %broadcast_in_dim3A_574 : vector<16xi32>
        %select_n3A_588 = arith.select %lt3A_582, %lt3A_583, %lt3A_587 : vector<16xi1>, vector<16xi1>
        %convert_element_type3A_589 = arith.extui %select_n3A_588 : vector<16xi1> to vector<16xi32>
        %swap3A_590 = arith.index_cast %add3A_503 : i32 to index
        %swap3A_591 = arith.constant 0 : index
        %swap3A_592 = tpu.vector_load %arg26[%swap3A_590, %swap3A_591] {strides = array<i32>} : memref<8x224xi32, #tpu.memory_space<vmem>>, vector<16xi32>,
        tpu.vector_store %arg26[%swap3A_590, %swap3A_591], %convert_element_type3A_589 {strides = array<i32>} : memref<8x224xi32, #tpu.memory_space<vmem>>, vector<16xi32>,
        %select_n3A_593 = arith.select %lt3A_582, %convert_element_type3A_589, %broadcast_in_dim3A_576 : vector<16xi1>, vector<16xi32>
        %swap3A_594 = arith.index_cast %add3A_503 : i32 to index
        %swap3A_595 = arith.constant 0 : index
        %swap3A_596 = tpu.vector_load %arg27[%swap3A_594, %swap3A_595] {strides = array<i32>} : memref<8x224xi32, #tpu.memory_space<vmem>>, vector<16xi32>,
        tpu.vector_store %arg27[%swap3A_594, %swap3A_595], %select_n3A_593 {strides = array<i32>} : memref<8x224xi32, #tpu.memory_space<vmem>>, vector<16xi32>,
        %add3A_597 = arith.constant 16 : i32
        %add3A_598 = vector.broadcast %add3A_597 : i32 to vector<16xi32>
        %add3A_599 = arith.addi %iota3A, %add3A_598 : vector<16xi32>
        %lt3A_600 = arith.constant 20 : i32
        %lt3A_601 = vector.broadcast %lt3A_600 : i32 to vector<16xi32>
        %lt3A_602 = arith.cmpi slt, %add3A_599, %lt3A_601 : vector<16xi32>
        %lt3A_603 = arith.cmpi slt, %add3A_599, %broadcast_in_dim3A_573 : vector<16xi32>
        %sub3A_604 = arith.constant 20 : i32
        %sub3A_605 = vector.broadcast %sub3A_604 : i32 to vector<16xi32>
        %sub3A_606 = arith.subi %add3A_599, %sub3A_605 : vector<16xi32>
        %lt3A_607 = arith.cmpi slt, %sub3A_606, %broadcast_in_dim3A_574 : vector<16xi32>
        %select_n3A_608 = arith.select %lt3A_602, %lt3A_603, %lt3A_607 : vector<16xi1>, vector<16xi1>
        %convert_element_type3A_609 = arith.extui %select_n3A_608 : vector<16xi1> to vector<16xi32>
        %swap3A_610 = arith.index_cast %add3A_503 : i32 to index
        %swap3A_611 = arith.constant 16 : index
        %swap3A_612 = tpu.vector_load %arg26[%swap3A_610, %swap3A_611] {strides = array<i32>} : memref<8x224xi32, #tpu.memory_space<vmem>>, vector<16xi32>,
        tpu.vector_store %arg26[%swap3A_610, %swap3A_611], %convert_element_type3A_609 {strides = array<i32>} : memref<8x224xi32, #tpu.memory_space<vmem>>, vector<16xi32>,
        %select_n3A_613 = arith.select %lt3A_602, %convert_element_type3A_609, %broadcast_in_dim3A_576 : vector<16xi1>, vector<16xi32>
        %swap3A_614 = arith.index_cast %add3A_503 : i32 to index
        %swap3A_615 = arith.constant 16 : index
        %swap3A_616 = tpu.vector_load %arg27[%swap3A_614, %swap3A_615] {strides = array<i32>} : memref<8x224xi32, #tpu.memory_space<vmem>>, vector<16xi32>,
        tpu.vector_store %arg27[%swap3A_614, %swap3A_615], %select_n3A_613 {strides = array<i32>} : memref<8x224xi32, #tpu.memory_space<vmem>>, vector<16xi32>,
        %add3A_617 = arith.constant 32 : i32
        %add3A_618 = vector.broadcast %add3A_617 : i32 to vector<16xi32>
        %add3A_619 = arith.addi %iota3A, %add3A_618 : vector<16xi32>
        %lt3A_620 = arith.constant 20 : i32
        %lt3A_621 = vector.broadcast %lt3A_620 : i32 to vector<16xi32>
        %lt3A_622 = arith.cmpi slt, %add3A_619, %lt3A_621 : vector<16xi32>
        %lt3A_623 = arith.cmpi slt, %add3A_619, %broadcast_in_dim3A_573 : vector<16xi32>
        %sub3A_624 = arith.constant 20 : i32
        %sub3A_625 = vector.broadcast %sub3A_624 : i32 to vector<16xi32>
        %sub3A_626 = arith.subi %add3A_619, %sub3A_625 : vector<16xi32>
        %lt3A_627 = arith.cmpi slt, %sub3A_626, %broadcast_in_dim3A_574 : vector<16xi32>
        %select_n3A_628 = arith.select %lt3A_622, %lt3A_623, %lt3A_627 : vector<16xi1>, vector<16xi1>
        %convert_element_type3A_629 = arith.extui %select_n3A_628 : vector<16xi1> to vector<16xi32>
        %swap3A_630 = arith.index_cast %add3A_503 : i32 to index
        %swap3A_631 = arith.constant 32 : index
        %swap3A_632 = tpu.vector_load %arg26[%swap3A_630, %swap3A_631] {strides = array<i32>} : memref<8x224xi32, #tpu.memory_space<vmem>>, vector<16xi32>,
        tpu.vector_store %arg26[%swap3A_630, %swap3A_631], %convert_element_type3A_629 {strides = array<i32>} : memref<8x224xi32, #tpu.memory_space<vmem>>, vector<16xi32>,
        %select_n3A_633 = arith.select %lt3A_622, %convert_element_type3A_629, %broadcast_in_dim3A_576 : vector<16xi1>, vector<16xi32>
        %swap3A_634 = arith.index_cast %add3A_503 : i32 to index
        %swap3A_635 = arith.constant 32 : index
        %swap3A_636 = tpu.vector_load %arg27[%swap3A_634, %swap3A_635] {strides = array<i32>} : memref<8x224xi32, #tpu.memory_space<vmem>>, vector<16xi32>,
        tpu.vector_store %arg27[%swap3A_634, %swap3A_635], %select_n3A_633 {strides = array<i32>} : memref<8x224xi32, #tpu.memory_space<vmem>>, vector<16xi32>,
        %add3A_637 = arith.constant 48 : i32
        %add3A_638 = vector.broadcast %add3A_637 : i32 to vector<16xi32>
        %add3A_639 = arith.addi %iota3A, %add3A_638 : vector<16xi32>
        %lt3A_640 = arith.constant 20 : i32
        %lt3A_641 = vector.broadcast %lt3A_640 : i32 to vector<16xi32>
        %lt3A_642 = arith.cmpi slt, %add3A_639, %lt3A_641 : vector<16xi32>
        %lt3A_643 = arith.cmpi slt, %add3A_639, %broadcast_in_dim3A_573 : vector<16xi32>
        %sub3A_644 = arith.constant 20 : i32
        %sub3A_645 = vector.broadcast %sub3A_644 : i32 to vector<16xi32>
        %sub3A_646 = arith.subi %add3A_639, %sub3A_645 : vector<16xi32>
        %lt3A_647 = arith.cmpi slt, %sub3A_646, %broadcast_in_dim3A_574 : vector<16xi32>
        %select_n3A_648 = arith.select %lt3A_642, %lt3A_643, %lt3A_647 : vector<16xi1>, vector<16xi1>
        %convert_element_type3A_649 = arith.extui %select_n3A_648 : vector<16xi1> to vector<16xi32>
        %swap3A_650 = arith.index_cast %add3A_503 : i32 to index
        %swap3A_651 = arith.constant 48 : index
        %swap3A_652 = tpu.vector_load %arg26[%swap3A_650, %swap3A_651] {strides = array<i32>} : memref<8x224xi32, #tpu.memory_space<vmem>>, vector<16xi32>,
        tpu.vector_store %arg26[%swap3A_650, %swap3A_651], %convert_element_type3A_649 {strides = array<i32>} : memref<8x224xi32, #tpu.memory_space<vmem>>, vector<16xi32>,
        %select_n3A_653 = arith.select %lt3A_642, %convert_element_type3A_649, %broadcast_in_dim3A_576 : vector<16xi1>, vector<16xi32>
        %swap3A_654 = arith.index_cast %add3A_503 : i32 to index
        %swap3A_655 = arith.constant 48 : index
        %swap3A_656 = tpu.vector_load %arg27[%swap3A_654, %swap3A_655] {strides = array<i32>} : memref<8x224xi32, #tpu.memory_space<vmem>>, vector<16xi32>,
        tpu.vector_store %arg27[%swap3A_654, %swap3A_655], %select_n3A_653 {strides = array<i32>} : memref<8x224xi32, #tpu.memory_space<vmem>>, vector<16xi32>,
        %add3A_657 = arith.constant 64 : i32
        %add3A_658 = vector.broadcast %add3A_657 : i32 to vector<16xi32>
        %add3A_659 = arith.addi %iota3A, %add3A_658 : vector<16xi32>
        %lt3A_660 = arith.constant 20 : i32
        %lt3A_661 = vector.broadcast %lt3A_660 : i32 to vector<16xi32>
        %lt3A_662 = arith.cmpi slt, %add3A_659, %lt3A_661 : vector<16xi32>
        %lt3A_663 = arith.cmpi slt, %add3A_659, %broadcast_in_dim3A_573 : vector<16xi32>
        %sub3A_664 = arith.constant 20 : i32
        %sub3A_665 = vector.broadcast %sub3A_664 : i32 to vector<16xi32>
        %sub3A_666 = arith.subi %add3A_659, %sub3A_665 : vector<16xi32>
        %lt3A_667 = arith.cmpi slt, %sub3A_666, %broadcast_in_dim3A_574 : vector<16xi32>
        %select_n3A_668 = arith.select %lt3A_662, %lt3A_663, %lt3A_667 : vector<16xi1>, vector<16xi1>
        %convert_element_type3A_669 = arith.extui %select_n3A_668 : vector<16xi1> to vector<16xi32>
        %swap3A_670 = arith.index_cast %add3A_503 : i32 to index
        %swap3A_671 = arith.constant 64 : index
        %swap3A_672 = tpu.vector_load %arg26[%swap3A_670, %swap3A_671] {strides = array<i32>} : memref<8x224xi32, #tpu.memory_space<vmem>>, vector<16xi32>,
        tpu.vector_store %arg26[%swap3A_670, %swap3A_671], %convert_element_type3A_669 {strides = array<i32>} : memref<8x224xi32, #tpu.memory_space<vmem>>, vector<16xi32>,
        %select_n3A_673 = arith.select %lt3A_662, %convert_element_type3A_669, %broadcast_in_dim3A_576 : vector<16xi1>, vector<16xi32>
        %swap3A_674 = arith.index_cast %add3A_503 : i32 to index
        %swap3A_675 = arith.constant 64 : index
        %swap3A_676 = tpu.vector_load %arg27[%swap3A_674, %swap3A_675] {strides = array<i32>} : memref<8x224xi32, #tpu.memory_space<vmem>>, vector<16xi32>,
        tpu.vector_store %arg27[%swap3A_674, %swap3A_675], %select_n3A_673 {strides = array<i32>} : memref<8x224xi32, #tpu.memory_space<vmem>>, vector<16xi32>,
        %add3A_677 = arith.constant 80 : i32
        %add3A_678 = vector.broadcast %add3A_677 : i32 to vector<16xi32>
        %add3A_679 = arith.addi %iota3A, %add3A_678 : vector<16xi32>
        %lt3A_680 = arith.constant 20 : i32
        %lt3A_681 = vector.broadcast %lt3A_680 : i32 to vector<16xi32>
        %lt3A_682 = arith.cmpi slt, %add3A_679, %lt3A_681 : vector<16xi32>
        %lt3A_683 = arith.cmpi slt, %add3A_679, %broadcast_in_dim3A_573 : vector<16xi32>
        %sub3A_684 = arith.constant 20 : i32
        %sub3A_685 = vector.broadcast %sub3A_684 : i32 to vector<16xi32>
        %sub3A_686 = arith.subi %add3A_679, %sub3A_685 : vector<16xi32>
        %lt3A_687 = arith.cmpi slt, %sub3A_686, %broadcast_in_dim3A_574 : vector<16xi32>
        %select_n3A_688 = arith.select %lt3A_682, %lt3A_683, %lt3A_687 : vector<16xi1>, vector<16xi1>
        %convert_element_type3A_689 = arith.extui %select_n3A_688 : vector<16xi1> to vector<16xi32>
        %swap3A_690 = arith.index_cast %add3A_503 : i32 to index
        %swap3A_691 = arith.constant 80 : index
        %swap3A_692 = tpu.vector_load %arg26[%swap3A_690, %swap3A_691] {strides = array<i32>} : memref<8x224xi32, #tpu.memory_space<vmem>>, vector<16xi32>,
        tpu.vector_store %arg26[%swap3A_690, %swap3A_691], %convert_element_type3A_689 {strides = array<i32>} : memref<8x224xi32, #tpu.memory_space<vmem>>, vector<16xi32>,
        %select_n3A_693 = arith.select %lt3A_682, %convert_element_type3A_689, %broadcast_in_dim3A_576 : vector<16xi1>, vector<16xi32>
        %swap3A_694 = arith.index_cast %add3A_503 : i32 to index
        %swap3A_695 = arith.constant 80 : index
        %swap3A_696 = tpu.vector_load %arg27[%swap3A_694, %swap3A_695] {strides = array<i32>} : memref<8x224xi32, #tpu.memory_space<vmem>>, vector<16xi32>,
        tpu.vector_store %arg27[%swap3A_694, %swap3A_695], %select_n3A_693 {strides = array<i32>} : memref<8x224xi32, #tpu.memory_space<vmem>>, vector<16xi32>,
        %add3A_697 = arith.constant 96 : i32
        %add3A_698 = vector.broadcast %add3A_697 : i32 to vector<16xi32>
        %add3A_699 = arith.addi %iota3A, %add3A_698 : vector<16xi32>
        %lt3A_700 = arith.constant 20 : i32
        %lt3A_701 = vector.broadcast %lt3A_700 : i32 to vector<16xi32>
        %lt3A_702 = arith.cmpi slt, %add3A_699, %lt3A_701 : vector<16xi32>
        %lt3A_703 = arith.cmpi slt, %add3A_699, %broadcast_in_dim3A_573 : vector<16xi32>
        %sub3A_704 = arith.constant 20 : i32
        %sub3A_705 = vector.broadcast %sub3A_704 : i32 to vector<16xi32>
        %sub3A_706 = arith.subi %add3A_699, %sub3A_705 : vector<16xi32>
        %lt3A_707 = arith.cmpi slt, %sub3A_706, %broadcast_in_dim3A_574 : vector<16xi32>
        %select_n3A_708 = arith.select %lt3A_702, %lt3A_703, %lt3A_707 : vector<16xi1>, vector<16xi1>
        %convert_element_type3A_709 = arith.extui %select_n3A_708 : vector<16xi1> to vector<16xi32>
        %swap3A_710 = arith.index_cast %add3A_503 : i32 to index
        %swap3A_711 = arith.constant 96 : index
        %swap3A_712 = tpu.vector_load %arg26[%swap3A_710, %swap3A_711] {strides = array<i32>} : memref<8x224xi32, #tpu.memory_space<vmem>>, vector<16xi32>,
        tpu.vector_store %arg26[%swap3A_710, %swap3A_711], %convert_element_type3A_709 {strides = array<i32>} : memref<8x224xi32, #tpu.memory_space<vmem>>, vector<16xi32>,
        %select_n3A_713 = arith.select %lt3A_702, %convert_element_type3A_709, %broadcast_in_dim3A_576 : vector<16xi1>, vector<16xi32>
        %swap3A_714 = arith.index_cast %add3A_503 : i32 to index
        %swap3A_715 = arith.constant 96 : index
        %swap3A_716 = tpu.vector_load %arg27[%swap3A_714, %swap3A_715] {strides = array<i32>} : memref<8x224xi32, #tpu.memory_space<vmem>>, vector<16xi32>,
        tpu.vector_store %arg27[%swap3A_714, %swap3A_715], %select_n3A_713 {strides = array<i32>} : memref<8x224xi32, #tpu.memory_space<vmem>>, vector<16xi32>,
        %add3A_717 = arith.constant 112 : i32
        %add3A_718 = vector.broadcast %add3A_717 : i32 to vector<16xi32>
        %add3A_719 = arith.addi %iota3A, %add3A_718 : vector<16xi32>
        %lt3A_720 = arith.constant 20 : i32
        %lt3A_721 = vector.broadcast %lt3A_720 : i32 to vector<16xi32>
        %lt3A_722 = arith.cmpi slt, %add3A_719, %lt3A_721 : vector<16xi32>
        %lt3A_723 = arith.cmpi slt, %add3A_719, %broadcast_in_dim3A_573 : vector<16xi32>
        %sub3A_724 = arith.constant 20 : i32
        %sub3A_725 = vector.broadcast %sub3A_724 : i32 to vector<16xi32>
        %sub3A_726 = arith.subi %add3A_719, %sub3A_725 : vector<16xi32>
        %lt3A_727 = arith.cmpi slt, %sub3A_726, %broadcast_in_dim3A_574 : vector<16xi32>
        %select_n3A_728 = arith.select %lt3A_722, %lt3A_723, %lt3A_727 : vector<16xi1>, vector<16xi1>
        %convert_element_type3A_729 = arith.extui %select_n3A_728 : vector<16xi1> to vector<16xi32>
        %swap3A_730 = arith.index_cast %add3A_503 : i32 to index
        %swap3A_731 = arith.constant 112 : index
        %swap3A_732 = tpu.vector_load %arg26[%swap3A_730, %swap3A_731] {strides = array<i32>} : memref<8x224xi32, #tpu.memory_space<vmem>>, vector<16xi32>,
        tpu.vector_store %arg26[%swap3A_730, %swap3A_731], %convert_element_type3A_729 {strides = array<i32>} : memref<8x224xi32, #tpu.memory_space<vmem>>, vector<16xi32>,
        %select_n3A_733 = arith.select %lt3A_722, %convert_element_type3A_729, %broadcast_in_dim3A_576 : vector<16xi1>, vector<16xi32>
        %swap3A_734 = arith.index_cast %add3A_503 : i32 to index
        %swap3A_735 = arith.constant 112 : index
        %swap3A_736 = tpu.vector_load %arg27[%swap3A_734, %swap3A_735] {strides = array<i32>} : memref<8x224xi32, #tpu.memory_space<vmem>>, vector<16xi32>,
        tpu.vector_store %arg27[%swap3A_734, %swap3A_735], %select_n3A_733 {strides = array<i32>} : memref<8x224xi32, #tpu.memory_space<vmem>>, vector<16xi32>,
        %add3A_737 = arith.constant 128 : i32
        %add3A_738 = vector.broadcast %add3A_737 : i32 to vector<16xi32>
        %add3A_739 = arith.addi %iota3A, %add3A_738 : vector<16xi32>
        %lt3A_740 = arith.constant 20 : i32
        %lt3A_741 = vector.broadcast %lt3A_740 : i32 to vector<16xi32>
        %lt3A_742 = arith.cmpi slt, %add3A_739, %lt3A_741 : vector<16xi32>
        %lt3A_743 = arith.cmpi slt, %add3A_739, %broadcast_in_dim3A_573 : vector<16xi32>
        %sub3A_744 = arith.constant 20 : i32
        %sub3A_745 = vector.broadcast %sub3A_744 : i32 to vector<16xi32>
        %sub3A_746 = arith.subi %add3A_739, %sub3A_745 : vector<16xi32>
        %lt3A_747 = arith.cmpi slt, %sub3A_746, %broadcast_in_dim3A_574 : vector<16xi32>
        %select_n3A_748 = arith.select %lt3A_742, %lt3A_743, %lt3A_747 : vector<16xi1>, vector<16xi1>
        %convert_element_type3A_749 = arith.extui %select_n3A_748 : vector<16xi1> to vector<16xi32>
        %swap3A_750 = arith.index_cast %add3A_503 : i32 to index
        %swap3A_751 = arith.constant 128 : index
        %swap3A_752 = tpu.vector_load %arg26[%swap3A_750, %swap3A_751] {strides = array<i32>} : memref<8x224xi32, #tpu.memory_space<vmem>>, vector<16xi32>,
        tpu.vector_store %arg26[%swap3A_750, %swap3A_751], %convert_element_type3A_749 {strides = array<i32>} : memref<8x224xi32, #tpu.memory_space<vmem>>, vector<16xi32>,
        %select_n3A_753 = arith.select %lt3A_742, %convert_element_type3A_749, %broadcast_in_dim3A_576 : vector<16xi1>, vector<16xi32>
        %swap3A_754 = arith.index_cast %add3A_503 : i32 to index
        %swap3A_755 = arith.constant 128 : index
        %swap3A_756 = tpu.vector_load %arg27[%swap3A_754, %swap3A_755] {strides = array<i32>} : memref<8x224xi32, #tpu.memory_space<vmem>>, vector<16xi32>,
        tpu.vector_store %arg27[%swap3A_754, %swap3A_755], %select_n3A_753 {strides = array<i32>} : memref<8x224xi32, #tpu.memory_space<vmem>>, vector<16xi32>,
        %add3A_757 = arith.constant 144 : i32
        %add3A_758 = vector.broadcast %add3A_757 : i32 to vector<16xi32>
        %add3A_759 = arith.addi %iota3A, %add3A_758 : vector<16xi32>
        %lt3A_760 = arith.constant 20 : i32
        %lt3A_761 = vector.broadcast %lt3A_760 : i32 to vector<16xi32>
        %lt3A_762 = arith.cmpi slt, %add3A_759, %lt3A_761 : vector<16xi32>
        %lt3A_763 = arith.cmpi slt, %add3A_759, %broadcast_in_dim3A_573 : vector<16xi32>
        %sub3A_764 = arith.constant 20 : i32
        %sub3A_765 = vector.broadcast %sub3A_764 : i32 to vector<16xi32>
        %sub3A_766 = arith.subi %add3A_759, %sub3A_765 : vector<16xi32>
        %lt3A_767 = arith.cmpi slt, %sub3A_766, %broadcast_in_dim3A_574 : vector<16xi32>
        %select_n3A_768 = arith.select %lt3A_762, %lt3A_763, %lt3A_767 : vector<16xi1>, vector<16xi1>
        %convert_element_type3A_769 = arith.extui %select_n3A_768 : vector<16xi1> to vector<16xi32>
        %swap3A_770 = arith.index_cast %add3A_503 : i32 to index
        %swap3A_771 = arith.constant 144 : index
        %swap3A_772 = tpu.vector_load %arg26[%swap3A_770, %swap3A_771] {strides = array<i32>} : memref<8x224xi32, #tpu.memory_space<vmem>>, vector<16xi32>,
        tpu.vector_store %arg26[%swap3A_770, %swap3A_771], %convert_element_type3A_769 {strides = array<i32>} : memref<8x224xi32, #tpu.memory_space<vmem>>, vector<16xi32>,
        %select_n3A_773 = arith.select %lt3A_762, %convert_element_type3A_769, %broadcast_in_dim3A_576 : vector<16xi1>, vector<16xi32>
        %swap3A_774 = arith.index_cast %add3A_503 : i32 to index
        %swap3A_775 = arith.constant 144 : index
        %swap3A_776 = tpu.vector_load %arg27[%swap3A_774, %swap3A_775] {strides = array<i32>} : memref<8x224xi32, #tpu.memory_space<vmem>>, vector<16xi32>,
        tpu.vector_store %arg27[%swap3A_774, %swap3A_775], %select_n3A_773 {strides = array<i32>} : memref<8x224xi32, #tpu.memory_space<vmem>>, vector<16xi32>,
        %add3A_777 = arith.constant 160 : i32
        %add3A_778 = vector.broadcast %add3A_777 : i32 to vector<16xi32>
        %add3A_779 = arith.addi %iota3A, %add3A_778 : vector<16xi32>
        %lt3A_780 = arith.constant 20 : i32
        %lt3A_781 = vector.broadcast %lt3A_780 : i32 to vector<16xi32>
        %lt3A_782 = arith.cmpi slt, %add3A_779, %lt3A_781 : vector<16xi32>
        %lt3A_783 = arith.cmpi slt, %add3A_779, %broadcast_in_dim3A_573 : vector<16xi32>
        %sub3A_784 = arith.constant 20 : i32
        %sub3A_785 = vector.broadcast %sub3A_784 : i32 to vector<16xi32>
        %sub3A_786 = arith.subi %add3A_779, %sub3A_785 : vector<16xi32>
        %lt3A_787 = arith.cmpi slt, %sub3A_786, %broadcast_in_dim3A_574 : vector<16xi32>
        %select_n3A_788 = arith.select %lt3A_782, %lt3A_783, %lt3A_787 : vector<16xi1>, vector<16xi1>
        %convert_element_type3A_789 = arith.extui %select_n3A_788 : vector<16xi1> to vector<16xi32>
        %swap3A_790 = arith.index_cast %add3A_503 : i32 to index
        %swap3A_791 = arith.constant 160 : index
        %swap3A_792 = tpu.vector_load %arg26[%swap3A_790, %swap3A_791] {strides = array<i32>} : memref<8x224xi32, #tpu.memory_space<vmem>>, vector<16xi32>,
        tpu.vector_store %arg26[%swap3A_790, %swap3A_791], %convert_element_type3A_789 {strides = array<i32>} : memref<8x224xi32, #tpu.memory_space<vmem>>, vector<16xi32>,
        %select_n3A_793 = arith.select %lt3A_782, %convert_element_type3A_789, %broadcast_in_dim3A_576 : vector<16xi1>, vector<16xi32>
        %swap3A_794 = arith.index_cast %add3A_503 : i32 to index
        %swap3A_795 = arith.constant 160 : index
        %swap3A_796 = tpu.vector_load %arg27[%swap3A_794, %swap3A_795] {strides = array<i32>} : memref<8x224xi32, #tpu.memory_space<vmem>>, vector<16xi32>,
        tpu.vector_store %arg27[%swap3A_794, %swap3A_795], %select_n3A_793 {strides = array<i32>} : memref<8x224xi32, #tpu.memory_space<vmem>>, vector<16xi32>,
        %add3A_797 = arith.constant 176 : i32
        %add3A_798 = vector.broadcast %add3A_797 : i32 to vector<16xi32>
        %add3A_799 = arith.addi %iota3A, %add3A_798 : vector<16xi32>
        %lt3A_800 = arith.constant 20 : i32
        %lt3A_801 = vector.broadcast %lt3A_800 : i32 to vector<16xi32>
        %lt3A_802 = arith.cmpi slt, %add3A_799, %lt3A_801 : vector<16xi32>
        %lt3A_803 = arith.cmpi slt, %add3A_799, %broadcast_in_dim3A_573 : vector<16xi32>
        %sub3A_804 = arith.constant 20 : i32
        %sub3A_805 = vector.broadcast %sub3A_804 : i32 to vector<16xi32>
        %sub3A_806 = arith.subi %add3A_799, %sub3A_805 : vector<16xi32>
        %lt3A_807 = arith.cmpi slt, %sub3A_806, %broadcast_in_dim3A_574 : vector<16xi32>
        %select_n3A_808 = arith.select %lt3A_802, %lt3A_803, %lt3A_807 : vector<16xi1>, vector<16xi1>
        %convert_element_type3A_809 = arith.extui %select_n3A_808 : vector<16xi1> to vector<16xi32>
        %swap3A_810 = arith.index_cast %add3A_503 : i32 to index
        %swap3A_811 = arith.constant 176 : index
        %swap3A_812 = tpu.vector_load %arg26[%swap3A_810, %swap3A_811] {strides = array<i32>} : memref<8x224xi32, #tpu.memory_space<vmem>>, vector<16xi32>,
        tpu.vector_store %arg26[%swap3A_810, %swap3A_811], %convert_element_type3A_809 {strides = array<i32>} : memref<8x224xi32, #tpu.memory_space<vmem>>, vector<16xi32>,
        %select_n3A_813 = arith.select %lt3A_802, %convert_element_type3A_809, %broadcast_in_dim3A_576 : vector<16xi1>, vector<16xi32>
        %swap3A_814 = arith.index_cast %add3A_503 : i32 to index
        %swap3A_815 = arith.constant 176 : index
        %swap3A_816 = tpu.vector_load %arg27[%swap3A_814, %swap3A_815] {strides = array<i32>} : memref<8x224xi32, #tpu.memory_space<vmem>>, vector<16xi32>,
        tpu.vector_store %arg27[%swap3A_814, %swap3A_815], %select_n3A_813 {strides = array<i32>} : memref<8x224xi32, #tpu.memory_space<vmem>>, vector<16xi32>,
        %add3A_817 = arith.constant 192 : i32
        %add3A_818 = vector.broadcast %add3A_817 : i32 to vector<16xi32>
        %add3A_819 = arith.addi %iota3A, %add3A_818 : vector<16xi32>
        %lt3A_820 = arith.constant 20 : i32
        %lt3A_821 = vector.broadcast %lt3A_820 : i32 to vector<16xi32>
        %lt3A_822 = arith.cmpi slt, %add3A_819, %lt3A_821 : vector<16xi32>
        %lt3A_823 = arith.cmpi slt, %add3A_819, %broadcast_in_dim3A_573 : vector<16xi32>
        %sub3A_824 = arith.constant 20 : i32
        %sub3A_825 = vector.broadcast %sub3A_824 : i32 to vector<16xi32>
        %sub3A_826 = arith.subi %add3A_819, %sub3A_825 : vector<16xi32>
        %lt3A_827 = arith.cmpi slt, %sub3A_826, %broadcast_in_dim3A_574 : vector<16xi32>
        %select_n3A_828 = arith.select %lt3A_822, %lt3A_823, %lt3A_827 : vector<16xi1>, vector<16xi1>
        %convert_element_type3A_829 = arith.extui %select_n3A_828 : vector<16xi1> to vector<16xi32>
        %swap3A_830 = arith.index_cast %add3A_503 : i32 to index
        %swap3A_831 = arith.constant 192 : index
        %swap3A_832 = tpu.vector_load %arg26[%swap3A_830, %swap3A_831] {strides = array<i32>} : memref<8x224xi32, #tpu.memory_space<vmem>>, vector<16xi32>,
        tpu.vector_store %arg26[%swap3A_830, %swap3A_831], %convert_element_type3A_829 {strides = array<i32>} : memref<8x224xi32, #tpu.memory_space<vmem>>, vector<16xi32>,
        %select_n3A_833 = arith.select %lt3A_822, %convert_element_type3A_829, %broadcast_in_dim3A_576 : vector<16xi1>, vector<16xi32>
        %swap3A_834 = arith.index_cast %add3A_503 : i32 to index
        %swap3A_835 = arith.constant 192 : index
        %swap3A_836 = tpu.vector_load %arg27[%swap3A_834, %swap3A_835] {strides = array<i32>} : memref<8x224xi32, #tpu.memory_space<vmem>>, vector<16xi32>,
        tpu.vector_store %arg27[%swap3A_834, %swap3A_835], %select_n3A_833 {strides = array<i32>} : memref<8x224xi32, #tpu.memory_space<vmem>>, vector<16xi32>,
        %add3A_837 = arith.constant 208 : i32
        %add3A_838 = vector.broadcast %add3A_837 : i32 to vector<16xi32>
        %add3A_839 = arith.addi %iota3A, %add3A_838 : vector<16xi32>
        %lt3A_840 = arith.constant 20 : i32
        %lt3A_841 = vector.broadcast %lt3A_840 : i32 to vector<16xi32>
        %lt3A_842 = arith.cmpi slt, %add3A_839, %lt3A_841 : vector<16xi32>
        %lt3A_843 = arith.cmpi slt, %add3A_839, %broadcast_in_dim3A_573 : vector<16xi32>
        %sub3A_844 = arith.constant 20 : i32
        %sub3A_845 = vector.broadcast %sub3A_844 : i32 to vector<16xi32>
        %sub3A_846 = arith.subi %add3A_839, %sub3A_845 : vector<16xi32>
        %lt3A_847 = arith.cmpi slt, %sub3A_846, %broadcast_in_dim3A_574 : vector<16xi32>
        %select_n3A_848 = arith.select %lt3A_842, %lt3A_843, %lt3A_847 : vector<16xi1>, vector<16xi1>
        %convert_element_type3A_849 = arith.extui %select_n3A_848 : vector<16xi1> to vector<16xi32>
        %swap3A_850 = arith.index_cast %add3A_503 : i32 to index
        %swap3A_851 = arith.constant 208 : index
        %swap3A_852 = tpu.vector_load %arg26[%swap3A_850, %swap3A_851] {strides = array<i32>} : memref<8x224xi32, #tpu.memory_space<vmem>>, vector<16xi32>,
        tpu.vector_store %arg26[%swap3A_850, %swap3A_851], %convert_element_type3A_849 {strides = array<i32>} : memref<8x224xi32, #tpu.memory_space<vmem>>, vector<16xi32>,
        %select_n3A_853 = arith.select %lt3A_842, %convert_element_type3A_849, %broadcast_in_dim3A_576 : vector<16xi1>, vector<16xi32>
        %swap3A_854 = arith.index_cast %add3A_503 : i32 to index
        %swap3A_855 = arith.constant 208 : index
        %swap3A_856 = tpu.vector_load %arg27[%swap3A_854, %swap3A_855] {strides = array<i32>} : memref<8x224xi32, #tpu.memory_space<vmem>>, vector<16xi32>,
        tpu.vector_store %arg27[%swap3A_854, %swap3A_855], %select_n3A_853 {strides = array<i32>} : memref<8x224xi32, #tpu.memory_space<vmem>>, vector<16xi32>,
        %scan3A_857 = arith.constant 0 : i32
        %scan3A_858 = arith.constant 0 : i32
        %scan3A_859 = arith.constant 14 : i32
        %scan3A_860 = arith.addi %scan3A_858, %scan3A_859 : i32
        %scan3A_861 = arith.constant 1 : i32
        %scan3A_862 = scf.for %scan3A_865 = %scan3A_858 to %scan3A_860 step %scan3A_861 iter_args(%scan3A_866 = %scan3A_857) -> (i32)  : i32 {
          %mul3A_867 = arith.constant 16 : i32
          %mul3A_868 = arith.muli %scan3A_865, %mul3A_867 : i32
          %broadcast_in_dim3A_869 = arith.constant 0.000000e+00 : f32
          %broadcast_in_dim3A_870 = vector.broadcast %broadcast_in_dim3A_869 : f32 to vector<16xf32>
          %add3A_871 = arith.constant 0 : i32
          %add3A_872 = arith.addi %mul3A_868, %add3A_871 : i32
          %get3A_873 = arith.index_cast %add3A_872 : i32 to index
          %get3A_874 = arith.constant 0 : index
          %get3A_875 = tpu.vector_load %arg24[%get3A_873, %get3A_874] {strides = array<i32>} : memref<224x192xbf16, #tpu.memory_space<vmem>>, vector<32xbf16>,
          %mul3A_876 = arith.mulf %get3A_875, %pack3A_567 : vector<32xbf16>
          %get3A_877 = arith.index_cast %add3A_872 : i32 to index
          %get3A_878 = arith.constant 32 : index
          %get3A_879 = tpu.vector_load %arg24[%get3A_877, %get3A_878] {strides = array<i32>} : memref<224x192xbf16, #tpu.memory_space<vmem>>, vector<32xbf16>,
          %mul3A_880 = arith.mulf %get3A_879, %pack3A_568 : vector<32xbf16>
          %get3A_881 = arith.index_cast %add3A_872 : i32 to index
          %get3A_882 = arith.constant 64 : index
          %get3A_883 = tpu.vector_load %arg24[%get3A_881, %get3A_882] {strides = array<i32>} : memref<224x192xbf16, #tpu.memory_space<vmem>>, vector<32xbf16>,
          %mul3A_884 = arith.mulf %get3A_883, %pack3A_569 : vector<32xbf16>
          %get3A_885 = arith.index_cast %add3A_872 : i32 to index
          %get3A_886 = arith.constant 96 : index
          %get3A_887 = tpu.vector_load %arg24[%get3A_885, %get3A_886] {strides = array<i32>} : memref<224x192xbf16, #tpu.memory_space<vmem>>, vector<32xbf16>,
          %mul3A_888 = arith.mulf %get3A_887, %pack3A_570 : vector<32xbf16>
          %get3A_889 = arith.index_cast %add3A_872 : i32 to index
          %get3A_890 = arith.constant 128 : index
          %get3A_891 = tpu.vector_load %arg24[%get3A_889, %get3A_890] {strides = array<i32>} : memref<224x192xbf16, #tpu.memory_space<vmem>>, vector<32xbf16>,
          %mul3A_892 = arith.mulf %get3A_891, %pack3A_571 : vector<32xbf16>
          %get3A_893 = arith.index_cast %add3A_872 : i32 to index
          %get3A_894 = arith.constant 160 : index
          %get3A_895 = tpu.vector_load %arg24[%get3A_893, %get3A_894] {strides = array<i32>} : memref<224x192xbf16, #tpu.memory_space<vmem>>, vector<32xbf16>,
          %mul3A_896 = arith.mulf %get3A_895, %pack3A_572 : vector<32xbf16>
          %add3A_897 = arith.addf %mul3A_876, %mul3A_880 : vector<32xbf16>
          %add3A_898 = arith.addf %mul3A_884, %mul3A_888 : vector<32xbf16>
          %add3A_899 = arith.addf %add3A_897, %add3A_898 : vector<32xbf16>
          %add3A_900 = arith.addf %mul3A_892, %mul3A_896 : vector<32xbf16>
          %add3A_901 = arith.addf %add3A_899, %add3A_900 : vector<32xbf16>
          %unpack3A = tpu.unpack_subelements %add3A_901, 0 {pack_format = #tpu.pack_format<interleaved>} : vector<32xbf16> -> vector<16xf32>
          %unpack3A_902 = tpu.unpack_subelements %add3A_901, 1 {pack_format = #tpu.pack_format<interleaved>} : vector<32xbf16> -> vector<16xf32>
          %add3A_903 = arith.addf %unpack3A, %unpack3A_902 : vector<16xf32>
          %reduce_sum3A = arith.constant true
          %reduce_sum3A_904 = vector.broadcast %reduce_sum3A : i1 to vector<16xi1>
          %reduce_sum3A_905 = tpu.scan <sum>, %add3A_903 masked %reduce_sum3A_904 : vector<16xf32>, vector<16xi1> -> vector<16xf32>
          %reduce_sum3A_906 = vector.extract %reduce_sum3A_905[15] : f32 from vector<16xf32>
          %broadcast_in_dim3A_907 = vector.broadcast %reduce_sum3A_906 : f32 to vector<16xf32>
          %eq3A = arith.constant 0 : i32
          %eq3A_908 = vector.broadcast %eq3A : i32 to vector<16xi32>
          %eq3A_909 = arith.cmpi eq, %iota3A, %eq3A_908 : vector<16xi32>
          %select_n3A_910 = arith.select %eq3A_909, %broadcast_in_dim3A_907, %broadcast_in_dim3A_870 : vector<16xi1>, vector<16xf32>
          %add3A_911 = arith.constant 1 : i32
          %add3A_912 = arith.addi %mul3A_868, %add3A_911 : i32
          %get3A_913 = arith.index_cast %add3A_912 : i32 to index
          %get3A_914 = arith.constant 0 : index
          %get3A_915 = tpu.vector_load %arg24[%get3A_913, %get3A_914] {strides = array<i32>} : memref<224x192xbf16, #tpu.memory_space<vmem>>, vector<32xbf16>,
          %mul3A_916 = arith.mulf %get3A_915, %pack3A_567 : vector<32xbf16>
          %get3A_917 = arith.index_cast %add3A_912 : i32 to index
          %get3A_918 = arith.constant 32 : index
          %get3A_919 = tpu.vector_load %arg24[%get3A_917, %get3A_918] {strides = array<i32>} : memref<224x192xbf16, #tpu.memory_space<vmem>>, vector<32xbf16>,
          %mul3A_920 = arith.mulf %get3A_919, %pack3A_568 : vector<32xbf16>
          %get3A_921 = arith.index_cast %add3A_912 : i32 to index
          %get3A_922 = arith.constant 64 : index
          %get3A_923 = tpu.vector_load %arg24[%get3A_921, %get3A_922] {strides = array<i32>} : memref<224x192xbf16, #tpu.memory_space<vmem>>, vector<32xbf16>,
          %mul3A_924 = arith.mulf %get3A_923, %pack3A_569 : vector<32xbf16>
          %get3A_925 = arith.index_cast %add3A_912 : i32 to index
          %get3A_926 = arith.constant 96 : index
          %get3A_927 = tpu.vector_load %arg24[%get3A_925, %get3A_926] {strides = array<i32>} : memref<224x192xbf16, #tpu.memory_space<vmem>>, vector<32xbf16>,
          %mul3A_928 = arith.mulf %get3A_927, %pack3A_570 : vector<32xbf16>
          %get3A_929 = arith.index_cast %add3A_912 : i32 to index
          %get3A_930 = arith.constant 128 : index
          %get3A_931 = tpu.vector_load %arg24[%get3A_929, %get3A_930] {strides = array<i32>} : memref<224x192xbf16, #tpu.memory_space<vmem>>, vector<32xbf16>,
          %mul3A_932 = arith.mulf %get3A_931, %pack3A_571 : vector<32xbf16>
          %get3A_933 = arith.index_cast %add3A_912 : i32 to index
          %get3A_934 = arith.constant 160 : index
          %get3A_935 = tpu.vector_load %arg24[%get3A_933, %get3A_934] {strides = array<i32>} : memref<224x192xbf16, #tpu.memory_space<vmem>>, vector<32xbf16>,
          %mul3A_936 = arith.mulf %get3A_935, %pack3A_572 : vector<32xbf16>
          %add3A_937 = arith.addf %mul3A_916, %mul3A_920 : vector<32xbf16>
          %add3A_938 = arith.addf %mul3A_924, %mul3A_928 : vector<32xbf16>
          %add3A_939 = arith.addf %add3A_937, %add3A_938 : vector<32xbf16>
          %add3A_940 = arith.addf %mul3A_932, %mul3A_936 : vector<32xbf16>
          %add3A_941 = arith.addf %add3A_939, %add3A_940 : vector<32xbf16>
          %unpack3A_942 = tpu.unpack_subelements %add3A_941, 0 {pack_format = #tpu.pack_format<interleaved>} : vector<32xbf16> -> vector<16xf32>
          %unpack3A_943 = tpu.unpack_subelements %add3A_941, 1 {pack_format = #tpu.pack_format<interleaved>} : vector<32xbf16> -> vector<16xf32>
          %add3A_944 = arith.addf %unpack3A_942, %unpack3A_943 : vector<16xf32>
          %reduce_sum3A_945 = arith.constant true
          %reduce_sum3A_946 = vector.broadcast %reduce_sum3A_945 : i1 to vector<16xi1>
          %reduce_sum3A_947 = tpu.scan <sum>, %add3A_944 masked %reduce_sum3A_946 : vector<16xf32>, vector<16xi1> -> vector<16xf32>
          %reduce_sum3A_948 = vector.extract %reduce_sum3A_947[15] : f32 from vector<16xf32>
          %broadcast_in_dim3A_949 = vector.broadcast %reduce_sum3A_948 : f32 to vector<16xf32>
          %eq3A_950 = arith.constant 1 : i32
          %eq3A_951 = vector.broadcast %eq3A_950 : i32 to vector<16xi32>
          %eq3A_952 = arith.cmpi eq, %iota3A, %eq3A_951 : vector<16xi32>
          %select_n3A_953 = arith.select %eq3A_952, %broadcast_in_dim3A_949, %select_n3A_910 : vector<16xi1>, vector<16xf32>
          %add3A_954 = arith.constant 2 : i32
          %add3A_955 = arith.addi %mul3A_868, %add3A_954 : i32
          %get3A_956 = arith.index_cast %add3A_955 : i32 to index
          %get3A_957 = arith.constant 0 : index
          %get3A_958 = tpu.vector_load %arg24[%get3A_956, %get3A_957] {strides = array<i32>} : memref<224x192xbf16, #tpu.memory_space<vmem>>, vector<32xbf16>,
          %mul3A_959 = arith.mulf %get3A_958, %pack3A_567 : vector<32xbf16>
          %get3A_960 = arith.index_cast %add3A_955 : i32 to index
          %get3A_961 = arith.constant 32 : index
          %get3A_962 = tpu.vector_load %arg24[%get3A_960, %get3A_961] {strides = array<i32>} : memref<224x192xbf16, #tpu.memory_space<vmem>>, vector<32xbf16>,
          %mul3A_963 = arith.mulf %get3A_962, %pack3A_568 : vector<32xbf16>
          %get3A_964 = arith.index_cast %add3A_955 : i32 to index
          %get3A_965 = arith.constant 64 : index
          %get3A_966 = tpu.vector_load %arg24[%get3A_964, %get3A_965] {strides = array<i32>} : memref<224x192xbf16, #tpu.memory_space<vmem>>, vector<32xbf16>,
          %mul3A_967 = arith.mulf %get3A_966, %pack3A_569 : vector<32xbf16>
          %get3A_968 = arith.index_cast %add3A_955 : i32 to index
          %get3A_969 = arith.constant 96 : index
          %get3A_970 = tpu.vector_load %arg24[%get3A_968, %get3A_969] {strides = array<i32>} : memref<224x192xbf16, #tpu.memory_space<vmem>>, vector<32xbf16>,
          %mul3A_971 = arith.mulf %get3A_970, %pack3A_570 : vector<32xbf16>
          %get3A_972 = arith.index_cast %add3A_955 : i32 to index
          %get3A_973 = arith.constant 128 : index
          %get3A_974 = tpu.vector_load %arg24[%get3A_972, %get3A_973] {strides = array<i32>} : memref<224x192xbf16, #tpu.memory_space<vmem>>, vector<32xbf16>,
          %mul3A_975 = arith.mulf %get3A_974, %pack3A_571 : vector<32xbf16>
          %get3A_976 = arith.index_cast %add3A_955 : i32 to index
          %get3A_977 = arith.constant 160 : index
          %get3A_978 = tpu.vector_load %arg24[%get3A_976, %get3A_977] {strides = array<i32>} : memref<224x192xbf16, #tpu.memory_space<vmem>>, vector<32xbf16>,
          %mul3A_979 = arith.mulf %get3A_978, %pack3A_572 : vector<32xbf16>
          %add3A_980 = arith.addf %mul3A_959, %mul3A_963 : vector<32xbf16>
          %add3A_981 = arith.addf %mul3A_967, %mul3A_971 : vector<32xbf16>
          %add3A_982 = arith.addf %add3A_980, %add3A_981 : vector<32xbf16>
          %add3A_983 = arith.addf %mul3A_975, %mul3A_979 : vector<32xbf16>
          %add3A_984 = arith.addf %add3A_982, %add3A_983 : vector<32xbf16>
          %unpack3A_985 = tpu.unpack_subelements %add3A_984, 0 {pack_format = #tpu.pack_format<interleaved>} : vector<32xbf16> -> vector<16xf32>
          %unpack3A_986 = tpu.unpack_subelements %add3A_984, 1 {pack_format = #tpu.pack_format<interleaved>} : vector<32xbf16> -> vector<16xf32>
          %add3A_987 = arith.addf %unpack3A_985, %unpack3A_986 : vector<16xf32>
          %reduce_sum3A_988 = arith.constant true
          %reduce_sum3A_989 = vector.broadcast %reduce_sum3A_988 : i1 to vector<16xi1>
          %reduce_sum3A_990 = tpu.scan <sum>, %add3A_987 masked %reduce_sum3A_989 : vector<16xf32>, vector<16xi1> -> vector<16xf32>
          %reduce_sum3A_991 = vector.extract %reduce_sum3A_990[15] : f32 from vector<16xf32>
          %broadcast_in_dim3A_992 = vector.broadcast %reduce_sum3A_991 : f32 to vector<16xf32>
          %eq3A_993 = arith.constant 2 : i32
          %eq3A_994 = vector.broadcast %eq3A_993 : i32 to vector<16xi32>
          %eq3A_995 = arith.cmpi eq, %iota3A, %eq3A_994 : vector<16xi32>
          %select_n3A_996 = arith.select %eq3A_995, %broadcast_in_dim3A_992, %select_n3A_953 : vector<16xi1>, vector<16xf32>
          %add3A_997 = arith.constant 3 : i32
          %add3A_998 = arith.addi %mul3A_868, %add3A_997 : i32
          %get3A_999 = arith.index_cast %add3A_998 : i32 to index
          %get3A_1000 = arith.constant 0 : index
          %get3A_1001 = tpu.vector_load %arg24[%get3A_999, %get3A_1000] {strides = array<i32>} : memref<224x192xbf16, #tpu.memory_space<vmem>>, vector<32xbf16>,
          %mul3A_1002 = arith.mulf %get3A_1001, %pack3A_567 : vector<32xbf16>
          %get3A_1003 = arith.index_cast %add3A_998 : i32 to index
          %get3A_1004 = arith.constant 32 : index
          %get3A_1005 = tpu.vector_load %arg24[%get3A_1003, %get3A_1004] {strides = array<i32>} : memref<224x192xbf16, #tpu.memory_space<vmem>>, vector<32xbf16>,
          %mul3A_1006 = arith.mulf %get3A_1005, %pack3A_568 : vector<32xbf16>
          %get3A_1007 = arith.index_cast %add3A_998 : i32 to index
          %get3A_1008 = arith.constant 64 : index
          %get3A_1009 = tpu.vector_load %arg24[%get3A_1007, %get3A_1008] {strides = array<i32>} : memref<224x192xbf16, #tpu.memory_space<vmem>>, vector<32xbf16>,
          %mul3A_1010 = arith.mulf %get3A_1009, %pack3A_569 : vector<32xbf16>
          %get3A_1011 = arith.index_cast %add3A_998 : i32 to index
          %get3A_1012 = arith.constant 96 : index
          %get3A_1013 = tpu.vector_load %arg24[%get3A_1011, %get3A_1012] {strides = array<i32>} : memref<224x192xbf16, #tpu.memory_space<vmem>>, vector<32xbf16>,
          %mul3A_1014 = arith.mulf %get3A_1013, %pack3A_570 : vector<32xbf16>
          %get3A_1015 = arith.index_cast %add3A_998 : i32 to index
          %get3A_1016 = arith.constant 128 : index
          %get3A_1017 = tpu.vector_load %arg24[%get3A_1015, %get3A_1016] {strides = array<i32>} : memref<224x192xbf16, #tpu.memory_space<vmem>>, vector<32xbf16>,
          %mul3A_1018 = arith.mulf %get3A_1017, %pack3A_571 : vector<32xbf16>
          %get3A_1019 = arith.index_cast %add3A_998 : i32 to index
          %get3A_1020 = arith.constant 160 : index
          %get3A_1021 = tpu.vector_load %arg24[%get3A_1019, %get3A_1020] {strides = array<i32>} : memref<224x192xbf16, #tpu.memory_space<vmem>>, vector<32xbf16>,
          %mul3A_1022 = arith.mulf %get3A_1021, %pack3A_572 : vector<32xbf16>
          %add3A_1023 = arith.addf %mul3A_1002, %mul3A_1006 : vector<32xbf16>
          %add3A_1024 = arith.addf %mul3A_1010, %mul3A_1014 : vector<32xbf16>
          %add3A_1025 = arith.addf %add3A_1023, %add3A_1024 : vector<32xbf16>
          %add3A_1026 = arith.addf %mul3A_1018, %mul3A_1022 : vector<32xbf16>
          %add3A_1027 = arith.addf %add3A_1025, %add3A_1026 : vector<32xbf16>
          %unpack3A_1028 = tpu.unpack_subelements %add3A_1027, 0 {pack_format = #tpu.pack_format<interleaved>} : vector<32xbf16> -> vector<16xf32>
          %unpack3A_1029 = tpu.unpack_subelements %add3A_1027, 1 {pack_format = #tpu.pack_format<interleaved>} : vector<32xbf16> -> vector<16xf32>
          %add3A_1030 = arith.addf %unpack3A_1028, %unpack3A_1029 : vector<16xf32>
          %reduce_sum3A_1031 = arith.constant true
          %reduce_sum3A_1032 = vector.broadcast %reduce_sum3A_1031 : i1 to vector<16xi1>
          %reduce_sum3A_1033 = tpu.scan <sum>, %add3A_1030 masked %reduce_sum3A_1032 : vector<16xf32>, vector<16xi1> -> vector<16xf32>
          %reduce_sum3A_1034 = vector.extract %reduce_sum3A_1033[15] : f32 from vector<16xf32>
          %broadcast_in_dim3A_1035 = vector.broadcast %reduce_sum3A_1034 : f32 to vector<16xf32>
          %eq3A_1036 = arith.constant 3 : i32
          %eq3A_1037 = vector.broadcast %eq3A_1036 : i32 to vector<16xi32>
          %eq3A_1038 = arith.cmpi eq, %iota3A, %eq3A_1037 : vector<16xi32>
          %select_n3A_1039 = arith.select %eq3A_1038, %broadcast_in_dim3A_1035, %select_n3A_996 : vector<16xi1>, vector<16xf32>
          %add3A_1040 = arith.constant 4 : i32
          %add3A_1041 = arith.addi %mul3A_868, %add3A_1040 : i32
          %get3A_1042 = arith.index_cast %add3A_1041 : i32 to index
          %get3A_1043 = arith.constant 0 : index
          %get3A_1044 = tpu.vector_load %arg24[%get3A_1042, %get3A_1043] {strides = array<i32>} : memref<224x192xbf16, #tpu.memory_space<vmem>>, vector<32xbf16>,
          %mul3A_1045 = arith.mulf %get3A_1044, %pack3A_567 : vector<32xbf16>
          %get3A_1046 = arith.index_cast %add3A_1041 : i32 to index
          %get3A_1047 = arith.constant 32 : index
          %get3A_1048 = tpu.vector_load %arg24[%get3A_1046, %get3A_1047] {strides = array<i32>} : memref<224x192xbf16, #tpu.memory_space<vmem>>, vector<32xbf16>,
          %mul3A_1049 = arith.mulf %get3A_1048, %pack3A_568 : vector<32xbf16>
          %get3A_1050 = arith.index_cast %add3A_1041 : i32 to index
          %get3A_1051 = arith.constant 64 : index
          %get3A_1052 = tpu.vector_load %arg24[%get3A_1050, %get3A_1051] {strides = array<i32>} : memref<224x192xbf16, #tpu.memory_space<vmem>>, vector<32xbf16>,
          %mul3A_1053 = arith.mulf %get3A_1052, %pack3A_569 : vector<32xbf16>
          %get3A_1054 = arith.index_cast %add3A_1041 : i32 to index
          %get3A_1055 = arith.constant 96 : index
          %get3A_1056 = tpu.vector_load %arg24[%get3A_1054, %get3A_1055] {strides = array<i32>} : memref<224x192xbf16, #tpu.memory_space<vmem>>, vector<32xbf16>,
          %mul3A_1057 = arith.mulf %get3A_1056, %pack3A_570 : vector<32xbf16>
          %get3A_1058 = arith.index_cast %add3A_1041 : i32 to index
          %get3A_1059 = arith.constant 128 : index
          %get3A_1060 = tpu.vector_load %arg24[%get3A_1058, %get3A_1059] {strides = array<i32>} : memref<224x192xbf16, #tpu.memory_space<vmem>>, vector<32xbf16>,
          %mul3A_1061 = arith.mulf %get3A_1060, %pack3A_571 : vector<32xbf16>
          %get3A_1062 = arith.index_cast %add3A_1041 : i32 to index
          %get3A_1063 = arith.constant 160 : index
          %get3A_1064 = tpu.vector_load %arg24[%get3A_1062, %get3A_1063] {strides = array<i32>} : memref<224x192xbf16, #tpu.memory_space<vmem>>, vector<32xbf16>,
          %mul3A_1065 = arith.mulf %get3A_1064, %pack3A_572 : vector<32xbf16>
          %add3A_1066 = arith.addf %mul3A_1045, %mul3A_1049 : vector<32xbf16>
          %add3A_1067 = arith.addf %mul3A_1053, %mul3A_1057 : vector<32xbf16>
          %add3A_1068 = arith.addf %add3A_1066, %add3A_1067 : vector<32xbf16>
          %add3A_1069 = arith.addf %mul3A_1061, %mul3A_1065 : vector<32xbf16>
          %add3A_1070 = arith.addf %add3A_1068, %add3A_1069 : vector<32xbf16>
          %unpack3A_1071 = tpu.unpack_subelements %add3A_1070, 0 {pack_format = #tpu.pack_format<interleaved>} : vector<32xbf16> -> vector<16xf32>
          %unpack3A_1072 = tpu.unpack_subelements %add3A_1070, 1 {pack_format = #tpu.pack_format<interleaved>} : vector<32xbf16> -> vector<16xf32>
          %add3A_1073 = arith.addf %unpack3A_1071, %unpack3A_1072 : vector<16xf32>
          %reduce_sum3A_1074 = arith.constant true
          %reduce_sum3A_1075 = vector.broadcast %reduce_sum3A_1074 : i1 to vector<16xi1>
          %reduce_sum3A_1076 = tpu.scan <sum>, %add3A_1073 masked %reduce_sum3A_1075 : vector<16xf32>, vector<16xi1> -> vector<16xf32>
          %reduce_sum3A_1077 = vector.extract %reduce_sum3A_1076[15] : f32 from vector<16xf32>
          %broadcast_in_dim3A_1078 = vector.broadcast %reduce_sum3A_1077 : f32 to vector<16xf32>
          %eq3A_1079 = arith.constant 4 : i32
          %eq3A_1080 = vector.broadcast %eq3A_1079 : i32 to vector<16xi32>
          %eq3A_1081 = arith.cmpi eq, %iota3A, %eq3A_1080 : vector<16xi32>
          %select_n3A_1082 = arith.select %eq3A_1081, %broadcast_in_dim3A_1078, %select_n3A_1039 : vector<16xi1>, vector<16xf32>
          %add3A_1083 = arith.constant 5 : i32
          %add3A_1084 = arith.addi %mul3A_868, %add3A_1083 : i32
          %get3A_1085 = arith.index_cast %add3A_1084 : i32 to index
          %get3A_1086 = arith.constant 0 : index
          %get3A_1087 = tpu.vector_load %arg24[%get3A_1085, %get3A_1086] {strides = array<i32>} : memref<224x192xbf16, #tpu.memory_space<vmem>>, vector<32xbf16>,
          %mul3A_1088 = arith.mulf %get3A_1087, %pack3A_567 : vector<32xbf16>
          %get3A_1089 = arith.index_cast %add3A_1084 : i32 to index
          %get3A_1090 = arith.constant 32 : index
          %get3A_1091 = tpu.vector_load %arg24[%get3A_1089, %get3A_1090] {strides = array<i32>} : memref<224x192xbf16, #tpu.memory_space<vmem>>, vector<32xbf16>,
          %mul3A_1092 = arith.mulf %get3A_1091, %pack3A_568 : vector<32xbf16>
          %get3A_1093 = arith.index_cast %add3A_1084 : i32 to index
          %get3A_1094 = arith.constant 64 : index
          %get3A_1095 = tpu.vector_load %arg24[%get3A_1093, %get3A_1094] {strides = array<i32>} : memref<224x192xbf16, #tpu.memory_space<vmem>>, vector<32xbf16>,
          %mul3A_1096 = arith.mulf %get3A_1095, %pack3A_569 : vector<32xbf16>
          %get3A_1097 = arith.index_cast %add3A_1084 : i32 to index
          %get3A_1098 = arith.constant 96 : index
          %get3A_1099 = tpu.vector_load %arg24[%get3A_1097, %get3A_1098] {strides = array<i32>} : memref<224x192xbf16, #tpu.memory_space<vmem>>, vector<32xbf16>,
          %mul3A_1100 = arith.mulf %get3A_1099, %pack3A_570 : vector<32xbf16>
          %get3A_1101 = arith.index_cast %add3A_1084 : i32 to index
          %get3A_1102 = arith.constant 128 : index
          %get3A_1103 = tpu.vector_load %arg24[%get3A_1101, %get3A_1102] {strides = array<i32>} : memref<224x192xbf16, #tpu.memory_space<vmem>>, vector<32xbf16>,
          %mul3A_1104 = arith.mulf %get3A_1103, %pack3A_571 : vector<32xbf16>
          %get3A_1105 = arith.index_cast %add3A_1084 : i32 to index
          %get3A_1106 = arith.constant 160 : index
          %get3A_1107 = tpu.vector_load %arg24[%get3A_1105, %get3A_1106] {strides = array<i32>} : memref<224x192xbf16, #tpu.memory_space<vmem>>, vector<32xbf16>,
          %mul3A_1108 = arith.mulf %get3A_1107, %pack3A_572 : vector<32xbf16>
          %add3A_1109 = arith.addf %mul3A_1088, %mul3A_1092 : vector<32xbf16>
          %add3A_1110 = arith.addf %mul3A_1096, %mul3A_1100 : vector<32xbf16>
          %add3A_1111 = arith.addf %add3A_1109, %add3A_1110 : vector<32xbf16>
          %add3A_1112 = arith.addf %mul3A_1104, %mul3A_1108 : vector<32xbf16>
          %add3A_1113 = arith.addf %add3A_1111, %add3A_1112 : vector<32xbf16>
          %unpack3A_1114 = tpu.unpack_subelements %add3A_1113, 0 {pack_format = #tpu.pack_format<interleaved>} : vector<32xbf16> -> vector<16xf32>
          %unpack3A_1115 = tpu.unpack_subelements %add3A_1113, 1 {pack_format = #tpu.pack_format<interleaved>} : vector<32xbf16> -> vector<16xf32>
          %add3A_1116 = arith.addf %unpack3A_1114, %unpack3A_1115 : vector<16xf32>
          %reduce_sum3A_1117 = arith.constant true
          %reduce_sum3A_1118 = vector.broadcast %reduce_sum3A_1117 : i1 to vector<16xi1>
          %reduce_sum3A_1119 = tpu.scan <sum>, %add3A_1116 masked %reduce_sum3A_1118 : vector<16xf32>, vector<16xi1> -> vector<16xf32>
          %reduce_sum3A_1120 = vector.extract %reduce_sum3A_1119[15] : f32 from vector<16xf32>
          %broadcast_in_dim3A_1121 = vector.broadcast %reduce_sum3A_1120 : f32 to vector<16xf32>
          %eq3A_1122 = arith.constant 5 : i32
          %eq3A_1123 = vector.broadcast %eq3A_1122 : i32 to vector<16xi32>
          %eq3A_1124 = arith.cmpi eq, %iota3A, %eq3A_1123 : vector<16xi32>
          %select_n3A_1125 = arith.select %eq3A_1124, %broadcast_in_dim3A_1121, %select_n3A_1082 : vector<16xi1>, vector<16xf32>
          %add3A_1126 = arith.constant 6 : i32
          %add3A_1127 = arith.addi %mul3A_868, %add3A_1126 : i32
          %get3A_1128 = arith.index_cast %add3A_1127 : i32 to index
          %get3A_1129 = arith.constant 0 : index
          %get3A_1130 = tpu.vector_load %arg24[%get3A_1128, %get3A_1129] {strides = array<i32>} : memref<224x192xbf16, #tpu.memory_space<vmem>>, vector<32xbf16>,
          %mul3A_1131 = arith.mulf %get3A_1130, %pack3A_567 : vector<32xbf16>
          %get3A_1132 = arith.index_cast %add3A_1127 : i32 to index
          %get3A_1133 = arith.constant 32 : index
          %get3A_1134 = tpu.vector_load %arg24[%get3A_1132, %get3A_1133] {strides = array<i32>} : memref<224x192xbf16, #tpu.memory_space<vmem>>, vector<32xbf16>,
          %mul3A_1135 = arith.mulf %get3A_1134, %pack3A_568 : vector<32xbf16>
          %get3A_1136 = arith.index_cast %add3A_1127 : i32 to index
          %get3A_1137 = arith.constant 64 : index
          %get3A_1138 = tpu.vector_load %arg24[%get3A_1136, %get3A_1137] {strides = array<i32>} : memref<224x192xbf16, #tpu.memory_space<vmem>>, vector<32xbf16>,
          %mul3A_1139 = arith.mulf %get3A_1138, %pack3A_569 : vector<32xbf16>
          %get3A_1140 = arith.index_cast %add3A_1127 : i32 to index
          %get3A_1141 = arith.constant 96 : index
          %get3A_1142 = tpu.vector_load %arg24[%get3A_1140, %get3A_1141] {strides = array<i32>} : memref<224x192xbf16, #tpu.memory_space<vmem>>, vector<32xbf16>,
          %mul3A_1143 = arith.mulf %get3A_1142, %pack3A_570 : vector<32xbf16>
          %get3A_1144 = arith.index_cast %add3A_1127 : i32 to index
          %get3A_1145 = arith.constant 128 : index
          %get3A_1146 = tpu.vector_load %arg24[%get3A_1144, %get3A_1145] {strides = array<i32>} : memref<224x192xbf16, #tpu.memory_space<vmem>>, vector<32xbf16>,
          %mul3A_1147 = arith.mulf %get3A_1146, %pack3A_571 : vector<32xbf16>
          %get3A_1148 = arith.index_cast %add3A_1127 : i32 to index
          %get3A_1149 = arith.constant 160 : index
          %get3A_1150 = tpu.vector_load %arg24[%get3A_1148, %get3A_1149] {strides = array<i32>} : memref<224x192xbf16, #tpu.memory_space<vmem>>, vector<32xbf16>,
          %mul3A_1151 = arith.mulf %get3A_1150, %pack3A_572 : vector<32xbf16>
          %add3A_1152 = arith.addf %mul3A_1131, %mul3A_1135 : vector<32xbf16>
          %add3A_1153 = arith.addf %mul3A_1139, %mul3A_1143 : vector<32xbf16>
          %add3A_1154 = arith.addf %add3A_1152, %add3A_1153 : vector<32xbf16>
          %add3A_1155 = arith.addf %mul3A_1147, %mul3A_1151 : vector<32xbf16>
          %add3A_1156 = arith.addf %add3A_1154, %add3A_1155 : vector<32xbf16>
          %unpack3A_1157 = tpu.unpack_subelements %add3A_1156, 0 {pack_format = #tpu.pack_format<interleaved>} : vector<32xbf16> -> vector<16xf32>
          %unpack3A_1158 = tpu.unpack_subelements %add3A_1156, 1 {pack_format = #tpu.pack_format<interleaved>} : vector<32xbf16> -> vector<16xf32>
          %add3A_1159 = arith.addf %unpack3A_1157, %unpack3A_1158 : vector<16xf32>
          %reduce_sum3A_1160 = arith.constant true
          %reduce_sum3A_1161 = vector.broadcast %reduce_sum3A_1160 : i1 to vector<16xi1>
          %reduce_sum3A_1162 = tpu.scan <sum>, %add3A_1159 masked %reduce_sum3A_1161 : vector<16xf32>, vector<16xi1> -> vector<16xf32>
          %reduce_sum3A_1163 = vector.extract %reduce_sum3A_1162[15] : f32 from vector<16xf32>
          %broadcast_in_dim3A_1164 = vector.broadcast %reduce_sum3A_1163 : f32 to vector<16xf32>
          %eq3A_1165 = arith.constant 6 : i32
          %eq3A_1166 = vector.broadcast %eq3A_1165 : i32 to vector<16xi32>
          %eq3A_1167 = arith.cmpi eq, %iota3A, %eq3A_1166 : vector<16xi32>
          %select_n3A_1168 = arith.select %eq3A_1167, %broadcast_in_dim3A_1164, %select_n3A_1125 : vector<16xi1>, vector<16xf32>
          %add3A_1169 = arith.constant 7 : i32
          %add3A_1170 = arith.addi %mul3A_868, %add3A_1169 : i32
          %get3A_1171 = arith.index_cast %add3A_1170 : i32 to index
          %get3A_1172 = arith.constant 0 : index
          %get3A_1173 = tpu.vector_load %arg24[%get3A_1171, %get3A_1172] {strides = array<i32>} : memref<224x192xbf16, #tpu.memory_space<vmem>>, vector<32xbf16>,
          %mul3A_1174 = arith.mulf %get3A_1173, %pack3A_567 : vector<32xbf16>
          %get3A_1175 = arith.index_cast %add3A_1170 : i32 to index
          %get3A_1176 = arith.constant 32 : index
          %get3A_1177 = tpu.vector_load %arg24[%get3A_1175, %get3A_1176] {strides = array<i32>} : memref<224x192xbf16, #tpu.memory_space<vmem>>, vector<32xbf16>,
          %mul3A_1178 = arith.mulf %get3A_1177, %pack3A_568 : vector<32xbf16>
          %get3A_1179 = arith.index_cast %add3A_1170 : i32 to index
          %get3A_1180 = arith.constant 64 : index
          %get3A_1181 = tpu.vector_load %arg24[%get3A_1179, %get3A_1180] {strides = array<i32>} : memref<224x192xbf16, #tpu.memory_space<vmem>>, vector<32xbf16>,
          %mul3A_1182 = arith.mulf %get3A_1181, %pack3A_569 : vector<32xbf16>
          %get3A_1183 = arith.index_cast %add3A_1170 : i32 to index
          %get3A_1184 = arith.constant 96 : index
          %get3A_1185 = tpu.vector_load %arg24[%get3A_1183, %get3A_1184] {strides = array<i32>} : memref<224x192xbf16, #tpu.memory_space<vmem>>, vector<32xbf16>,
          %mul3A_1186 = arith.mulf %get3A_1185, %pack3A_570 : vector<32xbf16>
          %get3A_1187 = arith.index_cast %add3A_1170 : i32 to index
          %get3A_1188 = arith.constant 128 : index
          %get3A_1189 = tpu.vector_load %arg24[%get3A_1187, %get3A_1188] {strides = array<i32>} : memref<224x192xbf16, #tpu.memory_space<vmem>>, vector<32xbf16>,
          %mul3A_1190 = arith.mulf %get3A_1189, %pack3A_571 : vector<32xbf16>
          %get3A_1191 = arith.index_cast %add3A_1170 : i32 to index
          %get3A_1192 = arith.constant 160 : index
          %get3A_1193 = tpu.vector_load %arg24[%get3A_1191, %get3A_1192] {strides = array<i32>} : memref<224x192xbf16, #tpu.memory_space<vmem>>, vector<32xbf16>,
          %mul3A_1194 = arith.mulf %get3A_1193, %pack3A_572 : vector<32xbf16>
          %add3A_1195 = arith.addf %mul3A_1174, %mul3A_1178 : vector<32xbf16>
          %add3A_1196 = arith.addf %mul3A_1182, %mul3A_1186 : vector<32xbf16>
          %add3A_1197 = arith.addf %add3A_1195, %add3A_1196 : vector<32xbf16>
          %add3A_1198 = arith.addf %mul3A_1190, %mul3A_1194 : vector<32xbf16>
          %add3A_1199 = arith.addf %add3A_1197, %add3A_1198 : vector<32xbf16>
          %unpack3A_1200 = tpu.unpack_subelements %add3A_1199, 0 {pack_format = #tpu.pack_format<interleaved>} : vector<32xbf16> -> vector<16xf32>
          %unpack3A_1201 = tpu.unpack_subelements %add3A_1199, 1 {pack_format = #tpu.pack_format<interleaved>} : vector<32xbf16> -> vector<16xf32>
          %add3A_1202 = arith.addf %unpack3A_1200, %unpack3A_1201 : vector<16xf32>
          %reduce_sum3A_1203 = arith.constant true
          %reduce_sum3A_1204 = vector.broadcast %reduce_sum3A_1203 : i1 to vector<16xi1>
          %reduce_sum3A_1205 = tpu.scan <sum>, %add3A_1202 masked %reduce_sum3A_1204 : vector<16xf32>, vector<16xi1> -> vector<16xf32>
          %reduce_sum3A_1206 = vector.extract %reduce_sum3A_1205[15] : f32 from vector<16xf32>
          %broadcast_in_dim3A_1207 = vector.broadcast %reduce_sum3A_1206 : f32 to vector<16xf32>
          %eq3A_1208 = arith.constant 7 : i32
          %eq3A_1209 = vector.broadcast %eq3A_1208 : i32 to vector<16xi32>
          %eq3A_1210 = arith.cmpi eq, %iota3A, %eq3A_1209 : vector<16xi32>
          %select_n3A_1211 = arith.select %eq3A_1210, %broadcast_in_dim3A_1207, %select_n3A_1168 : vector<16xi1>, vector<16xf32>
          %add3A_1212 = arith.constant 8 : i32
          %add3A_1213 = arith.addi %mul3A_868, %add3A_1212 : i32
          %get3A_1214 = arith.index_cast %add3A_1213 : i32 to index
          %get3A_1215 = arith.constant 0 : index
          %get3A_1216 = tpu.vector_load %arg24[%get3A_1214, %get3A_1215] {strides = array<i32>} : memref<224x192xbf16, #tpu.memory_space<vmem>>, vector<32xbf16>,
          %mul3A_1217 = arith.mulf %get3A_1216, %pack3A_567 : vector<32xbf16>
          %get3A_1218 = arith.index_cast %add3A_1213 : i32 to index
          %get3A_1219 = arith.constant 32 : index
          %get3A_1220 = tpu.vector_load %arg24[%get3A_1218, %get3A_1219] {strides = array<i32>} : memref<224x192xbf16, #tpu.memory_space<vmem>>, vector<32xbf16>,
          %mul3A_1221 = arith.mulf %get3A_1220, %pack3A_568 : vector<32xbf16>
          %get3A_1222 = arith.index_cast %add3A_1213 : i32 to index
          %get3A_1223 = arith.constant 64 : index
          %get3A_1224 = tpu.vector_load %arg24[%get3A_1222, %get3A_1223] {strides = array<i32>} : memref<224x192xbf16, #tpu.memory_space<vmem>>, vector<32xbf16>,
          %mul3A_1225 = arith.mulf %get3A_1224, %pack3A_569 : vector<32xbf16>
          %get3A_1226 = arith.index_cast %add3A_1213 : i32 to index
          %get3A_1227 = arith.constant 96 : index
          %get3A_1228 = tpu.vector_load %arg24[%get3A_1226, %get3A_1227] {strides = array<i32>} : memref<224x192xbf16, #tpu.memory_space<vmem>>, vector<32xbf16>,
          %mul3A_1229 = arith.mulf %get3A_1228, %pack3A_570 : vector<32xbf16>
          %get3A_1230 = arith.index_cast %add3A_1213 : i32 to index
          %get3A_1231 = arith.constant 128 : index
          %get3A_1232 = tpu.vector_load %arg24[%get3A_1230, %get3A_1231] {strides = array<i32>} : memref<224x192xbf16, #tpu.memory_space<vmem>>, vector<32xbf16>,
          %mul3A_1233 = arith.mulf %get3A_1232, %pack3A_571 : vector<32xbf16>
          %get3A_1234 = arith.index_cast %add3A_1213 : i32 to index
          %get3A_1235 = arith.constant 160 : index
          %get3A_1236 = tpu.vector_load %arg24[%get3A_1234, %get3A_1235] {strides = array<i32>} : memref<224x192xbf16, #tpu.memory_space<vmem>>, vector<32xbf16>,
          %mul3A_1237 = arith.mulf %get3A_1236, %pack3A_572 : vector<32xbf16>
          %add3A_1238 = arith.addf %mul3A_1217, %mul3A_1221 : vector<32xbf16>
          %add3A_1239 = arith.addf %mul3A_1225, %mul3A_1229 : vector<32xbf16>
          %add3A_1240 = arith.addf %add3A_1238, %add3A_1239 : vector<32xbf16>
          %add3A_1241 = arith.addf %mul3A_1233, %mul3A_1237 : vector<32xbf16>
          %add3A_1242 = arith.addf %add3A_1240, %add3A_1241 : vector<32xbf16>
          %unpack3A_1243 = tpu.unpack_subelements %add3A_1242, 0 {pack_format = #tpu.pack_format<interleaved>} : vector<32xbf16> -> vector<16xf32>
          %unpack3A_1244 = tpu.unpack_subelements %add3A_1242, 1 {pack_format = #tpu.pack_format<interleaved>} : vector<32xbf16> -> vector<16xf32>
          %add3A_1245 = arith.addf %unpack3A_1243, %unpack3A_1244 : vector<16xf32>
          %reduce_sum3A_1246 = arith.constant true
          %reduce_sum3A_1247 = vector.broadcast %reduce_sum3A_1246 : i1 to vector<16xi1>
          %reduce_sum3A_1248 = tpu.scan <sum>, %add3A_1245 masked %reduce_sum3A_1247 : vector<16xf32>, vector<16xi1> -> vector<16xf32>
          %reduce_sum3A_1249 = vector.extract %reduce_sum3A_1248[15] : f32 from vector<16xf32>
          %broadcast_in_dim3A_1250 = vector.broadcast %reduce_sum3A_1249 : f32 to vector<16xf32>
          %eq3A_1251 = arith.constant 8 : i32
          %eq3A_1252 = vector.broadcast %eq3A_1251 : i32 to vector<16xi32>
          %eq3A_1253 = arith.cmpi eq, %iota3A, %eq3A_1252 : vector<16xi32>
          %select_n3A_1254 = arith.select %eq3A_1253, %broadcast_in_dim3A_1250, %select_n3A_1211 : vector<16xi1>, vector<16xf32>
          %add3A_1255 = arith.constant 9 : i32
          %add3A_1256 = arith.addi %mul3A_868, %add3A_1255 : i32
          %get3A_1257 = arith.index_cast %add3A_1256 : i32 to index
          %get3A_1258 = arith.constant 0 : index
          %get3A_1259 = tpu.vector_load %arg24[%get3A_1257, %get3A_1258] {strides = array<i32>} : memref<224x192xbf16, #tpu.memory_space<vmem>>, vector<32xbf16>,
          %mul3A_1260 = arith.mulf %get3A_1259, %pack3A_567 : vector<32xbf16>
          %get3A_1261 = arith.index_cast %add3A_1256 : i32 to index
          %get3A_1262 = arith.constant 32 : index
          %get3A_1263 = tpu.vector_load %arg24[%get3A_1261, %get3A_1262] {strides = array<i32>} : memref<224x192xbf16, #tpu.memory_space<vmem>>, vector<32xbf16>,
          %mul3A_1264 = arith.mulf %get3A_1263, %pack3A_568 : vector<32xbf16>
          %get3A_1265 = arith.index_cast %add3A_1256 : i32 to index
          %get3A_1266 = arith.constant 64 : index
          %get3A_1267 = tpu.vector_load %arg24[%get3A_1265, %get3A_1266] {strides = array<i32>} : memref<224x192xbf16, #tpu.memory_space<vmem>>, vector<32xbf16>,
          %mul3A_1268 = arith.mulf %get3A_1267, %pack3A_569 : vector<32xbf16>
          %get3A_1269 = arith.index_cast %add3A_1256 : i32 to index
          %get3A_1270 = arith.constant 96 : index
          %get3A_1271 = tpu.vector_load %arg24[%get3A_1269, %get3A_1270] {strides = array<i32>} : memref<224x192xbf16, #tpu.memory_space<vmem>>, vector<32xbf16>,
          %mul3A_1272 = arith.mulf %get3A_1271, %pack3A_570 : vector<32xbf16>
          %get3A_1273 = arith.index_cast %add3A_1256 : i32 to index
          %get3A_1274 = arith.constant 128 : index
          %get3A_1275 = tpu.vector_load %arg24[%get3A_1273, %get3A_1274] {strides = array<i32>} : memref<224x192xbf16, #tpu.memory_space<vmem>>, vector<32xbf16>,
          %mul3A_1276 = arith.mulf %get3A_1275, %pack3A_571 : vector<32xbf16>
          %get3A_1277 = arith.index_cast %add3A_1256 : i32 to index
          %get3A_1278 = arith.constant 160 : index
          %get3A_1279 = tpu.vector_load %arg24[%get3A_1277, %get3A_1278] {strides = array<i32>} : memref<224x192xbf16, #tpu.memory_space<vmem>>, vector<32xbf16>,
          %mul3A_1280 = arith.mulf %get3A_1279, %pack3A_572 : vector<32xbf16>
          %add3A_1281 = arith.addf %mul3A_1260, %mul3A_1264 : vector<32xbf16>
          %add3A_1282 = arith.addf %mul3A_1268, %mul3A_1272 : vector<32xbf16>
          %add3A_1283 = arith.addf %add3A_1281, %add3A_1282 : vector<32xbf16>
          %add3A_1284 = arith.addf %mul3A_1276, %mul3A_1280 : vector<32xbf16>
          %add3A_1285 = arith.addf %add3A_1283, %add3A_1284 : vector<32xbf16>
          %unpack3A_1286 = tpu.unpack_subelements %add3A_1285, 0 {pack_format = #tpu.pack_format<interleaved>} : vector<32xbf16> -> vector<16xf32>
          %unpack3A_1287 = tpu.unpack_subelements %add3A_1285, 1 {pack_format = #tpu.pack_format<interleaved>} : vector<32xbf16> -> vector<16xf32>
          %add3A_1288 = arith.addf %unpack3A_1286, %unpack3A_1287 : vector<16xf32>
          %reduce_sum3A_1289 = arith.constant true
          %reduce_sum3A_1290 = vector.broadcast %reduce_sum3A_1289 : i1 to vector<16xi1>
          %reduce_sum3A_1291 = tpu.scan <sum>, %add3A_1288 masked %reduce_sum3A_1290 : vector<16xf32>, vector<16xi1> -> vector<16xf32>
          %reduce_sum3A_1292 = vector.extract %reduce_sum3A_1291[15] : f32 from vector<16xf32>
          %broadcast_in_dim3A_1293 = vector.broadcast %reduce_sum3A_1292 : f32 to vector<16xf32>
          %eq3A_1294 = arith.constant 9 : i32
          %eq3A_1295 = vector.broadcast %eq3A_1294 : i32 to vector<16xi32>
          %eq3A_1296 = arith.cmpi eq, %iota3A, %eq3A_1295 : vector<16xi32>
          %select_n3A_1297 = arith.select %eq3A_1296, %broadcast_in_dim3A_1293, %select_n3A_1254 : vector<16xi1>, vector<16xf32>
          %add3A_1298 = arith.constant 10 : i32
          %add3A_1299 = arith.addi %mul3A_868, %add3A_1298 : i32
          %get3A_1300 = arith.index_cast %add3A_1299 : i32 to index
          %get3A_1301 = arith.constant 0 : index
          %get3A_1302 = tpu.vector_load %arg24[%get3A_1300, %get3A_1301] {strides = array<i32>} : memref<224x192xbf16, #tpu.memory_space<vmem>>, vector<32xbf16>,
          %mul3A_1303 = arith.mulf %get3A_1302, %pack3A_567 : vector<32xbf16>
          %get3A_1304 = arith.index_cast %add3A_1299 : i32 to index
          %get3A_1305 = arith.constant 32 : index
          %get3A_1306 = tpu.vector_load %arg24[%get3A_1304, %get3A_1305] {strides = array<i32>} : memref<224x192xbf16, #tpu.memory_space<vmem>>, vector<32xbf16>,
          %mul3A_1307 = arith.mulf %get3A_1306, %pack3A_568 : vector<32xbf16>
          %get3A_1308 = arith.index_cast %add3A_1299 : i32 to index
          %get3A_1309 = arith.constant 64 : index
          %get3A_1310 = tpu.vector_load %arg24[%get3A_1308, %get3A_1309] {strides = array<i32>} : memref<224x192xbf16, #tpu.memory_space<vmem>>, vector<32xbf16>,
          %mul3A_1311 = arith.mulf %get3A_1310, %pack3A_569 : vector<32xbf16>
          %get3A_1312 = arith.index_cast %add3A_1299 : i32 to index
          %get3A_1313 = arith.constant 96 : index
          %get3A_1314 = tpu.vector_load %arg24[%get3A_1312, %get3A_1313] {strides = array<i32>} : memref<224x192xbf16, #tpu.memory_space<vmem>>, vector<32xbf16>,
          %mul3A_1315 = arith.mulf %get3A_1314, %pack3A_570 : vector<32xbf16>
          %get3A_1316 = arith.index_cast %add3A_1299 : i32 to index
          %get3A_1317 = arith.constant 128 : index
          %get3A_1318 = tpu.vector_load %arg24[%get3A_1316, %get3A_1317] {strides = array<i32>} : memref<224x192xbf16, #tpu.memory_space<vmem>>, vector<32xbf16>,
          %mul3A_1319 = arith.mulf %get3A_1318, %pack3A_571 : vector<32xbf16>
          %get3A_1320 = arith.index_cast %add3A_1299 : i32 to index
          %get3A_1321 = arith.constant 160 : index
          %get3A_1322 = tpu.vector_load %arg24[%get3A_1320, %get3A_1321] {strides = array<i32>} : memref<224x192xbf16, #tpu.memory_space<vmem>>, vector<32xbf16>,
          %mul3A_1323 = arith.mulf %get3A_1322, %pack3A_572 : vector<32xbf16>
          %add3A_1324 = arith.addf %mul3A_1303, %mul3A_1307 : vector<32xbf16>
          %add3A_1325 = arith.addf %mul3A_1311, %mul3A_1315 : vector<32xbf16>
          %add3A_1326 = arith.addf %add3A_1324, %add3A_1325 : vector<32xbf16>
          %add3A_1327 = arith.addf %mul3A_1319, %mul3A_1323 : vector<32xbf16>
          %add3A_1328 = arith.addf %add3A_1326, %add3A_1327 : vector<32xbf16>
          %unpack3A_1329 = tpu.unpack_subelements %add3A_1328, 0 {pack_format = #tpu.pack_format<interleaved>} : vector<32xbf16> -> vector<16xf32>
          %unpack3A_1330 = tpu.unpack_subelements %add3A_1328, 1 {pack_format = #tpu.pack_format<interleaved>} : vector<32xbf16> -> vector<16xf32>
          %add3A_1331 = arith.addf %unpack3A_1329, %unpack3A_1330 : vector<16xf32>
          %reduce_sum3A_1332 = arith.constant true
          %reduce_sum3A_1333 = vector.broadcast %reduce_sum3A_1332 : i1 to vector<16xi1>
          %reduce_sum3A_1334 = tpu.scan <sum>, %add3A_1331 masked %reduce_sum3A_1333 : vector<16xf32>, vector<16xi1> -> vector<16xf32>
          %reduce_sum3A_1335 = vector.extract %reduce_sum3A_1334[15] : f32 from vector<16xf32>
          %broadcast_in_dim3A_1336 = vector.broadcast %reduce_sum3A_1335 : f32 to vector<16xf32>
          %eq3A_1337 = arith.constant 10 : i32
          %eq3A_1338 = vector.broadcast %eq3A_1337 : i32 to vector<16xi32>
          %eq3A_1339 = arith.cmpi eq, %iota3A, %eq3A_1338 : vector<16xi32>
          %select_n3A_1340 = arith.select %eq3A_1339, %broadcast_in_dim3A_1336, %select_n3A_1297 : vector<16xi1>, vector<16xf32>
          %add3A_1341 = arith.constant 11 : i32
          %add3A_1342 = arith.addi %mul3A_868, %add3A_1341 : i32
          %get3A_1343 = arith.index_cast %add3A_1342 : i32 to index
          %get3A_1344 = arith.constant 0 : index
          %get3A_1345 = tpu.vector_load %arg24[%get3A_1343, %get3A_1344] {strides = array<i32>} : memref<224x192xbf16, #tpu.memory_space<vmem>>, vector<32xbf16>,
          %mul3A_1346 = arith.mulf %get3A_1345, %pack3A_567 : vector<32xbf16>
          %get3A_1347 = arith.index_cast %add3A_1342 : i32 to index
          %get3A_1348 = arith.constant 32 : index
          %get3A_1349 = tpu.vector_load %arg24[%get3A_1347, %get3A_1348] {strides = array<i32>} : memref<224x192xbf16, #tpu.memory_space<vmem>>, vector<32xbf16>,
          %mul3A_1350 = arith.mulf %get3A_1349, %pack3A_568 : vector<32xbf16>
          %get3A_1351 = arith.index_cast %add3A_1342 : i32 to index
          %get3A_1352 = arith.constant 64 : index
          %get3A_1353 = tpu.vector_load %arg24[%get3A_1351, %get3A_1352] {strides = array<i32>} : memref<224x192xbf16, #tpu.memory_space<vmem>>, vector<32xbf16>,
          %mul3A_1354 = arith.mulf %get3A_1353, %pack3A_569 : vector<32xbf16>
          %get3A_1355 = arith.index_cast %add3A_1342 : i32 to index
          %get3A_1356 = arith.constant 96 : index
          %get3A_1357 = tpu.vector_load %arg24[%get3A_1355, %get3A_1356] {strides = array<i32>} : memref<224x192xbf16, #tpu.memory_space<vmem>>, vector<32xbf16>,
          %mul3A_1358 = arith.mulf %get3A_1357, %pack3A_570 : vector<32xbf16>
          %get3A_1359 = arith.index_cast %add3A_1342 : i32 to index
          %get3A_1360 = arith.constant 128 : index
          %get3A_1361 = tpu.vector_load %arg24[%get3A_1359, %get3A_1360] {strides = array<i32>} : memref<224x192xbf16, #tpu.memory_space<vmem>>, vector<32xbf16>,
          %mul3A_1362 = arith.mulf %get3A_1361, %pack3A_571 : vector<32xbf16>
          %get3A_1363 = arith.index_cast %add3A_1342 : i32 to index
          %get3A_1364 = arith.constant 160 : index
          %get3A_1365 = tpu.vector_load %arg24[%get3A_1363, %get3A_1364] {strides = array<i32>} : memref<224x192xbf16, #tpu.memory_space<vmem>>, vector<32xbf16>,
          %mul3A_1366 = arith.mulf %get3A_1365, %pack3A_572 : vector<32xbf16>
          %add3A_1367 = arith.addf %mul3A_1346, %mul3A_1350 : vector<32xbf16>
          %add3A_1368 = arith.addf %mul3A_1354, %mul3A_1358 : vector<32xbf16>
          %add3A_1369 = arith.addf %add3A_1367, %add3A_1368 : vector<32xbf16>
          %add3A_1370 = arith.addf %mul3A_1362, %mul3A_1366 : vector<32xbf16>
          %add3A_1371 = arith.addf %add3A_1369, %add3A_1370 : vector<32xbf16>
          %unpack3A_1372 = tpu.unpack_subelements %add3A_1371, 0 {pack_format = #tpu.pack_format<interleaved>} : vector<32xbf16> -> vector<16xf32>
          %unpack3A_1373 = tpu.unpack_subelements %add3A_1371, 1 {pack_format = #tpu.pack_format<interleaved>} : vector<32xbf16> -> vector<16xf32>
          %add3A_1374 = arith.addf %unpack3A_1372, %unpack3A_1373 : vector<16xf32>
          %reduce_sum3A_1375 = arith.constant true
          %reduce_sum3A_1376 = vector.broadcast %reduce_sum3A_1375 : i1 to vector<16xi1>
          %reduce_sum3A_1377 = tpu.scan <sum>, %add3A_1374 masked %reduce_sum3A_1376 : vector<16xf32>, vector<16xi1> -> vector<16xf32>
          %reduce_sum3A_1378 = vector.extract %reduce_sum3A_1377[15] : f32 from vector<16xf32>
          %broadcast_in_dim3A_1379 = vector.broadcast %reduce_sum3A_1378 : f32 to vector<16xf32>
          %eq3A_1380 = arith.constant 11 : i32
          %eq3A_1381 = vector.broadcast %eq3A_1380 : i32 to vector<16xi32>
          %eq3A_1382 = arith.cmpi eq, %iota3A, %eq3A_1381 : vector<16xi32>
          %select_n3A_1383 = arith.select %eq3A_1382, %broadcast_in_dim3A_1379, %select_n3A_1340 : vector<16xi1>, vector<16xf32>
          %add3A_1384 = arith.constant 12 : i32
          %add3A_1385 = arith.addi %mul3A_868, %add3A_1384 : i32
          %get3A_1386 = arith.index_cast %add3A_1385 : i32 to index
          %get3A_1387 = arith.constant 0 : index
          %get3A_1388 = tpu.vector_load %arg24[%get3A_1386, %get3A_1387] {strides = array<i32>} : memref<224x192xbf16, #tpu.memory_space<vmem>>, vector<32xbf16>,
          %mul3A_1389 = arith.mulf %get3A_1388, %pack3A_567 : vector<32xbf16>
          %get3A_1390 = arith.index_cast %add3A_1385 : i32 to index
          %get3A_1391 = arith.constant 32 : index
          %get3A_1392 = tpu.vector_load %arg24[%get3A_1390, %get3A_1391] {strides = array<i32>} : memref<224x192xbf16, #tpu.memory_space<vmem>>, vector<32xbf16>,
          %mul3A_1393 = arith.mulf %get3A_1392, %pack3A_568 : vector<32xbf16>
          %get3A_1394 = arith.index_cast %add3A_1385 : i32 to index
          %get3A_1395 = arith.constant 64 : index
          %get3A_1396 = tpu.vector_load %arg24[%get3A_1394, %get3A_1395] {strides = array<i32>} : memref<224x192xbf16, #tpu.memory_space<vmem>>, vector<32xbf16>,
          %mul3A_1397 = arith.mulf %get3A_1396, %pack3A_569 : vector<32xbf16>
          %get3A_1398 = arith.index_cast %add3A_1385 : i32 to index
          %get3A_1399 = arith.constant 96 : index
          %get3A_1400 = tpu.vector_load %arg24[%get3A_1398, %get3A_1399] {strides = array<i32>} : memref<224x192xbf16, #tpu.memory_space<vmem>>, vector<32xbf16>,
          %mul3A_1401 = arith.mulf %get3A_1400, %pack3A_570 : vector<32xbf16>
          %get3A_1402 = arith.index_cast %add3A_1385 : i32 to index
          %get3A_1403 = arith.constant 128 : index
          %get3A_1404 = tpu.vector_load %arg24[%get3A_1402, %get3A_1403] {strides = array<i32>} : memref<224x192xbf16, #tpu.memory_space<vmem>>, vector<32xbf16>,
          %mul3A_1405 = arith.mulf %get3A_1404, %pack3A_571 : vector<32xbf16>
          %get3A_1406 = arith.index_cast %add3A_1385 : i32 to index
          %get3A_1407 = arith.constant 160 : index
          %get3A_1408 = tpu.vector_load %arg24[%get3A_1406, %get3A_1407] {strides = array<i32>} : memref<224x192xbf16, #tpu.memory_space<vmem>>, vector<32xbf16>,
          %mul3A_1409 = arith.mulf %get3A_1408, %pack3A_572 : vector<32xbf16>
          %add3A_1410 = arith.addf %mul3A_1389, %mul3A_1393 : vector<32xbf16>
          %add3A_1411 = arith.addf %mul3A_1397, %mul3A_1401 : vector<32xbf16>
          %add3A_1412 = arith.addf %add3A_1410, %add3A_1411 : vector<32xbf16>
          %add3A_1413 = arith.addf %mul3A_1405, %mul3A_1409 : vector<32xbf16>
          %add3A_1414 = arith.addf %add3A_1412, %add3A_1413 : vector<32xbf16>
          %unpack3A_1415 = tpu.unpack_subelements %add3A_1414, 0 {pack_format = #tpu.pack_format<interleaved>} : vector<32xbf16> -> vector<16xf32>
          %unpack3A_1416 = tpu.unpack_subelements %add3A_1414, 1 {pack_format = #tpu.pack_format<interleaved>} : vector<32xbf16> -> vector<16xf32>
          %add3A_1417 = arith.addf %unpack3A_1415, %unpack3A_1416 : vector<16xf32>
          %reduce_sum3A_1418 = arith.constant true
          %reduce_sum3A_1419 = vector.broadcast %reduce_sum3A_1418 : i1 to vector<16xi1>
          %reduce_sum3A_1420 = tpu.scan <sum>, %add3A_1417 masked %reduce_sum3A_1419 : vector<16xf32>, vector<16xi1> -> vector<16xf32>
          %reduce_sum3A_1421 = vector.extract %reduce_sum3A_1420[15] : f32 from vector<16xf32>
          %broadcast_in_dim3A_1422 = vector.broadcast %reduce_sum3A_1421 : f32 to vector<16xf32>
          %eq3A_1423 = arith.constant 12 : i32
          %eq3A_1424 = vector.broadcast %eq3A_1423 : i32 to vector<16xi32>
          %eq3A_1425 = arith.cmpi eq, %iota3A, %eq3A_1424 : vector<16xi32>
          %select_n3A_1426 = arith.select %eq3A_1425, %broadcast_in_dim3A_1422, %select_n3A_1383 : vector<16xi1>, vector<16xf32>
          %add3A_1427 = arith.constant 13 : i32
          %add3A_1428 = arith.addi %mul3A_868, %add3A_1427 : i32
          %get3A_1429 = arith.index_cast %add3A_1428 : i32 to index
          %get3A_1430 = arith.constant 0 : index
          %get3A_1431 = tpu.vector_load %arg24[%get3A_1429, %get3A_1430] {strides = array<i32>} : memref<224x192xbf16, #tpu.memory_space<vmem>>, vector<32xbf16>,
          %mul3A_1432 = arith.mulf %get3A_1431, %pack3A_567 : vector<32xbf16>
          %get3A_1433 = arith.index_cast %add3A_1428 : i32 to index
          %get3A_1434 = arith.constant 32 : index
          %get3A_1435 = tpu.vector_load %arg24[%get3A_1433, %get3A_1434] {strides = array<i32>} : memref<224x192xbf16, #tpu.memory_space<vmem>>, vector<32xbf16>,
          %mul3A_1436 = arith.mulf %get3A_1435, %pack3A_568 : vector<32xbf16>
          %get3A_1437 = arith.index_cast %add3A_1428 : i32 to index
          %get3A_1438 = arith.constant 64 : index
          %get3A_1439 = tpu.vector_load %arg24[%get3A_1437, %get3A_1438] {strides = array<i32>} : memref<224x192xbf16, #tpu.memory_space<vmem>>, vector<32xbf16>,
          %mul3A_1440 = arith.mulf %get3A_1439, %pack3A_569 : vector<32xbf16>
          %get3A_1441 = arith.index_cast %add3A_1428 : i32 to index
          %get3A_1442 = arith.constant 96 : index
          %get3A_1443 = tpu.vector_load %arg24[%get3A_1441, %get3A_1442] {strides = array<i32>} : memref<224x192xbf16, #tpu.memory_space<vmem>>, vector<32xbf16>,
          %mul3A_1444 = arith.mulf %get3A_1443, %pack3A_570 : vector<32xbf16>
          %get3A_1445 = arith.index_cast %add3A_1428 : i32 to index
          %get3A_1446 = arith.constant 128 : index
          %get3A_1447 = tpu.vector_load %arg24[%get3A_1445, %get3A_1446] {strides = array<i32>} : memref<224x192xbf16, #tpu.memory_space<vmem>>, vector<32xbf16>,
          %mul3A_1448 = arith.mulf %get3A_1447, %pack3A_571 : vector<32xbf16>
          %get3A_1449 = arith.index_cast %add3A_1428 : i32 to index
          %get3A_1450 = arith.constant 160 : index
          %get3A_1451 = tpu.vector_load %arg24[%get3A_1449, %get3A_1450] {strides = array<i32>} : memref<224x192xbf16, #tpu.memory_space<vmem>>, vector<32xbf16>,
          %mul3A_1452 = arith.mulf %get3A_1451, %pack3A_572 : vector<32xbf16>
          %add3A_1453 = arith.addf %mul3A_1432, %mul3A_1436 : vector<32xbf16>
          %add3A_1454 = arith.addf %mul3A_1440, %mul3A_1444 : vector<32xbf16>
          %add3A_1455 = arith.addf %add3A_1453, %add3A_1454 : vector<32xbf16>
          %add3A_1456 = arith.addf %mul3A_1448, %mul3A_1452 : vector<32xbf16>
          %add3A_1457 = arith.addf %add3A_1455, %add3A_1456 : vector<32xbf16>
          %unpack3A_1458 = tpu.unpack_subelements %add3A_1457, 0 {pack_format = #tpu.pack_format<interleaved>} : vector<32xbf16> -> vector<16xf32>
          %unpack3A_1459 = tpu.unpack_subelements %add3A_1457, 1 {pack_format = #tpu.pack_format<interleaved>} : vector<32xbf16> -> vector<16xf32>
          %add3A_1460 = arith.addf %unpack3A_1458, %unpack3A_1459 : vector<16xf32>
          %reduce_sum3A_1461 = arith.constant true
          %reduce_sum3A_1462 = vector.broadcast %reduce_sum3A_1461 : i1 to vector<16xi1>
          %reduce_sum3A_1463 = tpu.scan <sum>, %add3A_1460 masked %reduce_sum3A_1462 : vector<16xf32>, vector<16xi1> -> vector<16xf32>
          %reduce_sum3A_1464 = vector.extract %reduce_sum3A_1463[15] : f32 from vector<16xf32>
          %broadcast_in_dim3A_1465 = vector.broadcast %reduce_sum3A_1464 : f32 to vector<16xf32>
          %eq3A_1466 = arith.constant 13 : i32
          %eq3A_1467 = vector.broadcast %eq3A_1466 : i32 to vector<16xi32>
          %eq3A_1468 = arith.cmpi eq, %iota3A, %eq3A_1467 : vector<16xi32>
          %select_n3A_1469 = arith.select %eq3A_1468, %broadcast_in_dim3A_1465, %select_n3A_1426 : vector<16xi1>, vector<16xf32>
          %add3A_1470 = arith.constant 14 : i32
          %add3A_1471 = arith.addi %mul3A_868, %add3A_1470 : i32
          %get3A_1472 = arith.index_cast %add3A_1471 : i32 to index
          %get3A_1473 = arith.constant 0 : index
          %get3A_1474 = tpu.vector_load %arg24[%get3A_1472, %get3A_1473] {strides = array<i32>} : memref<224x192xbf16, #tpu.memory_space<vmem>>, vector<32xbf16>,
          %mul3A_1475 = arith.mulf %get3A_1474, %pack3A_567 : vector<32xbf16>
          %get3A_1476 = arith.index_cast %add3A_1471 : i32 to index
          %get3A_1477 = arith.constant 32 : index
          %get3A_1478 = tpu.vector_load %arg24[%get3A_1476, %get3A_1477] {strides = array<i32>} : memref<224x192xbf16, #tpu.memory_space<vmem>>, vector<32xbf16>,
          %mul3A_1479 = arith.mulf %get3A_1478, %pack3A_568 : vector<32xbf16>
          %get3A_1480 = arith.index_cast %add3A_1471 : i32 to index
          %get3A_1481 = arith.constant 64 : index
          %get3A_1482 = tpu.vector_load %arg24[%get3A_1480, %get3A_1481] {strides = array<i32>} : memref<224x192xbf16, #tpu.memory_space<vmem>>, vector<32xbf16>,
          %mul3A_1483 = arith.mulf %get3A_1482, %pack3A_569 : vector<32xbf16>
          %get3A_1484 = arith.index_cast %add3A_1471 : i32 to index
          %get3A_1485 = arith.constant 96 : index
          %get3A_1486 = tpu.vector_load %arg24[%get3A_1484, %get3A_1485] {strides = array<i32>} : memref<224x192xbf16, #tpu.memory_space<vmem>>, vector<32xbf16>,
          %mul3A_1487 = arith.mulf %get3A_1486, %pack3A_570 : vector<32xbf16>
          %get3A_1488 = arith.index_cast %add3A_1471 : i32 to index
          %get3A_1489 = arith.constant 128 : index
          %get3A_1490 = tpu.vector_load %arg24[%get3A_1488, %get3A_1489] {strides = array<i32>} : memref<224x192xbf16, #tpu.memory_space<vmem>>, vector<32xbf16>,
          %mul3A_1491 = arith.mulf %get3A_1490, %pack3A_571 : vector<32xbf16>
          %get3A_1492 = arith.index_cast %add3A_1471 : i32 to index
          %get3A_1493 = arith.constant 160 : index
          %get3A_1494 = tpu.vector_load %arg24[%get3A_1492, %get3A_1493] {strides = array<i32>} : memref<224x192xbf16, #tpu.memory_space<vmem>>, vector<32xbf16>,
          %mul3A_1495 = arith.mulf %get3A_1494, %pack3A_572 : vector<32xbf16>
          %add3A_1496 = arith.addf %mul3A_1475, %mul3A_1479 : vector<32xbf16>
          %add3A_1497 = arith.addf %mul3A_1483, %mul3A_1487 : vector<32xbf16>
          %add3A_1498 = arith.addf %add3A_1496, %add3A_1497 : vector<32xbf16>
          %add3A_1499 = arith.addf %mul3A_1491, %mul3A_1495 : vector<32xbf16>
          %add3A_1500 = arith.addf %add3A_1498, %add3A_1499 : vector<32xbf16>
          %unpack3A_1501 = tpu.unpack_subelements %add3A_1500, 0 {pack_format = #tpu.pack_format<interleaved>} : vector<32xbf16> -> vector<16xf32>
          %unpack3A_1502 = tpu.unpack_subelements %add3A_1500, 1 {pack_format = #tpu.pack_format<interleaved>} : vector<32xbf16> -> vector<16xf32>
          %add3A_1503 = arith.addf %unpack3A_1501, %unpack3A_1502 : vector<16xf32>
          %reduce_sum3A_1504 = arith.constant true
          %reduce_sum3A_1505 = vector.broadcast %reduce_sum3A_1504 : i1 to vector<16xi1>
          %reduce_sum3A_1506 = tpu.scan <sum>, %add3A_1503 masked %reduce_sum3A_1505 : vector<16xf32>, vector<16xi1> -> vector<16xf32>
          %reduce_sum3A_1507 = vector.extract %reduce_sum3A_1506[15] : f32 from vector<16xf32>
          %broadcast_in_dim3A_1508 = vector.broadcast %reduce_sum3A_1507 : f32 to vector<16xf32>
          %eq3A_1509 = arith.constant 14 : i32
          %eq3A_1510 = vector.broadcast %eq3A_1509 : i32 to vector<16xi32>
          %eq3A_1511 = arith.cmpi eq, %iota3A, %eq3A_1510 : vector<16xi32>
          %select_n3A_1512 = arith.select %eq3A_1511, %broadcast_in_dim3A_1508, %select_n3A_1469 : vector<16xi1>, vector<16xf32>
          %add3A_1513 = arith.constant 15 : i32
          %add3A_1514 = arith.addi %mul3A_868, %add3A_1513 : i32
          %get3A_1515 = arith.index_cast %add3A_1514 : i32 to index
          %get3A_1516 = arith.constant 0 : index
          %get3A_1517 = tpu.vector_load %arg24[%get3A_1515, %get3A_1516] {strides = array<i32>} : memref<224x192xbf16, #tpu.memory_space<vmem>>, vector<32xbf16>,
          %mul3A_1518 = arith.mulf %get3A_1517, %pack3A_567 : vector<32xbf16>
          %get3A_1519 = arith.index_cast %add3A_1514 : i32 to index
          %get3A_1520 = arith.constant 32 : index
          %get3A_1521 = tpu.vector_load %arg24[%get3A_1519, %get3A_1520] {strides = array<i32>} : memref<224x192xbf16, #tpu.memory_space<vmem>>, vector<32xbf16>,
          %mul3A_1522 = arith.mulf %get3A_1521, %pack3A_568 : vector<32xbf16>
          %get3A_1523 = arith.index_cast %add3A_1514 : i32 to index
          %get3A_1524 = arith.constant 64 : index
          %get3A_1525 = tpu.vector_load %arg24[%get3A_1523, %get3A_1524] {strides = array<i32>} : memref<224x192xbf16, #tpu.memory_space<vmem>>, vector<32xbf16>,
          %mul3A_1526 = arith.mulf %get3A_1525, %pack3A_569 : vector<32xbf16>
          %get3A_1527 = arith.index_cast %add3A_1514 : i32 to index
          %get3A_1528 = arith.constant 96 : index
          %get3A_1529 = tpu.vector_load %arg24[%get3A_1527, %get3A_1528] {strides = array<i32>} : memref<224x192xbf16, #tpu.memory_space<vmem>>, vector<32xbf16>,
          %mul3A_1530 = arith.mulf %get3A_1529, %pack3A_570 : vector<32xbf16>
          %get3A_1531 = arith.index_cast %add3A_1514 : i32 to index
          %get3A_1532 = arith.constant 128 : index
          %get3A_1533 = tpu.vector_load %arg24[%get3A_1531, %get3A_1532] {strides = array<i32>} : memref<224x192xbf16, #tpu.memory_space<vmem>>, vector<32xbf16>,
          %mul3A_1534 = arith.mulf %get3A_1533, %pack3A_571 : vector<32xbf16>
          %get3A_1535 = arith.index_cast %add3A_1514 : i32 to index
          %get3A_1536 = arith.constant 160 : index
          %get3A_1537 = tpu.vector_load %arg24[%get3A_1535, %get3A_1536] {strides = array<i32>} : memref<224x192xbf16, #tpu.memory_space<vmem>>, vector<32xbf16>,
          %mul3A_1538 = arith.mulf %get3A_1537, %pack3A_572 : vector<32xbf16>
          %add3A_1539 = arith.addf %mul3A_1518, %mul3A_1522 : vector<32xbf16>
          %add3A_1540 = arith.addf %mul3A_1526, %mul3A_1530 : vector<32xbf16>
          %add3A_1541 = arith.addf %add3A_1539, %add3A_1540 : vector<32xbf16>
          %add3A_1542 = arith.addf %mul3A_1534, %mul3A_1538 : vector<32xbf16>
          %add3A_1543 = arith.addf %add3A_1541, %add3A_1542 : vector<32xbf16>
          %unpack3A_1544 = tpu.unpack_subelements %add3A_1543, 0 {pack_format = #tpu.pack_format<interleaved>} : vector<32xbf16> -> vector<16xf32>
          %unpack3A_1545 = tpu.unpack_subelements %add3A_1543, 1 {pack_format = #tpu.pack_format<interleaved>} : vector<32xbf16> -> vector<16xf32>
          %add3A_1546 = arith.addf %unpack3A_1544, %unpack3A_1545 : vector<16xf32>
          %reduce_sum3A_1547 = arith.constant true
          %reduce_sum3A_1548 = vector.broadcast %reduce_sum3A_1547 : i1 to vector<16xi1>
          %reduce_sum3A_1549 = tpu.scan <sum>, %add3A_1546 masked %reduce_sum3A_1548 : vector<16xf32>, vector<16xi1> -> vector<16xf32>
          %reduce_sum3A_1550 = vector.extract %reduce_sum3A_1549[15] : f32 from vector<16xf32>
          %broadcast_in_dim3A_1551 = vector.broadcast %reduce_sum3A_1550 : f32 to vector<16xf32>
          %eq3A_1552 = arith.constant 15 : i32
          %eq3A_1553 = vector.broadcast %eq3A_1552 : i32 to vector<16xi32>
          %eq3A_1554 = arith.cmpi eq, %iota3A, %eq3A_1553 : vector<16xi32>
          %select_n3A_1555 = arith.select %eq3A_1554, %broadcast_in_dim3A_1551, %select_n3A_1512 : vector<16xi1>, vector<16xf32>
          %swap3A_1556 = arith.index_cast %add3A_503 : i32 to index
          %swap3A_1557 = arith.index_cast %mul3A_868 : i32 to index
          %swap3A_1558 = tpu.vector_load %arg25[%swap3A_1556, %swap3A_1557] {strides = array<i32>} : memref<8x224xf32, #tpu.memory_space<vmem>>, vector<16xf32>,
          tpu.vector_store %arg25[%swap3A_1556, %swap3A_1557], %select_n3A_1555 {strides = array<i32>} : memref<8x224xf32, #tpu.memory_space<vmem>>, vector<16xf32>,
          %scan3A_1559 = arith.constant 0 : i32
          scf.yield %scan3A_1559 : i32
        }
        %scan3A_863 = arith.constant 14 : i32
        %scan3A_864 = arith.constant 0 : i32
        scf.yield %scan3A_864 : i32
      }
      %scan3A_59 = arith.constant 4 : i32
      "tpu.region"() ({
        %run_scoped3A = tpu.sem_alloc : memref<!tpu.dma_semaphore, #tpu.memory_space<semaphore_mem>>
        %dma_start3A_61 = arith.constant 0 : i32
        %dma_start3A_62 = tpu.memref_slice %arg11[%add3A_13, %dma_start3A_61] : memref<4096x224xf32, #tpu.memory_space<hbm>> -> memref<8x224xf32, #tpu.memory_space<hbm>>
        %dma_start3A_63 = arith.constant 0 : i32
        %dma_start3A_64 = tpu.memref_slice %arg11[%add3A_13, %dma_start3A_63] : memref<4096x224xf32, #tpu.memory_space<hbm>> -> memref<8x224xf32, #tpu.memory_space<hbm>>
        tpu.enqueue_dma source(%arg25 : memref<8x224xf32, #tpu.memory_space<vmem>>) target(%dma_start3A_64 : memref<8x224xf32, #tpu.memory_space<hbm>>) target_semaphore(%run_scoped3A : memref<!tpu.dma_semaphore, #tpu.memory_space<semaphore_mem>>)
        %dma_wait3A_65 = arith.constant 0 : i32
        %dma_wait3A_66 = tpu.memref_slice %arg11[%add3A_13, %dma_wait3A_65] : memref<4096x224xf32, #tpu.memory_space<hbm>> -> memref<8x224xf32, #tpu.memory_space<hbm>>
        %dma_wait3A_67 = arith.constant 0 : i32
        %dma_wait3A_68 = tpu.memref_slice %arg11[%add3A_13, %dma_wait3A_67] : memref<4096x224xf32, #tpu.memory_space<hbm>> -> memref<8x224xf32, #tpu.memory_space<hbm>>
        tpu.wait_dma2 semaphore(%run_scoped3A : memref<!tpu.dma_semaphore, #tpu.memory_space<semaphore_mem>>) src(%arg25 : memref<8x224xf32, #tpu.memory_space<vmem>>) dst(%dma_wait3A_68 : memref<8x224xf32, #tpu.memory_space<hbm>>)
        tpu.yield
      }) : () -> ()
      "tpu.region"() ({
        %run_scoped3A = tpu.sem_alloc : memref<!tpu.dma_semaphore, #tpu.memory_space<semaphore_mem>>
        %dma_start3A_61 = arith.constant 0 : i32
        %dma_start3A_62 = tpu.memref_slice %arg12[%add3A_13, %dma_start3A_61] : memref<4096x224xi32, #tpu.memory_space<hbm>> -> memref<8x224xi32, #tpu.memory_space<hbm>>
        %dma_start3A_63 = arith.constant 0 : i32
        %dma_start3A_64 = tpu.memref_slice %arg12[%add3A_13, %dma_start3A_63] : memref<4096x224xi32, #tpu.memory_space<hbm>> -> memref<8x224xi32, #tpu.memory_space<hbm>>
        tpu.enqueue_dma source(%arg26 : memref<8x224xi32, #tpu.memory_space<vmem>>) target(%dma_start3A_64 : memref<8x224xi32, #tpu.memory_space<hbm>>) target_semaphore(%run_scoped3A : memref<!tpu.dma_semaphore, #tpu.memory_space<semaphore_mem>>)
        %dma_wait3A_65 = arith.constant 0 : i32
        %dma_wait3A_66 = tpu.memref_slice %arg12[%add3A_13, %dma_wait3A_65] : memref<4096x224xi32, #tpu.memory_space<hbm>> -> memref<8x224xi32, #tpu.memory_space<hbm>>
        %dma_wait3A_67 = arith.constant 0 : i32
        %dma_wait3A_68 = tpu.memref_slice %arg12[%add3A_13, %dma_wait3A_67] : memref<4096x224xi32, #tpu.memory_space<hbm>> -> memref<8x224xi32, #tpu.memory_space<hbm>>
        tpu.wait_dma2 semaphore(%run_scoped3A : memref<!tpu.dma_semaphore, #tpu.memory_space<semaphore_mem>>) src(%arg26 : memref<8x224xi32, #tpu.memory_space<vmem>>) dst(%dma_wait3A_68 : memref<8x224xi32, #tpu.memory_space<hbm>>)
        tpu.yield
      }) : () -> ()
      "tpu.region"() ({
        %run_scoped3A = tpu.sem_alloc : memref<!tpu.dma_semaphore, #tpu.memory_space<semaphore_mem>>
        %dma_start3A_61 = arith.constant 0 : i32
        %dma_start3A_62 = tpu.memref_slice %arg13[%add3A_13, %dma_start3A_61] : memref<4096x224xi32, #tpu.memory_space<hbm>> -> memref<8x224xi32, #tpu.memory_space<hbm>>
        %dma_start3A_63 = arith.constant 0 : i32
        %dma_start3A_64 = tpu.memref_slice %arg13[%add3A_13, %dma_start3A_63] : memref<4096x224xi32, #tpu.memory_space<hbm>> -> memref<8x224xi32, #tpu.memory_space<hbm>>
        tpu.enqueue_dma source(%arg27 : memref<8x224xi32, #tpu.memory_space<vmem>>) target(%dma_start3A_64 : memref<8x224xi32, #tpu.memory_space<hbm>>) target_semaphore(%run_scoped3A : memref<!tpu.dma_semaphore, #tpu.memory_space<semaphore_mem>>)
        %dma_wait3A_65 = arith.constant 0 : i32
        %dma_wait3A_66 = tpu.memref_slice %arg13[%add3A_13, %dma_wait3A_65] : memref<4096x224xi32, #tpu.memory_space<hbm>> -> memref<8x224xi32, #tpu.memory_space<hbm>>
        %dma_wait3A_67 = arith.constant 0 : i32
        %dma_wait3A_68 = tpu.memref_slice %arg13[%add3A_13, %dma_wait3A_67] : memref<4096x224xi32, #tpu.memory_space<hbm>> -> memref<8x224xi32, #tpu.memory_space<hbm>>
        tpu.wait_dma2 semaphore(%run_scoped3A : memref<!tpu.dma_semaphore, #tpu.memory_space<semaphore_mem>>) src(%arg27 : memref<8x224xi32, #tpu.memory_space<vmem>>) dst(%dma_wait3A_68 : memref<8x224xi32, #tpu.memory_space<hbm>>)
        tpu.yield
      }) : () -> ()
      %scan3A_60 = arith.constant 0 : i32
      scf.yield %scan3A_60 : i32
    }
    %scan3A_6 = arith.constant 16 : i32
    return
  }
}

</mosaic_0001>

<sc_bundles>
// kernel: _run.3.cloned.1.call-start
scs
__scs_entry_jumppad:
0x0: {  	(pc) =	sbr.rel $0x88, $3  }
0x1: {  	(tag) =	ssettag $0x0;
	lr =	simm.s32 $0x1  }
0x2: {  	[smem:$0x3F98] =	sst lr;
	_ =	strace $0xD0000000  }
0x3: {  	_ = 	snop  }
0x4: {  	_ = 	snop  }
0x5: {  	_ = 	snop  }
0x6: {  	_ = 	snop  }
0x7: {  	_ = 	snop  }
__scs_overlays_trampoline_lowered:
0x8: {  	[smem:$0x3FA7] =	sst s0  }
0x9: {  	[smem:$0x3FA8] =	sst s1  }
0xa: {  	[smem:$0x3FA9] =	sst s2  }
0xb: {  	[smem:$0x3FAA] =	sst s3  }
0xc: {  	[smem:$0x3FAB] =	sst s4  }
0xd: {  	[smem:$0x3FAC] =	sst s5  }
0xe: {  	[smem:$0x3FAD] =	sst s6  }
0xf: {  	[smem:$0x3FAE] =	sst s7  }
0x10: {  	[smem:$0x3FAF] =	sst s8  }
0x11: {  	[smem:$0x3FB0] =	sst s9;
	s0 =	simm.s32 @!p0 $0x0  }
0x12: {  	s1 =	sld [smem:$0x3F96];
	s0 =	simm.s32 @p0 $0x1  }
0x13: {  	[smem:$0x3FB1] =	sst s0;
	s0 =	simm.s32 @!p1 $0x0  }
0x14: {  	s2 =	sld [smem:$0x3F95];
	s0 =	simm.s32 @p1 $0x1  }
0x15: {  	[smem:$0x3FB2] =	sst s0;
	s0 =	simm.s32 @!p2 $0x0  }
0x16: {  	s3 =	sld [smem:$0x3FDB];
	s0 =	simm.s32 @p2 $0x1  }
0x17: {  	s4 =	simm.s32 $0x1BF5;
	[smem:$0x3FB4] =	sst s0  }
0x18: {  	s0 =	sld [smem:$0x3F97];
	_ =	swait.ge [sflag:s4], $0x0  }
0x19: {  	s7 =	sld [smem:$0x3F98]  }
0x1a: {  	s8 =	sadd.s32 $0xFFFFE003, lr  }
0x1b: {  	s9 =	sadd.s32 $0xFFFFFEF7, lr;
	s5 =	simm.s32 $0xFFFFFFFF;
	p2 =	slt.u32 s8, $0xFFFFF086  }
0x1c: {  	p1 =	slt.u32 s9, $0xF7A;
	s5 =	simm.s32 @!p2 $0x0  }
0x1d: {  	s5 =	simm.s32 @p1 $0x1;
	p0 =	seq.s32 s7, s2  }
0x1e: {  	s7 =	smul.u32 @!p0 $0xF7A, s2;
	p2 =	seq.s32 @!p0 s5, $0x0  }
0x1f: {  	s9 =	smul.u32 $0xF7A, s1;
	s8 =	simm.s32 @!p0 $0x1BF5;
	p2 =	por !p2, p0  }
0x20: {  	[sflag:s8] =	ssyncset.s32 @!p0 $0xFFFFF086;
	s6 =	sadd.s32 @!p0 s3, s7;
	s7 =	simm.s32 @!p0 $0x108  }
0x21: {  	s3 =	sadd.s32 s3, s9;
	s6 =	sadd.s32 @!p0 $0x88, s6;
	s7 =	simm.s32 @p2 $0x1082  }
0x22: {  	[simem:s7], [sflag:s8] =	dma.local @!p0 [hbm:s6], $0xF7A  }
0x23: {  	s9 =	sor.u32 $0xD0000000, s2;
	s6 =	simm.s32 $0x108;
	_ =	swait.ge @!p0 [sflag:s8], $0x0  }
0x24: {  	s3 =	sadd.s32 $0x88, s3;
	s6 =	simm.s32 @!p1 $0x1082;
	[sflag:s4] =	ssyncset.s32 $0xFFFFF086  }
0x25: {  	[simem:s6], [sflag:s4] =	dma.local [hbm:s3], $0xF7A  }
0x26: {  	[smem:$0x3F98] =	sst s1;
	(tag) =	ssettag s2;
	_ =	strace s9  }
0x27: {  	s1 =	sld [smem:$0x3FA8]  }
0x28: {  	s2 =	sld [smem:$0x3FA9]  }
0x29: {  	s4 =	sld [smem:$0x3FAB]  }
0x2a: {  	p0 =	seq.s32 s5, $0x0;
	s5 =	sld [smem:$0x3FAC]  }
0x2b: {  	s6 =	sld [smem:$0x3FAD]  }
0x2c: {  	s7 =	sld [smem:$0x3FAE]  }
0x2d: {  	s3 =	simm.s32 $0x108;
	s8 =	sld [smem:$0x3FAF]  }
0x2e: {  	s3 =	simm.s32 @!p0 $0x1082;
	s9 =	sld [smem:$0x3FB0]  }
0x2f: {  	lr =	sadd.s32 s0, s3;
	s0 =	sld [smem:$0x3FA7]  }
0x30: {  	s3 =	sld [smem:$0x3FAA]  }
0x31: {  	[smem:$0x3FB3] =	sst s10  }
0x32: {  	s10 =	sld [smem:$0x3FB1];
	_ =	sdelay $0x3  }
0x33: {  	p0 =	seq.s32 s10, $0x1;
	s10 =	sld [smem:$0x3FB3];
	_ =	sdelay $0x3  }
0x34: {  	[smem:$0x3FB3] =	sst s10  }
0x35: {  	s10 =	sld [smem:$0x3FB2];
	_ =	sdelay $0x3  }
0x36: {  	p1 =	seq.s32 s10, $0x1;
	s10 =	sld [smem:$0x3FB3];
	_ =	sdelay $0x3  }
0x37: {  	[smem:$0x3FB3] =	sst s10  }
0x38: {  	s10 =	sld [smem:$0x3FB4]  }
0x39: {  	_ = 	snop;
	(pc) =	sbr.ind lr, $3  }
0x3a: {  	_ = 	snop  }
0x3b: {  	_ = 	snop  }
0x3c: {  	p2 =	seq.s32 s10, $0x1;
	s10 =	sld [smem:$0x3FB3]  }
0x3d: {  	_ =	shalt  }
0x3e: {  	_ =	shalt  }
0x3f: {  	_ =	shalt  }
0x40: {  	_ =	shalt  }
0x41: {  	_ =	shalt  }
0x42: {  	_ =	shalt  }
0x43: {  	_ =	shalt  }
0x44: {  	_ =	shalt  }
0x45: {  	_ =	shalt  }
0x46: {  	_ =	shalt  }
0x47: {  	_ =	shalt  }
0x48: {  	_ =	shalt  }
0x49: {  	_ =	shalt  }
0x4a: {  	_ =	shalt  }
0x4b: {  	_ =	shalt  }
0x4c: {  	_ =	shalt  }
0x4d: {  	_ =	shalt  }
0x4e: {  	_ =	shalt  }
0x4f: {  	_ =	shalt  }
0x50: {  	_ =	shalt  }
0x51: {  	_ =	shalt  }
0x52: {  	_ =	shalt  }
0x53: {  	_ =	shalt  }
0x54: {  	_ =	shalt  }
0x55: {  	_ =	shalt  }
0x56: {  	_ =	shalt  }
0x57: {  	_ =	shalt  }
0x58: {  	_ =	shalt  }
0x59: {  	_ =	shalt  }
0x5a: {  	_ =	shalt  }
0x5b: {  	_ =	shalt  }
0x5c: {  	_ =	shalt  }
0x5d: {  	_ =	shalt  }
0x5e: {  	_ =	shalt  }
0x5f: {  	_ =	shalt  }
0x60: {  	_ =	shalt  }
0x61: {  	_ =	shalt  }
0x62: {  	_ =	shalt  }
0x63: {  	_ =	shalt  }
0x64: {  	_ =	shalt  }
0x65: {  	_ =	shalt  }
0x66: {  	_ =	shalt  }
0x67: {  	_ =	shalt  }
0x68: {  	_ =	shalt  }
0x69: {  	_ =	shalt  }
0x6a: {  	_ =	shalt  }
0x6b: {  	_ =	shalt  }
0x6c: {  	_ =	shalt  }
0x6d: {  	_ =	shalt  }
0x6e: {  	_ =	shalt  }
0x6f: {  	_ =	shalt  }
0x70: {  	_ =	shalt  }
0x71: {  	_ =	shalt  }
0x72: {  	_ =	shalt  }
0x73: {  	_ =	shalt  }
0x74: {  	_ =	shalt  }
0x75: {  	_ =	shalt  }
0x76: {  	_ =	shalt  }
0x77: {  	_ =	shalt  }
0x78: {  	_ =	shalt  }
0x79: {  	_ =	shalt  }
0x7a: {  	_ =	shalt  }
0x7b: {  	_ =	shalt  }
0x7c: {  	_ =	shalt  }
0x7d: {  	_ =	shalt  }
0x7e: {  	_ =	shalt  }
0x7f: {  	_ =	shalt  }
0x80: {  	_ =	shalt  }
0x81: {  	_ =	shalt  }
0x82: {  	_ =	shalt  }
0x83: {  	_ =	shalt  }
0x84: {  	_ =	shalt  }
0x85: {  	_ =	shalt  }
0x86: {  	_ =	shalt  }
0x87: {  	_ =	shalt  }
.Lfunc_end0:
.L_simem_size_0:
called_computation.1_lowered:
.L_overlay_start_0:
0x88: {  	s2 =	sld [smem:$0x3FD9]  }
0x89: {  	s3 =	sld [smem:$0x3FFE];
	_ =	sdelay $0x1  }
0x8a: {  	s1 =	srdreg.scid  }
0x8b: {  	s0 =	sand.u32 $0x1, s1  }
0x8c: {  	s14 =	sshll.u32 s0, $0xA;
	s2 =	sadd.s32 s3, s2  }
0x8d: {  	s2 =	sadd.s32 s2, s14  }
0x8e: {  	[smem:$0x3FBF] =	sst s2  }
0x8f: {  	_ = 	snop  }
0x90: {  	s2 =	sld [smem:$0x3FD0];
	_ =	sdelay $0x1  }
0x91: {  	s15 =	sld [smem:$0x3FC7]  }
0x92: {  	s5 =	simm.s32 $0xA;
	s6 =	simm.s32 $0x10;
	s4 =	sld [smem:$0x3FC6]  }
0x93: {  	[smem:s6], [sflag:s5] =	dma.local [hbm:s2], $0x1  }
0x94: {  	_ =	swait.eq [sflag:s5], $0x1  }
0x95: {  	s16 =	sld [smem:$0x10];
	[sflag:s5] =	ssyncset.done $0x0  }
0x96: {  	s17 =	sld [smem:$0x11];
	[sflag:s5] =	ssyncadd.s32 $0xFFFFFFFF  }
0x97: {  	s18 =	sld [smem:$0x12];
	(tm) =	ssettm $0x1  }
0x98: {  	s7 =	sld [smem:$0x3FFB];
	_ =	sdelay $0x3  }
0x99: {  	_ =	strace s7  }
0x9a: {  	s7 =	sld [smem:$0x3FFC];
	_ =	sdelay $0x3  }
0x9b: {  	_ =	strace s7  }
0x9c: {  	s7 =	sld [smem:$0x3FFD];
	_ =	sdelay $0x3  }
0x9d: {  	_ =	strace s7  }
0x9e: {  	_ =	strace $0x8FFFFFFF  }
0x9f: {  	s19 =	sld [smem:$0x3FDB];
	_ =	sdelay $0x1  }
0xa0: {  	s8 =	simm.s32 $_scs_section_size  }
0xa1: {  	s9 =	simm.s32 $_size__tile_overlayer_lowered;
	s10 =	simm.s32 $_tile_overlayer_lowered  }
0xa2: {  	s22 =	simm.s32 $0x1BFF;
	s21 =	sshll.u32 s10, $0x1;
	s7 =	sadd.s32 s8, s19  }
0xa3: {  	s11 =	simm.s32 $0x0;
	s20 =	sshll.u32 s9, $0x1;
	s9 =	sadd.s32 s21, s7  }
0xa4: {  	[timem:s11], [sflag:s22] =	dma.local [hbm:s9], s20  }
0xa5: {  	_ =	swait.ge [sflag:s22], s20  }
0xa6: {  	s8 =	ssub.s32 $0x0, s20;
	[sflag:s22] =	ssyncset.done $0x0  }
0xa7: {  	[sflag:s22] =	ssyncadd.s32 s8;
	_ =	sdelay $0x1  }
0xa8: {  	s23 =	simm.s32 $0x1B8B  }
0xa9: {  	_ =	swait.ge [sflag:s23], $0x1  }
0xaa: {  	[sflag:s23] =	ssyncset.done $0x0  }
0xab: {  	s25 =	simm.s32 $0x1B8E;
	s24 =	sld [smem:$0x3FFE];
	[sflag:s23] =	ssyncadd.s32 $0xFFFFFFFF  }
0xac: {  	s26 =	simm.s32 $execute0_lowered;
	[smem:$0x3FD2] =	sst s25  }
0xad: {  	s9 =	sshll.u32 s26, $0x1;
	_ =	strace $0x80000049;
	[dreg:$0x1] =	wrdreg $0xFFFFFFFF  }
0xae: {  	s28 =	simm.s32 $_size_execute0_lowered;
	s7 =	sadd.s32 s7, s9;
	[dreg:$0x0] =	wrdreg $0x0  }
0xaf: {  	s9 =	sshll.u32 s28, $0x1;
	[dreg:$0x2] =	wrdreg s7  }
0xb0: {  	[dreg:$0x3] =	wrdreg s9  }
0xb1: {  	[dreg:$0x4] =	wrdreg $0xC0  }
0xb2: {  	_ =	task [dreg:s11], $0x5FFFF  }
0xb3: {  	[dreg:$0x1] =	wrdreg $0xFFFFFFFF  }
0xb4: {  	[dreg:$0x0] =	wrdreg $0x60  }
0xb5: {  	[dreg:$0x2] =	wrdreg s16  }
0xb6: {  	[dreg:$0x3] =	wrdreg s18  }
0xb7: {  	[dreg:$0x4] =	wrdreg s15  }
0xb8: {  	[dreg:$0x5] =	wrdreg s4  }
0xb9: {  	[dreg:$0x6] =	wrdreg s24  }
0xba: {  	[dreg:$0x7] =	wrdreg s17  }
0xbb: {  	[dreg:$0x8] =	wrdreg $0x9  }
0xbc: {  	_ =	task.clear_ibuf [dreg:s11], $0x9FFFF;
	_ =	strace $0x90000049  }
0xbd: {  	s29 =	simm.s32 $0x9;
	_ =	strace $0x8000004B  }
0xbe: {  	_ =	swait.ge [sflag:s29], $0x1  }
0xbf: {  	[sflag:s29] =	ssyncadd.s32 $0xFFFFFFFF  }
0xc0: {  	_ =	strace $0x9000004B  }
0xc1: {  	_ =	sfence  }
0xc2: {  	s30 =	sld [smem:$0x0];
	_ =	sdelay $0x2  }
0xc3: {  	s31 =	sshll.u32 s1, $0xD;
	s1 =	sshrl.u32 s1, $0x2  }
0xc4: {  	s3 =	sand.u32 $0x4000, s31;
	s1 =	sadd.s32 s1, s30  }
0xc5: {  	s0 =	sor.u32 s3, s0;
	s1 =	sshll.u32 s1, $0x11  }
0xc6: {  	s0 =	sor.u32 s1, s0  }
0xc7: {  	s0 =	sadd.s32 $0x8F2B, s0  }
0xc8: {  	[sflag:s0] =	ssyncadd.remote.s32 $0x1  }
0xc9: {  	_ =	sfence.sel $0xFFFF  }
0xca: {  	[dreg:$0x0] =	wrdreg $0xFFFFFFFF;
	(pc) =	sbr.abs _section_cstart, $3  }
0xcb: {  	[dreg:$0x1] =	wrdreg $0xFFFFFFFF  }
0xcc: {  	_ =	task.clear_ibuf [dreg:s11], $0x2FFFF;
	_ =	strace $0x9FFFFFFF  }
0xcd: {  	(tm) =	ssettm $0x7FFFFFFF  }
tec
execute0_lowered:
.L_overlay_start_1:
0x0: {  	(tag) =	ssettag $0x1  }
0x1: {  	s0 =	rddreg [dreg:$0x4];
	s6 =	simm.s32 $0x0  }
0x2: {  	s26 =	srdreg.scid;
	s4 =	stileid.u32;
	v63 =	vlaneseq.u32;
	s17 =	simm.s32 $0x6  }
0x3: {  	v1 =	vimm.s32 $0x0;
	vm0 =	vmmov $0xf;
	v0 =	vimm.s32 $0x0;
	s18 =	simm.s32 $0x1C0;
	s19 =	simm.s32 $0x8C0;
	s20 =	simm.s32 $0x8C8  }
0x4: {  	s22 =	simm.s32 $0x8;
	s28 =	simm.s32 $0x70;
	vm2 =	vmmov $0x1;
	vm4 =	vmmov $0x7;
	vm5 =	vmmov $0x1f;
	s10 =	simm.s32 $0x1B50  }
0x5: {  	vm6 =	vmmov $0x3f;
	s16 =	simm.s32 $0x7D50;
	vm7 =	vmmov $0x7f;
	vm8 =	vmmov $0xff;
	s5 =	simm.s32 $0x5;
	[smem:$0x7FF] =	sst s6  }
0x6: {  	vm9 =	vmmov $0x1ff;
	vm10 =	vmmov $0x3ff;
	vm11 =	vmmov $0x7ff;
	s9 =	simm.s32 $0x0;
	s1 =	sadd.s32 $0x24EC00, s0;
	s8 =	sadd.s32 $0x55C200, s0  }
0x7: {  	vm12 =	vmmov $0xfff;
	vm13 =	vmmov $0x1fff;
	vm14 =	vmmov $0x3fff;
	s25 =	sadd.s32 $0x498C00, s0;
	_ =	strace $0x8000004A;
	[dreg:$0x7] =	wrdreg s1  }
0x8: {  	vm15 =	vmmov $0x7fff;
	s2 =	sadd.s32 $0x3D5600, s0;
	s12 =	sadd.s32 $0x129C00, s0;
	v2 =	vor.u32 $0x10, v63;
	v0 =	vsel vm0, $0xFFFFFFFF, v0;
	[dreg:$0x8] =	wrdreg s25  }
0x9: {  	s29 =	sadd.s32 $0x4C00, s0;
	s4 =	sshll.u32 s4, $0x8;
	v3 =	vadd.s32 $0xFFFFFFFC, v63;
	vm1 =	vmneg vm0;
	[dreg:$0x9] =	wrdreg s2;
	[tilespmem:$0x1FFC0] =	vst v0;
	v0 =	vimm.s32 $0x0  }
0xa: {  	s0 =	sadd.s32 $0x20C00, s0;
	v4 =	vadd.s32 $0xC, v63;
	v5 =	vadd.s32 $0x1C, v63;
	s1 =	sand.u32 $0x1, s26;
	[dreg:$0xa] =	wrdreg s29;
	v0 =	vsel vm1, $0xFFFFFFFF, v0  }
0xb: {  	v6 =	vadd.s32 $0x2C, v63;
	vm0 =	vmmov $0x3;
	[dreg:$0xb] =	wrdreg s0;
	s25 =	simm.s32 $0x38;
	s30 =	ssub.s32 $0x2, s1;
	[tilespmem:$0x1FFD0] =	vst v0;
	v0 =	vimm.s32 $0x0  }
0xc: {  	v7 =	vadd.s32 $0x3C, v63;
	v8 =	vadd.s32 $0x4C, v63;
	s2 =	simm.s32 $0x2;
	s1 =	sshll.u32 s1, $0x7;
	s3 =	sshrl.u32 s30, $0x1;
	v0 =	vsel vm0, $0xFFFFFFFF, v0  }
0xd: {  	v9 =	vadd.s32 $0x5C, v63;
	v10 =	vadd.s32 $0x6C, v63;
	s1 =	sor.u32 s1, s4;
	s4 =	simm.s32 $0x3;
	s31 =	ssub.s32 s30, s3;
	[tilespmem:$0x1FFE0] =	vst v0;
	v0 =	vimm.s32 $0x0  }
0xe: {  	v11 =	vadd.s32 $0x7C, v63;
	v12 =	vadd.s32 $0x8C, v63;
	[dreg:$0xc] =	wrdreg s1;
	s1 =	simm.s32 $0xA750;
	s0 =	smax.u32 s31, $0x1;
	v0 =	vsel vm2, $0xFFFFFFFF, v0  }
0xf: {  	v13 =	vadd.s32 $0x9C, v63;
	v14 =	vadd.s32 $0xAC, v63;
	v15 =	vadd.s32 $0xBC, v63;
	s3 =	simm.s32 $0x4;
	[dreg:$0xd] =	wrdreg s0;
	s0 =	simm.s32 $0x1;
	[tilespmem:$0x1FFF0] =	vst v0  }
.LBB2_1:
0x10: {  	[dreg:$0xe] =	wrdreg s9;
	s26 =	simm.s32 $0x0  }
.LBB2_2:
0x11: {  	s7 =	sshll.u32 s26, $0x3;
	s9 =	rddreg [dreg:$0xc]  }
0x12: {  	s7 =	sadd.s32 s9, s7  }
0x13: {  	s9 =	smul.u32 $0x7, s7  }
0x14: {  	s11 =	rddreg [dreg:$0x0]  }
0x15: {  	s30 =	simm.s32 $0x0;
	s9 =	sadd.s32 s11, s9  }
0x16: {  	[tilespmem:s30], [sflag:$0x6] =	stream.linear.gather [hbm4b:s9+s30], $0x1C0, $0x38;
	[tilespmem:$0xE650] =	vst v63  }
0x17: {  	_ =	swait.ge [sflag:s17], $0x1C0  }
0x18: {  	[sflag:s17] =	ssyncset.done $0x0  }
0x19: {  	s29 =	smul.u32 $0x1C, s7;
	[sflag:s17] =	ssyncadd.s32 $0xFFFFFE40  }
0x1a: {  	s13 =	rddreg [dreg:$0x1]  }
0x1b: {  	s9 =	sadd.s32 s13, s29  }
0x1c: {  	[tilespmem:s18], [sflag:$0x6] =	stream.linear.gather [hbm4b:s9+s30], $0x700, $0x38;
	[tilespmem:$0xE650] =	vst v63  }
0x1d: {  	_ =	swait.ge [sflag:s17], $0x700  }
0x1e: {  	[sflag:s17] =	ssyncset.done $0x0  }
0x1f: {  	[sflag:s17] =	ssyncadd.s32 $0xFFFFF900  }
0x20: {  	s14 =	sshrl.u32 s7, $0x3;
	s15 =	rddreg [dreg:$0x2]  }
0x21: {  	s11 =	sadd.s32 s15, s14  }
0x22: {  	[tilespmem:s19], [sflag:$0x6] =	stream.linear.gather [hbm4b:s11+s30], $0x8, $0x38;
	[tilespmem:$0xE650] =	vst v63  }
0x23: {  	_ =	swait.ge [sflag:s17], $0x8  }
0x24: {  	[sflag:s17] =	ssyncset.done $0x0  }
0x25: {  	[sflag:s17] =	ssyncadd.s32 $0xFFFFFFF8  }
0x26: {  	s21 =	rddreg [dreg:$0x3]  }
0x27: {  	s9 =	sadd.s32 s21, s14  }
0x28: {  	[tilespmem:s20], [sflag:$0x6] =	stream.linear.gather [hbm4b:s9+s30], $0x8, $0x38;
	[tilespmem:$0xE650] =	vst v63  }
0x29: {  	_ =	swait.ge [sflag:s17], $0x8  }
0x2a: {  	s7 =	sshll.u32 s7, $0x1;
	[sflag:s17] =	ssyncset.done $0x0;
	s23 =	rddreg [dreg:$0x7]  }
0x2b: {  	s24 =	simm.s32 $0x8D0;
	[sflag:s17] =	ssyncadd.s32 $0xFFFFFFF8;
	s7 =	sadd.s32 s23, s7  }
0x2c: {  	[tilespmem:s24], [sflag:$0x6] =	stream.linear.gather [hbm4b:s7+s30], $0x80, $0x38;
	[tilespmem:$0xE650] =	vst v63  }
0x2d: {  	_ =	swait.ge [sflag:s17], $0x80  }
0x2e: {  	[sflag:s17] =	ssyncset.done $0x0  }
0x2f: {  	s11 =	simm.s32 $0x950;
	s9 =	rddreg [dreg:$0x8];
	[sflag:s17] =	ssyncadd.s32 $0xFFFFFF80  }
0x30: {  	[tilespmem:s11], [sflag:$0x1] =	stream.indirect.gather [hbm4b:s9+s22], $0x40, s19, s22, $0xb8;
	[tilespmem:$0xE650] =	vst v63  }
0x31: {  	s14 =	simm.s32 $0xB50;
	s13 =	rddreg [dreg:$0x9]  }
0x32: {  	[tilespmem:s14], [sflag:$0x1] =	stream.indirect.gather [hbm4b:s13+s22], $0x40, s20, s22, $0xb8;
	[tilespmem:$0xE650] =	vst v63  }
0x33: {  	s15 =	simm.s32 $0xD50  }
0x34: {  	[tilespmem:s15], [sflag:$0x2] =	stream.indirect.gather [hbm4b:s8+s25], $0x40, s30, s25, $0xb8;
	[tilespmem:$0xE650] =	vst v63  }
0x35: {  	s21 =	simm.s32 $0x2950  }
0x36: {  	[tilespmem:s21], [sflag:$0x4] =	stream.indirect.gather [hbm4b:s12+s28], $0x60, s18, s28, $0xb8;
	[tilespmem:$0xE650] =	vst v63  }
0x37: {  	s23 =	simm.s32 $0x230;
	s24 =	simm.s32 $0x5350  }
0x38: {  	[tilespmem:s24], [sflag:$0x4] =	stream.indirect.gather [hbm4b:s12+s28], $0x60, s23, s28, $0xb8;
	[tilespmem:$0xE650] =	vst v63  }
0x39: {  	_ =	swait.ge [sflag:s0], $0x200  }
0x3a: {  	[sflag:s0] =	ssyncset.done $0x0  }
0x3b: {  	[sflag:s0] =	ssyncadd.s32 $0xFFFFFE00  }
0x3c: {  	_ =	swait.ge [sflag:s0], $0x200  }
0x3d: {  	[sflag:s0] =	ssyncset.done $0x0  }
0x3e: {  	s31 =	simm.s32 $0xD150;
	s21 =	simm.s32 $0xD230;
	[sflag:s0] =	ssyncadd.s32 $0xFFFFFE00  }
.LBB2_3:
0x3f: {  	s24 =	sshllo.u32 s30, $0x1  }
0x40: {  	s23 =	smul.u32 $0xE0, s24;
	_ =	sdelay $0x1  }
0x41: {  	s7 =	sshra.s32 s23, $0x2  }
0x42: {  	[tilespmem:s10], [sflag:$0x3] =	stream.indirect.gather [hbm4b:s8+s25], $0x40, s7, s25, $0xb8;
	[tilespmem:$0xE650] =	vst v63  }
0x43: {  	s13 =	sadd.s32 $0x1C0, s23  }
0x44: {  	[tilespmem:s16], [sflag:$0x5] =	stream.indirect.gather [hbm4b:s12+s28], $0x60, s13, s28, $0xb8;
	[tilespmem:$0xE650] =	vst v63  }
0x45: {  	s14 =	sadd.s32 $0x230, s23  }
0x46: {  	[tilespmem:s1], [sflag:$0x5] =	stream.indirect.gather [hbm4b:s12+s28], $0x60, s14, s28, $0xb8;
	[tilespmem:$0xE650] =	vst v63  }
0x47: {  	_ =	swait.ge [sflag:s2], $0xE00  }
0x48: {  	[sflag:s2] =	ssyncset.done $0x0  }
0x49: {  	[sflag:s2] =	ssyncadd.s32 $0xFFFFF200  }
0x4a: {  	_ =	swait.ge [sflag:s3], $0x2A00  }
0x4b: {  	[sflag:s3] =	ssyncset.done $0x0  }
0x4c: {  	[sflag:s3] =	ssyncadd.s32 $0xFFFFD600  }
0x4d: {  	_ =	swait.ge [sflag:s3], $0x2A00  }
0x4e: {  	s9 =	sshll.u32 s30, $0x7;
	[sflag:s3] =	ssyncset.done $0x0  }
0x4f: {  	s15 =	sshrl.u32 s9, $0x2;
	[sflag:s3] =	ssyncadd.s32 $0xFFFFD600  }
0x50: {  	v20 =	vld [tilespmem:s15+$0x8D0];
	_ =	sdelay $0x4  }
0x51: {  	(v2sf) =	vpush v20, $0x0;
	_ =	sdelay $0xe  }
0x52: {  	s11 =	spop (v2sf)  }
0x53: {  	p1 =	slt.s32 s11, $0x1  }
.Ltmp0:
0x54: {  	_ = 	snop;
	(pc) =	sbr.rel @p1 .LBB2_4-.Ltmp0, $3  }
0x55: {  	_ =	sdelay $0x1  }
0x56: {  	p0 =	slt.s32 s11, $0x32  }
0x57: {  	v16 =	vimm.f32 $0.0e+00;
	s13 =	simm.s32 $0xD70;
	s11 =	simm.s32 @!p0 $0x32  }
0x58: {  	v17 =	vld [tilespmem:s13+$0x10];
	p0 =	sne.s32 s11, $0x1  }
.Ltmp1:
0x59: {  	v18 =	vld [tilespmem:s13+$0xFFFFFFF0];
	(pc) =	sbr.rel @!p0 .LBB2_7-.Ltmp1, $3  }
0x5a: {  	v19 =	vld [tilespmem:s13+$0x0]  }
0x5b: {  	v21 =	vld [tilespmem:s13+$0xFFFFFFE0];
	_ =	sdelay $0x1  }
0x5c: {  	s7 =	sadd.s32 $0xFFFFFFFF, s11;
	s13 =	sadd.s32 $0x40, s13;
	v22 =	vimm.f32 $0.0e+00;
	v23 =	vimm.f32 $0.0e+00;
	v17 =	vadd.f32 v17, v16  }
.LBB2_6:
0x5d: {  	v24 =	vld [tilespmem:s13+$0x10];
	p0 =	sne.s32 s7, $0x1;
	s7 =	sadd.s32 $0xFFFFFFFF, s7;
	v16 =	vadd.f32 v18, v16  }
.Ltmp2:
0x5e: {  	v18 =	vld [tilespmem:s13+$0xFFFFFFF0];
	v22 =	vadd.f32 v19, v22;
	(pc) =	sbr.rel @p0 .LBB2_6-.Ltmp2, $3  }
0x5f: {  	v19 =	vld [tilespmem:s13+$0x0];
	v23 =	vadd.f32 v21, v23  }
0x60: {  	v21 =	vld [tilespmem:s13+$0xFFFFFFE0];
	_ =	sdelay $0x1  }
0x61: {  	s13 =	sadd.s32 $0x40, s13;
	v17 =	vadd.f32 v24, v17  }
.LBB2_7:
.Ltmp3:
0x62: {  	(pc) =	sbr.rel .LBB2_8-.Ltmp3, $3  }
0x63: {  	_ =	sdelay $0x1  }
0x64: {  	v18 =	vadd.f32 v18, v16  }
0x65: {  	v19 =	vadd.f32 v19, v22;
	v16 =	vadd.f32 v21, v23  }
.LBB2_4:
0x66: {  	v18 =	vimm.f32 $0.0e+00;
	v19 =	vimm.f32 $0.0e+00;
	v17 =	vimm.f32 $0.0e+00  }
.LBB2_8:
0x67: {  	v26 =	vbroadcast v20, $0x1;
	_ =	sdelay $0x1  }
0x68: {  	v0 =	vimm.s32 $0x0;
	vm1 =	vgt.s32 v26, v63  }
0x69: {  	v0 =	vsel vm1, $0xFFFFFFFF, v0  }
0x6a: {  	v20 =	vbroadcast v20, $0x2;
	vm1 =	vgt.s32 v26, v2;
	[tilespmem:$0x1FF70] =	vst v0;
	v0 =	vimm.s32 $0x0  }
0x6b: {  	v0 =	vsel vm1, $0xFFFFFFFF, v0  }
0x6c: {  	vm1 =	vgt.s32 v20, v3;
	[tilespmem:$0x1FF90] =	vst v0;
	v0 =	vimm.s32 $0x0  }
0x6d: {  	v0 =	vsel vm1, $0xFFFFFFFF, v0  }
0x6e: {  	[tilespmem:$0x1FF80] =	vst v0;
	v0 =	vld [tilespmem:$0x1FF70];
	_ =	sdelay $0x4  }
0x6f: {  	vm1 =	vnez.u8 v0;
	v0 =	vld [tilespmem:$0x1FFD0];
	_ =	sdelay $0x4  }
0x70: {  	v26 =	vsel vm1, $0x1, v1;
	vm1 =	vnez.u8 v0;
	v0 =	vld [tilespmem:$0x1FF80];
	_ =	sdelay $0x4  }
0x71: {  	vm0 =	vnez.u8 v0  }
0x72: {  	v0 =	vimm.s32 $0x0;
	vm0 =	vmand vm1, vm0  }
0x73: {  	v0 =	vsel vm0, $0xFFFFFFFF, v0  }
0x74: {  	[tilespmem:$0x1FFA0] =	vst v0;
	v0 =	vld [tilespmem:$0x1FF90];
	_ =	sdelay $0x2  }
0x75: {  	v21 =	vld [tilespmem:s9+$0x950]  }
0x76: {  	v22 =	vld [tilespmem:s9+$0x960]  }
0x77: {  	vm1 =	vnez.u8 v0;
	v0 =	vld [tilespmem:$0x1FFC0]  }
0x78: {  	v23 =	vld [tilespmem:s9+$0x970]  }
0x79: {  	v24 =	vld [tilespmem:s9+$0x980]  }
0x7a: {  	v25 =	vld [tilespmem:s9+$0xB50]  }
0x7b: {  	v27 =	vld [tilespmem:s9+$0xB60];
	s7 =	smul.u32 $0x1C0, s30  }
0x7c: {  	v29 =	vld [tilespmem:s9+$0xB70];
	vm0 =	vnez.u8 v0  }
0x7d: {  	v30 =	vld [tilespmem:s9+$0xB80];
	[tilespmem:s7+$0xDF70] =	vst v1;
	v0 =	vimm.s32 $0x0;
	vm1 =	vmand vm1, vm0  }
0x7e: {  	[tilespmem:s7+$0xDF80] =	vst v1;
	v0 =	vsel vm1, $0xFFFFFFFF, v0  }
0x7f: {  	[tilespmem:$0x1FFB0] =	vst v0;
	v0 =	vld [tilespmem:$0x1FFA0]  }
0x80: {  	[tilespmem:s7+$0xDF90] =	vst v1  }
0x81: {  	[tilespmem:s7+$0xDFA0] =	vst v1  }
0x82: {  	[tilespmem:s7+$0xDFB0] =	vst v1  }
0x83: {  	[tilespmem:s7+$0xDFC0] =	vst v1  }
0x84: {  	[tilespmem:s7+$0xDFD0] =	vst v1;
	vm1 =	vnez.u8 v0;
	v0 =	vld [tilespmem:$0x1FFB0]  }
0x85: {  	[tilespmem:s7+$0xDFE0] =	vst v1  }
0x86: {  	[tilespmem:s7+$0xDFF0] =	vst v1  }
0x87: {  	[tilespmem:s7+$0xE000] =	vst v1  }
0x88: {  	[tilespmem:s7+$0xE010] =	vst v1  }
0x89: {  	[tilespmem:s7+$0xE020] =	vst v1;
	vm3 =	vnez.u8 v0  }
0x8a: {  	[tilespmem:s7+$0xD850] =	vst v26;
	vm1 =	vmor vm3, vm1  }
0x8b: {  	[tilespmem:s7+$0xDF50] =	vst v26;
	v26 =	vsel vm1, $0x1, v1  }
0x8c: {  	vm1 =	vgt.s32 v20, v4;
	[tilespmem:s7+$0xD860] =	vst v26;
	v26 =	vnsel vm0, $0x0, v26  }
0x8d: {  	[tilespmem:s7+$0xDF60] =	vst v26;
	v26 =	vsel vm1, $0x1, v1;
	vm1 =	vgt.s32 v20, v5  }
0x8e: {  	[tilespmem:s7+$0xD870] =	vst v26;
	v26 =	vsel vm1, $0x1, v1;
	vm1 =	vgt.s32 v20, v6  }
0x8f: {  	[tilespmem:s7+$0xD880] =	vst v26;
	v26 =	vsel vm1, $0x1, v1;
	vm1 =	vgt.s32 v20, v7  }
0x90: {  	[tilespmem:s7+$0xD890] =	vst v26;
	v26 =	vsel vm1, $0x1, v1;
	vm1 =	vgt.s32 v20, v8  }
0x91: {  	[tilespmem:s7+$0xD8A0] =	vst v26;
	v26 =	vsel vm1, $0x1, v1;
	vm1 =	vgt.s32 v20, v9  }
0x92: {  	[tilespmem:s7+$0xD8B0] =	vst v26;
	v26 =	vsel vm1, $0x1, v1;
	vm1 =	vgt.s32 v20, v10  }
0x93: {  	[tilespmem:s7+$0xD8C0] =	vst v26;
	v26 =	vsel vm1, $0x1, v1;
	vm1 =	vgt.s32 v20, v11  }
0x94: {  	[tilespmem:s7+$0xD8D0] =	vst v26;
	v26 =	vsel vm1, $0x1, v1;
	vm1 =	vgt.s32 v20, v12  }
0x95: {  	[tilespmem:s7+$0xD8E0] =	vst v26;
	v26 =	vsel vm1, $0x1, v1;
	vm1 =	vgt.s32 v20, v13  }
0x96: {  	[tilespmem:s7+$0xD8F0] =	vst v26;
	v26 =	vsel vm1, $0x1, v1;
	vm1 =	vgt.s32 v20, v14  }
0x97: {  	[tilespmem:s7+$0xD900] =	vst v26;
	v26 =	vsel vm1, $0x1, v1;
	vm1 =	vgt.s32 v20, v15  }
0x98: {  	[tilespmem:s7+$0xD910] =	vst v26;
	v20 =	vsel vm1, $0x1, v1  }
0x99: {  	s9 =	simm.s32 $0x2C50;
	[tilespmem:s7+$0xD920] =	vst v20  }
0x9a: {  	v26 =	vld [tilespmem:s9+$0x2F0]  }
0x9b: {  	v31 =	vld [tilespmem:s9+$0x2D0]  }
0x9c: {  	v33 =	vld [tilespmem:s9+$0x2C0]  }
0x9d: {  	v34 =	vld [tilespmem:s9+$0x2B0]  }
0x9e: {  	v32 =	vld [tilespmem:s9+$0x290]  }
0x9f: {  	v35 =	vld [tilespmem:s9+$0x280]  }
0xa0: {  	v36 =	vld [tilespmem:s9+$0x230]  }
0xa1: {  	v37 =	vld [tilespmem:s9+$0x270]  }
0xa2: {  	v38 =	vld [tilespmem:s9+$0x260]  }
0xa3: {  	v39 =	vld [tilespmem:s9+$0x250]  }
0xa4: {  	v40 =	vld [tilespmem:s9+$0x240]  }
0xa5: {  	v41 =	vld [tilespmem:s9+$0x1D0]  }
0xa6: {  	v42 =	vld [tilespmem:s9+$0x1C0]  }
0xa7: {  	v43 =	vld [tilespmem:s9+$0x210]  }
0xa8: {  	v44 =	vld [tilespmem:s9+$0x200]  }
0xa9: {  	v28 =	vld [tilespmem:s9+$0x1F0]  }
0xaa: {  	v45 =	vld [tilespmem:s9+$0x170]  }
0xab: {  	v46 =	vld [tilespmem:s9+$0x160]  }
0xac: {  	s11 =	scvt.s32.f32 s11;
	v47 =	vld [tilespmem:s9+$0x1B0]  }
0xad: {  	v48 =	vld [tilespmem:s9+$0x1A0]  }
0xae: {  	v20 =	vmov s11;
	v49 =	vld [tilespmem:s9+$0x190]  }
0xaf: {  	(erf) = vrcp.f32 v20;
	v50 =	vld [tilespmem:s9+$0x180]  }
0xb0: {  	v51 =	vld [tilespmem:s9+$0x110]  }
0xb1: {  	v52 =	vld [tilespmem:s9+$0x150]  }
0xb2: {  	v53 =	vld [tilespmem:s9+$0x140]  }
0xb3: {  	v54 =	vld [tilespmem:s9+$0x130]  }
0xb4: {  	v55 =	vld [tilespmem:s9+$0x120]  }
0xb5: {  	v56 =	vld [tilespmem:s9+$0xB0]  }
0xb6: {  	v57 =	vld [tilespmem:s9+$0xA0]  }
0xb7: {  	v58 =	vld [tilespmem:s9+$0xF0]  }
0xb8: {  	v59 =	vld [tilespmem:s9+$0xE0];
	v20 =	vpop (erf)  }
0xb9: {  	v60 =	vld [tilespmem:s9+$0xD0];
	v16 =	vmul.f32 v16, v20;
	v18 =	vmul.f32 v18, v20  }
0xba: {  	v63 =	vld [tilespmem:s9+$0x50];
	v62 =	vmul.f32 v17, v20;
	v17 =	vpack.i.f32.bf16 v22, v21;
	v22 =	vpack.i.f32.bf16 v30, v29  }
0xbb: {  	v0 =	vld [tilespmem:s9+$0x40];
	v61 =	vmul.f32 v19, v20;
	v19 =	vpack.i.f32.bf16 v24, v23;
	v41 =	vmul.bf16 v41, v22  }
0xbc: {  	v29 =	vld [tilespmem:s9+$0x70];
	v45 =	vmul.bf16 v45, v22;
	v28 =	vmul.bf16 v28, v19  }
0xbd: {  	v30 =	vld [tilespmem:s9+$0x60];
	v20 =	vpack.i.f32.bf16 v18, v16;
	v18 =	vpack.i.f32.bf16 v27, v25;
	v25 =	vmul.bf16 v40, v17  }
0xbe: {  	v21 =	vpack.i.f32.bf16 v62, v61;
	v61 =	vld [tilespmem:s9+$0x90];
	v27 =	vmul.bf16 v39, v19;
	v40 =	vmul.bf16 v32, v22  }
0xbf: {  	v62 =	vld [tilespmem:s9+$0x80];
	v23 =	vmul.bf16 v38, v20;
	v24 =	vmul.bf16 v37, v21  }
0xc0: {  	v32 =	vld [tilespmem:s9+$0xFFFFFFF0];
	v35 =	vmul.bf16 v35, v18;
	v31 =	vmul.bf16 v31, v21  }
0xc1: {  	v39 =	vld [tilespmem:s9+$0x10];
	v37 =	vmul.bf16 v47, v21;
	v47 =	vmul.bf16 v53, v20  }
0xc2: {  	v38 =	vld [tilespmem:s9+$0x30];
	v46 =	vmul.bf16 v46, v18;
	v0 =	vmul.bf16 v0, v18;
	v25 =	vadd.bf16 v27, v25  }
0xc3: {  	v53 =	vld [tilespmem:s9+$0xFFFFFFB0];
	v27 =	vmul.bf16 v33, v20;
	v24 =	vadd.bf16 v24, v23;
	v23 =	vmul.bf16 v26, v22  }
0xc4: {  	v33 =	vld [tilespmem:s9+$0x20];
	v26 =	vadd.bf16 v40, v35;
	v35 =	vmul.bf16 v48, v20;
	v48 =	vmul.bf16 v50, v17  }
0xc5: {  	v50 =	vmul.bf16 v49, v19;
	v25 =	vadd.bf16 v24, v25;
	v24 =	vadd.bf16 v31, v27;
	v31 =	vld [tilespmem:s9+$0x0]  }
0xc6: {  	v49 =	vmul.bf16 v55, v17;
	v45 =	vadd.bf16 v45, v46;
	v27 =	vmul.bf16 v42, v18;
	v42 =	vld [tilespmem:s9+$0xFFFFFF90]  }
0xc7: {  	v30 =	vmul.bf16 v30, v17;
	v35 =	vadd.bf16 v37, v35;
	v37 =	vmul.bf16 v43, v21;
	v43 =	vld [tilespmem:s9+$0xFFFFFFD0]  }
0xc8: {  	v29 =	vmul.bf16 v29, v19;
	v40 =	vadd.bf16 v50, v48;
	v55 =	vmul.bf16 v61, v21;
	v61 =	vld [tilespmem:s9+$0xFFFFFF00]  }
0xc9: {  	v48 =	vmul.bf16 v52, v21;
	v26 =	vadd.bf16 v26, v25;
	v25 =	vmul.bf16 v34, v19;
	v34 =	vld [tilespmem:s9+$0xFFFFFF80]  }
0xca: {  	v50 =	vmul.bf16 v54, v19;
	v54 =	vmul.bf16 v62, v20;
	v35 =	vadd.bf16 v35, v40;
	v40 =	vld [tilespmem:s9+$0xFFFFFFC0]  }
0xcb: {  	v39 =	vmul.bf16 v39, v19;
	v27 =	vadd.bf16 v41, v27;
	v47 =	vadd.bf16 v48, v47;
	v48 =	vld [tilespmem:s9+$0xFFFFFF20]  }
0xcc: {  	v29 =	vadd.bf16 v29, v30;
	v49 =	vadd.bf16 v50, v49;
	v50 =	vmul.bf16 v56, v22;
	v56 =	vld [tilespmem:s9+$0xFFFFFED0]  }
0xcd: {  	v30 =	vadd.bf16 v55, v54;
	v54 =	vld [tilespmem:s9+$0xFFFFFEF0];
	v35 =	vadd.bf16 v27, v35;
	v27 =	vmul.bf16 v44, v20  }
0xce: {  	v62 =	vmul.bf16 v63, v22;
	v63 =	vmul.bf16 v59, v20;
	v41 =	vunpack.i.u.bf16.f32 v26;
	v44 =	vld [tilespmem:s9+$0xFFFFFF30]  }
0xcf: {  	v52 =	vunpack.i.l.bf16.f32 v26;
	v26 =	vmul.bf16 v36, v22;
	v36 =	vld [tilespmem:s9+$0xFFFFFF70];
	v27 =	vadd.bf16 v37, v27  }
0xd0: {  	v33 =	vmul.bf16 v33, v20;
	v37 =	vadd.f32 v52, v41;
	v41 =	vadd.bf16 v47, v49;
	v47 =	vld [tilespmem:s9+$0xFFFFFF60]  }
0xd1: {  	v0 =	vadd.bf16 v62, v0;
	v29 =	vadd.bf16 v30, v29;
	v31 =	vmul.bf16 v31, v17;
	v52 =	vld [tilespmem:s9+$0xFFFFFF50]  }
0xd2: {  	v42 =	vmul.bf16 v42, v22;
	v46 =	vunpack.i.u.bf16.f32 v35;
	v49 =	vmul.bf16 v57, v18;
	v57 =	vld [tilespmem:s9+$0xFFFFFF10]  }
0xd3: {  	v35 =	vunpack.i.l.bf16.f32 v35;
	v31 =	vadd.bf16 v39, v31;
	v39 =	vmul.bf16 v58, v21;
	v58 =	vld [tilespmem:s9+$0xFFFFFEB0]  }
0xd4: {  	v46 =	vadd.f32 v35, v46;
	v35 =	vmul.bf16 v38, v21;
	v41 =	vadd.bf16 v45, v41;
	v45 =	vld [tilespmem:s9+$0xFFFFFF40]  }
0xd5: {  	v34 =	vmul.bf16 v34, v18;
	v54 =	vmul.bf16 v54, v19;
	v30 =	vadd.bf16 v50, v49;
	v49 =	vld [tilespmem:s9+$0xFFFFFE70]  }
0xd6: {  	v50 =	vld [tilespmem:s9+$0xFFFFFE60];
	(xrf2) =	vadd.scan.msk.f32 $0xffff, v37;
	v37 =	vmul.bf16 v56, v22;
	v33 =	vadd.bf16 v35, v33;
	v36 =	vmul.bf16 v36, v21  }
0xd7: {  	v35 =	vld [tilespmem:s9+$0xFFFFFEE0];
	v34 =	vadd.bf16 v42, v34;
	v44 =	vmul.bf16 v44, v22;
	v38 =	vunpack.i.u.bf16.f32 v41  }
0xd8: {  	v42 =	vld [tilespmem:s9+$0xFFFFFE20];
	v41 =	vunpack.i.l.bf16.f32 v41;
	v62 =	vadd.bf16 v30, v29;
	v30 =	vadd.bf16 v39, v63  }
0xd9: {  	(xrf2) =	vadd.scan.msk.f32 $0xffff, v46;
	v46 =	vld [tilespmem:s9+$0xFFFFFD20];
	v29 =	vmul.bf16 v51, v22;
	v31 =	vadd.bf16 v33, v31;
	v41 =	vadd.f32 v41, v38  }
0xda: {  	v51 =	vld [tilespmem:s9+$0xFFFFFE90];
	v38 =	vmul.bf16 v47, v20;
	v57 =	vmul.bf16 v57, v21;
	v63 =	vunpack.i.u.bf16.f32 v62  }
0xdb: {  	v33 =	vld [tilespmem:s9+$0xFFFFFEA0];
	v59 =	vunpack.i.l.bf16.f32 v62;
	v0 =	vadd.bf16 v0, v31;
	v31 =	vmul.bf16 v60, v19  }
0xdc: {  	v47 =	vld [tilespmem:s9+$0xFFFFFE00];
	v59 =	vadd.f32 v59, v63;
	v62 =	vmul.bf16 v45, v17;
	v63 =	vmul.bf16 v52, v19  }
0xdd: {  	v52 =	vld [tilespmem:s9+$0xFFFFFE50];
	v36 =	vadd.bf16 v36, v38;
	v38 =	vmul.bf16 v43, v21;
	v49 =	vmul.bf16 v49, v22  }
0xde: {  	v60 =	vld [tilespmem:s9+$0xFFFFFE10];
	v55 =	vunpack.i.u.bf16.f32 v0;
	v0 =	vunpack.i.l.bf16.f32 v0;
	v39 =	vadd.bf16 v63, v62  }
0xdf: {  	v45 =	vld [tilespmem:s9+$0xFFFFFE30];
	v35 =	vmul.bf16 v35, v17;
	v0 =	vadd.f32 v0, v55;
	v55 =	vmul.bf16 v61, v20  }
0xe0: {  	v43 =	vld [tilespmem:s9+$0xFFFFFE40];
	v42 =	vmul.bf16 v42, v17;
	v36 =	vadd.bf16 v36, v39;
	v39 =	vmul.bf16 v40, v20  }
0xe1: {  	v61 =	vld [tilespmem:s9+$0xFFFFFD50];
	v40 =	vmul.bf16 v48, v18;
	v48 =	vadd.bf16 v54, v35;
	v62 =	vadd.bf16 v57, v55  }
0xe2: {  	v54 =	vld [tilespmem:s9+$0xFFFFFDD0];
	v52 =	vmul.bf16 v52, v21;
	v63 =	vadd.bf16 v34, v36;
	v35 =	vadd.bf16 v38, v39  }
0xe3: {  	v57 =	vld [tilespmem:s9+$0xFFFFFD40];
	v34 =	vmul.bf16 v32, v22;
	v39 =	vadd.bf16 v44, v40;
	v32 =	vadd.bf16 v62, v48  }
0xe4: {  	v45 =	vmul.bf16 v45, v19;
	v55 =	vmul.bf16 v47, v18;
	v47 =	vld [tilespmem:s9+$0xFFFFFD00]  }
0xe5: {  	v40 =	vld [tilespmem:s9+$0xFFFFFDF0];
	v44 =	vunpack.i.u.bf16.f32 v63;
	v62 =	vunpack.i.l.bf16.f32 v63;
	v32 =	vadd.bf16 v39, v32  }
0xe6: {  	v36 =	vmul.bf16 v53, v19;
	v53 =	vld [tilespmem:s9+$0xFFFFFDE0];
	v63 =	vmul.bf16 v43, v20;
	v39 =	vadd.f32 v62, v44  }
0xe7: {  	(xrf2) =	vadd.scan.msk.f32 $0xffff, v41;
	v48 =	vld [tilespmem:s9+$0xFFFFFDC0];
	v62 =	vmul.bf16 v50, v18;
	v50 =	vunpack.i.u.bf16.f32 v32;
	v32 =	vunpack.i.l.bf16.f32 v32  }
0xe8: {  	v41 =	vmul.bf16 v51, v19;
	v38 =	vld [tilespmem:s9+$0xFFFFFDB0];
	v42 =	vadd.bf16 v45, v42;
	v63 =	vadd.bf16 v52, v63  }
0xe9: {  	v16 =	vmov s31;
	(xrf2) =	vadd.scan.msk.f32 $0xffff, v59;
	v33 =	vmul.bf16 v33, v20;
	v56 =	vmul.bf16 v60, v22;
	v45 =	vld [tilespmem:s9+$0xFFFFFD90]  }
0xea: {  	v52 =	vmul.bf16 v58, v21;
	v58 =	vadd.bf16 v63, v42;
	v42 =	vadd.f32 v32, v50;
	v32, _, _ =	vpop (xrf2);
	(xrf2) =	vadd.scan.msk.f32 $0xffff, v0;
	v0 =	vld [tilespmem:$0x1FFE0]  }
0xeb: {  	v43 =	vld [tilespmem:s9+$0xFFFFFD30];
	v54 =	vmul.bf16 v54, v19;
	v49 =	vadd.bf16 v49, v62;
	v53 =	vmul.bf16 v53, v20  }
0xec: {  	v44 =	vld [tilespmem:s9+$0xFFFFFD10];
	v60 =	vmul.bf16 v40, v21;
	v62 =	vmul.bf16 v48, v17;
	v50 =	vadd.bf16 v56, v55  }
0xed: {  	v51 =	vmul.bf16 v57, v18;
	v48 =	vld [tilespmem:s9+$0xFFFFFD80];
	v40 =	vadd.bf16 v52, v33;
	v58 =	vadd.bf16 v49, v58  }
0xee: {  	v52 =	vmul.bf16 v61, v22;
	v56 =	vadd.bf16 v60, v53;
	v53 =	vld [tilespmem:s9+$0xFFFFFD60];
	v55 =	vadd.bf16 v54, v62  }
0xef: {  	s13 =	simm.s32 $0x0;
	s14 =	simm.s32 $0x40;
	s11 =	sadd.s32 $0x70, s23;
	v49 =	vld [tilespmem:s9+$0xFFFFFD70];
	v33, _, _ =	vpop (xrf2);
	v54 =	vunpack.i.u.bf16.f32 v58;
	v57 =	vunpack.i.l.bf16.f32 v58;
	vm3 =	vnez.u8 v0  }
.LBB2_9:
0xf0: {  	p0 =	sne.s32 s14, $0x340;
	v0 =	vmul.bf16 v46, v20;
	v43 =	vmul.bf16 v43, v21;
	v46 =	vld [tilespmem:s9+$0xFFFFFDA0];
	v55 =	vadd.bf16 v56, v55;
	(xrf2) =	vadd.scan.msk.f32 $0xffff, v39  }
0xf1: {  	v47 =	vmul.bf16 v47, v17;
	v44 =	vmul.bf16 v44, v19;
	v54 =	vadd.f32 v57, v54;
	v39, _, _ =	vpop (xrf2)  }
0xf2: {  	v0 =	vadd.bf16 v43, v0;
	v43 =	vmul.bf16 v38, v22;
	v50 =	vadd.bf16 v50, v55;
	v55 =	vld [tilespmem:s9+$0xFFFFFE80]  }
0xf3: {  	v45 =	vmul.bf16 v45, v21;
	v44 =	vadd.bf16 v44, v47;
	v47 =	vmul.bf16 v48, v20;
	v48 =	vld [tilespmem:s9+$0xFFFFFEC0];
	(xrf2) =	vadd.scan.msk.f32 $0xffff, v42  }
0xf4: {  	v42 =	vadd.bf16 v52, v51;
	v49 =	vmul.bf16 v49, v19;
	v51 =	vmul.bf16 v53, v17;
	v38, _, _ =	vpop (xrf2)  }
0xf5: {  	v0 =	vadd.bf16 v0, v44;
	v44 =	vmul.bf16 v46, v18;
	v46 =	vunpack.i.u.bf16.f32 v50;
	v52 =	vld [tilespmem:s9+$0xFFFFFFA0]  }
0xf6: {  	v45 =	vadd.bf16 v45, v47;
	v49 =	vadd.bf16 v49, v51;
	v51 =	vunpack.i.l.bf16.f32 v50;
	v50 =	vld [tilespmem:s9+$0xFFFFFFE0];
	(xrf2) =	vadd.scan.msk.f32 $0xffff, v54  }
0xf7: {  	v0 =	vadd.bf16 v42, v0;
	v42 =	vadd.f32 v51, v46;
	v46 =	vmul.bf16 v55, v17;
	v47, _, _ =	vpop (xrf2)  }
0xf8: {  	v43 =	vadd.bf16 v43, v44;
	v51 =	vadd.bf16 v45, v49;
	v44 =	vmul.bf16 v48, v18;
	v48 =	vld [tilespmem:s9+$0xC0]  }
0xf9: {  	v49 =	vunpack.i.u.bf16.f32 v0;
	v0 =	vunpack.i.l.bf16.f32 v0;
	v41 =	vadd.bf16 v41, v46;
	v46 =	vld [tilespmem:s9+$0x100];
	(xrf2) =	vadd.scan.msk.f32 $0xffff, v42  }
0xfa: {  	v0 =	vadd.f32 v0, v49;
	v51 =	vadd.bf16 v43, v51;
	v43 =	vmul.bf16 v52, v17;
	v45, _, _ =	vpop (xrf2)  }
0xfb: {  	v37 =	vadd.bf16 v37, v44;
	v40 =	vadd.bf16 v40, v41;
	v41 =	vmul.bf16 v50, v18;
	v44 =	vld [tilespmem:s9+$0x1E0]  }
0xfc: {  	v49 =	vunpack.i.u.bf16.f32 v51;
	v50 =	vunpack.i.l.bf16.f32 v51;
	v36 =	vadd.bf16 v36, v43;
	v43 =	vld [tilespmem:s9+$0x220];
	(xrf2) =	vadd.scan.msk.f32 $0xffff, v0  }
0xfd: {  	v0 =	vadd.f32 v50, v49;
	v49 =	vadd.bf16 v37, v40;
	v40 =	vmul.bf16 v48, v17;
	v42, _, _ =	vpop (xrf2)  }
0xfe: {  	v34 =	vadd.bf16 v34, v41;
	v35 =	vadd.bf16 v35, v36;
	v36 =	vmul.bf16 v46, v18;
	v41 =	vld [tilespmem:s9+$0x2A0]  }
0xff: {  	v46 =	vunpack.i.u.bf16.f32 v49;
	v48 =	vunpack.i.l.bf16.f32 v49;
	v31 =	vadd.bf16 v31, v40;
	v40 =	vld [tilespmem:s9+$0x2E0];
	(xrf2) =	vadd.scan.msk.f32 $0xffff, v0  }
0x100: {  	v0 =	vadd.f32 v48, v46;
	v46 =	vadd.bf16 v34, v35;
	v35 =	vmul.bf16 v44, v17;
	v37, _, _ =	vpop (xrf2)  }
0x101: {  	v29 =	vadd.bf16 v29, v36;
	v30 =	vadd.bf16 v30, v31;
	v31 =	vmul.bf16 v43, v18  }
0x102: {  	v36 =	vunpack.i.u.bf16.f32 v46;
	v43 =	vunpack.i.l.bf16.f32 v46;
	v28 =	vadd.bf16 v28, v35;
	(xrf2) =	vadd.scan.msk.f32 $0xffff, v0  }
0x103: {  	v0 =	vadd.f32 v43, v36;
	v29 =	vadd.bf16 v29, v30;
	v30 =	vmul.bf16 v41, v17;
	v34, _, _ =	vpop (xrf2)  }
0x104: {  	v26 =	vadd.bf16 v26, v31;
	v35 =	vadd.bf16 v27, v28;
	v28 =	vmul.bf16 v40, v18  }
0x105: {  	v31 =	vunpack.i.u.bf16.f32 v29;
	v29 =	vunpack.i.l.bf16.f32 v29;
	v25 =	vadd.bf16 v25, v30;
	(xrf2) =	vadd.scan.msk.f32 $0xffff, v0  }
0x106: {  	v0 =	vadd.f32 v29, v31;
	v26 =	vadd.bf16 v26, v35;
	v27, _, _ =	vpop (xrf2)  }
0x107: {  	v23 =	vadd.bf16 v23, v28;
	v29 =	vadd.bf16 v24, v25  }
0x108: {  	v25 =	vunpack.i.u.bf16.f32 v26;
	v26 =	vunpack.i.l.bf16.f32 v26;
	(xrf2) =	vadd.scan.msk.f32 $0xffff, v0  }
0x109: {  	v0 =	vadd.f32 v26, v25;
	v23 =	vadd.bf16 v23, v29;
	v24, _, _ =	vpop (xrf2)  }
0x10a: {  	v28 =	vbroadcast v27, $0xF;
	v24 =	vbroadcast v24, $0xF  }
0x10b: {  	v26 =	vbroadcast v34, $0xF;
	v27 =	vunpack.i.u.bf16.f32 v23;
	(xrf2) =	vadd.scan.msk.f32 $0xffff, v0  }
0x10c: {  	v23 =	vunpack.i.l.bf16.f32 v23;
	v0 =	vsel vm2, v28, v24;
	v24 =	vbroadcast v37, $0xF;
	v25, _, _ =	vpop (xrf2)  }
0x10d: {  	v23 =	vadd.f32 v23, v27;
	v0 =	vsel vm3, v0, v26;
	v25 =	vbroadcast v25, $0xF  }
0x10e: {  	v0 =	vsel vm4, v0, v24;
	v24 =	vbroadcast v42, $0xF  }
0x10f: {  	v27 =	vbroadcast v45, $0xF;
	v0 =	vsel vm0, v0, v25;
	v26, _, _ =	vpop (xrf2);
	(xrf2) =	vadd.scan.msk.f32 $0xffff, v23  }
0x110: {  	v0 =	vsel vm5, v0, v24;
	v23 =	vbroadcast v26, $0xF  }
0x111: {  	v24 =	vbroadcast v47, $0xF;
	v0 =	vsel vm6, v0, v27  }
0x112: {  	v0 =	vsel vm7, v0, v23;
	v23 =	vbroadcast v38, $0xF;
	v25, _, _ =	vpop (xrf2)  }
0x113: {  	v0 =	vsel vm8, v0, v24;
	v24 =	vbroadcast v25, $0xF  }
0x114: {  	v0 =	vsel vm9, v0, v23;
	v23 =	vbroadcast v39, $0xF  }
0x115: {  	v0 =	vsel vm10, v0, v24;
	v24 =	vbroadcast v33, $0xF;
	v25, _, _ =	vpop (xrf2)  }
0x116: {  	v0 =	vsel vm11, v0, v23;
	v25 =	vbroadcast v25, $0xF  }
0x117: {  	v0 =	vsel vm12, v0, v24;
	v24 =	vbroadcast v32, $0xF  }
0x118: {  	v0 =	vsel vm13, v0, v25  }
0x119: {  	v0 =	vsel vm14, v0, v24;
	v23, _, _ =	vpop (xrf2)  }
0x11a: {  	s15 =	sshra.s32 s13, $0x2;
	s13 =	smov.u32 s14;
	v0 =	vsel vm15, v0, v23  }
0x11b: {  	s9 =	sadd.s32 $0x600, s9;
	[tilespmem:v16+s15+$0x0 ss:$0x1] =	vst.idx.msk $0xffff, v0  }
0x11c: {  	v0 =	vld [tilespmem:s9+$0x2F0]  }
0x11d: {  	v24 =	vld [tilespmem:s9+$0x2D0]  }
0x11e: {  	v25 =	vld [tilespmem:s9+$0x2C0]  }
0x11f: {  	v26 =	vld [tilespmem:s9+$0x2B0]  }
0x120: {  	v23 =	vld [tilespmem:s9+$0x290]  }
0x121: {  	v27 =	vld [tilespmem:s9+$0x280]  }
0x122: {  	v34 =	vld [tilespmem:s9+$0x230]  }
0x123: {  	v32 =	vld [tilespmem:s9+$0x270]  }
0x124: {  	v33 =	vld [tilespmem:s9+$0x260]  }
0x125: {  	v35 =	vld [tilespmem:s9+$0x250]  }
0x126: {  	v36 =	vld [tilespmem:s9+$0x240]  }
0x127: {  	v37 =	vld [tilespmem:s9+$0x1D0]  }
0x128: {  	v38 =	vld [tilespmem:s9+$0x1C0]  }
0x129: {  	v39 =	vld [tilespmem:s9+$0x210]  }
0x12a: {  	v40 =	vld [tilespmem:s9+$0x200]  }
0x12b: {  	v28 =	vld [tilespmem:s9+$0x1F0]  }
0x12c: {  	v41 =	vld [tilespmem:s9+$0x170]  }
0x12d: {  	v42 =	vld [tilespmem:s9+$0x160]  }
0x12e: {  	v43 =	vld [tilespmem:s9+$0x1B0]  }
0x12f: {  	v44 =	vld [tilespmem:s9+$0x1A0]  }
0x130: {  	v45 =	vld [tilespmem:s9+$0x190]  }
0x131: {  	v46 =	vld [tilespmem:s9+$0x180]  }
0x132: {  	v29 =	vld [tilespmem:s9+$0x110]  }
0x133: {  	v47 =	vld [tilespmem:s9+$0x150]  }
0x134: {  	v48 =	vld [tilespmem:s9+$0x140]  }
0x135: {  	v49 =	vld [tilespmem:s9+$0x130]  }
0x136: {  	v50 =	vld [tilespmem:s9+$0x120]  }
0x137: {  	v51 =	vld [tilespmem:s9+$0xB0]  }
0x138: {  	v52 =	vld [tilespmem:s9+$0xA0]  }
0x139: {  	v53 =	vld [tilespmem:s9+$0xF0]  }
0x13a: {  	v30 =	vld [tilespmem:s9+$0xE0]  }
0x13b: {  	v31 =	vld [tilespmem:s9+$0xD0]  }
0x13c: {  	v54 =	vld [tilespmem:s9+$0x50]  }
0x13d: {  	v55 =	vld [tilespmem:s9+$0x40]  }
0x13e: {  	v56 =	vld [tilespmem:s9+$0x90]  }
0x13f: {  	v58 =	vmul.bf16 v32, v21;
	v33 =	vmul.bf16 v33, v20;
	v57 =	vld [tilespmem:s9+$0x80]  }
0x140: {  	v35 =	vmul.bf16 v35, v19;
	v36 =	vmul.bf16 v36, v17;
	v59 =	vld [tilespmem:s9+$0x70]  }
0x141: {  	v61 =	vmul.bf16 v23, v22;
	v27 =	vmul.bf16 v27, v18;
	v60 =	vld [tilespmem:s9+$0x60]  }
0x142: {  	v23 =	vmul.bf16 v0, v22;
	v33 =	vadd.bf16 v58, v33;
	v35 =	vadd.bf16 v35, v36;
	v32 =	vld [tilespmem:s9+$0xFFFFFFF0]  }
0x143: {  	v24 =	vmul.bf16 v24, v21;
	v25 =	vmul.bf16 v25, v20;
	v27 =	vadd.bf16 v61, v27;
	v0 =	vld [tilespmem:s9+$0x30]  }
0x144: {  	v33 =	vadd.bf16 v33, v35;
	v43 =	vmul.bf16 v43, v21;
	v44 =	vmul.bf16 v44, v20;
	v36 =	vld [tilespmem:s9+$0x20]  }
0x145: {  	v24 =	vadd.bf16 v24, v25;
	v45 =	vmul.bf16 v45, v19;
	v46 =	vmul.bf16 v46, v17;
	v35 =	vld [tilespmem:s9+$0x10]  }
0x146: {  	v37 =	vmul.bf16 v37, v22;
	v38 =	vmul.bf16 v38, v18;
	v27 =	vadd.bf16 v27, v33;
	v58 =	vld [tilespmem:s9+$0x0]  }
0x147: {  	v25 =	vmul.bf16 v26, v19;
	v43 =	vadd.bf16 v43, v44;
	v33 =	vadd.bf16 v45, v46;
	v61 =	vld [tilespmem:s9+$0xFFFFFF90]  }
0x148: {  	v26 =	vadd.bf16 v37, v38;
	v37 =	vmul.bf16 v39, v21;
	v38 =	vunpack.i.u.bf16.f32 v27;
	v44 =	vld [tilespmem:s9+$0xFFFFFF80]  }
0x149: {  	v46 =	vmul.bf16 v47, v21;
	v45 =	vmul.bf16 v48, v20;
	v43 =	vadd.bf16 v43, v33;
	v39 =	vld [tilespmem:s9+$0xFFFFFFD0]  }
0x14a: {  	v49 =	vmul.bf16 v49, v19;
	v48 =	vmul.bf16 v50, v17;
	v50 =	vunpack.i.l.bf16.f32 v27;
	v47 =	vld [tilespmem:s9+$0xFFFFFFC0]  }
0x14b: {  	v41 =	vmul.bf16 v41, v22;
	v27 =	vmul.bf16 v40, v20;
	v43 =	vadd.bf16 v26, v43;
	v33 =	vld [tilespmem:s9+$0xFFFFFFB0]  }
0x14c: {  	v42 =	vmul.bf16 v42, v18;
	v45 =	vadd.bf16 v46, v45;
	v48 =	vadd.bf16 v49, v48;
	v40 =	vld [tilespmem:s9+$0xFFFFFF30]  }
0x14d: {  	v26 =	vmul.bf16 v34, v22;
	v34 =	vadd.f32 v50, v38;
	v27 =	vadd.bf16 v37, v27;
	v46 =	vld [tilespmem:s9+$0xFFFFFF20]  }
0x14e: {  	v41 =	vadd.bf16 v41, v42;
	v42 =	vunpack.i.u.bf16.f32 v43;
	v38 =	vadd.bf16 v45, v48;
	v37 =	vld [tilespmem:s9+$0xFFFFFF70]  }
0x14f: {  	v49 =	vmul.bf16 v51, v22;
	v43 =	vunpack.i.l.bf16.f32 v43;
	v48 =	vmul.bf16 v52, v18;
	v45 =	vld [tilespmem:s9+$0xFFFFFF60]  }
0x150: {  	v38 =	vadd.bf16 v41, v38;
	v52 =	vmul.bf16 v56, v21;
	v51 =	vmul.bf16 v57, v20;
	v50 =	vld [tilespmem:s9+$0xFFFFFF50]  }
0x151: {  	v42 =	vadd.f32 v43, v42;
	v57 =	vmul.bf16 v59, v19;
	v56 =	vmul.bf16 v60, v17;
	v41 =	vld [tilespmem:s9+$0xFFFFFF40]  }
0x152: {  	v59 =	vunpack.i.u.bf16.f32 v38;
	v0 =	vmul.bf16 v0, v21;
	v36 =	vmul.bf16 v36, v20;
	v43 =	vld [tilespmem:s9+$0xFFFFFED0]  }
0x153: {  	v38 =	vunpack.i.l.bf16.f32 v38;
	v35 =	vmul.bf16 v35, v19;
	v58 =	vmul.bf16 v58, v17;
	v60 =	vld [tilespmem:s9+$0xFFFFFF10]  }
0x154: {  	v54 =	vmul.bf16 v54, v22;
	v51 =	vadd.bf16 v52, v51;
	v56 =	vadd.bf16 v57, v56;
	v62 =	vld [tilespmem:s9+$0xFFFFFF00]  }
0x155: {  	v55 =	vmul.bf16 v55, v18;
	v0 =	vadd.bf16 v0, v36;
	v35 =	vadd.bf16 v35, v58;
	v52 =	vld [tilespmem:s9+$0xFFFFFEF0]  }
0x156: {  	v48 =	vadd.bf16 v49, v48;
	v49 =	vmul.bf16 v53, v21;
	v51 =	vadd.bf16 v51, v56;
	v36 =	vld [tilespmem:s9+$0xFFFFFEE0]  }
0x157: {  	v30 =	vmul.bf16 v30, v20;
	v0 =	vadd.bf16 v0, v35;
	v35 =	vadd.bf16 v54, v55;
	v53 =	vld [tilespmem:s9+$0xFFFFFE70]  }
0x158: {  	v28 =	vmul.bf16 v28, v19;
	v48 =	vadd.bf16 v48, v51;
	v51 =	vadd.f32 v38, v59;
	v54 =	vld [tilespmem:s9+$0xFFFFFE60]  }
0x159: {  	v29 =	vmul.bf16 v29, v22;
	v30 =	vadd.bf16 v49, v30;
	v0 =	vadd.bf16 v35, v0;
	v55 =	vld [tilespmem:s9+$0xFFFFFEB0]  }
0x15a: {  	v31 =	vmul.bf16 v31, v19;
	v38 =	vunpack.i.l.bf16.f32 v48;
	v35 =	vunpack.i.u.bf16.f32 v48;
	v49 =	vld [tilespmem:s9+$0xFFFFFEA0]  }
0x15b: {  	v48 =	vmul.bf16 v61, v22;
	v58 =	vadd.f32 v38, v35;
	v57 =	vunpack.i.u.bf16.f32 v0;
	v56 =	vld [tilespmem:s9+$0xFFFFFE90]  }
0x15c: {  	v37 =	vmul.bf16 v37, v21;
	v0 =	vunpack.i.l.bf16.f32 v0;
	v35 =	vmul.bf16 v45, v20;
	v59 =	vld [tilespmem:s9+$0xFFFFFE10]  }
0x15d: {  	v0 =	vadd.f32 v0, v57;
	v38 =	vmul.bf16 v41, v17;
	v41 =	vmul.bf16 v50, v19;
	v45 =	vld [tilespmem:s9+$0xFFFFFE00]  }
0x15e: {  	v44 =	vmul.bf16 v44, v18;
	v35 =	vadd.bf16 v37, v35;
	v37 =	vmul.bf16 v39, v21;
	v50 =	vld [tilespmem:s9+$0xFFFFFE50]  }
0x15f: {  	v60 =	vmul.bf16 v60, v21;
	v38 =	vadd.bf16 v41, v38;
	v57 =	vmul.bf16 v62, v20;
	v39 =	vld [tilespmem:s9+$0xFFFFFE40]  }
0x160: {  	v44 =	vadd.bf16 v48, v44;
	v52 =	vmul.bf16 v52, v19;
	v36 =	vmul.bf16 v36, v17;
	v41 =	vld [tilespmem:s9+$0xFFFFFE30]  }
0x161: {  	v40 =	vmul.bf16 v40, v22;
	v35 =	vadd.bf16 v35, v38;
	v38 =	vmul.bf16 v47, v20;
	v48 =	vld [tilespmem:s9+$0xFFFFFE20]  }
0x162: {  	v46 =	vmul.bf16 v46, v18;
	v47 =	vadd.bf16 v60, v57;
	v36 =	vadd.bf16 v52, v36;
	v61 =	vld [tilespmem:s9+$0xFFFFFD50];
	(xrf2) =	vadd.scan.msk.f32 $0xffff, v34  }
0x163: {  	v44 =	vadd.bf16 v44, v35;
	v35 =	vadd.bf16 v37, v38;
	v34 =	vmul.bf16 v32, v22;
	v52 =	vld [tilespmem:s9+$0xFFFFFD40]  }
0x164: {  	v40 =	vadd.bf16 v40, v46;
	v32 =	vadd.bf16 v47, v36;
	v36 =	vmul.bf16 v33, v19;
	v38 =	vld [tilespmem:s9+$0xFFFFFDB0]  }
0x165: {  	v37 =	vmul.bf16 v43, v22;
	v43 =	vunpack.i.u.bf16.f32 v44;
	v44 =	vunpack.i.l.bf16.f32 v44;
	v33 =	vld [tilespmem:s9+$0xFFFFFDF0];
	(xrf2) =	vadd.scan.msk.f32 $0xffff, v42  }
0x166: {  	v47 =	vmul.bf16 v50, v21;
	v46 =	vmul.bf16 v39, v20;
	v32 =	vadd.bf16 v40, v32;
	v42 =	vld [tilespmem:s9+$0xFFFFFDE0]  }
0x167: {  	v39 =	vadd.f32 v44, v43;
	v41 =	vmul.bf16 v41, v19;
	v48 =	vmul.bf16 v48, v17;
	v40 =	vld [tilespmem:s9+$0xFFFFFDD0]  }
0x168: {  	v53 =	vmul.bf16 v53, v22;
	v44 =	vmul.bf16 v54, v18;
	v54 =	vunpack.i.u.bf16.f32 v32;
	v50 =	vld [tilespmem:s9+$0xFFFFFDC0];
	(xrf2) =	vadd.scan.msk.f32 $0xffff, v51  }
0x169: {  	v47 =	vadd.bf16 v47, v46;
	v32 =	vunpack.i.l.bf16.f32 v32;
	v41 =	vadd.bf16 v41, v48;
	v43 =	vld [tilespmem:s9+$0xFFFFFD30]  }
0x16a: {  	v49 =	vmul.bf16 v49, v20;
	v48 =	vadd.bf16 v53, v44;
	v51 =	vmul.bf16 v55, v21;
	v46 =	vld [tilespmem:s9+$0xFFFFFD20]  }
0x16b: {  	v53 =	vmul.bf16 v45, v18;
	v55 =	vmul.bf16 v59, v22;
	v41 =	vadd.bf16 v47, v41;
	v44 =	vld [tilespmem:s9+$0xFFFFFD10];
	(xrf2) =	vadd.scan.msk.f32 $0xffff, v58  }
.Ltmp4:
0x16c: {  	v60 =	vmul.bf16 v33, v21;
	v57 =	vmul.bf16 v42, v20;
	v42 =	vadd.f32 v32, v54;
	v47 =	vld [tilespmem:s9+$0xFFFFFD00];
	v32, _, _ =	vpop (xrf2);
	(pc) =	sbr.rel @p0 .LBB2_9-.Ltmp4, $4  }
0x16d: {  	v58 =	vmul.bf16 v40, v19;
	v59 =	vadd.bf16 v48, v41;
	v45 =	vld [tilespmem:s9+$0xFFFFFD90];
	v54 =	vmul.bf16 v50, v17  }
0x16e: {  	v41 =	vmul.bf16 v56, v19;
	v40 =	vadd.bf16 v51, v49;
	v50 =	vadd.bf16 v55, v53;
	v48 =	vld [tilespmem:s9+$0xFFFFFD80];
	(xrf2) =	vadd.scan.msk.f32 $0xffff, v0  }
0x16f: {  	v56 =	vadd.bf16 v60, v57;
	v49 =	vld [tilespmem:s9+$0xFFFFFD70];
	v55 =	vadd.bf16 v58, v54;
	v54 =	vunpack.i.u.bf16.f32 v59;
	v33, _, _ =	vpop (xrf2)  }
0x170: {  	s14 =	sadd.s32 $0x40, s14;
	v51 =	vmul.bf16 v52, v18;
	v52 =	vmul.bf16 v61, v22;
	v57 =	vunpack.i.l.bf16.f32 v59;
	v53 =	vld [tilespmem:s9+$0xFFFFFD60]  }
0x171: {  	v0 =	vmul.bf16 v46, v20;
	v43 =	vmul.bf16 v43, v21  }
0x172: {  	v47 =	vmul.bf16 v47, v17;
	v44 =	vmul.bf16 v44, v19;
	v63 =	vld [tilespmem:s9+$0xFFFFFE80]  }
0x173: {  	v55 =	vadd.bf16 v56, v55;
	v54 =	vadd.f32 v57, v54;
	v22 =	vmul.bf16 v38, v22;
	v46 =	vld [tilespmem:s9+$0x100]  }
0x174: {  	v61 =	vld [tilespmem:s9+$0xFFFFFDA0];
	v21 =	vmul.bf16 v45, v21;
	v0 =	vadd.bf16 v43, v0;
	v44 =	vadd.bf16 v44, v47  }
0x175: {  	v56 =	vadd.bf16 v52, v51;
	v62 =	vadd.bf16 v50, v55;
	v20 =	vmul.bf16 v48, v20  }
0x176: {  	v19 =	vmul.bf16 v49, v19;
	v57 =	vmul.bf16 v53, v17;
	v0 =	vadd.bf16 v0, v44  }
0x177: {  	v55 =	vld [tilespmem:s9+$0xFFFFFEC0];
	v59 =	vunpack.i.u.bf16.f32 v62;
	v20 =	vadd.bf16 v21, v20;
	v21 =	vunpack.i.l.bf16.f32 v62  }
0x178: {  	v60 =	vld [tilespmem:s9+$0xFFFFFFA0];
	v21 =	vadd.f32 v21, v59;
	v43 =	vmul.bf16 v63, v17;
	v52 =	vmul.bf16 v46, v18  }
0x179: {  	v58 =	vmul.bf16 v61, v18;
	v61 =	vld [tilespmem:s9+$0xFFFFFFE0];
	v19 =	vadd.bf16 v19, v57;
	v0 =	vadd.bf16 v56, v0  }
0x17a: {  	v41 =	vadd.bf16 v41, v43;
	v29 =	vadd.bf16 v29, v52  }
0x17b: {  	v62 =	vld [tilespmem:s9+$0xC0];
	v19 =	vadd.bf16 v20, v19;
	v20 =	vadd.bf16 v22, v58  }
0x17c: {  	v51 =	vld [tilespmem:s9+$0x220];
	v22 =	vmul.bf16 v55, v18;
	v63 =	vunpack.i.u.bf16.f32 v0;
	v0 =	vunpack.i.l.bf16.f32 v0  }
0x17d: {  	(xrf2) =	vadd.scan.msk.f32 $0xffff, v39;
	v0 =	vadd.f32 v0, v63;
	v19 =	vadd.bf16 v20, v19;
	v20 =	vmul.bf16 v60, v17  }
0x17e: {  	(xrf2) =	vadd.scan.msk.f32 $0xffff, v42;
	v49 =	vld [tilespmem:s9+$0x1E0];
	v47 =	vadd.bf16 v40, v41;
	v22 =	vadd.bf16 v37, v22;
	v48 =	vmul.bf16 v61, v18  }
0x17f: {  	(xrf2) =	vadd.scan.msk.f32 $0xffff, v54;
	v50 =	vunpack.i.u.bf16.f32 v19;
	v19 =	vunpack.i.l.bf16.f32 v19;
	v20 =	vadd.bf16 v36, v20  }
0x180: {  	v53 =	vld [tilespmem:s9+$0x2A0];
	(xrf2) =	vadd.scan.msk.f32 $0xffff, v21;
	v21 =	vadd.bf16 v22, v47;
	v22 =	vmul.bf16 v62, v17;
	v19 =	vadd.f32 v19, v50  }
0x181: {  	v56 =	vmul.bf16 v51, v18;
	v55 =	vld [tilespmem:s9+$0x2E0];
	(xrf2) =	vadd.scan.msk.f32 $0xffff, v0;
	v0 =	vadd.bf16 v35, v20;
	v20 =	vadd.bf16 v34, v48  }
0x182: {  	v54 =	vunpack.i.u.bf16.f32 v21;
	v21 =	vunpack.i.l.bf16.f32 v21;
	v22 =	vadd.bf16 v31, v22  }
0x183: {  	(xrf2) =	vadd.scan.msk.f32 $0xffff, v19;
	v19 =	vadd.f32 v21, v54;
	v0 =	vadd.bf16 v20, v0;
	v20 =	vmul.bf16 v49, v17  }
0x184: {  	v26 =	vadd.bf16 v26, v56;
	v22 =	vadd.bf16 v30, v22  }
0x185: {  	v21, _, _ =	vpop (xrf2);
	v58 =	vunpack.i.u.bf16.f32 v0;
	v0 =	vunpack.i.l.bf16.f32 v0;
	v20 =	vadd.bf16 v28, v20  }
0x186: {  	v18 =	vmul.bf16 v55, v18;
	v17 =	vmul.bf16 v53, v17;
	(xrf2) =	vadd.scan.msk.f32 $0xffff, v19;
	v57, _, _ =	vpop (xrf2);
	v0 =	vadd.f32 v0, v58  }
0x187: {  	v22 =	vadd.bf16 v29, v22;
	v19, _, _ =	vpop (xrf2);
	v20 =	vadd.bf16 v27, v20  }
0x188: {  	v18 =	vadd.bf16 v23, v18;
	v17 =	vadd.bf16 v25, v17;
	v59, _, _ =	vpop (xrf2)  }
0x189: {  	v29 =	vunpack.i.u.bf16.f32 v22;
	v22 =	vunpack.i.l.bf16.f32 v22;
	v60, _, _ =	vpop (xrf2);
	(xrf2) =	vadd.scan.msk.f32 $0xffff, v0;
	v20 =	vadd.bf16 v26, v20  }
0x18a: {  	v22 =	vadd.f32 v22, v29;
	v0, _, _ =	vpop (xrf2)  }
0x18b: {  	v17 =	vadd.bf16 v24, v17;
	v61, _, _ =	vpop (xrf2);
	v62 =	vunpack.i.u.bf16.f32 v20;
	v20 =	vunpack.i.l.bf16.f32 v20  }
0x18c: {  	(xrf2) =	vadd.scan.msk.f32 $0xffff, v22;
	v23, _, _ =	vpop (xrf2);
	v20 =	vadd.f32 v20, v62  }
0x18d: {  	v17 =	vadd.bf16 v18, v17;
	v18, _, _ =	vpop (xrf2)  }
0x18e: {  	v22 =	vbroadcast v23, $0xF;
	v18 =	vbroadcast v18, $0xF  }
0x18f: {  	v23 =	vbroadcast v61, $0xF;
	(xrf2) =	vadd.scan.msk.f32 $0xffff, v20  }
0x190: {  	v63 =	vunpack.i.u.bf16.f32 v17;
	v0 =	vbroadcast v0, $0xF;
	v18 =	vsel vm2, v22, v18;
	v20, _, _ =	vpop (xrf2)  }
0x191: {  	v17 =	vunpack.i.l.bf16.f32 v17;
	v18 =	vsel vm3, v18, v23;
	v20 =	vbroadcast v20, $0xF  }
0x192: {  	v17 =	vadd.f32 v17, v63;
	v0 =	vsel vm4, v18, v0;
	v18 =	vbroadcast v60, $0xF  }
0x193: {  	v22, _, _ =	vpop (xrf2);
	v0 =	vsel vm0, v0, v20;
	v20 =	vbroadcast v59, $0xF  }
0x194: {  	(xrf2) =	vadd.scan.msk.f32 $0xffff, v17;
	v17 =	vbroadcast v22, $0xF;
	v0 =	vsel vm5, v0, v18  }
0x195: {  	v18 =	vbroadcast v19, $0xF;
	v0 =	vsel vm6, v0, v20  }
0x196: {  	v19, _, _ =	vpop (xrf2);
	v0 =	vsel vm7, v0, v17;
	v17 =	vbroadcast v57, $0xF  }
0x197: {  	v0 =	vsel vm8, v0, v18;
	v18 =	vbroadcast v19, $0xF  }
0x198: {  	v0 =	vsel vm9, v0, v17;
	v17 =	vbroadcast v21, $0xF  }
0x199: {  	v19, _, _ =	vpop (xrf2);
	v0 =	vsel vm10, v0, v18  }
0x19a: {  	v18 =	vbroadcast v33, $0xF;
	v0 =	vsel vm11, v0, v17;
	v17 =	vbroadcast v19, $0xF;
	_ =	sdelay $0x1  }
0x19b: {  	v0 =	vsel vm12, v0, v18;
	v18 =	vbroadcast v32, $0xF  }
0x19c: {  	v0 =	vsel vm13, v0, v17  }
0x19d: {  	p0 =	seq.s32 s30, $0x3;
	v0 =	vsel vm14, v0, v18;
	v17, _, _ =	vpop (xrf2)  }
0x19e: {  	s15 =	sshra.s32 s13, $0x2;
	s13 =	sshra.s32 @!p0 s7, $0x2;
	v0 =	vsel vm15, v0, v17  }
0x19f: {  	s14 =	simm.s32 @!p0 $0xD50;
	s9 =	sadd.s32 @!p0 $0x70, s13;
	s13 =	simm.s32 @!p0 $0x38;
	[tilespmem:v16+s15+$0x0 ss:$0x1] =	vst.idx.msk $0xffff, v0  }
0x1a0: {  	[tilespmem:s14], [sflag:$0x2] =	stream.indirect.gather @!p0 [hbm4b:s8+s13], $0x40, s9, s13, $0xb8;
	[tilespmem:$0xE650] =	vst v63  }
0x1a1: {  	s9 =	sadd.s32 @!p0 $0x380, s7;
	s13 =	simm.s32 @!p0 $0x70;
	s14 =	simm.s32 @!p0 $0x2950  }
0x1a2: {  	[tilespmem:s14], [sflag:$0x4] =	stream.indirect.gather @!p0 [hbm4b:s12+s13], $0x60, s9, s13, $0xb8;
	[tilespmem:$0xE650] =	vst v63  }
0x1a3: {  	s7 =	sadd.s32 @!p0 $0x3F0, s7;
	s9 =	simm.s32 @!p0 $0x5350  }
0x1a4: {  	[tilespmem:s9], [sflag:$0x4] =	stream.indirect.gather @!p0 [hbm4b:s12+s13], $0x60, s7, s13, $0xb8;
	[tilespmem:$0xE650] =	vst v63  }
0x1a5: {  	_ =	swait.ge [sflag:s4], $0xE00  }
0x1a6: {  	[sflag:s4] =	ssyncset.done $0x0  }
0x1a7: {  	[sflag:s4] =	ssyncadd.s32 $0xFFFFF200  }
0x1a8: {  	_ =	swait.ge [sflag:s5], $0x2A00  }
0x1a9: {  	[sflag:s5] =	ssyncset.done $0x0  }
0x1aa: {  	[sflag:s5] =	ssyncadd.s32 $0xFFFFD600  }
0x1ab: {  	_ =	swait.ge [sflag:s5], $0x2A00  }
0x1ac: {  	s7 =	sshll.u32 s24, $0x6;
	[sflag:s5] =	ssyncset.done $0x0  }
0x1ad: {  	s24 =	sshrl.u32 s7, $0x2;
	[sflag:s5] =	ssyncadd.s32 $0xFFFFD600  }
0x1ae: {  	v20 =	vld [tilespmem:s24+$0x8D0];
	_ =	sdelay $0x4  }
0x1af: {  	(v2sf) =	vpush v20, $0x0;
	_ =	sdelay $0xe  }
0x1b0: {  	s9 =	spop (v2sf)  }
0x1b1: {  	p1 =	slt.s32 s9, $0x1  }
.Ltmp5:
0x1b2: {  	_ = 	snop;
	(pc) =	sbr.rel @p1 .LBB2_11-.Ltmp5, $3  }
0x1b3: {  	_ =	sdelay $0x1  }
0x1b4: {  	p0 =	slt.s32 s9, $0x32  }
0x1b5: {  	v16 =	vimm.f32 $0.0e+00;
	s14 =	simm.s32 $0x1B70;
	s9 =	simm.s32 @!p0 $0x32  }
0x1b6: {  	v0 =	vld [tilespmem:s14+$0x10];
	p0 =	sne.s32 s9, $0x1  }
.Ltmp6:
0x1b7: {  	v18 =	vld [tilespmem:s14+$0xFFFFFFF0];
	(pc) =	sbr.rel @!p0 .LBB2_14-.Ltmp6, $4  }
0x1b8: {  	v19 =	vld [tilespmem:s14+$0x0]  }
0x1b9: {  	v21 =	vld [tilespmem:s14+$0xFFFFFFE0]  }
0x1ba: {  	v22 =	vimm.f32 $0.0e+00  }
0x1bb: {  	s13 =	sadd.s32 $0xFFFFFFFF, s9;
	s14 =	sadd.s32 $0x40, s14;
	v23 =	vimm.f32 $0.0e+00;
	v63 =	vlaneseq.u32;
	v17 =	vadd.f32 v0, v16  }
.LBB2_13:
0x1bc: {  	v0 =	vld [tilespmem:s14+$0x10];
	p0 =	sne.s32 s13, $0x1;
	s13 =	sadd.s32 $0xFFFFFFFF, s13;
	v16 =	vadd.f32 v18, v16  }
.Ltmp7:
0x1bd: {  	v18 =	vld [tilespmem:s14+$0xFFFFFFF0];
	v22 =	vadd.f32 v19, v22;
	(pc) =	sbr.rel @p0 .LBB2_13-.Ltmp7, $3  }
0x1be: {  	v19 =	vld [tilespmem:s14+$0x0];
	v23 =	vadd.f32 v21, v23  }
0x1bf: {  	v21 =	vld [tilespmem:s14+$0xFFFFFFE0];
	_ =	sdelay $0x1  }
0x1c0: {  	s14 =	sadd.s32 $0x40, s14;
	v17 =	vadd.f32 v0, v17  }
.LBB2_14:
.Ltmp8:
0x1c1: {  	(pc) =	sbr.rel .LBB2_15-.Ltmp8, $3  }
0x1c2: {  	_ =	sdelay $0x1  }
0x1c3: {  	v18 =	vadd.f32 v18, v16  }
0x1c4: {  	v19 =	vadd.f32 v19, v22;
	v16 =	vadd.f32 v21, v23  }
.LBB2_11:
0x1c5: {  	v18 =	vimm.f32 $0.0e+00  }
0x1c6: {  	v19 =	vimm.f32 $0.0e+00;
	v17 =	vimm.f32 $0.0e+00;
	v63 =	vlaneseq.u32  }
.LBB2_15:
0x1c7: {  	v25 =	vbroadcast v20, $0x1;
	_ =	sdelay $0x1  }
0x1c8: {  	v20 =	vbroadcast v20, $0x2;
	v28 =	vimm.s32 $0x0;
	vm1 =	vgt.s32 v25, v63  }
0x1c9: {  	v28 =	vsel vm1, $0xFFFFFFFF, v28;
	vm1 =	vgt.s32 v25, v2;
	v25 =	vimm.s32 $0x0  }
0x1ca: {  	v25 =	vsel vm1, $0xFFFFFFFF, v25  }
0x1cb: {  	vm1 =	vgt.s32 v20, v3;
	[tilespmem:$0x1FF60] =	vst v25;
	v25 =	vimm.s32 $0x0  }
0x1cc: {  	[tilespmem:$0x1FF40] =	vst v28;
	v25 =	vsel vm1, $0xFFFFFFFF, v25  }
0x1cd: {  	[tilespmem:$0x1FF50] =	vst v25;
	v25 =	vld [tilespmem:$0x1FF40]  }
0x1ce: {  	v28 =	vld [tilespmem:$0x1FFD0];
	_ =	sdelay $0x2  }
0x1cf: {  	v0 =	vld [tilespmem:s7+$0x950]  }
0x1d0: {  	v21 =	vld [tilespmem:s7+$0x960];
	vm1 =	vnez.u8 v25  }
0x1d1: {  	v25 =	vsel vm1, $0x1, v1;
	vm1 =	vnez.u8 v28;
	v28 =	vld [tilespmem:$0x1FF50]  }
0x1d2: {  	v22 =	vld [tilespmem:s7+$0x970]  }
0x1d3: {  	v23 =	vld [tilespmem:s7+$0x980]  }
0x1d4: {  	v24 =	vld [tilespmem:s7+$0xB50]  }
0x1d5: {  	v26 =	vld [tilespmem:s7+$0xB60]  }
0x1d6: {  	vm2 =	vnez.u8 v28;
	v28 =	vld [tilespmem:$0x1FF60]  }
0x1d7: {  	v27 =	vld [tilespmem:s7+$0xB70]  }
0x1d8: {  	v29 =	vld [tilespmem:s7+$0xB80];
	[tilespmem:s23+$0xDF70] =	vst v1  }
0x1d9: {  	[tilespmem:s23+$0xDF80] =	vst v1  }
0x1da: {  	[tilespmem:s23+$0xDF90] =	vst v1  }
0x1db: {  	[tilespmem:s23+$0xDFA0] =	vst v1;
	vm2 =	vmand vm1, vm2;
	vm1 =	vnez.u8 v28  }
0x1dc: {  	[tilespmem:s23+$0xDFB0] =	vst v1;
	vm1 =	vmand vm1, vm0  }
0x1dd: {  	[tilespmem:s23+$0xD850] =	vst v25;
	vm1 =	vmor vm1, vm2  }
0x1de: {  	[tilespmem:s23+$0xDF50] =	vst v25;
	v25 =	vsel vm1, $0x1, v1  }
0x1df: {  	vm1 =	vgt.s32 v20, v4;
	[tilespmem:s23+$0xD860] =	vst v25;
	v25 =	vnsel vm0, $0x0, v25  }
0x1e0: {  	[tilespmem:s23+$0xDF60] =	vst v25;
	v25 =	vsel vm1, $0x1, v1;
	vm1 =	vgt.s32 v20, v5  }
0x1e1: {  	[tilespmem:s23+$0xD870] =	vst v25;
	v25 =	vsel vm1, $0x1, v1;
	vm1 =	vgt.s32 v20, v6  }
0x1e2: {  	[tilespmem:s23+$0xD880] =	vst v25;
	v25 =	vsel vm1, $0x1, v1;
	vm1 =	vgt.s32 v20, v7  }
0x1e3: {  	[tilespmem:s23+$0xD890] =	vst v25;
	v25 =	vsel vm1, $0x1, v1;
	vm1 =	vgt.s32 v20, v8  }
0x1e4: {  	[tilespmem:s23+$0xD8A0] =	vst v25;
	v25 =	vsel vm1, $0x1, v1;
	vm1 =	vgt.s32 v20, v9  }
0x1e5: {  	[tilespmem:s23+$0xD8B0] =	vst v25;
	v25 =	vsel vm1, $0x1, v1  }
0x1e6: {  	vm1 =	vgt.s32 v20, v10;
	[tilespmem:s11+$0xD850] =	vst v25  }
0x1e7: {  	[tilespmem:s11+$0xDF50] =	vst v1;
	v25 =	vsel vm1, $0x1, v1  }
0x1e8: {  	[tilespmem:s23+$0xD8D0] =	vst v25  }
0x1e9: {  	[tilespmem:s23+$0xDFD0] =	vst v1  }
0x1ea: {  	[tilespmem:s23+$0xDFE0] =	vst v1  }
0x1eb: {  	[tilespmem:s23+$0xDFF0] =	vst v1  }
0x1ec: {  	[tilespmem:s23+$0xE000] =	vst v1  }
0x1ed: {  	vm1 =	vgt.s32 v20, v11;
	[tilespmem:s23+$0xE010] =	vst v1  }
0x1ee: {  	v25 =	vsel vm1, $0x1, v1;
	vm1 =	vgt.s32 v20, v12;
	[tilespmem:s23+$0xE020] =	vst v1  }
0x1ef: {  	[tilespmem:s23+$0xD8E0] =	vst v25;
	v25 =	vsel vm1, $0x1, v1;
	vm1 =	vgt.s32 v20, v13  }
0x1f0: {  	[tilespmem:s23+$0xD8F0] =	vst v25;
	v25 =	vsel vm1, $0x1, v1;
	vm1 =	vgt.s32 v20, v14  }
0x1f1: {  	[tilespmem:s23+$0xD900] =	vst v25;
	v25 =	vsel vm1, $0x1, v1;
	vm1 =	vgt.s32 v20, v15  }
0x1f2: {  	[tilespmem:s23+$0xD910] =	vst v25;
	v20 =	vsel vm1, $0x1, v1  }
0x1f3: {  	s7 =	simm.s32 $0x8050;
	[tilespmem:s23+$0xD920] =	vst v20  }
0x1f4: {  	v25 =	vld [tilespmem:s7+$0x2F0]  }
0x1f5: {  	v30 =	vld [tilespmem:s7+$0x2D0]  }
0x1f6: {  	v31 =	vld [tilespmem:s7+$0x2C0]  }
0x1f7: {  	v33 =	vld [tilespmem:s7+$0x2B0]  }
0x1f8: {  	v32 =	vld [tilespmem:s7+$0x290]  }
0x1f9: {  	v34 =	vld [tilespmem:s7+$0x280]  }
0x1fa: {  	v35 =	vld [tilespmem:s7+$0x230]  }
0x1fb: {  	v36 =	vld [tilespmem:s7+$0x270]  }
0x1fc: {  	v37 =	vld [tilespmem:s7+$0x260]  }
0x1fd: {  	v38 =	vld [tilespmem:s7+$0x250]  }
0x1fe: {  	v39 =	vld [tilespmem:s7+$0x240]  }
0x1ff: {  	v40 =	vld [tilespmem:s7+$0x1D0]  }
0x200: {  	v41 =	vld [tilespmem:s7+$0x1C0]  }
0x201: {  	v42 =	vld [tilespmem:s7+$0x210]  }
0x202: {  	v43 =	vld [tilespmem:s7+$0x200]  }
0x203: {  	v28 =	vld [tilespmem:s7+$0x1F0]  }
0x204: {  	s9 =	scvt.s32.f32 s9;
	v44 =	vld [tilespmem:s7+$0x170]  }
0x205: {  	v45 =	vld [tilespmem:s7+$0x160]  }
0x206: {  	v20 =	vmov s9;
	v46 =	vld [tilespmem:s7+$0x1B0]  }
0x207: {  	v47 =	vld [tilespmem:s7+$0x1A0];
	(erf) = vrcp.f32 v20  }
0x208: {  	v48 =	vld [tilespmem:s7+$0x190]  }
0x209: {  	v49 =	vld [tilespmem:s7+$0x180]  }
0x20a: {  	v50 =	vld [tilespmem:s7+$0x110]  }
0x20b: {  	v51 =	vld [tilespmem:s7+$0x150]  }
0x20c: {  	v52 =	vld [tilespmem:s7+$0x140]  }
0x20d: {  	v53 =	vld [tilespmem:s7+$0x130]  }
0x20e: {  	v54 =	vld [tilespmem:s7+$0x120]  }
0x20f: {  	v55 =	vld [tilespmem:s7+$0xB0]  }
0x210: {  	v62 =	vld [tilespmem:s7+$0x50];
	v20 =	vpop (erf)  }
0x211: {  	v56 =	vld [tilespmem:s7+$0xA0];
	v16 =	vmul.f32 v16, v20  }
0x212: {  	v57 =	vld [tilespmem:s7+$0xF0];
	v18 =	vmul.f32 v18, v20;
	v60 =	vmul.f32 v19, v20;
	v19 =	vpack.i.f32.bf16 v23, v22  }
0x213: {  	v58 =	vld [tilespmem:s7+$0xE0];
	v61 =	vmul.f32 v17, v20;
	v22 =	vpack.i.f32.bf16 v29, v27;
	v27 =	vmul.bf16 v38, v19  }
0x214: {  	v59 =	vld [tilespmem:s7+$0xD0];
	v17 =	vpack.i.f32.bf16 v21, v0;
	v40 =	vmul.bf16 v40, v22;
	v44 =	vmul.bf16 v44, v22  }
0x215: {  	v0 =	vld [tilespmem:s7+$0x40];
	v62 =	vmul.bf16 v62, v22;
	v20 =	vpack.i.f32.bf16 v18, v16;
	v21 =	vpack.i.f32.bf16 v61, v60  }
0x216: {  	v29 =	vld [tilespmem:s7+$0x70];
	v18 =	vpack.i.f32.bf16 v26, v24;
	v26 =	vmul.bf16 v39, v17;
	v23 =	vmul.bf16 v37, v20  }
0x217: {  	v38 =	vld [tilespmem:s7+$0x30];
	v24 =	vmul.bf16 v36, v21;
	v34 =	vmul.bf16 v34, v18  }
0x218: {  	v60 =	vld [tilespmem:s7+$0x90];
	v37 =	vmul.bf16 v32, v22;
	v30 =	vmul.bf16 v30, v21  }
0x219: {  	v61 =	vld [tilespmem:s7+$0x80];
	v45 =	vmul.bf16 v45, v18;
	v57 =	vmul.bf16 v57, v21  }
0x21a: {  	v39 =	vld [tilespmem:s7+$0x10];
	v26 =	vadd.bf16 v27, v26;
	v27 =	vmul.bf16 v31, v20;
	v24 =	vadd.bf16 v24, v23  }
0x21b: {  	v36 =	vld [tilespmem:s7+$0x60];
	v23 =	vmul.bf16 v25, v22;
	v25 =	vadd.bf16 v37, v34;
	v34 =	vmul.bf16 v47, v20  }
0x21c: {  	v32 =	vld [tilespmem:s7+$0xFFFFFFF0];
	v37 =	vmul.bf16 v46, v21;
	v46 =	vmul.bf16 v49, v17  }
0x21d: {  	v31 =	vld [tilespmem:s7+$0x20];
	v49 =	vmul.bf16 v48, v19;
	v47 =	vmul.bf16 v52, v20  }
0x21e: {  	v48 =	vmul.bf16 v51, v21;
	v51 =	vmul.bf16 v53, v19;
	v53 =	vld [tilespmem:s7+$0xFFFFFFB0]  }
0x21f: {  	v29 =	vmul.bf16 v29, v19;
	v26 =	vadd.bf16 v24, v26;
	v24 =	vadd.bf16 v30, v27;
	v30 =	vld [tilespmem:s7+$0x0]  }
0x220: {  	v44 =	vadd.bf16 v44, v45;
	v0 =	vmul.bf16 v0, v18;
	v27 =	vmul.bf16 v41, v18;
	v41 =	vld [tilespmem:s7+$0xFFFFFF90]  }
0x221: {  	v46 =	vadd.bf16 v49, v46;
	v34 =	vadd.bf16 v37, v34;
	v37 =	vmul.bf16 v42, v21;
	v42 =	vld [tilespmem:s7+$0xFFFFFFD0]  }
0x222: {  	v49 =	vmul.bf16 v54, v17;
	v47 =	vadd.bf16 v48, v47;
	v48 =	vld [tilespmem:s7+$0xFFFFFF20];
	v54 =	vmul.bf16 v61, v20  }
0x223: {  	v39 =	vmul.bf16 v39, v19;
	v61 =	vld [tilespmem:s7+$0xFFFFFF00];
	v0 =	vadd.bf16 v62, v0;
	v36 =	vmul.bf16 v36, v17  }
0x224: {  	v26 =	vadd.bf16 v25, v26;
	v25 =	vmul.bf16 v33, v19;
	v33 =	vld [tilespmem:s7+$0xFFFFFF80];
	v27 =	vadd.bf16 v40, v27  }
0x225: {  	v34 =	vadd.bf16 v34, v46;
	v46 =	vld [tilespmem:s7+$0xFFFFFFC0];
	v49 =	vadd.bf16 v51, v49;
	v51 =	vmul.bf16 v55, v22  }
0x226: {  	v55 =	vmul.bf16 v60, v21;
	v31 =	vmul.bf16 v31, v20;
	v60 =	vld [tilespmem:s7+$0xFFFFFF10];
	v29 =	vadd.bf16 v29, v36  }
0x227: {  	v40 =	vunpack.i.u.bf16.f32 v26;
	v34 =	vadd.bf16 v27, v34;
	v27 =	vmul.bf16 v43, v20;
	v43 =	vld [tilespmem:s7+$0xFFFFFF30]  }
0x228: {  	v52 =	vunpack.i.l.bf16.f32 v26;
	v26 =	vmul.bf16 v35, v22;
	v35 =	vld [tilespmem:s7+$0xFFFFFF70];
	v36 =	vadd.bf16 v55, v54  }
0x229: {  	v54 =	vld [tilespmem:s7+$0xFFFFFEF0];
	v30 =	vmul.bf16 v30, v17;
	v27 =	vadd.bf16 v37, v27;
	v37 =	vadd.f32 v52, v40  }
0x22a: {  	v40 =	vadd.bf16 v47, v49;
	v45 =	vunpack.i.u.bf16.f32 v34;
	v47 =	vld [tilespmem:s7+$0xFFFFFF60];
	v34 =	vunpack.i.l.bf16.f32 v34  }
0x22b: {  	v49 =	vmul.bf16 v56, v18;
	v52 =	vld [tilespmem:s7+$0xFFFFFF50];
	v29 =	vadd.bf16 v36, v29;
	v45 =	vadd.f32 v34, v45  }
0x22c: {  	v56 =	vld [tilespmem:s7+$0xFFFFFED0];
	v34 =	vmul.bf16 v38, v21;
	v30 =	vadd.bf16 v39, v30;
	v39 =	vmul.bf16 v41, v22  }
0x22d: {  	v33 =	vmul.bf16 v33, v18;
	v60 =	vmul.bf16 v60, v21;
	v40 =	vadd.bf16 v44, v40;
	v44 =	vld [tilespmem:s7+$0xFFFFFF40]  }
0x22e: {  	v55 =	vadd.bf16 v51, v49;
	v49 =	vld [tilespmem:s7+$0xFFFFFE70];
	v31 =	vadd.bf16 v34, v31;
	v35 =	vmul.bf16 v35, v21  }
0x22f: {  	v51 =	vld [tilespmem:s7+$0xFFFFFE60];
	v54 =	vmul.bf16 v54, v19;
	v33 =	vadd.bf16 v39, v33;
	v43 =	vmul.bf16 v43, v22  }
0x230: {  	v34 =	vld [tilespmem:s7+$0xFFFFFEE0];
	v38 =	vunpack.i.u.bf16.f32 v40;
	v40 =	vunpack.i.l.bf16.f32 v40;
	v36 =	vadd.bf16 v55, v29  }
0x231: {  	(xrf2) =	vadd.scan.msk.f32 $0xffff, v37;
	v39 =	vld [tilespmem:s7+$0xFFFFFDB0];
	v29 =	vmul.bf16 v50, v22;
	v30 =	vadd.bf16 v31, v30;
	v31 =	vmul.bf16 v58, v20  }
0x232: {  	(xrf2) =	vadd.scan.msk.f32 $0xffff, v45;
	v45 =	vld [tilespmem:s7+$0xFFFFFDE0];
	v40 =	vadd.f32 v40, v38;
	v62 =	vunpack.i.u.bf16.f32 v36;
	v36 =	vunpack.i.l.bf16.f32 v36  }
0x233: {  	v55 =	vld [tilespmem:s7+$0xFFFFFEB0];
	v0 =	vadd.bf16 v0, v30;
	v30 =	vadd.bf16 v57, v31;
	v31 =	vmul.bf16 v59, v19  }
0x234: {  	v50 =	vld [tilespmem:s7+$0xFFFFFEA0];
	v58 =	vadd.f32 v36, v62;
	v62 =	vmul.bf16 v47, v20;
	v38 =	vmul.bf16 v44, v17  }
0x235: {  	v57 =	vld [tilespmem:s7+$0xFFFFFE90];
	v44 =	vmul.bf16 v52, v19;
	v36 =	vmul.bf16 v42, v21  }
0x236: {  	v59 =	vld [tilespmem:s7+$0xFFFFFE10];
	v52 =	vmul.bf16 v61, v20;
	v51 =	vmul.bf16 v51, v18  }
0x237: {  	v47 =	vld [tilespmem:s7+$0xFFFFFE00];
	v49 =	vmul.bf16 v49, v22;
	v34 =	vmul.bf16 v34, v17  }
0x238: {  	v42 =	vld [tilespmem:s7+$0xFFFFFE40];
	v41 =	vunpack.i.u.bf16.f32 v0;
	v35 =	vadd.bf16 v35, v62;
	v38 =	vadd.bf16 v44, v38  }
0x239: {  	v61 =	vld [tilespmem:s7+$0xFFFFFE20];
	v0 =	vunpack.i.l.bf16.f32 v0;
	v52 =	vadd.bf16 v60, v52;
	v49 =	vadd.bf16 v49, v51  }
0x23a: {  	v37 =	vmul.bf16 v56, v22;
	v44 =	vld [tilespmem:s7+$0xFFFFFE30];
	v0 =	vadd.f32 v0, v41;
	v35 =	vadd.bf16 v35, v38  }
0x23b: {  	v41 =	vld [tilespmem:s7+$0xFFFFFE50];
	v38 =	vmul.bf16 v46, v20;
	v46 =	vmul.bf16 v48, v18;
	v48 =	vadd.bf16 v54, v34  }
0x23c: {  	v62 =	vld [tilespmem:s7+$0xFFFFFD50];
	v51 =	vmul.bf16 v50, v20;
	v34 =	vmul.bf16 v32, v22;
	v33 =	vadd.bf16 v33, v35  }
0x23d: {  	v60 =	vld [tilespmem:s7+$0xFFFFFD40];
	v42 =	vmul.bf16 v42, v20;
	v52 =	vadd.bf16 v52, v48;
	v54 =	vadd.bf16 v43, v46  }
0x23e: {  	v56 =	vmul.bf16 v61, v17;
	v50 =	vmul.bf16 v47, v18;
	v47 =	vld [tilespmem:s7+$0xFFFFFD00];
	v35 =	vadd.bf16 v36, v38  }
0x23f: {  	v48 =	vld [tilespmem:s7+$0xFFFFFDF0];
	v43 =	vunpack.i.u.bf16.f32 v33;
	v33 =	vunpack.i.l.bf16.f32 v33;
	v32 =	vadd.bf16 v54, v52  }
0x240: {  	v44 =	vmul.bf16 v44, v19;
	v41 =	vmul.bf16 v41, v21;
	v38 =	vadd.f32 v33, v43;
	v33 =	vld [tilespmem:s7+$0xFFFFFDC0]  }
0x241: {  	(xrf2) =	vadd.scan.msk.f32 $0xffff, v40;
	v36 =	vmul.bf16 v53, v19;
	v52 =	vld [tilespmem:s7+$0xFFFFFDD0];
	v53 =	vunpack.i.u.bf16.f32 v32;
	v32 =	vunpack.i.l.bf16.f32 v32  }
0x242: {  	v28 =	vmul.bf16 v28, v19;
	v46 =	vld [tilespmem:s7+$0xFFFFFD20];
	v61 =	vadd.bf16 v44, v56;
	v41 =	vadd.bf16 v41, v42  }
0x243: {  	v55 =	vmul.bf16 v55, v21;
	(xrf2) =	vadd.scan.msk.f32 $0xffff, v58;
	v54 =	vmul.bf16 v45, v20;
	v45 =	vld [tilespmem:s7+$0xFFFFFD90]  }
0x244: {  	v56 =	vmul.bf16 v59, v22;
	v42 =	vadd.f32 v32, v53;
	v41 =	vadd.bf16 v41, v61;
	v32, _, _ =	vpop (xrf2);
	(xrf2) =	vadd.scan.msk.f32 $0xffff, v0;
	v0 =	vld [tilespmem:$0x1FFF0]  }
0x245: {  	v16 =	vmov s21;
	v43 =	vld [tilespmem:s7+$0xFFFFFD30];
	v59 =	vmul.bf16 v48, v21;
	v33 =	vmul.bf16 v33, v17  }
0x246: {  	v40 =	vadd.bf16 v55, v51;
	v44 =	vld [tilespmem:s7+$0xFFFFFD10];
	v52 =	vmul.bf16 v52, v19;
	v61 =	vadd.bf16 v49, v41  }
0x247: {  	v51 =	vmul.bf16 v60, v18;
	v48 =	vld [tilespmem:s7+$0xFFFFFD80];
	v50 =	vadd.bf16 v56, v50;
	v56 =	vadd.bf16 v59, v54  }
0x248: {  	v53 =	vld [tilespmem:s7+$0xFFFFFD60];
	v41 =	vmul.bf16 v57, v19;
	v55 =	vadd.bf16 v52, v33;
	v54 =	vunpack.i.u.bf16.f32 v61  }
0x249: {  	s11 =	simm.s32 $0x40;
	s9 =	simm.s32 $0x0;
	v49 =	vld [tilespmem:s7+$0xFFFFFD70];
	v52 =	vmul.bf16 v62, v22;
	v57 =	vunpack.i.l.bf16.f32 v61;
	v33, _, _ =	vpop (xrf2);
	vm2 =	vnez.u8 v0  }
.LBB2_16:
0x24a: {  	p0 =	sne.s32 s11, $0x340;
	v0 =	vmul.bf16 v46, v20;
	v43 =	vmul.bf16 v43, v21;
	v46 =	vld [tilespmem:s7+$0xFFFFFDA0];
	v55 =	vadd.bf16 v56, v55;
	(xrf2) =	vadd.scan.msk.f32 $0xffff, v38  }
0x24b: {  	v47 =	vmul.bf16 v47, v17;
	v44 =	vmul.bf16 v44, v19;
	v54 =	vadd.f32 v57, v54;
	v38, _, _ =	vpop (xrf2)  }
0x24c: {  	v0 =	vadd.bf16 v43, v0;
	v43 =	vmul.bf16 v39, v22;
	v50 =	vadd.bf16 v50, v55;
	v55 =	vld [tilespmem:s7+$0xFFFFFE80]  }
0x24d: {  	v45 =	vmul.bf16 v45, v21;
	v44 =	vadd.bf16 v44, v47;
	v47 =	vmul.bf16 v48, v20;
	v48 =	vld [tilespmem:s7+$0xFFFFFEC0];
	(xrf2) =	vadd.scan.msk.f32 $0xffff, v42  }
0x24e: {  	v42 =	vadd.bf16 v52, v51;
	v49 =	vmul.bf16 v49, v19;
	v51 =	vmul.bf16 v53, v17;
	v39, _, _ =	vpop (xrf2)  }
0x24f: {  	v0 =	vadd.bf16 v0, v44;
	v44 =	vmul.bf16 v46, v18;
	v46 =	vunpack.i.u.bf16.f32 v50;
	v52 =	vld [tilespmem:s7+$0xFFFFFFA0]  }
0x250: {  	v45 =	vadd.bf16 v45, v47;
	v49 =	vadd.bf16 v49, v51;
	v51 =	vunpack.i.l.bf16.f32 v50;
	v50 =	vld [tilespmem:s7+$0xFFFFFFE0];
	(xrf2) =	vadd.scan.msk.f32 $0xffff, v54  }
0x251: {  	v0 =	vadd.bf16 v42, v0;
	v42 =	vadd.f32 v51, v46;
	v46 =	vmul.bf16 v55, v17;
	v47, _, _ =	vpop (xrf2)  }
0x252: {  	v43 =	vadd.bf16 v43, v44;
	v51 =	vadd.bf16 v45, v49;
	v44 =	vmul.bf16 v48, v18;
	v48 =	vld [tilespmem:s7+$0xC0]  }
0x253: {  	v49 =	vunpack.i.u.bf16.f32 v0;
	v0 =	vunpack.i.l.bf16.f32 v0;
	v41 =	vadd.bf16 v41, v46;
	v46 =	vld [tilespmem:s7+$0x100];
	(xrf2) =	vadd.scan.msk.f32 $0xffff, v42  }
0x254: {  	v0 =	vadd.f32 v0, v49;
	v51 =	vadd.bf16 v43, v51;
	v43 =	vmul.bf16 v52, v17;
	v45, _, _ =	vpop (xrf2)  }
0x255: {  	v37 =	vadd.bf16 v37, v44;
	v40 =	vadd.bf16 v40, v41;
	v41 =	vmul.bf16 v50, v18;
	v44 =	vld [tilespmem:s7+$0x1E0]  }
0x256: {  	v49 =	vunpack.i.u.bf16.f32 v51;
	v50 =	vunpack.i.l.bf16.f32 v51;
	v36 =	vadd.bf16 v36, v43;
	v43 =	vld [tilespmem:s7+$0x220];
	(xrf2) =	vadd.scan.msk.f32 $0xffff, v0  }
0x257: {  	v0 =	vadd.f32 v50, v49;
	v49 =	vadd.bf16 v37, v40;
	v40 =	vmul.bf16 v48, v17;
	v42, _, _ =	vpop (xrf2)  }
0x258: {  	v34 =	vadd.bf16 v34, v41;
	v35 =	vadd.bf16 v35, v36;
	v36 =	vmul.bf16 v46, v18;
	v41 =	vld [tilespmem:s7+$0x2A0]  }
0x259: {  	v46 =	vunpack.i.u.bf16.f32 v49;
	v48 =	vunpack.i.l.bf16.f32 v49;
	v31 =	vadd.bf16 v31, v40;
	v40 =	vld [tilespmem:s7+$0x2E0];
	(xrf2) =	vadd.scan.msk.f32 $0xffff, v0  }
0x25a: {  	v0 =	vadd.f32 v48, v46;
	v46 =	vadd.bf16 v34, v35;
	v35 =	vmul.bf16 v44, v17;
	v37, _, _ =	vpop (xrf2)  }
0x25b: {  	v29 =	vadd.bf16 v29, v36;
	v30 =	vadd.bf16 v30, v31;
	v31 =	vmul.bf16 v43, v18  }
0x25c: {  	v36 =	vunpack.i.u.bf16.f32 v46;
	v43 =	vunpack.i.l.bf16.f32 v46;
	v28 =	vadd.bf16 v28, v35;
	(xrf2) =	vadd.scan.msk.f32 $0xffff, v0  }
0x25d: {  	v0 =	vadd.f32 v43, v36;
	v29 =	vadd.bf16 v29, v30;
	v30 =	vmul.bf16 v41, v17;
	v34, _, _ =	vpop (xrf2)  }
0x25e: {  	v26 =	vadd.bf16 v26, v31;
	v35 =	vadd.bf16 v27, v28;
	v28 =	vmul.bf16 v40, v18  }
0x25f: {  	v31 =	vunpack.i.u.bf16.f32 v29;
	v29 =	vunpack.i.l.bf16.f32 v29;
	v25 =	vadd.bf16 v25, v30;
	(xrf2) =	vadd.scan.msk.f32 $0xffff, v0  }
0x260: {  	v0 =	vadd.f32 v29, v31;
	v26 =	vadd.bf16 v26, v35;
	v27, _, _ =	vpop (xrf2)  }
0x261: {  	v23 =	vadd.bf16 v23, v28;
	v29 =	vadd.bf16 v24, v25  }
0x262: {  	v25 =	vunpack.i.u.bf16.f32 v26;
	v26 =	vunpack.i.l.bf16.f32 v26;
	(xrf2) =	vadd.scan.msk.f32 $0xffff, v0  }
0x263: {  	v0 =	vadd.f32 v26, v25;
	v23 =	vadd.bf16 v23, v29;
	v24, _, _ =	vpop (xrf2)  }
0x264: {  	v28 =	vbroadcast v27, $0xF;
	v24 =	vbroadcast v24, $0xF  }
0x265: {  	v26 =	vbroadcast v34, $0xF;
	v27 =	vunpack.i.u.bf16.f32 v23;
	(xrf2) =	vadd.scan.msk.f32 $0xffff, v0  }
0x266: {  	v23 =	vunpack.i.l.bf16.f32 v23;
	v0 =	vsel vm2, v28, v24;
	v24 =	vbroadcast v37, $0xF;
	v25, _, _ =	vpop (xrf2)  }
0x267: {  	v23 =	vadd.f32 v23, v27;
	v0 =	vsel vm3, v0, v26;
	v25 =	vbroadcast v25, $0xF  }
0x268: {  	v0 =	vsel vm4, v0, v24;
	v24 =	vbroadcast v42, $0xF  }
0x269: {  	v27 =	vbroadcast v45, $0xF;
	v0 =	vsel vm0, v0, v25;
	v26, _, _ =	vpop (xrf2);
	(xrf2) =	vadd.scan.msk.f32 $0xffff, v23  }
0x26a: {  	v0 =	vsel vm5, v0, v24;
	v23 =	vbroadcast v26, $0xF  }
0x26b: {  	v24 =	vbroadcast v47, $0xF;
	v0 =	vsel vm6, v0, v27  }
0x26c: {  	v0 =	vsel vm7, v0, v23;
	v23 =	vbroadcast v39, $0xF;
	v25, _, _ =	vpop (xrf2)  }
0x26d: {  	v0 =	vsel vm8, v0, v24;
	v24 =	vbroadcast v25, $0xF  }
0x26e: {  	v0 =	vsel vm9, v0, v23;
	v23 =	vbroadcast v38, $0xF  }
0x26f: {  	v0 =	vsel vm10, v0, v24;
	v24 =	vbroadcast v33, $0xF;
	v25, _, _ =	vpop (xrf2)  }
0x270: {  	v0 =	vsel vm11, v0, v23;
	v25 =	vbroadcast v25, $0xF  }
0x271: {  	v0 =	vsel vm12, v0, v24;
	v24 =	vbroadcast v32, $0xF  }
0x272: {  	v0 =	vsel vm13, v0, v25  }
0x273: {  	v0 =	vsel vm14, v0, v24;
	v23, _, _ =	vpop (xrf2)  }
0x274: {  	s13 =	sshra.s32 s9, $0x2;
	s9 =	smov.u32 s11;
	v0 =	vsel vm15, v0, v23  }
0x275: {  	s7 =	sadd.s32 $0x600, s7;
	[tilespmem:v16+s13+$0x0 ss:$0x1] =	vst.idx.msk $0xffff, v0  }
0x276: {  	v0 =	vld [tilespmem:s7+$0x2F0]  }
0x277: {  	v24 =	vld [tilespmem:s7+$0x2D0]  }
0x278: {  	v25 =	vld [tilespmem:s7+$0x2C0]  }
0x279: {  	v26 =	vld [tilespmem:s7+$0x2B0]  }
0x27a: {  	v23 =	vld [tilespmem:s7+$0x290]  }
0x27b: {  	v27 =	vld [tilespmem:s7+$0x280]  }
0x27c: {  	v34 =	vld [tilespmem:s7+$0x230]  }
0x27d: {  	v32 =	vld [tilespmem:s7+$0x270]  }
0x27e: {  	v33 =	vld [tilespmem:s7+$0x260]  }
0x27f: {  	v35 =	vld [tilespmem:s7+$0x250]  }
0x280: {  	v36 =	vld [tilespmem:s7+$0x240]  }
0x281: {  	v37 =	vld [tilespmem:s7+$0x1D0]  }
0x282: {  	v38 =	vld [tilespmem:s7+$0x1C0]  }
0x283: {  	v39 =	vld [tilespmem:s7+$0x210]  }
0x284: {  	v40 =	vld [tilespmem:s7+$0x200]  }
0x285: {  	v28 =	vld [tilespmem:s7+$0x1F0]  }
0x286: {  	v41 =	vld [tilespmem:s7+$0x170]  }
0x287: {  	v42 =	vld [tilespmem:s7+$0x160]  }
0x288: {  	v43 =	vld [tilespmem:s7+$0x1B0]  }
0x289: {  	v44 =	vld [tilespmem:s7+$0x1A0]  }
0x28a: {  	v45 =	vld [tilespmem:s7+$0x190]  }
0x28b: {  	v46 =	vld [tilespmem:s7+$0x180]  }
0x28c: {  	v29 =	vld [tilespmem:s7+$0x110]  }
0x28d: {  	v47 =	vld [tilespmem:s7+$0x150]  }
0x28e: {  	v48 =	vld [tilespmem:s7+$0x140]  }
0x28f: {  	v49 =	vld [tilespmem:s7+$0x130]  }
0x290: {  	v50 =	vld [tilespmem:s7+$0x120]  }
0x291: {  	v51 =	vld [tilespmem:s7+$0xB0]  }
0x292: {  	v52 =	vld [tilespmem:s7+$0xA0]  }
0x293: {  	v53 =	vld [tilespmem:s7+$0xF0]  }
0x294: {  	v30 =	vld [tilespmem:s7+$0xE0]  }
0x295: {  	v31 =	vld [tilespmem:s7+$0xD0]  }
0x296: {  	v54 =	vld [tilespmem:s7+$0x50]  }
0x297: {  	v55 =	vld [tilespmem:s7+$0x40]  }
0x298: {  	v56 =	vld [tilespmem:s7+$0x90]  }
0x299: {  	v58 =	vmul.bf16 v32, v21;
	v33 =	vmul.bf16 v33, v20;
	v57 =	vld [tilespmem:s7+$0x80]  }
0x29a: {  	v35 =	vmul.bf16 v35, v19;
	v36 =	vmul.bf16 v36, v17;
	v59 =	vld [tilespmem:s7+$0x70]  }
0x29b: {  	v61 =	vmul.bf16 v23, v22;
	v27 =	vmul.bf16 v27, v18;
	v60 =	vld [tilespmem:s7+$0x60]  }
0x29c: {  	v23 =	vmul.bf16 v0, v22;
	v33 =	vadd.bf16 v58, v33;
	v35 =	vadd.bf16 v35, v36;
	v32 =	vld [tilespmem:s7+$0xFFFFFFF0]  }
0x29d: {  	v24 =	vmul.bf16 v24, v21;
	v25 =	vmul.bf16 v25, v20;
	v27 =	vadd.bf16 v61, v27;
	v0 =	vld [tilespmem:s7+$0x30]  }
0x29e: {  	v33 =	vadd.bf16 v33, v35;
	v43 =	vmul.bf16 v43, v21;
	v44 =	vmul.bf16 v44, v20;
	v36 =	vld [tilespmem:s7+$0x20]  }
0x29f: {  	v24 =	vadd.bf16 v24, v25;
	v45 =	vmul.bf16 v45, v19;
	v46 =	vmul.bf16 v46, v17;
	v35 =	vld [tilespmem:s7+$0x10]  }
0x2a0: {  	v37 =	vmul.bf16 v37, v22;
	v38 =	vmul.bf16 v38, v18;
	v27 =	vadd.bf16 v27, v33;
	v58 =	vld [tilespmem:s7+$0x0]  }
0x2a1: {  	v25 =	vmul.bf16 v26, v19;
	v43 =	vadd.bf16 v43, v44;
	v33 =	vadd.bf16 v45, v46;
	v61 =	vld [tilespmem:s7+$0xFFFFFF90]  }
0x2a2: {  	v26 =	vadd.bf16 v37, v38;
	v37 =	vmul.bf16 v39, v21;
	v38 =	vunpack.i.u.bf16.f32 v27;
	v44 =	vld [tilespmem:s7+$0xFFFFFF80]  }
0x2a3: {  	v46 =	vmul.bf16 v47, v21;
	v45 =	vmul.bf16 v48, v20;
	v43 =	vadd.bf16 v43, v33;
	v39 =	vld [tilespmem:s7+$0xFFFFFFD0]  }
0x2a4: {  	v49 =	vmul.bf16 v49, v19;
	v48 =	vmul.bf16 v50, v17;
	v50 =	vunpack.i.l.bf16.f32 v27;
	v47 =	vld [tilespmem:s7+$0xFFFFFFC0]  }
0x2a5: {  	v41 =	vmul.bf16 v41, v22;
	v27 =	vmul.bf16 v40, v20;
	v43 =	vadd.bf16 v26, v43;
	v33 =	vld [tilespmem:s7+$0xFFFFFFB0]  }
0x2a6: {  	v42 =	vmul.bf16 v42, v18;
	v45 =	vadd.bf16 v46, v45;
	v48 =	vadd.bf16 v49, v48;
	v40 =	vld [tilespmem:s7+$0xFFFFFF30]  }
0x2a7: {  	v26 =	vmul.bf16 v34, v22;
	v34 =	vadd.f32 v50, v38;
	v27 =	vadd.bf16 v37, v27;
	v46 =	vld [tilespmem:s7+$0xFFFFFF20]  }
0x2a8: {  	v41 =	vadd.bf16 v41, v42;
	v42 =	vunpack.i.u.bf16.f32 v43;
	v38 =	vadd.bf16 v45, v48;
	v37 =	vld [tilespmem:s7+$0xFFFFFF70]  }
0x2a9: {  	v49 =	vmul.bf16 v51, v22;
	v43 =	vunpack.i.l.bf16.f32 v43;
	v48 =	vmul.bf16 v52, v18;
	v45 =	vld [tilespmem:s7+$0xFFFFFF60]  }
0x2aa: {  	v38 =	vadd.bf16 v41, v38;
	v52 =	vmul.bf16 v56, v21;
	v51 =	vmul.bf16 v57, v20;
	v50 =	vld [tilespmem:s7+$0xFFFFFF50]  }
0x2ab: {  	v42 =	vadd.f32 v43, v42;
	v57 =	vmul.bf16 v59, v19;
	v56 =	vmul.bf16 v60, v17;
	v41 =	vld [tilespmem:s7+$0xFFFFFF40]  }
0x2ac: {  	v59 =	vunpack.i.u.bf16.f32 v38;
	v0 =	vmul.bf16 v0, v21;
	v36 =	vmul.bf16 v36, v20;
	v43 =	vld [tilespmem:s7+$0xFFFFFED0]  }
0x2ad: {  	v38 =	vunpack.i.l.bf16.f32 v38;
	v35 =	vmul.bf16 v35, v19;
	v58 =	vmul.bf16 v58, v17;
	v60 =	vld [tilespmem:s7+$0xFFFFFF10]  }
0x2ae: {  	v54 =	vmul.bf16 v54, v22;
	v51 =	vadd.bf16 v52, v51;
	v56 =	vadd.bf16 v57, v56;
	v62 =	vld [tilespmem:s7+$0xFFFFFF00]  }
0x2af: {  	v55 =	vmul.bf16 v55, v18;
	v0 =	vadd.bf16 v0, v36;
	v35 =	vadd.bf16 v35, v58;
	v52 =	vld [tilespmem:s7+$0xFFFFFEF0]  }
0x2b0: {  	v48 =	vadd.bf16 v49, v48;
	v49 =	vmul.bf16 v53, v21;
	v51 =	vadd.bf16 v51, v56;
	v36 =	vld [tilespmem:s7+$0xFFFFFEE0]  }
0x2b1: {  	v30 =	vmul.bf16 v30, v20;
	v0 =	vadd.bf16 v0, v35;
	v35 =	vadd.bf16 v54, v55;
	v53 =	vld [tilespmem:s7+$0xFFFFFE70]  }
0x2b2: {  	v28 =	vmul.bf16 v28, v19;
	v48 =	vadd.bf16 v48, v51;
	v51 =	vadd.f32 v38, v59;
	v54 =	vld [tilespmem:s7+$0xFFFFFE60]  }
0x2b3: {  	v29 =	vmul.bf16 v29, v22;
	v30 =	vadd.bf16 v49, v30;
	v0 =	vadd.bf16 v35, v0;
	v55 =	vld [tilespmem:s7+$0xFFFFFEB0]  }
0x2b4: {  	v31 =	vmul.bf16 v31, v19;
	v38 =	vunpack.i.l.bf16.f32 v48;
	v35 =	vunpack.i.u.bf16.f32 v48;
	v49 =	vld [tilespmem:s7+$0xFFFFFEA0]  }
0x2b5: {  	v48 =	vmul.bf16 v61, v22;
	v58 =	vadd.f32 v38, v35;
	v57 =	vunpack.i.u.bf16.f32 v0;
	v56 =	vld [tilespmem:s7+$0xFFFFFE90]  }
0x2b6: {  	v37 =	vmul.bf16 v37, v21;
	v0 =	vunpack.i.l.bf16.f32 v0;
	v35 =	vmul.bf16 v45, v20;
	v59 =	vld [tilespmem:s7+$0xFFFFFE10]  }
0x2b7: {  	v0 =	vadd.f32 v0, v57;
	v38 =	vmul.bf16 v41, v17;
	v41 =	vmul.bf16 v50, v19;
	v45 =	vld [tilespmem:s7+$0xFFFFFE00]  }
0x2b8: {  	v44 =	vmul.bf16 v44, v18;
	v35 =	vadd.bf16 v37, v35;
	v37 =	vmul.bf16 v39, v21;
	v50 =	vld [tilespmem:s7+$0xFFFFFE50]  }
0x2b9: {  	v60 =	vmul.bf16 v60, v21;
	v38 =	vadd.bf16 v41, v38;
	v39 =	vmul.bf16 v62, v20;
	v57 =	vld [tilespmem:s7+$0xFFFFFE40]  }
0x2ba: {  	v44 =	vadd.bf16 v48, v44;
	v52 =	vmul.bf16 v52, v19;
	v36 =	vmul.bf16 v36, v17;
	v41 =	vld [tilespmem:s7+$0xFFFFFE30]  }
0x2bb: {  	v40 =	vmul.bf16 v40, v22;
	v35 =	vadd.bf16 v35, v38;
	v38 =	vmul.bf16 v47, v20;
	v48 =	vld [tilespmem:s7+$0xFFFFFE20]  }
0x2bc: {  	v46 =	vmul.bf16 v46, v18;
	v47 =	vadd.bf16 v60, v39;
	v36 =	vadd.bf16 v52, v36;
	v61 =	vld [tilespmem:s7+$0xFFFFFD50];
	(xrf2) =	vadd.scan.msk.f32 $0xffff, v34  }
0x2bd: {  	v44 =	vadd.bf16 v44, v35;
	v35 =	vadd.bf16 v37, v38;
	v34 =	vmul.bf16 v32, v22;
	v52 =	vld [tilespmem:s7+$0xFFFFFD40]  }
0x2be: {  	v38 =	vadd.bf16 v40, v46;
	v32 =	vadd.bf16 v47, v36;
	v36 =	vmul.bf16 v33, v19;
	v39 =	vld [tilespmem:s7+$0xFFFFFDB0]  }
0x2bf: {  	v37 =	vmul.bf16 v43, v22;
	v40 =	vunpack.i.u.bf16.f32 v44;
	v43 =	vunpack.i.l.bf16.f32 v44;
	v33 =	vld [tilespmem:s7+$0xFFFFFDF0];
	(xrf2) =	vadd.scan.msk.f32 $0xffff, v42  }
0x2c0: {  	v46 =	vmul.bf16 v50, v21;
	v44 =	vmul.bf16 v57, v20;
	v32 =	vadd.bf16 v38, v32;
	v42 =	vld [tilespmem:s7+$0xFFFFFDE0]  }
0x2c1: {  	v38 =	vadd.f32 v43, v40;
	v41 =	vmul.bf16 v41, v19;
	v47 =	vmul.bf16 v48, v17;
	v50 =	vld [tilespmem:s7+$0xFFFFFDD0]  }
0x2c2: {  	v53 =	vmul.bf16 v53, v22;
	v48 =	vmul.bf16 v54, v18;
	v54 =	vunpack.i.u.bf16.f32 v32;
	v40 =	vld [tilespmem:s7+$0xFFFFFDC0];
	(xrf2) =	vadd.scan.msk.f32 $0xffff, v51  }
0x2c3: {  	v32 =	vunpack.i.l.bf16.f32 v32;
	v41 =	vadd.bf16 v41, v47;
	v47 =	vadd.bf16 v46, v44;
	v43 =	vld [tilespmem:s7+$0xFFFFFD30]  }
0x2c4: {  	v49 =	vmul.bf16 v49, v20;
	v48 =	vadd.bf16 v53, v48;
	v51 =	vmul.bf16 v55, v21;
	v46 =	vld [tilespmem:s7+$0xFFFFFD20]  }
0x2c5: {  	v53 =	vmul.bf16 v45, v18;
	v55 =	vmul.bf16 v59, v22;
	v41 =	vadd.bf16 v47, v41;
	v44 =	vld [tilespmem:s7+$0xFFFFFD10];
	(xrf2) =	vadd.scan.msk.f32 $0xffff, v58  }
.Ltmp9:
0x2c6: {  	v60 =	vmul.bf16 v33, v21;
	v57 =	vmul.bf16 v42, v20;
	v42 =	vadd.f32 v32, v54;
	v47 =	vld [tilespmem:s7+$0xFFFFFD00];
	v32, _, _ =	vpop (xrf2);
	(pc) =	sbr.rel @p0 .LBB2_16-.Ltmp9, $4  }
0x2c7: {  	v58 =	vmul.bf16 v50, v19;
	v59 =	vadd.bf16 v48, v41;
	v45 =	vld [tilespmem:s7+$0xFFFFFD90];
	v54 =	vmul.bf16 v40, v17  }
0x2c8: {  	v50 =	vadd.bf16 v55, v53;
	v41 =	vmul.bf16 v56, v19;
	v40 =	vadd.bf16 v51, v49;
	v48 =	vld [tilespmem:s7+$0xFFFFFD80];
	(xrf2) =	vadd.scan.msk.f32 $0xffff, v0  }
0x2c9: {  	v56 =	vadd.bf16 v60, v57;
	v49 =	vld [tilespmem:s7+$0xFFFFFD70];
	v55 =	vadd.bf16 v58, v54;
	v54 =	vunpack.i.u.bf16.f32 v59;
	v33, _, _ =	vpop (xrf2)  }
0x2ca: {  	s11 =	sadd.s32 $0x40, s11;
	v51 =	vmul.bf16 v52, v18;
	v52 =	vmul.bf16 v61, v22;
	v57 =	vunpack.i.l.bf16.f32 v59;
	v53 =	vld [tilespmem:s7+$0xFFFFFD60]  }
0x2cb: {  	v0 =	vmul.bf16 v46, v20;
	v43 =	vmul.bf16 v43, v21  }
0x2cc: {  	v46 =	vld [tilespmem:s7+$0xFFFFFDA0];
	v47 =	vmul.bf16 v47, v17;
	v44 =	vmul.bf16 v44, v19  }
0x2cd: {  	v55 =	vadd.bf16 v56, v55;
	v54 =	vadd.f32 v57, v54;
	v22 =	vmul.bf16 v39, v22;
	v59 =	vld [tilespmem:s7+$0xFFFFFEC0]  }
0x2ce: {  	v58 =	vmul.bf16 v45, v21;
	v0 =	vadd.bf16 v43, v0;
	v43 =	vld [tilespmem:s7+$0xFFFFFE80];
	v44 =	vadd.bf16 v44, v47  }
0x2cf: {  	v60 =	vadd.bf16 v52, v51;
	v56 =	vadd.bf16 v50, v55;
	v57 =	vmul.bf16 v48, v20;
	v55 =	vld [tilespmem:s7+$0xFFFFFFA0]  }
0x2d0: {  	v62 =	vmul.bf16 v49, v19;
	v61 =	vmul.bf16 v53, v17;
	v0 =	vadd.bf16 v0, v44  }
0x2d1: {  	v53 =	vunpack.i.u.bf16.f32 v56;
	v20 =	vadd.bf16 v58, v57;
	v56 =	vunpack.i.l.bf16.f32 v56  }
0x2d2: {  	v57 =	vld [tilespmem:s7+$0xFFFFFFE0];
	v52 =	vmul.bf16 v46, v18;
	v21 =	vadd.f32 v56, v53;
	v19 =	vadd.bf16 v62, v61  }
0x2d3: {  	v59 =	vmul.bf16 v59, v18;
	v0 =	vadd.bf16 v60, v0;
	v60 =	vld [tilespmem:s7+$0xC0];
	v43 =	vmul.bf16 v43, v17  }
0x2d4: {  	(xrf2) =	vadd.scan.msk.f32 $0xffff, v38;
	v58 =	vadd.bf16 v22, v52;
	v46 =	vmul.bf16 v55, v17;
	v19 =	vadd.bf16 v20, v19  }
0x2d5: {  	(xrf2) =	vadd.scan.msk.f32 $0xffff, v42;
	v61 =	vunpack.i.u.bf16.f32 v0;
	v0 =	vunpack.i.l.bf16.f32 v0;
	v41 =	vadd.bf16 v41, v43  }
0x2d6: {  	(xrf2) =	vadd.scan.msk.f32 $0xffff, v54;
	v62 =	vld [tilespmem:s7+$0x100];
	v0 =	vadd.f32 v0, v61;
	v20 =	vadd.bf16 v36, v46  }
0x2d7: {  	v22 =	vadd.bf16 v37, v59;
	(xrf2) =	vadd.scan.msk.f32 $0xffff, v21;
	v48 =	vmul.bf16 v57, v18;
	v19 =	vadd.bf16 v58, v19  }
0x2d8: {  	v49 =	vld [tilespmem:s7+$0x1E0];
	v47 =	vadd.bf16 v40, v41;
	v53 =	vmul.bf16 v60, v17;
	(xrf2) =	vadd.scan.msk.f32 $0xffff, v0;
	v0 =	vadd.bf16 v35, v20  }
0x2d9: {  	v54 =	vadd.bf16 v34, v48;
	v50 =	vunpack.i.u.bf16.f32 v19;
	v19 =	vunpack.i.l.bf16.f32 v19  }
0x2da: {  	v51 =	vld [tilespmem:s7+$0x220];
	v19 =	vadd.f32 v19, v50;
	v52 =	vadd.bf16 v22, v47  }
0x2db: {  	v56 =	vld [tilespmem:s7+$0x2A0];
	v55 =	vmul.bf16 v62, v18;
	v22 =	vadd.bf16 v31, v53  }
0x2dc: {  	v0 =	vadd.bf16 v54, v0;
	v57 =	vunpack.i.u.bf16.f32 v52;
	v21 =	vunpack.i.l.bf16.f32 v52;
	(xrf2) =	vadd.scan.msk.f32 $0xffff, v19  }
0x2dd: {  	v60 =	vmul.bf16 v49, v17;
	v29 =	vadd.bf16 v29, v55;
	v59 =	vadd.f32 v21, v57  }
0x2de: {  	v58 =	vld [tilespmem:s7+$0x2E0];
	v61, _, _ =	vpop (xrf2);
	v22 =	vadd.bf16 v30, v22;
	v41 =	vunpack.i.u.bf16.f32 v0;
	v0 =	vunpack.i.l.bf16.f32 v0  }
0x2df: {  	v62 =	vmul.bf16 v51, v18;
	v40, _, _ =	vpop (xrf2);
	v20 =	vadd.bf16 v28, v60;
	v0 =	vadd.f32 v0, v41;
	(xrf2) =	vadd.scan.msk.f32 $0xffff, v59  }
0x2e0: {  	v17 =	vmul.bf16 v56, v17;
	v42, _, _ =	vpop (xrf2);
	v22 =	vadd.bf16 v29, v22  }
0x2e1: {  	v26 =	vadd.bf16 v26, v62;
	v43, _, _ =	vpop (xrf2);
	v20 =	vadd.bf16 v27, v20  }
0x2e2: {  	v17 =	vadd.bf16 v25, v17;
	v45, _, _ =	vpop (xrf2);
	v29 =	vunpack.i.u.bf16.f32 v22;
	v22 =	vunpack.i.l.bf16.f32 v22;
	(xrf2) =	vadd.scan.msk.f32 $0xffff, v0  }
0x2e3: {  	v44 =	vmul.bf16 v58, v18;
	v20 =	vadd.bf16 v26, v20;
	v0, _, _ =	vpop (xrf2);
	v22 =	vadd.f32 v22, v29  }
0x2e4: {  	v17 =	vadd.bf16 v24, v17;
	v46, _, _ =	vpop (xrf2)  }
0x2e5: {  	v18 =	vadd.bf16 v23, v44;
	v48 =	vunpack.i.u.bf16.f32 v20;
	v20 =	vunpack.i.l.bf16.f32 v20;
	v47, _, _ =	vpop (xrf2);
	(xrf2) =	vadd.scan.msk.f32 $0xffff, v22  }
0x2e6: {  	v20 =	vadd.f32 v20, v48;
	v49, _, _ =	vpop (xrf2)  }
0x2e7: {  	v17 =	vadd.bf16 v18, v17;
	v50 =	vbroadcast v47, $0xF;
	v18 =	vbroadcast v49, $0xF  }
0x2e8: {  	v51 =	vbroadcast v46, $0xF;
	(xrf2) =	vadd.scan.msk.f32 $0xffff, v20  }
0x2e9: {  	v52 =	vunpack.i.u.bf16.f32 v17;
	v0 =	vbroadcast v0, $0xF;
	v18 =	vsel vm2, v50, v18;
	v53, _, _ =	vpop (xrf2)  }
0x2ea: {  	v17 =	vunpack.i.l.bf16.f32 v17;
	v18 =	vsel vm3, v18, v51;
	v20 =	vbroadcast v53, $0xF  }
0x2eb: {  	v54 =	vbroadcast v45, $0xF;
	v17 =	vadd.f32 v17, v52;
	v0 =	vsel vm4, v18, v0  }
0x2ec: {  	v55 =	vbroadcast v43, $0xF;
	v56, _, _ =	vpop (xrf2);
	v0 =	vsel vm0, v0, v20  }
0x2ed: {  	(xrf2) =	vadd.scan.msk.f32 $0xffff, v17;
	v17 =	vbroadcast v56, $0xF;
	v0 =	vsel vm5, v0, v54  }
0x2ee: {  	v57 =	vbroadcast v42, $0xF;
	v0 =	vsel vm6, v0, v55  }
0x2ef: {  	v58, _, _ =	vpop (xrf2);
	v0 =	vsel vm7, v0, v17;
	v17 =	vbroadcast v40, $0xF  }
0x2f0: {  	v59 =	vbroadcast v58, $0xF;
	v0 =	vsel vm8, v0, v57  }
0x2f1: {  	v0 =	vsel vm9, v0, v17;
	v17 =	vbroadcast v61, $0xF  }
0x2f2: {  	v61, _, _ =	vpop (xrf2);
	v0 =	vsel vm10, v0, v59  }
0x2f3: {  	s30 =	sadd.s32 $0x1, s30;
	v60 =	vbroadcast v33, $0xF;
	v0 =	vsel vm11, v0, v17;
	v17 =	vbroadcast v61, $0xF  }
0x2f4: {  	p0 =	sne.s32 s30, $0x4  }
.Ltmp10:
0x2f5: {  	v62 =	vbroadcast v32, $0xF;
	v0 =	vsel vm12, v0, v60;
	(pc) =	sbr.rel @p0 .LBB2_3-.Ltmp10, $4  }
0x2f6: {  	v0 =	vsel vm13, v0, v17  }
0x2f7: {  	v0 =	vsel vm14, v0, v62;
	v17, _, _ =	vpop (xrf2)  }
0x2f8: {  	s24 =	sshra.s32 s9, $0x2;
	v0 =	vsel vm15, v0, v17  }
0x2f9: {  	s31 =	sadd.s32 $0x1C0, s31;
	s21 =	sadd.s32 $0x1C0, s21;
	[tilespmem:v16+s24+$0x0 ss:$0x1] =	vst.idx.msk $0xffff, v0  }
0x2fa: {  	s7 =	rddreg [dreg:$0x5]  }
0x2fb: {  	s9 =	simm.s32 $0xD150;
	s7 =	sadd.s32 s7, s29  }
0x2fc: {  	[hbm4b:s7+s6] =	stream.linear.scatter [tilespmem:s9], [sflag:$0x6], $0x700, $0x38;
	[tilespmem:$0xE650] =	vst v63  }
0x2fd: {  	_ =	swait.ge [sflag:s17], $0x700  }
0x2fe: {  	[sflag:s17] =	ssyncset.done $0x0;
	s23 =	rddreg [dreg:$0xa]  }
0x2ff: {  	s24 =	simm.s32 $0xD850;
	[sflag:s17] =	ssyncadd.s32 $0xFFFFF900;
	s7 =	sadd.s32 s23, s29  }
0x300: {  	[hbm4b:s7+s6] =	stream.linear.scatter [tilespmem:s24], [sflag:$0x6], $0x700, $0x38;
	[tilespmem:$0xE650] =	vst v63  }
0x301: {  	s31 =	simm.s32 $0xDF50;
	s26 =	sadd.s32 $0x1, s26;
	_ =	swait.ge [sflag:s17], $0x700  }
0x302: {  	p0 =	sne.s32 s26, $0x10;
	[sflag:s17] =	ssyncset.done $0x0;
	s30 =	rddreg [dreg:$0xb]  }
.Ltmp11:
0x303: {  	[sflag:s17] =	ssyncadd.s32 $0xFFFFF900;
	s7 =	sadd.s32 s30, s29;
	(pc) =	sbr.rel @p0 .LBB2_2-.Ltmp11, $4  }
0x304: {  	[hbm4b:s7+s6] =	stream.linear.scatter [tilespmem:s31], [sflag:$0x6], $0x700, $0x38;
	[tilespmem:$0xE650] =	vst v63  }
0x305: {  	_ =	swait.ge [sflag:s17], $0x700  }
0x306: {  	[sflag:s17] =	ssyncset.done $0x0  }
0x307: {  	[sflag:s17] =	ssyncadd.s32 $0xFFFFF900  }
0x308: {  	s9 =	rddreg [dreg:$0xe]  }
0x309: {  	s7 =	rddreg [dreg:$0xd];
	s9 =	sadd.s32 $0x1, s9  }
0x30a: {  	p0 =	sne.s32 s9, s7  }
.Ltmp12:
0x30b: {  	_ = 	snop;
	(pc) =	sbr.rel @p0 .LBB2_1-.Ltmp12, $1  }
0x30c: {  	_ =	sdelay $0x3  }
0x30d: {  	_ =	sfence.sel $0x180000  }
0x30e: {  	[bflag:$0x0] =	sbarrier.arrive $0xFFFF  }
0x30f: {  	_ =	strace $0x9000004A  }
0x310: {  	s0 =	stileid.u32;
	[bflag:$0x2] =	sbarrier.arrive $0xFFFF  }
0x311: {  	p0 =	sne.s32 s0, $0x0;
	s0 =	rddreg [dreg:$0x6]  }
0x312: {  	s0 =	sadd.s32 @!p0 $0x100000, s0  }
0x313: {  	[sflag:s0] =	ssyncadd.tile.s32 @!p0 $0x1;
	_ =	shalt  }
.Lfunc_end2:
_tile_overlayer_lowered:
.L_overlay_start_2:
0x314: {  	(tag) =	ssettag $0x2  }
0x315: {  	s0 =	rddreg [dreg:$0x0];
	s2 =	stileid.u32  }
0x316: {  	s1 =	rddreg [dreg:$0x1];
	p0 =	sne.s32 s2, $0x0  }
0x317: {  	s3 =	rddreg [dreg:$0x2];
	[bflag:$0x3] =	sbarrier.arrive $0xFFFF;
	s2 =	simm.s32 @!p0 $0x1C06  }
0x318: {  	[timem:s3], [sflag:s2] =	dma.local @!p0 [hbm:s0], s1  }
0x319: {  	s0 =	simm.s32 @!p0 $0x6  }
0x31a: {  	_ =	swait.ge @!p0 [sflag:s0], s1  }
0x31b: {  	s1 =	ssub.s32 @!p0 $0x0, s1;
	[sflag:s0] =	ssyncset.done @!p0 $0x0  }
0x31c: {  	[sflag:s0] =	ssyncadd.s32 @!p0 s1  }
0x31d: {  	[bflag:$0x3] =	sbarrier.arrive $0xFFFF  }
0x31e: {  	_ =	shalt  }

// kernel: sparse-core-data-format-call.cloned.1.call-start
scs
called_computation_lowered:
.L_overlay_start_0:
0x0: {  	s1 =	sld [smem:$0x3FD9]  }
0x1: {  	s2 =	sld [smem:$0x3FFE];
	_ =	sdelay $0x1  }
0x2: {  	s3 =	srdreg.scid  }
0x3: {  	s0 =	sand.u32 $0x1, s3  }
0x4: {  	s17 =	sshll.u32 s0, $0xA;
	s1 =	sadd.s32 s2, s1  }
0x5: {  	s1 =	sadd.s32 s1, s17  }
0x6: {  	[smem:$0x3FBF] =	sst s1  }
0x7: {  	_ = 	snop  }
0x8: {  	(tm) =	ssettm $0x1  }
0x9: {  	s18 =	sld [smem:$0x3FFB];
	_ =	sdelay $0x3  }
0xa: {  	_ =	strace s18  }
0xb: {  	s1 =	sld [smem:$0x3FFC];
	_ =	sdelay $0x3  }
0xc: {  	_ =	strace s1  }
0xd: {  	s1 =	sld [smem:$0x3FFD];
	_ =	sdelay $0x3  }
0xe: {  	_ =	strace s1  }
0xf: {  	_ =	strace $0x8FFFFFFF  }
0x10: {  	s19 =	sld [smem:$0x3FDB];
	_ =	sdelay $0x1  }
0x11: {  	s20 =	simm.s32 $_scs_section_size  }
0x12: {  	s4 =	simm.s32 $_size__tile_overlayer_lowered;
	s5 =	simm.s32 $_tile_overlayer_lowered  }
0x13: {  	s23 =	simm.s32 $0x1BFF;
	s22 =	sshll.u32 s5, $0x1;
	s1 =	sadd.s32 s20, s19  }
0x14: {  	s6 =	simm.s32 $0x0;
	s21 =	sshll.u32 s4, $0x1;
	s4 =	sadd.s32 s22, s1  }
0x15: {  	[timem:s6], [sflag:s23] =	dma.local [hbm:s4], s21  }
0x16: {  	_ =	swait.ge [sflag:s23], s21  }
0x17: {  	s2 =	ssub.s32 $0x0, s21;
	[sflag:s23] =	ssyncset.done $0x0  }
0x18: {  	[sflag:s23] =	ssyncadd.s32 s2;
	_ =	sdelay $0x1  }
0x19: {  	s24 =	simm.s32 $0x1B8B  }
0x1a: {  	_ =	swait.ge [sflag:s24], $0x1  }
0x1b: {  	[sflag:s24] =	ssyncset.done $0x0  }
0x1c: {  	s26 =	simm.s32 $0x1B8E;
	s25 =	sld [smem:$0x3FFE];
	[sflag:s24] =	ssyncadd.s32 $0xFFFFFFFF  }
0x1d: {  	s27 =	simm.s32 $execute0_lowered;
	[smem:$0x3FD2] =	sst s26  }
0x1e: {  	s4 =	sshll.u32 s27, $0x1;
	_ =	strace $0x80000046;
	[dreg:$0x1] =	wrdreg $0xFFFFFFFF  }
0x1f: {  	s28 =	simm.s32 $_size_execute0_lowered;
	s1 =	sadd.s32 s1, s4;
	[dreg:$0x0] =	wrdreg $0x0  }
0x20: {  	s4 =	sshll.u32 s28, $0x1;
	[dreg:$0x2] =	wrdreg s1  }
0x21: {  	[dreg:$0x3] =	wrdreg s4  }
0x22: {  	[dreg:$0x4] =	wrdreg $0xC0  }
0x23: {  	_ =	task [dreg:s6], $0x5FFFF  }
0x24: {  	[dreg:$0x1] =	wrdreg $0xFFFFFFFF  }
0x25: {  	[dreg:$0x0] =	wrdreg $0x60  }
0x26: {  	[dreg:$0x2] =	wrdreg s25  }
0x27: {  	[dreg:$0x3] =	wrdreg $0x9  }
0x28: {  	_ =	task.clear_ibuf [dreg:s6], $0x4FFFF;
	_ =	strace $0x90000046  }
0x29: {  	s29 =	simm.s32 $0x9;
	_ =	strace $0x80000048  }
0x2a: {  	_ =	swait.ge [sflag:s29], $0x1  }
0x2b: {  	[sflag:s29] =	ssyncadd.s32 $0xFFFFFFFF  }
0x2c: {  	_ =	strace $0x90000048  }
0x2d: {  	_ =	sfence  }
0x2e: {  	s30 =	sld [smem:$0x0];
	_ =	sdelay $0x2  }
0x2f: {  	s31 =	sshll.u32 s3, $0xD;
	s3 =	sshrl.u32 s3, $0x2  }
0x30: {  	s2 =	sand.u32 $0x4000, s31;
	s1 =	sadd.s32 s3, s30  }
0x31: {  	s0 =	sor.u32 s2, s0;
	s1 =	sshll.u32 s1, $0x11  }
0x32: {  	s0 =	sor.u32 s1, s0  }
0x33: {  	s0 =	sadd.s32 $0x8F2B, s0  }
0x34: {  	[sflag:s0] =	ssyncadd.remote.s32 $0x1  }
0x35: {  	_ =	sfence.sel $0xFFFF  }
0x36: {  	[dreg:$0x0] =	wrdreg $0xFFFFFFFF;
	(pc) =	sbr.abs _section_cstart, $3  }
0x37: {  	[dreg:$0x1] =	wrdreg $0xFFFFFFFF  }
0x38: {  	_ =	task.clear_ibuf [dreg:s6], $0x2FFFF;
	_ =	strace $0x9FFFFFFF  }
0x39: {  	(tm) =	ssettm $0x7FFFFFFF  }
tec
execute0_lowered:
.L_overlay_start_1:
0x0: {  	(tag) =	ssettag $0x1  }
0x1: {  	s0 =	srdreg.scid  }
0x2: {  	s5 =	rddreg [dreg:$0x0];
	s1 =	stileid.u32;
	s4 =	simm.s32 $0x1  }
0x3: {  	s6 =	simm.s32 $0x2;
	s8 =	simm.s32 $0x0;
	s2 =	sshll.u32 s0, $0x4  }
0x4: {  	s9 =	simm.s32 $0x0;
	s13 =	simm.s32 $0x0;
	s2 =	sand.u32 $0x10, s2  }
.Ltmp0:
0x5: {  	s10 =	simm.s32 $0x0;
	s3 =	sor.u32 s1, s2;
	(pc) =	sbr.rel .LBB1_1-.Ltmp0, $4  }
0x6: {  	s0 =	rddreg [dreg:$0x1];
	_ =	strace $0x80000047;
	s3 =	sshll.u32 s3, $0x4  }
0x7: {  	s12 =	simm.s32 $0x0;
	[sflag:s4] =	ssyncpa.u1 $0x0;
	s7 =	ssub.s32 $0x2490, s3  }
0x8: {  	s2 =	sadd.s32 $0x4C00, s5;
	[sflag:s6] =	ssyncpa.u1 $0x0;
	s6 =	sshrl.u32 s7, $0x9  }
0x9: {  	s5 =	sadd.s32 $0x129C00, s5;
	s11 =	smov.u32 s3;
	s7 =	sadd.s32 $0x2, s6  }
.LBB1_7:
0xa: {  	s15 =	sshll.u32 s12, $0xF  }
0xb: {  	s15 =	sand.u32 $0x8000, s15  }
0xc: {  	s16 =	sshll.u32 s10, $0x7;
	s15 =	sshrl.u32 s15, $0x1  }
0xd: {  	s16 =	sadd.s32 s5, s16;
	s15 =	sor.u32 $0x8000, s15  }
0xe: {  	[hbm4b:s16+s8] =	stream.linear.scatter [tilespmem:s15], [sflag:$0x2], s14, $0x38;
	[tilespmem:$0x10000] =	vst v63  }
.LBB1_8:
0xf: {  	p0 =	slt.u32 s12, $0x2  }
0x10: {  	p1 =	sgt.s32 @!p0 s13, $0x248F  }
0x11: {  	s14 =	smov.u32 s13;
	s15 =	sshra.s32 @!p0 s13, $0x1F;
	p1 =	por !p1, p0  }
0x12: {  	s13 =	sand.u32 @!p0 s15, s13;
	s14 =	simm.s32 @p1 $0x248F  }
0x13: {  	s13 =	ssub.s32 @!p0 s14, s13  }
0x14: {  	s13 =	sadd.s32 @!p0 $0xFFFFDB71, s13  }
0x15: {  	s14 =	sshll.u32 @!p0 s13, $0xC  }
0x16: {  	p1 =	sgt.s32 @!p0 s13, $0xF;
	s13 =	ssub.s32 @!p0 $0x10000, s14  }
0x17: {  	s15 =	sadd.s32 $0x200, s11;
	p1 =	por !p1, p0;
	s13 =	sshrl.u32 @!p0 s13, $0x2  }
0x18: {  	s13 =	simm.s32 @!p1 $0x0;
	p1 =	sgt.s32 s15, $0x249E  }
0x19: {  	s15 =	smov.u32 @p1 s3;
	p1 =	sne.s32 s12, s7  }
.Ltmp1:
0x1a: {  	_ = 	snop;
	(pc) =	sbr.rel @!p1 .LBB1_9-.Ltmp1, $4  }
0x1b: {  	s14 =	simm.s32 @!p0 $0x2  }
0x1c: {  	s9 =	sadd.s32 $0x8000, s9;
	_ =	swait.ge @!p0 [sflag:s14], s13;
	s16 =	ssub.s32 @!p0 $0x0, s13  }
0x1d: {  	s13 =	smov.u32 s10;
	s12 =	sadd.s32 $0x1, s12;
	[sflag:s14] =	ssyncset.done @!p0 $0x0  }
0x1e: {  	s10 =	smov.u32 s11;
	s11 =	smov.u32 s15;
	[sflag:s14] =	ssyncadd.s32 @!p0 s16  }
.LBB1_1:
0x1f: {  	p0 =	sgt.u32 s12, s6  }
0x20: {  	p1 =	sgt.s32 @!p0 s11, $0x248F  }
0x21: {  	s14 =	smov.u32 s11;
	s15 =	sshra.s32 @!p0 s11, $0x1F;
	p1 =	por !p1, p0  }
0x22: {  	s15 =	sand.u32 @!p0 s15, s11;
	s14 =	simm.s32 @p1 $0x248F  }
0x23: {  	s14 =	ssub.s32 @!p0 s14, s15  }
0x24: {  	s14 =	sadd.s32 @!p0 $0xFFFFDB71, s14  }
0x25: {  	s16 =	sshll.u32 @!p0 s11, $0x7;
	s17 =	simm.s32 @!p0 $0x0;
	s15 =	sshll.u32 @!p0 s14, $0xC  }
0x26: {  	p1 =	sgt.s32 @!p0 s14, $0xF;
	s14 =	ssub.s32 @!p0 $0x10000, s15;
	s15 =	sxor.u32 @!p0 $0xFFFFFFFF, s12  }
0x27: {  	p1 =	por !p1, p0;
	s14 =	sshrl.u32 @!p0 s14, $0x2;
	s15 =	sshll.u32 @!p0 s15, $0xE  }
0x28: {  	s16 =	sadd.s32 @!p0 s2, s16;
	s14 =	simm.s32 @!p1 $0x0;
	s15 =	sand.u32 @!p0 $0x4000, s15  }
0x29: {  	[tilespmem:s15], [sflag:$0x1] =	stream.linear.gather @!p0 [hbm4b:s16+s17], s14, $0x38;
	[tilespmem:$0x10000] =	vst v63  }
0x2a: {  	p0 =	seq.s32 s12, $0x0  }
0x2b: {  	p1 =	sge.u32 @!p0 s12, s7  }
0x2c: {  	p0 =	por p0, p1  }
.Ltmp2:
0x2d: {  	_ = 	snop;
	(pc) =	sbr.rel @p0 .LBB1_8-.Ltmp2, $1  }
0x2e: {  	_ =	sdelay $0x3  }
0x2f: {  	p0 =	sgt.s32 s10, $0x248F;
	s14 =	smov.u32 s10;
	s15 =	sshra.s32 s10, $0x1F  }
0x30: {  	s14 =	simm.s32 @!p0 $0x248F;
	s15 =	sand.u32 s15, s10  }
0x31: {  	s14 =	ssub.s32 s14, s15  }
0x32: {  	s16 =	sadd.s32 $0x10, s10;
	s14 =	sadd.s32 $0xFFFFDB71, s14  }
0x33: {  	p1 =	slt.s32 s16, $0x249F;
	s30 =	sshll.u32 s14, $0xC  }
0x34: {  	s16 =	simm.s32 @!p1 $0x249F;
	s15 =	ssub.s32 $0x10000, s30  }
0x35: {  	p0 =	sgt.s32 s14, $0xF;
	s14 =	sshrl.u32 s15, $0x2;
	s15 =	ssub.s32 s16, s10  }
0x36: {  	s14 =	simm.s32 @p0 $0x0;
	p0 =	slt.s32 s15, $0x1  }
.Ltmp3:
0x37: {  	_ = 	snop;
	(pc) =	sbr.rel @p0 .LBB1_7-.Ltmp3, $4  }
0x38: {  	_ = 	snop  }
0x39: {  	_ =	swait.ge [sflag:s4], s14  }
0x3a: {  	s31 =	ssub.s32 $0x0, s14;
	[sflag:s4] =	ssyncset.done $0x0  }
0x3b: {  	[sflag:s4] =	ssyncadd.s32 s31  }
0x3c: {  	s16 =	sshrl.u32 s9, $0x1  }
0x3d: {  	s17 =	sand.u32 $0x4000, s16  }
0x3e: {  	s18 =	simm.s32 $0x0;
	s16 =	sor.u32 $0x200, s17;
	s17 =	sor.u32 $0x8080, s17  }
.LBB1_4:
0x3f: {  	v0 =	vld [tilespmem:s16+$0xFFFFFE70]  }
0x40: {  	v1 =	vld [tilespmem:s16+$0x70]  }
0x41: {  	v2 =	vld [tilespmem:s16+$0x0]  }
0x42: {  	v3 =	vld [tilespmem:s16+$0xFFFFFE10]  }
0x43: {  	v4 =	vld [tilespmem:s16+$0x10]  }
0x44: {  	v5 =	vld [tilespmem:s16+$0xFFFFFE20]  }
0x45: {  	v7 =	vld [tilespmem:s16+$0x20]  }
0x46: {  	v11 =	vld [tilespmem:s16+$0x30];
	v6 =	vunpack.i.l.s16.s32 v0;
	v8 =	vunpack.i.u.s16.s32 v0;
	v9 =	vunpack.i.u.s16.s32 v1  }
0x47: {  	v10 =	vunpack.i.l.s16.s32 v1;
	v0 =	vunpack.i.u.s16.s32 v2;
	v1 =	vunpack.i.l.s16.s32 v2;
	v2 =	vld [tilespmem:s16+$0xFFFFFE30]  }
0x48: {  	v8 =	vpack.i.b32.b16 v9, v8;
	v9 =	vunpack.i.u.s16.s32 v3;
	v3 =	vunpack.i.l.s16.s32 v3  }
0x49: {  	v12 =	vld [tilespmem:s16+$0xFFFFFE40];
	v6 =	vpack.i.b32.b16 v10, v6;
	[tilespmem:s17+$0x70] =	vst v8;
	v8 =	vunpack.i.u.s16.s32 v4;
	v4 =	vunpack.i.l.s16.s32 v4  }
0x4a: {  	v13 =	vld [tilespmem:s16+$0x40];
	v10 =	vunpack.i.u.s16.s32 v5;
	v5 =	vunpack.i.l.s16.s32 v5;
	[tilespmem:s17+$0xFFFFFFF0] =	vst v6;
	v3 =	vpack.i.b32.b16 v4, v3  }
0x4b: {  	v6 =	vunpack.i.l.s16.s32 v7;
	v4 =	vld [tilespmem:s16+$0xFFFFFE50];
	[tilespmem:s17+$0xFFFFFF90] =	vst v3;
	v3 =	vpack.i.b32.b16 v8, v9;
	v8 =	vunpack.i.u.s16.s32 v7  }
0x4c: {  	v7 =	vunpack.i.l.s16.s32 v11;
	[tilespmem:s17+$0x10] =	vst v3;
	v3 =	vpack.i.b32.b16 v6, v5;
	v9 =	vunpack.i.u.s16.s32 v2;
	v6 =	vld [tilespmem:s16+$0x50]  }
0x4d: {  	v5 =	vunpack.i.l.s16.s32 v2;
	v2 =	vld [tilespmem:s16+$0xFFFFFE60];
	[tilespmem:s17+$0xFFFFFFA0] =	vst v3;
	v3 =	vpack.i.b32.b16 v8, v10;
	v10 =	vunpack.i.u.s16.s32 v11  }
0x4e: {  	s21 =	simm.s32 $0x0;
	v11 =	vpack.i.b32.b16 v7, v5;
	v7 =	vunpack.i.u.s16.s32 v12;
	v8 =	vunpack.i.l.s16.s32 v12;
	[tilespmem:s17+$0x20] =	vst v3;
	v3 =	vld [tilespmem:s16+$0x60]  }
0x4f: {  	s22 =	sadd.s32 $0x80, s16;
	s20 =	smov.u32 s17;
	s19 =	smov.u32 s17;
	v5 =	vld [tilespmem:s16+$0xFFFFFE00];
	[tilespmem:s17+$0xFFFFFFB0] =	vst v11;
	v10 =	vpack.i.b32.b16 v10, v9;
	v9 =	vunpack.i.u.s16.s32 v13;
	v11 =	vunpack.i.l.s16.s32 v13  }
.LBB1_5:
0x50: {  	v12 =	vld [tilespmem:s22+$0xFFFFFE70];
	[tilespmem:s20+$0x30] =	vst v10;
	v8 =	vpack.i.b32.b16 v11, v8;
	v10 =	vunpack.i.u.s16.s32 v4;
	v4 =	vunpack.i.l.s16.s32 v4  }
0x51: {  	s21 =	sadd.s32 $0x2, s21;
	v7 =	vpack.i.b32.b16 v9, v7;
	v11 =	vld [tilespmem:s22+$0x70];
	[tilespmem:s20+$0xFFFFFFC0] =	vst v8;
	v8 =	vunpack.i.u.s16.s32 v6;
	v6 =	vunpack.i.l.s16.s32 v6  }
0x52: {  	p0 =	slt.u32 s21, $0x6;
	v9 =	vld [tilespmem:s22+$0x0];
	[tilespmem:s20+$0x40] =	vst v7;
	v4 =	vpack.i.b32.b16 v6, v4;
	v6 =	vunpack.i.u.s16.s32 v2;
	v2 =	vunpack.i.l.s16.s32 v2  }
0x53: {  	v7 =	vld [tilespmem:s22+$0xFFFFFE10];
	[tilespmem:s20+$0xFFFFFFD0] =	vst v4;
	v4 =	vpack.i.b32.b16 v8, v10;
	v8 =	vunpack.i.u.s16.s32 v3;
	v3 =	vunpack.i.l.s16.s32 v3  }
0x54: {  	v10 =	vld [tilespmem:s22+$0x10];
	v13 =	vunpack.i.u.s16.s32 v5;
	v5 =	vunpack.i.l.s16.s32 v5;
	[tilespmem:s20+$0x50] =	vst v4;
	v2 =	vpack.i.b32.b16 v3, v2  }
0x55: {  	v3 =	vld [tilespmem:s22+$0xFFFFFE20];
	v4 =	vunpack.i.l.s16.s32 v12;
	v1 =	vpack.i.b32.b16 v1, v5;
	v5 =	vpack.i.b32.b16 v0, v13;
	[tilespmem:s20+$0xFFFFFFE0] =	vst v2  }
0x56: {  	v12 =	vunpack.i.u.s16.s32 v12;
	v2 =	vld [tilespmem:s22+$0x20];
	v13 =	vunpack.i.u.s16.s32 v11;
	v11 =	vunpack.i.l.s16.s32 v11;
	[tilespmem:s20+$0xFFFFFF80] =	vst v1  }
0x57: {  	s20 =	sadd.s32 $0x100, s20;
	v0 =	vunpack.i.u.s16.s32 v9;
	v1 =	vunpack.i.l.s16.s32 v9;
	v9 =	vld [tilespmem:s22+$0xFFFFFE30];
	v12 =	vpack.i.b32.b16 v13, v12;
	[tilespmem:s19+$0x0] =	vst v5  }
0x58: {  	v6 =	vpack.i.b32.b16 v8, v6;
	v5 =	vunpack.i.u.s16.s32 v7;
	v7 =	vunpack.i.l.s16.s32 v7;
	v13 =	vld [tilespmem:s22+$0x30];
	[tilespmem:s20+$0x70] =	vst v12  }
0x59: {  	v4 =	vpack.i.b32.b16 v11, v4;
	v8 =	vunpack.i.u.s16.s32 v10;
	v10 =	vunpack.i.l.s16.s32 v10;
	v12 =	vld [tilespmem:s22+$0xFFFFFE40];
	[tilespmem:s19+$0x60] =	vst v6;
	s19 =	smov.u32 s20  }
0x5a: {  	v6 =	vpack.i.b32.b16 v10, v7;
	v7 =	vunpack.i.u.s16.s32 v3;
	v3 =	vunpack.i.l.s16.s32 v3;
	v11 =	vld [tilespmem:s22+$0x40];
	[tilespmem:s20+$0xFFFFFFF0] =	vst v4  }
.Ltmp4:
0x5b: {  	v5 =	vpack.i.b32.b16 v8, v5;
	[tilespmem:s20+$0xFFFFFF90] =	vst v6;
	v8 =	vunpack.i.u.s16.s32 v2;
	v2 =	vunpack.i.l.s16.s32 v2;
	v4 =	vld [tilespmem:s22+$0xFFFFFE50];
	(pc) =	sbr.rel @p0 .LBB1_5-.Ltmp4, $4  }
0x5c: {  	[tilespmem:s20+$0x10] =	vst v5;
	v2 =	vpack.i.b32.b16 v2, v3;
	v10 =	vunpack.i.u.s16.s32 v9;
	v3 =	vunpack.i.l.s16.s32 v9;
	v6 =	vld [tilespmem:s22+$0x50]  }
0x5d: {  	v5 =	vpack.i.b32.b16 v8, v7;
	[tilespmem:s20+$0xFFFFFFA0] =	vst v2;
	v9 =	vunpack.i.u.s16.s32 v13;
	v7 =	vunpack.i.l.s16.s32 v13;
	v2 =	vld [tilespmem:s22+$0xFFFFFE60]  }
0x5e: {  	[tilespmem:s20+$0x20] =	vst v5;
	v13 =	vpack.i.b32.b16 v7, v3;
	v7 =	vunpack.i.u.s16.s32 v12;
	v8 =	vunpack.i.l.s16.s32 v12;
	v3 =	vld [tilespmem:s22+$0x60]  }
0x5f: {  	v10 =	vpack.i.b32.b16 v9, v10;
	v5 =	vld [tilespmem:s22+$0xFFFFFE00];
	[tilespmem:s20+$0xFFFFFFB0] =	vst v13;
	v9 =	vunpack.i.u.s16.s32 v11;
	v11 =	vunpack.i.l.s16.s32 v11;
	s22 =	sadd.s32 $0x80, s22  }
0x60: {  	[tilespmem:s20+$0x30] =	vst v10;
	v8 =	vpack.i.b32.b16 v11, v8  }
0x61: {  	v51 =	vunpack.i.l.s16.s32 v4;
	v7 =	vpack.i.b32.b16 v9, v7;
	[tilespmem:s20+$0xFFFFFFC0] =	vst v8;
	v52 =	vunpack.i.l.s16.s32 v6  }
0x62: {  	v53 =	vunpack.i.u.s16.s32 v4;
	s18 =	sadd.s32 $0x1, s18;
	v54 =	vunpack.i.u.s16.s32 v6;
	[tilespmem:s20+$0x40] =	vst v7;
	v55 =	vpack.i.b32.b16 v52, v51  }
0x63: {  	p0 =	sne.s32 s18, s15;
	v56 =	vunpack.i.l.s16.s32 v2;
	v4 =	vpack.i.b32.b16 v54, v53;
	[tilespmem:s20+$0xFFFFFFD0] =	vst v55;
	v57 =	vunpack.i.l.s16.s32 v3  }
.Ltmp5:
0x64: {  	[tilespmem:s20+$0x50] =	vst v4;
	v58 =	vunpack.i.l.s16.s32 v5;
	v59 =	vpack.i.b32.b16 v57, v56;
	(pc) =	sbr.rel @p0 .LBB1_4-.Ltmp5, $4  }
.Ltmp6:
0x65: {  	v61 =	vunpack.i.u.s16.s32 v2;
	v62 =	vunpack.i.u.s16.s32 v3;
	v1 =	vpack.i.b32.b16 v1, v58;
	[tilespmem:s20+$0xFFFFFFE0] =	vst v59;
	(pc) =	sbr.rel @!p0 .LBB1_7-.Ltmp6, $4  }
0x66: {  	v60 =	vunpack.i.u.s16.s32 v5;
	v63 =	vpack.i.b32.b16 v62, v61;
	[tilespmem:s20+$0xFFFFFF80] =	vst v1  }
0x67: {  	v0 =	vpack.i.b32.b16 v0, v60;
	[tilespmem:s19+$0x60] =	vst v63  }
0x68: {  	s16 =	sadd.s32 $0x400, s16;
	s17 =	sadd.s32 $0x400, s17;
	[tilespmem:s19+$0x0] =	vst v0  }
0x69: {  	_ = 	snop  }
.LBB1_9:
0x6a: {  	_ =	sfence.sel $0x180000  }
0x6b: {  	s2 =	simm.s32 $0x1;
	[bflag:$0x0] =	sbarrier.arrive $0xFFFF  }
0x6c: {  	s31 =	simm.s32 $0x2;
	[sflag:s2] =	ssyncpa.u1 $0x1  }
0x6d: {  	[sflag:s31] =	ssyncpa.u1 $0x1  }
0x6e: {  	p0 =	sne.s32 s1, $0x0;
	_ =	strace $0x90000047  }
0x6f: {  	s0 =	sadd.s32 @!p0 $0x100000, s0;
	[bflag:$0x2] =	sbarrier.arrive $0xFFFF  }
0x70: {  	[sflag:s0] =	ssyncadd.tile.s32 @!p0 $0x1;
	_ =	shalt  }
.Lfunc_end1:
_tile_overlayer_lowered:
.L_overlay_start_2:
0x71: {  	(tag) =	ssettag $0x2  }
0x72: {  	s0 =	rddreg [dreg:$0x0];
	s2 =	stileid.u32  }
0x73: {  	s1 =	rddreg [dreg:$0x1];
	p0 =	sne.s32 s2, $0x0  }
0x74: {  	s3 =	rddreg [dreg:$0x2];
	[bflag:$0x3] =	sbarrier.arrive $0xFFFF;
	s2 =	simm.s32 @!p0 $0x1C01  }
0x75: {  	[timem:s3], [sflag:s2] =	dma.local @!p0 [hbm:s0], s1  }
0x76: {  	s0 =	simm.s32 @!p0 $0x1  }
0x77: {  	_ =	swait.ge @!p0 [sflag:s0], s1  }
0x78: {  	s1 =	ssub.s32 @!p0 $0x0, s1;
	[sflag:s0] =	ssyncset.done @!p0 $0x0  }
0x79: {  	[sflag:s0] =	ssyncadd.s32 @!p0 s1  }
0x7a: {  	[bflag:$0x3] =	sbarrier.arrive $0xFFFF  }
0x7b: {  	_ =	shalt  }

</sc_bundles>
